<compile_context>
chip_gen: v7x
topology: tpu7x:2x2x1
jax: 0.10.2.dev20260603
libtpu: 0.0.44.dev20260713+nightly
codegen_flags: <defaults>
</compile_context>

<pallas_src>
import functools

import jax
import jax.numpy as jnp
from jax import lax
from jax.experimental import pallas as pl
from jax.experimental.pallas import tpu as pltpu
from jax.experimental.pallas import tpu_sc as plsc

BN_EPS = 1e-5
L = 16
NTILES = 16
NCORES = 2
NW = NTILES * NCORES
CHUNK = 128


def _fill2d(ref, nrows, ncols, val):
    v = jnp.full((L,), val, jnp.float32)

    def body(r, carry):
        for j in range(ncols // L):
            ref[r, pl.ds(j * L, L)] = v
        return carry

    lax.fori_loop(0, nrows, body, 0)


def _zero_acc_slice(zsrc, acc_sh, row0, rpt):
    nfull = rpt // CHUNK
    rem = rpt - nfull * CHUNK
    for j in range(nfull):
        pltpu.sync_copy(zsrc, acc_sh.at[pl.ds(row0 + j * CHUNK, CHUNK)])
    if rem:
        pltpu.sync_copy(zsrc.at[pl.ds(0, rem)],
                        acc_sh.at[pl.ds(row0 + nfull * CHUNK, rem)])


def _make_deg(cw, npad):
    rpt = npad // NTILES

    @functools.partial(
        pl.kernel,
        out_type=jax.ShapeDtypeStruct((NCORES, npad, L), jnp.float32),
        mesh=plsc.VectorSubcoreMesh(core_axis_name="c", subcore_axis_name="s"),
        scratch_types=[
            pltpu.VMEM((4, CHUNK), jnp.int32),
            pltpu.VMEM((CHUNK, L), jnp.float32),
            pltpu.VMEM_SHARED((npad, L), jnp.float32),
        ] + [pltpu.SemaphoreType.DMA] * 6,
    )
    def deg_kernel(dst_hbm, out_hbm, didx_v, ones_v, acc_sh, *sems):
        idsem = sems[0:4]
        ssem = sems[4:6]
        cid = lax.axis_index("c")
        sid = lax.axis_index("s")
        wid = cid * NTILES + sid
        base = wid * cw
        row0 = sid * rpt

        def didx_load(c, slot):
            return pltpu.make_async_copy(
                dst_hbm.at[pl.ds((base + c) * CHUNK, CHUNK)],
                didx_v.at[slot], idsem[slot])

        def scatter(slot, q):
            return pltpu.make_async_copy(
                ones_v, acc_sh.at[didx_v.at[slot]], ssem[q])

        _fill2d(ones_v, CHUNK, L, 0.0)
        _zero_acc_slice(ones_v, acc_sh, row0, rpt)
        _fill2d(ones_v, CHUNK, L, 1.0)
        plsc.subcore_barrier()

        for slot in range(2):
            didx_load(slot, slot).start()

        def grp(gi, carry):
            for j in range(4):
                q = j % 2
                c = gi * 4 + j
                didx_load(c, j).wait()

                @pl.when(c >= 2)
                def _():
                    scatter((j + 2) % 4, q).wait()

                pltpu.async_copy(ones_v, acc_sh.at[didx_v.at[j]], ssem[q],
                                 add=True)

                @pl.when(c + 2 < cw)
                def _():
                    didx_load(c + 2, (j + 2) % 4).start()
            return carry

        lax.fori_loop(0, cw // 4, grp, 0)
        for i in range(2):
            scatter((cw - 2 + i) % 4, i % 2).wait()
        plsc.subcore_barrier()
        pltpu.sync_copy(acc_sh.at[pl.ds(row0, rpt)],
                        out_hbm.at[cid, pl.ds(row0, rpt)])

    return deg_kernel


def _make_prop(cw, npad, d):
    rpt = npad // NTILES

    @functools.partial(
        pl.kernel,
        out_type=jax.ShapeDtypeStruct((NCORES, npad, d), jnp.float32),
        mesh=plsc.VectorSubcoreMesh(core_axis_name="c", subcore_axis_name="s"),
        scratch_types=[
            pltpu.VMEM((4, CHUNK), jnp.int32),
            pltpu.VMEM((2, CHUNK), jnp.int32),
            pltpu.VMEM((2, CHUNK, d), jnp.float32),
            pltpu.VMEM_SHARED((npad, d), jnp.float32),
        ] + [pltpu.SemaphoreType.DMA] * 8,
    )
    def prop_kernel(m_hbm, src_hbm, dst_hbm, out_hbm,
                    sidx_v, didx_v, rows_v, acc_sh, *sems):
        gsem = sems[0:2]
        issem = sems[2:6]
        idsem = sems[6:8]
        cid = lax.axis_index("c")
        sid = lax.axis_index("s")
        wid = cid * NTILES + sid
        base = wid * cw
        row0 = sid * rpt

        def sidx_load(c, slot):
            return pltpu.make_async_copy(
                src_hbm.at[pl.ds((base + c) * CHUNK, CHUNK)],
                sidx_v.at[slot], issem[slot])

        def didx_load(c, slot):
            return pltpu.make_async_copy(
                dst_hbm.at[pl.ds((base + c) * CHUNK, CHUNK)],
                didx_v.at[slot], idsem[slot])

        def gather(slot, b):
            return pltpu.make_async_copy(
                m_hbm.at[sidx_v.at[slot]], rows_v.at[b], gsem[b])

        _fill2d(rows_v.at[0], CHUNK, d, 0.0)
        _zero_acc_slice(rows_v.at[0], acc_sh, row0, rpt)
        plsc.subcore_barrier()

        for q in range(4):
            sidx_load(q, q).start()
        for b in range(2):
            didx_load(b, b).start()
        for b in range(2):
            sidx_load(b, b).wait()
            gather(b, b).start()

        def grp(gi, carry):
            for j in range(4):
                b = j % 2
                c = gi * 4 + j
                gather(j, b).wait()
                didx_load(c, b).wait()
                pltpu.sync_copy(rows_v.at[b], acc_sh.at[didx_v.at[b]],
                                add=True)

                @pl.when(c + 2 < cw)
                def _():
                    didx_load(c + 2, b).start()

                @pl.when(c + 4 < cw)
                def _():
                    sidx_load(c + 4, j).start()

                @pl.when(c + 2 < cw)
                def _():
                    sidx_load(c + 2, (j + 2) % 4).wait()
                    gather((j + 2) % 4, b).start()
            return carry

        lax.fori_loop(0, cw // 4, grp, 0)
        plsc.subcore_barrier()
        pltpu.sync_copy(acc_sh.at[pl.ds(row0, rpt)],
                        out_hbm.at[cid, pl.ds(row0, rpt)])

    return prop_kernel


def _tca_body(x_ref, w1_ref, h_ref):
    h_ref[...] = jnp.dot(x_ref[...], w1_ref[...],
                         preferred_element_type=jnp.float32)


def _tcb_body(degp_ref, h_ref, dinv_ref, m1_ref, *, n):
    deg = degp_ref[0, :, 0:1] + degp_ref[1, :, 0:1] + 1.0
    dinv = lax.rsqrt(deg)
    dinv_ref[...] = dinv
    npad = m1_ref.shape[0]
    m1_ref[0:n, :] = h_ref[...] * dinv[0:n]
    m1_ref[n:npad, :] = jnp.zeros((npad - n, m1_ref.shape[1]), jnp.float32)


def _tc2_body(acc_ref, m_ref, dinv_ref, b_ref, g_ref, be_ref, w_ref,
              out_ref, *, n):
    dinv = dinv_ref[...]
    s = acc_ref[0, 0:n, :] + acc_ref[1, 0:n, :] + m_ref[0:n, :]
    out = s * dinv[0:n] + b_ref[...]
    mean = jnp.mean(out, axis=0, keepdims=True)
    var = jnp.mean((out - mean) ** 2, axis=0, keepdims=True)
    out = (out - mean) * lax.rsqrt(var + BN_EPS) * g_ref[...] + be_ref[...]
    out = jnp.maximum(out, 0.0)
    h = jnp.dot(out, w_ref[...], preferred_element_type=jnp.float32)
    npad = out_ref.shape[0]
    out_ref[0:n, :] = h * dinv[0:n]
    out_ref[n:npad, :] = jnp.zeros((npad - n, h.shape[1]), jnp.float32)


def _tc3_body(acc_ref, m_ref, dinv_ref, b_ref, g_ref, be_ref, wh_ref,
              bh_ref, y_ref, *, n):
    dinv = dinv_ref[...]
    s = acc_ref[0, 0:n, :] + acc_ref[1, 0:n, :] + m_ref[0:n, :]
    out = s * dinv[0:n] + b_ref[...]
    mean = jnp.mean(out, axis=0, keepdims=True)
    var = jnp.mean((out - mean) ** 2, axis=0, keepdims=True)
    out = (out - mean) * lax.rsqrt(var + BN_EPS) * g_ref[...] + be_ref[...]
    out = jnp.maximum(out, 0.0)
    y_ref[...] = (jnp.dot(out, wh_ref[...], preferred_element_type=jnp.float32)
                  + bh_ref[...])


def kernel(x, edge_index, W1, b1, g1, be1, W2, b2, g2, be2, Wh, bh):
    n, _ = x.shape
    hdim = W1.shape[1]
    e = edge_index.shape[1]
    npad = ((n + 1 + 127) // 128) * 128
    group = NW * CHUNK * 4
    epad = ((e + group - 1) // group) * group
    pad = epad - e
    cw = epad // NW // CHUNK

    src = edge_index[0].astype(jnp.int32)
    dst = edge_index[1].astype(jnp.int32)
    if pad:
        pad_idx = n + (jnp.arange(pad, dtype=jnp.int32) % (npad - n))
        src = jnp.concatenate([src, pad_idx])
        dst = jnp.concatenate([dst, pad_idx])

    deg_p = _make_deg(cw, npad)(dst)

    h1 = pl.pallas_call(
        _tca_body,
        out_shape=jax.ShapeDtypeStruct((n, hdim), jnp.float32),
    )(x, W1)

    b1r, g1r, be1r = (v.reshape(1, hdim) for v in (b1, g1, be1))
    b2r, g2r, be2r = (v.reshape(1, hdim) for v in (b2, g2, be2))
    bhr = bh.reshape(1, 1)

    dinv, m1 = pl.pallas_call(
        functools.partial(_tcb_body, n=n),
        out_shape=[jax.ShapeDtypeStruct((npad, 1), jnp.float32),
                   jax.ShapeDtypeStruct((npad, hdim), jnp.float32)],
    )(deg_p, h1)

    prop = _make_prop(cw, npad, hdim)
    acc1 = prop(m1, src, dst)

    m2 = pl.pallas_call(
        functools.partial(_tc2_body, n=n),
        out_shape=jax.ShapeDtypeStruct((npad, hdim), jnp.float32),
    )(acc1, m1, dinv, b1r, g1r, be1r, W2)

    acc2 = prop(m2, src, dst)

    y = pl.pallas_call(
        functools.partial(_tc3_body, n=n),
        out_shape=jax.ShapeDtypeStruct((n, 1), jnp.float32),
    )(acc2, m2, dinv, b2r, g2r, be2r, Wh, bhr)

    return y

# --- scband reference (transcript-rebuilt; emitter-appended) ---
"""Pipeline reference for scband-gcnreg-80934363725953 (READ-ONLY COPY).

The authoritative reference and input builder live on the scoring server;
editing this copy changes nothing except your own understanding.
"""

import jax, jax.numpy as jnp
import numpy as np

N_NODES = 10000
IN_DIM = 128
HIDDEN = 128
BN_EPS = 1e-5


def setup_inputs(seed: int = 0) -> dict:
    key = jax.random.key(seed)
    ks = jax.random.split(key, 12)
    x = jax.random.normal(ks[0], (N_NODES, IN_DIM), dtype=jnp.float32)
    edge_index = jax.random.randint(ks[1], (2, 320000), 0, N_NODES, dtype=jnp.int64)
    # GCNConv layer 1 (in_dim -> hidden)
    W1 = jax.random.normal(ks[2], (IN_DIM, HIDDEN), dtype=jnp.float32) / np.sqrt(IN_DIM)
    b1 = jnp.zeros((HIDDEN,), dtype=jnp.float32)
    g1 = jnp.ones((HIDDEN,), dtype=jnp.float32)
    be1 = jnp.zeros((HIDDEN,), dtype=jnp.float32)
    # GCNConv layer 2 (hidden -> hidden)
    W2 = jax.random.normal(ks[3], (HIDDEN, HIDDEN), dtype=jnp.float32) / np.sqrt(HIDDEN)
    b2 = jnp.zeros((HIDDEN,), dtype=jnp.float32)
    g2 = jnp.ones((HIDDEN,), dtype=jnp.float32)
    be2 = jnp.zeros((HIDDEN,), dtype=jnp.float32)
    # head linear (hidden -> 1)
    Wh = jax.random.normal(ks[4], (HIDDEN, 1), dtype=jnp.float32) / np.sqrt(HIDDEN)
    bh = jnp.zeros((1,), dtype=jnp.float32)
    return {"x": x, "edge_index": edge_index, "W1": W1, "b1": b1, "g1": g1,
            "be1": be1, "W2": W2, "b2": b2, "g2": g2, "be2": be2,
            "Wh": Wh, "bh": bh}


def _gcn_conv(x, src, dst, norm, W, b, num_nodes):
    # PyG GCNConv: lin -> normalized propagate (scatter-add) -> +bias
    h = x @ W
    msg = h[src] * norm[:, None]
    out = jnp.zeros((num_nodes, h.shape[1]), dtype=h.dtype).at[dst].add(msg)
    return out + b


def _gcn_norm(edge_index, num_nodes):
    # add self-loops, symmetric normalization (deg^-1/2 * deg^-1/2)
    loop = jnp.arange(num_nodes, dtype=edge_index.dtype)
    src = jnp.concatenate([edge_index[0], loop])
    dst = jnp.concatenate([edge_index[1], loop])
    ew = jnp.ones(src.shape[0], dtype=jnp.float32)
    deg = jnp.zeros((num_nodes,), dtype=jnp.float32).at[dst].add(ew)
    dinv = jnp.where(deg > 0, jax.lax.rsqrt(deg), 0.0)
    norm = dinv[src] * dinv[dst]
    return src, dst, norm


def _batch_norm(x, gamma, beta):
    mean = jnp.mean(x, axis=0)
    var = jnp.mean((x - mean) ** 2, axis=0)
    return (x - mean) * jax.lax.rsqrt(var + BN_EPS) * gamma + beta


def reference(x, edge_index, W1, b1, g1, be1, W2, b2, g2, be2, Wh, bh):
    src, dst, norm = _gcn_norm(edge_index, N_NODES)
    h = _gcn_conv(x, src, dst, norm, W1, b1, N_NODES)
    h = _batch_norm(h, g1, be1)
    h = jax.nn.relu(h)
    # dropout treated as identity for deterministic reference
    h = _gcn_conv(h, src, dst, norm, W2, b2, N_NODES)
    h = _batch_norm(h, g2, be2)
    h = jax.nn.relu(h)
    return h @ Wh + bh

if __name__ == "__main__":
    import jax
    _d = setup_inputs()
    print(jax.jit(kernel)(*tuple(_d.values())))

</pallas_src>

<mosaic_0001>
#map = affine_map<(d0, d1) -> (0, 0)>
#map1 = affine_map<(d0, d1) -> (0)>
#map2 = affine_map<(d0, d1) -> (0, 0, 0)>
module attributes {stable_mosaic.version = 14 : i64} {
  func.func @prop_kernel(%arg0: i32, %arg1: i32, %arg2: memref<10112x128xf32, #tpu.memory_space<hbm>>, %arg3: memref<327680xi32, #tpu.memory_space<hbm>>, %arg4: memref<327680xi32, #tpu.memory_space<hbm>>, %arg5: memref<2x10112x128xf32, #tpu.memory_space<hbm>>, %arg6: memref<4x128xi32, #tpu.memory_space<vmem>>, %arg7: memref<2x128xi32, #tpu.memory_space<vmem>>, %arg8: memref<2x128x128xf32, #tpu.memory_space<vmem>>, %arg9: memref<10112x128xf32, #tpu.memory_space<vmem_shared>>, %arg10: memref<!tpu.dma_semaphore, #tpu.memory_space<semaphore_mem>>, %arg11: memref<!tpu.dma_semaphore, #tpu.memory_space<semaphore_mem>>, %arg12: memref<!tpu.dma_semaphore, #tpu.memory_space<semaphore_mem>>, %arg13: memref<!tpu.dma_semaphore, #tpu.memory_space<semaphore_mem>>, %arg14: memref<!tpu.dma_semaphore, #tpu.memory_space<semaphore_mem>>, %arg15: memref<!tpu.dma_semaphore, #tpu.memory_space<semaphore_mem>>, %arg16: memref<!tpu.dma_semaphore, #tpu.memory_space<semaphore_mem>>, %arg17: memref<!tpu.dma_semaphore, #tpu.memory_space<semaphore_mem>>) attributes {dimension_semantics = [#tpu.dimension_semantics<core_parallel>, #tpu.dimension_semantics<subcore_parallel>], iteration_bounds = array<i64: 2, 16>, scalar_prefetch = 0 : i64, scratch_operands = 12 : i64, tpu.core_type = #tpu.core_type<sc_vector_subcore>, window_params = [{transform_indices = #map}, {transform_indices = #map1}, {transform_indices = #map1}, {transform_indices = #map2}]} {
    %mul3A = arith.constant 16 : i32
    %mul3A_0 = arith.muli %arg0, %mul3A : i32
    %add3A = arith.addi %mul3A_0, %arg1 : i32
    %mul3A_1 = arith.constant 80 : i32
    %mul3A_2 = arith.muli %add3A, %mul3A_1 : i32
    %mul3A_3 = arith.constant 632 : i32
    %mul3A_4 = arith.muli %arg1, %mul3A_3 : i32
    %broadcast_in_dim3A = arith.constant 0.000000e+00 : f32
    %broadcast_in_dim3A_5 = vector.broadcast %broadcast_in_dim3A : f32 to vector<16xf32>
    %scan3A = arith.constant 0 : i32
    %scan3A_6 = arith.constant 0 : i32
    %scan3A_7 = arith.constant 0 : i32
    %scan3A_8 = arith.constant 128 : i32
    %scan3A_9 = arith.addi %scan3A_7, %scan3A_8 : i32
    %scan3A_10 = arith.constant 1 : i32
    scf.for %scan3A_159 = %scan3A_7 to %scan3A_9 step %scan3A_10  : i32 {
      %swap3A = arith.constant 0 : i32
      %swap3A_160 = arith.constant 0 : i32
      %swap3A_161 = tpu.memref_slice %arg8[%scan3A_6, %swap3A, %swap3A_160] : memref<2x128x128xf32, #tpu.memory_space<vmem>> -> memref<1x128x128xf32, #tpu.memory_space<vmem>>
      %swap3A_162 = tpu.memref_squeeze %swap3A_161 : memref<1x128x128xf32, #tpu.memory_space<vmem>> -> memref<128x128xf32, #tpu.memory_space<vmem>>
      %swap3A_163 = arith.index_cast %scan3A_159 : i32 to index
      %swap3A_164 = arith.constant 0 : index
      %swap3A_165 = tpu.vector_load %swap3A_162[%swap3A_163, %swap3A_164] {strides = array<i32>} : memref<128x128xf32, #tpu.memory_space<vmem>>, vector<1x16xf32>,
      %swap3A_166 = vector.shape_cast %swap3A_165 : vector<1x16xf32> to vector<16xf32>
      %swap3A_167 = vector.shape_cast %broadcast_in_dim3A_5 : vector<16xf32> to vector<1x16xf32>
      tpu.vector_store %swap3A_162[%swap3A_163, %swap3A_164], %swap3A_167 {strides = array<i32>} : memref<128x128xf32, #tpu.memory_space<vmem>>, vector<1x16xf32>,
      %swap3A_168 = arith.constant 0 : i32
      %swap3A_169 = arith.constant 0 : i32
      %swap3A_170 = tpu.memref_slice %arg8[%scan3A_6, %swap3A_168, %swap3A_169] : memref<2x128x128xf32, #tpu.memory_space<vmem>> -> memref<1x128x128xf32, #tpu.memory_space<vmem>>
      %swap3A_171 = tpu.memref_squeeze %swap3A_170 : memref<1x128x128xf32, #tpu.memory_space<vmem>> -> memref<128x128xf32, #tpu.memory_space<vmem>>
      %swap3A_172 = arith.index_cast %scan3A_159 : i32 to index
      %swap3A_173 = arith.constant 16 : index
      %swap3A_174 = tpu.vector_load %swap3A_171[%swap3A_172, %swap3A_173] {strides = array<i32>} : memref<128x128xf32, #tpu.memory_space<vmem>>, vector<1x16xf32>,
      %swap3A_175 = vector.shape_cast %swap3A_174 : vector<1x16xf32> to vector<16xf32>
      %swap3A_176 = vector.shape_cast %broadcast_in_dim3A_5 : vector<16xf32> to vector<1x16xf32>
      tpu.vector_store %swap3A_171[%swap3A_172, %swap3A_173], %swap3A_176 {strides = array<i32>} : memref<128x128xf32, #tpu.memory_space<vmem>>, vector<1x16xf32>,
      %swap3A_177 = arith.constant 0 : i32
      %swap3A_178 = arith.constant 0 : i32
      %swap3A_179 = tpu.memref_slice %arg8[%scan3A_6, %swap3A_177, %swap3A_178] : memref<2x128x128xf32, #tpu.memory_space<vmem>> -> memref<1x128x128xf32, #tpu.memory_space<vmem>>
      %swap3A_180 = tpu.memref_squeeze %swap3A_179 : memref<1x128x128xf32, #tpu.memory_space<vmem>> -> memref<128x128xf32, #tpu.memory_space<vmem>>
      %swap3A_181 = arith.index_cast %scan3A_159 : i32 to index
      %swap3A_182 = arith.constant 32 : index
      %swap3A_183 = tpu.vector_load %swap3A_180[%swap3A_181, %swap3A_182] {strides = array<i32>} : memref<128x128xf32, #tpu.memory_space<vmem>>, vector<1x16xf32>,
      %swap3A_184 = vector.shape_cast %swap3A_183 : vector<1x16xf32> to vector<16xf32>
      %swap3A_185 = vector.shape_cast %broadcast_in_dim3A_5 : vector<16xf32> to vector<1x16xf32>
      tpu.vector_store %swap3A_180[%swap3A_181, %swap3A_182], %swap3A_185 {strides = array<i32>} : memref<128x128xf32, #tpu.memory_space<vmem>>, vector<1x16xf32>,
      %swap3A_186 = arith.constant 0 : i32
      %swap3A_187 = arith.constant 0 : i32
      %swap3A_188 = tpu.memref_slice %arg8[%scan3A_6, %swap3A_186, %swap3A_187] : memref<2x128x128xf32, #tpu.memory_space<vmem>> -> memref<1x128x128xf32, #tpu.memory_space<vmem>>
      %swap3A_189 = tpu.memref_squeeze %swap3A_188 : memref<1x128x128xf32, #tpu.memory_space<vmem>> -> memref<128x128xf32, #tpu.memory_space<vmem>>
      %swap3A_190 = arith.index_cast %scan3A_159 : i32 to index
      %swap3A_191 = arith.constant 48 : index
      %swap3A_192 = tpu.vector_load %swap3A_189[%swap3A_190, %swap3A_191] {strides = array<i32>} : memref<128x128xf32, #tpu.memory_space<vmem>>, vector<1x16xf32>,
      %swap3A_193 = vector.shape_cast %swap3A_192 : vector<1x16xf32> to vector<16xf32>
      %swap3A_194 = vector.shape_cast %broadcast_in_dim3A_5 : vector<16xf32> to vector<1x16xf32>
      tpu.vector_store %swap3A_189[%swap3A_190, %swap3A_191], %swap3A_194 {strides = array<i32>} : memref<128x128xf32, #tpu.memory_space<vmem>>, vector<1x16xf32>,
      %swap3A_195 = arith.constant 0 : i32
      %swap3A_196 = arith.constant 0 : i32
      %swap3A_197 = tpu.memref_slice %arg8[%scan3A_6, %swap3A_195, %swap3A_196] : memref<2x128x128xf32, #tpu.memory_space<vmem>> -> memref<1x128x128xf32, #tpu.memory_space<vmem>>
      %swap3A_198 = tpu.memref_squeeze %swap3A_197 : memref<1x128x128xf32, #tpu.memory_space<vmem>> -> memref<128x128xf32, #tpu.memory_space<vmem>>
      %swap3A_199 = arith.index_cast %scan3A_159 : i32 to index
      %swap3A_200 = arith.constant 64 : index
      %swap3A_201 = tpu.vector_load %swap3A_198[%swap3A_199, %swap3A_200] {strides = array<i32>} : memref<128x128xf32, #tpu.memory_space<vmem>>, vector<1x16xf32>,
      %swap3A_202 = vector.shape_cast %swap3A_201 : vector<1x16xf32> to vector<16xf32>
      %swap3A_203 = vector.shape_cast %broadcast_in_dim3A_5 : vector<16xf32> to vector<1x16xf32>
      tpu.vector_store %swap3A_198[%swap3A_199, %swap3A_200], %swap3A_203 {strides = array<i32>} : memref<128x128xf32, #tpu.memory_space<vmem>>, vector<1x16xf32>,
      %swap3A_204 = arith.constant 0 : i32
      %swap3A_205 = arith.constant 0 : i32
      %swap3A_206 = tpu.memref_slice %arg8[%scan3A_6, %swap3A_204, %swap3A_205] : memref<2x128x128xf32, #tpu.memory_space<vmem>> -> memref<1x128x128xf32, #tpu.memory_space<vmem>>
      %swap3A_207 = tpu.memref_squeeze %swap3A_206 : memref<1x128x128xf32, #tpu.memory_space<vmem>> -> memref<128x128xf32, #tpu.memory_space<vmem>>
      %swap3A_208 = arith.index_cast %scan3A_159 : i32 to index
      %swap3A_209 = arith.constant 80 : index
      %swap3A_210 = tpu.vector_load %swap3A_207[%swap3A_208, %swap3A_209] {strides = array<i32>} : memref<128x128xf32, #tpu.memory_space<vmem>>, vector<1x16xf32>,
      %swap3A_211 = vector.shape_cast %swap3A_210 : vector<1x16xf32> to vector<16xf32>
      %swap3A_212 = vector.shape_cast %broadcast_in_dim3A_5 : vector<16xf32> to vector<1x16xf32>
      tpu.vector_store %swap3A_207[%swap3A_208, %swap3A_209], %swap3A_212 {strides = array<i32>} : memref<128x128xf32, #tpu.memory_space<vmem>>, vector<1x16xf32>,
      %swap3A_213 = arith.constant 0 : i32
      %swap3A_214 = arith.constant 0 : i32
      %swap3A_215 = tpu.memref_slice %arg8[%scan3A_6, %swap3A_213, %swap3A_214] : memref<2x128x128xf32, #tpu.memory_space<vmem>> -> memref<1x128x128xf32, #tpu.memory_space<vmem>>
      %swap3A_216 = tpu.memref_squeeze %swap3A_215 : memref<1x128x128xf32, #tpu.memory_space<vmem>> -> memref<128x128xf32, #tpu.memory_space<vmem>>
      %swap3A_217 = arith.index_cast %scan3A_159 : i32 to index
      %swap3A_218 = arith.constant 96 : index
      %swap3A_219 = tpu.vector_load %swap3A_216[%swap3A_217, %swap3A_218] {strides = array<i32>} : memref<128x128xf32, #tpu.memory_space<vmem>>, vector<1x16xf32>,
      %swap3A_220 = vector.shape_cast %swap3A_219 : vector<1x16xf32> to vector<16xf32>
      %swap3A_221 = vector.shape_cast %broadcast_in_dim3A_5 : vector<16xf32> to vector<1x16xf32>
      tpu.vector_store %swap3A_216[%swap3A_217, %swap3A_218], %swap3A_221 {strides = array<i32>} : memref<128x128xf32, #tpu.memory_space<vmem>>, vector<1x16xf32>,
      %swap3A_222 = arith.constant 0 : i32
      %swap3A_223 = arith.constant 0 : i32
      %swap3A_224 = tpu.memref_slice %arg8[%scan3A_6, %swap3A_222, %swap3A_223] : memref<2x128x128xf32, #tpu.memory_space<vmem>> -> memref<1x128x128xf32, #tpu.memory_space<vmem>>
      %swap3A_225 = tpu.memref_squeeze %swap3A_224 : memref<1x128x128xf32, #tpu.memory_space<vmem>> -> memref<128x128xf32, #tpu.memory_space<vmem>>
      %swap3A_226 = arith.index_cast %scan3A_159 : i32 to index
      %swap3A_227 = arith.constant 112 : index
      %swap3A_228 = tpu.vector_load %swap3A_225[%swap3A_226, %swap3A_227] {strides = array<i32>} : memref<128x128xf32, #tpu.memory_space<vmem>>, vector<1x16xf32>,
      %swap3A_229 = vector.shape_cast %swap3A_228 : vector<1x16xf32> to vector<16xf32>
      %swap3A_230 = vector.shape_cast %broadcast_in_dim3A_5 : vector<16xf32> to vector<1x16xf32>
      tpu.vector_store %swap3A_225[%swap3A_226, %swap3A_227], %swap3A_230 {strides = array<i32>} : memref<128x128xf32, #tpu.memory_space<vmem>>, vector<1x16xf32>,
    }
    %scan3A_11 = arith.constant 128 : i32
    %add3A_12 = arith.constant 0 : i32
    %add3A_13 = arith.addi %mul3A_4, %add3A_12 : i32
    %run_scoped3A = arith.constant 0 : i32
    "tpu.region"() ({
      %run_scoped3A_159 = tpu.sem_alloc : memref<!tpu.dma_semaphore, #tpu.memory_space<semaphore_mem>>
      %dma_start3A_160 = arith.constant 0 : i32
      %dma_start3A_161 = arith.constant 0 : i32
      %dma_start3A_162 = tpu.memref_slice %arg8[%run_scoped3A, %dma_start3A_160, %dma_start3A_161] : memref<2x128x128xf32, #tpu.memory_space<vmem>> -> memref<1x128x128xf32, #tpu.memory_space<vmem>>
      %dma_start3A_163 = tpu.memref_squeeze %dma_start3A_162 : memref<1x128x128xf32, #tpu.memory_space<vmem>> -> memref<128x128xf32, #tpu.memory_space<vmem>>
      %dma_start3A_164 = arith.constant 0 : i32
      %dma_start3A_165 = tpu.memref_slice %arg9[%add3A_13, %dma_start3A_164] : memref<10112x128xf32, #tpu.memory_space<vmem_shared>> -> memref<128x128xf32, #tpu.memory_space<vmem_shared>>
      %dma_start3A_166 = arith.constant 0 : i32
      %dma_start3A_167 = tpu.memref_slice %arg9[%add3A_13, %dma_start3A_166] : memref<10112x128xf32, #tpu.memory_space<vmem_shared>> -> memref<128x128xf32, #tpu.memory_space<vmem_shared>>
      %dma_start3A_168 = arith.constant 0 : i32
      %dma_start3A_169 = arith.constant 0 : i32
      %dma_start3A_170 = tpu.memref_slice %arg8[%run_scoped3A, %dma_start3A_168, %dma_start3A_169] : memref<2x128x128xf32, #tpu.memory_space<vmem>> -> memref<1x128x128xf32, #tpu.memory_space<vmem>>
      %dma_start3A_171 = tpu.memref_squeeze %dma_start3A_170 : memref<1x128x128xf32, #tpu.memory_space<vmem>> -> memref<128x128xf32, #tpu.memory_space<vmem>>
      tpu.enqueue_dma source(%dma_start3A_171 : memref<128x128xf32, #tpu.memory_space<vmem>>) target(%dma_start3A_167 : memref<128x128xf32, #tpu.memory_space<vmem_shared>>) target_semaphore(%run_scoped3A_159 : memref<!tpu.dma_semaphore, #tpu.memory_space<semaphore_mem>>)
      %dma_wait3A_172 = arith.constant 0 : i32
      %dma_wait3A_173 = arith.constant 0 : i32
      %dma_wait3A_174 = tpu.memref_slice %arg8[%run_scoped3A, %dma_wait3A_172, %dma_wait3A_173] : memref<2x128x128xf32, #tpu.memory_space<vmem>> -> memref<1x128x128xf32, #tpu.memory_space<vmem>>
      %dma_wait3A_175 = tpu.memref_squeeze %dma_wait3A_174 : memref<1x128x128xf32, #tpu.memory_space<vmem>> -> memref<128x128xf32, #tpu.memory_space<vmem>>
      %dma_wait3A_176 = arith.constant 0 : i32
      %dma_wait3A_177 = tpu.memref_slice %arg9[%add3A_13, %dma_wait3A_176] : memref<10112x128xf32, #tpu.memory_space<vmem_shared>> -> memref<128x128xf32, #tpu.memory_space<vmem_shared>>
      %dma_wait3A_178 = arith.constant 0 : i32
      %dma_wait3A_179 = tpu.memref_slice %arg9[%add3A_13, %dma_wait3A_178] : memref<10112x128xf32, #tpu.memory_space<vmem_shared>> -> memref<128x128xf32, #tpu.memory_space<vmem_shared>>
      %dma_wait3A_180 = arith.constant 0 : i32
      %dma_wait3A_181 = arith.constant 0 : i32
      %dma_wait3A_182 = tpu.memref_slice %arg8[%run_scoped3A, %dma_wait3A_180, %dma_wait3A_181] : memref<2x128x128xf32, #tpu.memory_space<vmem>> -> memref<1x128x128xf32, #tpu.memory_space<vmem>>
      %dma_wait3A_183 = tpu.memref_squeeze %dma_wait3A_182 : memref<1x128x128xf32, #tpu.memory_space<vmem>> -> memref<128x128xf32, #tpu.memory_space<vmem>>
      tpu.wait_dma2 semaphore(%run_scoped3A_159 : memref<!tpu.dma_semaphore, #tpu.memory_space<semaphore_mem>>) src(%dma_wait3A_183 : memref<128x128xf32, #tpu.memory_space<vmem>>) dst(%dma_wait3A_179 : memref<128x128xf32, #tpu.memory_space<vmem_shared>>)
      tpu.yield
    }) : () -> ()
    %add3A_14 = arith.constant 128 : i32
    %add3A_15 = arith.addi %mul3A_4, %add3A_14 : i32
    %run_scoped3A_16 = arith.constant 0 : i32
    "tpu.region"() ({
      %run_scoped3A_159 = tpu.sem_alloc : memref<!tpu.dma_semaphore, #tpu.memory_space<semaphore_mem>>
      %dma_start3A_160 = arith.constant 0 : i32
      %dma_start3A_161 = arith.constant 0 : i32
      %dma_start3A_162 = tpu.memref_slice %arg8[%run_scoped3A_16, %dma_start3A_160, %dma_start3A_161] : memref<2x128x128xf32, #tpu.memory_space<vmem>> -> memref<1x128x128xf32, #tpu.memory_space<vmem>>
      %dma_start3A_163 = tpu.memref_squeeze %dma_start3A_162 : memref<1x128x128xf32, #tpu.memory_space<vmem>> -> memref<128x128xf32, #tpu.memory_space<vmem>>
      %dma_start3A_164 = arith.constant 0 : i32
      %dma_start3A_165 = tpu.memref_slice %arg9[%add3A_15, %dma_start3A_164] : memref<10112x128xf32, #tpu.memory_space<vmem_shared>> -> memref<128x128xf32, #tpu.memory_space<vmem_shared>>
      %dma_start3A_166 = arith.constant 0 : i32
      %dma_start3A_167 = tpu.memref_slice %arg9[%add3A_15, %dma_start3A_166] : memref<10112x128xf32, #tpu.memory_space<vmem_shared>> -> memref<128x128xf32, #tpu.memory_space<vmem_shared>>
      %dma_start3A_168 = arith.constant 0 : i32
      %dma_start3A_169 = arith.constant 0 : i32
      %dma_start3A_170 = tpu.memref_slice %arg8[%run_scoped3A_16, %dma_start3A_168, %dma_start3A_169] : memref<2x128x128xf32, #tpu.memory_space<vmem>> -> memref<1x128x128xf32, #tpu.memory_space<vmem>>
      %dma_start3A_171 = tpu.memref_squeeze %dma_start3A_170 : memref<1x128x128xf32, #tpu.memory_space<vmem>> -> memref<128x128xf32, #tpu.memory_space<vmem>>
      tpu.enqueue_dma source(%dma_start3A_171 : memref<128x128xf32, #tpu.memory_space<vmem>>) target(%dma_start3A_167 : memref<128x128xf32, #tpu.memory_space<vmem_shared>>) target_semaphore(%run_scoped3A_159 : memref<!tpu.dma_semaphore, #tpu.memory_space<semaphore_mem>>)
      %dma_wait3A_172 = arith.constant 0 : i32
      %dma_wait3A_173 = arith.constant 0 : i32
      %dma_wait3A_174 = tpu.memref_slice %arg8[%run_scoped3A_16, %dma_wait3A_172, %dma_wait3A_173] : memref<2x128x128xf32, #tpu.memory_space<vmem>> -> memref<1x128x128xf32, #tpu.memory_space<vmem>>
      %dma_wait3A_175 = tpu.memref_squeeze %dma_wait3A_174 : memref<1x128x128xf32, #tpu.memory_space<vmem>> -> memref<128x128xf32, #tpu.memory_space<vmem>>
      %dma_wait3A_176 = arith.constant 0 : i32
      %dma_wait3A_177 = tpu.memref_slice %arg9[%add3A_15, %dma_wait3A_176] : memref<10112x128xf32, #tpu.memory_space<vmem_shared>> -> memref<128x128xf32, #tpu.memory_space<vmem_shared>>
      %dma_wait3A_178 = arith.constant 0 : i32
      %dma_wait3A_179 = tpu.memref_slice %arg9[%add3A_15, %dma_wait3A_178] : memref<10112x128xf32, #tpu.memory_space<vmem_shared>> -> memref<128x128xf32, #tpu.memory_space<vmem_shared>>
      %dma_wait3A_180 = arith.constant 0 : i32
      %dma_wait3A_181 = arith.constant 0 : i32
      %dma_wait3A_182 = tpu.memref_slice %arg8[%run_scoped3A_16, %dma_wait3A_180, %dma_wait3A_181] : memref<2x128x128xf32, #tpu.memory_space<vmem>> -> memref<1x128x128xf32, #tpu.memory_space<vmem>>
      %dma_wait3A_183 = tpu.memref_squeeze %dma_wait3A_182 : memref<1x128x128xf32, #tpu.memory_space<vmem>> -> memref<128x128xf32, #tpu.memory_space<vmem>>
      tpu.wait_dma2 semaphore(%run_scoped3A_159 : memref<!tpu.dma_semaphore, #tpu.memory_space<semaphore_mem>>) src(%dma_wait3A_183 : memref<128x128xf32, #tpu.memory_space<vmem>>) dst(%dma_wait3A_179 : memref<128x128xf32, #tpu.memory_space<vmem_shared>>)
      tpu.yield
    }) : () -> ()
    %add3A_17 = arith.constant 256 : i32
    %add3A_18 = arith.addi %mul3A_4, %add3A_17 : i32
    %run_scoped3A_19 = arith.constant 0 : i32
    "tpu.region"() ({
      %run_scoped3A_159 = tpu.sem_alloc : memref<!tpu.dma_semaphore, #tpu.memory_space<semaphore_mem>>
      %dma_start3A_160 = arith.constant 0 : i32
      %dma_start3A_161 = arith.constant 0 : i32
      %dma_start3A_162 = tpu.memref_slice %arg8[%run_scoped3A_19, %dma_start3A_160, %dma_start3A_161] : memref<2x128x128xf32, #tpu.memory_space<vmem>> -> memref<1x128x128xf32, #tpu.memory_space<vmem>>
      %dma_start3A_163 = tpu.memref_squeeze %dma_start3A_162 : memref<1x128x128xf32, #tpu.memory_space<vmem>> -> memref<128x128xf32, #tpu.memory_space<vmem>>
      %dma_start3A_164 = arith.constant 0 : i32
      %dma_start3A_165 = tpu.memref_slice %arg9[%add3A_18, %dma_start3A_164] : memref<10112x128xf32, #tpu.memory_space<vmem_shared>> -> memref<128x128xf32, #tpu.memory_space<vmem_shared>>
      %dma_start3A_166 = arith.constant 0 : i32
      %dma_start3A_167 = tpu.memref_slice %arg9[%add3A_18, %dma_start3A_166] : memref<10112x128xf32, #tpu.memory_space<vmem_shared>> -> memref<128x128xf32, #tpu.memory_space<vmem_shared>>
      %dma_start3A_168 = arith.constant 0 : i32
      %dma_start3A_169 = arith.constant 0 : i32
      %dma_start3A_170 = tpu.memref_slice %arg8[%run_scoped3A_19, %dma_start3A_168, %dma_start3A_169] : memref<2x128x128xf32, #tpu.memory_space<vmem>> -> memref<1x128x128xf32, #tpu.memory_space<vmem>>
      %dma_start3A_171 = tpu.memref_squeeze %dma_start3A_170 : memref<1x128x128xf32, #tpu.memory_space<vmem>> -> memref<128x128xf32, #tpu.memory_space<vmem>>
      tpu.enqueue_dma source(%dma_start3A_171 : memref<128x128xf32, #tpu.memory_space<vmem>>) target(%dma_start3A_167 : memref<128x128xf32, #tpu.memory_space<vmem_shared>>) target_semaphore(%run_scoped3A_159 : memref<!tpu.dma_semaphore, #tpu.memory_space<semaphore_mem>>)
      %dma_wait3A_172 = arith.constant 0 : i32
      %dma_wait3A_173 = arith.constant 0 : i32
      %dma_wait3A_174 = tpu.memref_slice %arg8[%run_scoped3A_19, %dma_wait3A_172, %dma_wait3A_173] : memref<2x128x128xf32, #tpu.memory_space<vmem>> -> memref<1x128x128xf32, #tpu.memory_space<vmem>>
      %dma_wait3A_175 = tpu.memref_squeeze %dma_wait3A_174 : memref<1x128x128xf32, #tpu.memory_space<vmem>> -> memref<128x128xf32, #tpu.memory_space<vmem>>
      %dma_wait3A_176 = arith.constant 0 : i32
      %dma_wait3A_177 = tpu.memref_slice %arg9[%add3A_18, %dma_wait3A_176] : memref<10112x128xf32, #tpu.memory_space<vmem_shared>> -> memref<128x128xf32, #tpu.memory_space<vmem_shared>>
      %dma_wait3A_178 = arith.constant 0 : i32
      %dma_wait3A_179 = tpu.memref_slice %arg9[%add3A_18, %dma_wait3A_178] : memref<10112x128xf32, #tpu.memory_space<vmem_shared>> -> memref<128x128xf32, #tpu.memory_space<vmem_shared>>
      %dma_wait3A_180 = arith.constant 0 : i32
      %dma_wait3A_181 = arith.constant 0 : i32
      %dma_wait3A_182 = tpu.memref_slice %arg8[%run_scoped3A_19, %dma_wait3A_180, %dma_wait3A_181] : memref<2x128x128xf32, #tpu.memory_space<vmem>> -> memref<1x128x128xf32, #tpu.memory_space<vmem>>
      %dma_wait3A_183 = tpu.memref_squeeze %dma_wait3A_182 : memref<1x128x128xf32, #tpu.memory_space<vmem>> -> memref<128x128xf32, #tpu.memory_space<vmem>>
      tpu.wait_dma2 semaphore(%run_scoped3A_159 : memref<!tpu.dma_semaphore, #tpu.memory_space<semaphore_mem>>) src(%dma_wait3A_183 : memref<128x128xf32, #tpu.memory_space<vmem>>) dst(%dma_wait3A_179 : memref<128x128xf32, #tpu.memory_space<vmem_shared>>)
      tpu.yield
    }) : () -> ()
    %add3A_20 = arith.constant 384 : i32
    %add3A_21 = arith.addi %mul3A_4, %add3A_20 : i32
    %run_scoped3A_22 = arith.constant 0 : i32
    "tpu.region"() ({
      %run_scoped3A_159 = tpu.sem_alloc : memref<!tpu.dma_semaphore, #tpu.memory_space<semaphore_mem>>
      %dma_start3A_160 = arith.constant 0 : i32
      %dma_start3A_161 = arith.constant 0 : i32
      %dma_start3A_162 = tpu.memref_slice %arg8[%run_scoped3A_22, %dma_start3A_160, %dma_start3A_161] : memref<2x128x128xf32, #tpu.memory_space<vmem>> -> memref<1x128x128xf32, #tpu.memory_space<vmem>>
      %dma_start3A_163 = tpu.memref_squeeze %dma_start3A_162 : memref<1x128x128xf32, #tpu.memory_space<vmem>> -> memref<128x128xf32, #tpu.memory_space<vmem>>
      %dma_start3A_164 = arith.constant 0 : i32
      %dma_start3A_165 = tpu.memref_slice %arg9[%add3A_21, %dma_start3A_164] : memref<10112x128xf32, #tpu.memory_space<vmem_shared>> -> memref<128x128xf32, #tpu.memory_space<vmem_shared>>
      %dma_start3A_166 = arith.constant 0 : i32
      %dma_start3A_167 = tpu.memref_slice %arg9[%add3A_21, %dma_start3A_166] : memref<10112x128xf32, #tpu.memory_space<vmem_shared>> -> memref<128x128xf32, #tpu.memory_space<vmem_shared>>
      %dma_start3A_168 = arith.constant 0 : i32
      %dma_start3A_169 = arith.constant 0 : i32
      %dma_start3A_170 = tpu.memref_slice %arg8[%run_scoped3A_22, %dma_start3A_168, %dma_start3A_169] : memref<2x128x128xf32, #tpu.memory_space<vmem>> -> memref<1x128x128xf32, #tpu.memory_space<vmem>>
      %dma_start3A_171 = tpu.memref_squeeze %dma_start3A_170 : memref<1x128x128xf32, #tpu.memory_space<vmem>> -> memref<128x128xf32, #tpu.memory_space<vmem>>
      tpu.enqueue_dma source(%dma_start3A_171 : memref<128x128xf32, #tpu.memory_space<vmem>>) target(%dma_start3A_167 : memref<128x128xf32, #tpu.memory_space<vmem_shared>>) target_semaphore(%run_scoped3A_159 : memref<!tpu.dma_semaphore, #tpu.memory_space<semaphore_mem>>)
      %dma_wait3A_172 = arith.constant 0 : i32
      %dma_wait3A_173 = arith.constant 0 : i32
      %dma_wait3A_174 = tpu.memref_slice %arg8[%run_scoped3A_22, %dma_wait3A_172, %dma_wait3A_173] : memref<2x128x128xf32, #tpu.memory_space<vmem>> -> memref<1x128x128xf32, #tpu.memory_space<vmem>>
      %dma_wait3A_175 = tpu.memref_squeeze %dma_wait3A_174 : memref<1x128x128xf32, #tpu.memory_space<vmem>> -> memref<128x128xf32, #tpu.memory_space<vmem>>
      %dma_wait3A_176 = arith.constant 0 : i32
      %dma_wait3A_177 = tpu.memref_slice %arg9[%add3A_21, %dma_wait3A_176] : memref<10112x128xf32, #tpu.memory_space<vmem_shared>> -> memref<128x128xf32, #tpu.memory_space<vmem_shared>>
      %dma_wait3A_178 = arith.constant 0 : i32
      %dma_wait3A_179 = tpu.memref_slice %arg9[%add3A_21, %dma_wait3A_178] : memref<10112x128xf32, #tpu.memory_space<vmem_shared>> -> memref<128x128xf32, #tpu.memory_space<vmem_shared>>
      %dma_wait3A_180 = arith.constant 0 : i32
      %dma_wait3A_181 = arith.constant 0 : i32
      %dma_wait3A_182 = tpu.memref_slice %arg8[%run_scoped3A_22, %dma_wait3A_180, %dma_wait3A_181] : memref<2x128x128xf32, #tpu.memory_space<vmem>> -> memref<1x128x128xf32, #tpu.memory_space<vmem>>
      %dma_wait3A_183 = tpu.memref_squeeze %dma_wait3A_182 : memref<1x128x128xf32, #tpu.memory_space<vmem>> -> memref<128x128xf32, #tpu.memory_space<vmem>>
      tpu.wait_dma2 semaphore(%run_scoped3A_159 : memref<!tpu.dma_semaphore, #tpu.memory_space<semaphore_mem>>) src(%dma_wait3A_183 : memref<128x128xf32, #tpu.memory_space<vmem>>) dst(%dma_wait3A_179 : memref<128x128xf32, #tpu.memory_space<vmem_shared>>)
      tpu.yield
    }) : () -> ()
    %add3A_23 = arith.constant 512 : i32
    %add3A_24 = arith.addi %mul3A_4, %add3A_23 : i32
    %run_scoped3A_25 = arith.constant 0 : i32
    "tpu.region"() ({
      %run_scoped3A_159 = tpu.sem_alloc : memref<!tpu.dma_semaphore, #tpu.memory_space<semaphore_mem>>
      %dma_start3A_160 = arith.constant 0 : i32
      %dma_start3A_161 = arith.constant 0 : i32
      %dma_start3A_162 = tpu.memref_slice %arg8[%run_scoped3A_25, %dma_start3A_160, %dma_start3A_161] : memref<2x128x128xf32, #tpu.memory_space<vmem>> -> memref<1x128x128xf32, #tpu.memory_space<vmem>>
      %dma_start3A_163 = tpu.memref_squeeze %dma_start3A_162 : memref<1x128x128xf32, #tpu.memory_space<vmem>> -> memref<128x128xf32, #tpu.memory_space<vmem>>
      %dma_start3A_164 = arith.constant 0 : i32
      %dma_start3A_165 = arith.constant 0 : i32
      %dma_start3A_166 = tpu.memref_slice %dma_start3A_163[%dma_start3A_164, %dma_start3A_165] : memref<128x128xf32, #tpu.memory_space<vmem>> -> memref<120x128xf32, #tpu.memory_space<vmem>>
      %dma_start3A_167 = arith.constant 0 : i32
      %dma_start3A_168 = tpu.memref_slice %arg9[%add3A_24, %dma_start3A_167] : memref<10112x128xf32, #tpu.memory_space<vmem_shared>> -> memref<120x128xf32, #tpu.memory_space<vmem_shared>>
      %dma_start3A_169 = arith.constant 0 : i32
      %dma_start3A_170 = tpu.memref_slice %arg9[%add3A_24, %dma_start3A_169] : memref<10112x128xf32, #tpu.memory_space<vmem_shared>> -> memref<120x128xf32, #tpu.memory_space<vmem_shared>>
      %dma_start3A_171 = arith.constant 0 : i32
      %dma_start3A_172 = arith.constant 0 : i32
      %dma_start3A_173 = tpu.memref_slice %arg8[%run_scoped3A_25, %dma_start3A_171, %dma_start3A_172] : memref<2x128x128xf32, #tpu.memory_space<vmem>> -> memref<1x128x128xf32, #tpu.memory_space<vmem>>
      %dma_start3A_174 = tpu.memref_squeeze %dma_start3A_173 : memref<1x128x128xf32, #tpu.memory_space<vmem>> -> memref<128x128xf32, #tpu.memory_space<vmem>>
      %dma_start3A_175 = arith.constant 0 : i32
      %dma_start3A_176 = arith.constant 0 : i32
      %dma_start3A_177 = tpu.memref_slice %dma_start3A_174[%dma_start3A_175, %dma_start3A_176] : memref<128x128xf32, #tpu.memory_space<vmem>> -> memref<120x128xf32, #tpu.memory_space<vmem>>
      tpu.enqueue_dma source(%dma_start3A_177 : memref<120x128xf32, #tpu.memory_space<vmem>>) target(%dma_start3A_170 : memref<120x128xf32, #tpu.memory_space<vmem_shared>>) target_semaphore(%run_scoped3A_159 : memref<!tpu.dma_semaphore, #tpu.memory_space<semaphore_mem>>)
      %dma_wait3A_178 = arith.constant 0 : i32
      %dma_wait3A_179 = arith.constant 0 : i32
      %dma_wait3A_180 = tpu.memref_slice %arg8[%run_scoped3A_25, %dma_wait3A_178, %dma_wait3A_179] : memref<2x128x128xf32, #tpu.memory_space<vmem>> -> memref<1x128x128xf32, #tpu.memory_space<vmem>>
      %dma_wait3A_181 = tpu.memref_squeeze %dma_wait3A_180 : memref<1x128x128xf32, #tpu.memory_space<vmem>> -> memref<128x128xf32, #tpu.memory_space<vmem>>
      %dma_wait3A_182 = arith.constant 0 : i32
      %dma_wait3A_183 = arith.constant 0 : i32
      %dma_wait3A_184 = tpu.memref_slice %dma_wait3A_181[%dma_wait3A_182, %dma_wait3A_183] : memref<128x128xf32, #tpu.memory_space<vmem>> -> memref<120x128xf32, #tpu.memory_space<vmem>>
      %dma_wait3A_185 = arith.constant 0 : i32
      %dma_wait3A_186 = tpu.memref_slice %arg9[%add3A_24, %dma_wait3A_185] : memref<10112x128xf32, #tpu.memory_space<vmem_shared>> -> memref<120x128xf32, #tpu.memory_space<vmem_shared>>
      %dma_wait3A_187 = arith.constant 0 : i32
      %dma_wait3A_188 = tpu.memref_slice %arg9[%add3A_24, %dma_wait3A_187] : memref<10112x128xf32, #tpu.memory_space<vmem_shared>> -> memref<120x128xf32, #tpu.memory_space<vmem_shared>>
      %dma_wait3A_189 = arith.constant 0 : i32
      %dma_wait3A_190 = arith.constant 0 : i32
      %dma_wait3A_191 = tpu.memref_slice %arg8[%run_scoped3A_25, %dma_wait3A_189, %dma_wait3A_190] : memref<2x128x128xf32, #tpu.memory_space<vmem>> -> memref<1x128x128xf32, #tpu.memory_space<vmem>>
      %dma_wait3A_192 = tpu.memref_squeeze %dma_wait3A_191 : memref<1x128x128xf32, #tpu.memory_space<vmem>> -> memref<128x128xf32, #tpu.memory_space<vmem>>
      %dma_wait3A_193 = arith.constant 0 : i32
      %dma_wait3A_194 = arith.constant 0 : i32
      %dma_wait3A_195 = tpu.memref_slice %dma_wait3A_192[%dma_wait3A_193, %dma_wait3A_194] : memref<128x128xf32, #tpu.memory_space<vmem>> -> memref<120x128xf32, #tpu.memory_space<vmem>>
      tpu.wait_dma2 semaphore(%run_scoped3A_159 : memref<!tpu.dma_semaphore, #tpu.memory_space<semaphore_mem>>) src(%dma_wait3A_195 : memref<120x128xf32, #tpu.memory_space<vmem>>) dst(%dma_wait3A_188 : memref<120x128xf32, #tpu.memory_space<vmem_shared>>)
      tpu.yield
    }) : () -> ()
    %barrier3A = arith.constant 0 : index
    tpu.barrier barrier_id(%barrier3A)
    %add3A_26 = arith.constant 0 : i32
    %add3A_27 = arith.addi %mul3A_2, %add3A_26 : i32
    %mul3A_28 = arith.constant 128 : i32
    %mul3A_29 = arith.muli %add3A_27, %mul3A_28 : i32
    %dma_start3A = arith.constant 0 : i32
    %dma_start3A_30 = arith.constant 0 : i32
    %dma_start3A_31 = tpu.memref_slice %arg6[%dma_start3A, %dma_start3A_30] : memref<4x128xi32, #tpu.memory_space<vmem>> -> memref<1x128xi32, #tpu.memory_space<vmem>>
    %dma_start3A_32 = tpu.memref_squeeze %dma_start3A_31 : memref<1x128xi32, #tpu.memory_space<vmem>> -> memref<128xi32, #tpu.memory_space<vmem>>
    %dma_start3A_33 = tpu.memref_slice %arg3[%mul3A_29] : memref<327680xi32, #tpu.memory_space<hbm>> -> memref<128xi32, #tpu.memory_space<hbm>>
    %dma_start3A_34 = arith.constant 0 : i32
    %dma_start3A_35 = tpu.memref_slice %arg6[%dma_start3A, %dma_start3A_34] : memref<4x128xi32, #tpu.memory_space<vmem>> -> memref<1x128xi32, #tpu.memory_space<vmem>>
    %dma_start3A_36 = tpu.memref_squeeze %dma_start3A_35 : memref<1x128xi32, #tpu.memory_space<vmem>> -> memref<128xi32, #tpu.memory_space<vmem>>
    %dma_start3A_37 = tpu.memref_slice %arg3[%mul3A_29] : memref<327680xi32, #tpu.memory_space<hbm>> -> memref<128xi32, #tpu.memory_space<hbm>>
    tpu.enqueue_dma source(%dma_start3A_37 : memref<128xi32, #tpu.memory_space<hbm>>) target(%dma_start3A_36 : memref<128xi32, #tpu.memory_space<vmem>>) target_semaphore(%arg12 : memref<!tpu.dma_semaphore, #tpu.memory_space<semaphore_mem>>)
    %add3A_38 = arith.constant 1 : i32
    %add3A_39 = arith.addi %mul3A_2, %add3A_38 : i32
    %mul3A_40 = arith.constant 128 : i32
    %mul3A_41 = arith.muli %add3A_39, %mul3A_40 : i32
    %dma_start3A_42 = arith.constant 1 : i32
    %dma_start3A_43 = arith.constant 0 : i32
    %dma_start3A_44 = tpu.memref_slice %arg6[%dma_start3A_42, %dma_start3A_43] : memref<4x128xi32, #tpu.memory_space<vmem>> -> memref<1x128xi32, #tpu.memory_space<vmem>>
    %dma_start3A_45 = tpu.memref_squeeze %dma_start3A_44 : memref<1x128xi32, #tpu.memory_space<vmem>> -> memref<128xi32, #tpu.memory_space<vmem>>
    %dma_start3A_46 = tpu.memref_slice %arg3[%mul3A_41] : memref<327680xi32, #tpu.memory_space<hbm>> -> memref<128xi32, #tpu.memory_space<hbm>>
    %dma_start3A_47 = arith.constant 0 : i32
    %dma_start3A_48 = tpu.memref_slice %arg6[%dma_start3A_42, %dma_start3A_47] : memref<4x128xi32, #tpu.memory_space<vmem>> -> memref<1x128xi32, #tpu.memory_space<vmem>>
    %dma_start3A_49 = tpu.memref_squeeze %dma_start3A_48 : memref<1x128xi32, #tpu.memory_space<vmem>> -> memref<128xi32, #tpu.memory_space<vmem>>
    %dma_start3A_50 = tpu.memref_slice %arg3[%mul3A_41] : memref<327680xi32, #tpu.memory_space<hbm>> -> memref<128xi32, #tpu.memory_space<hbm>>
    tpu.enqueue_dma source(%dma_start3A_50 : memref<128xi32, #tpu.memory_space<hbm>>) target(%dma_start3A_49 : memref<128xi32, #tpu.memory_space<vmem>>) target_semaphore(%arg13 : memref<!tpu.dma_semaphore, #tpu.memory_space<semaphore_mem>>)
    %add3A_51 = arith.constant 2 : i32
    %add3A_52 = arith.addi %mul3A_2, %add3A_51 : i32
    %mul3A_53 = arith.constant 128 : i32
    %mul3A_54 = arith.muli %add3A_52, %mul3A_53 : i32
    %dma_start3A_55 = arith.constant 2 : i32
    %dma_start3A_56 = arith.constant 0 : i32
    %dma_start3A_57 = tpu.memref_slice %arg6[%dma_start3A_55, %dma_start3A_56] : memref<4x128xi32, #tpu.memory_space<vmem>> -> memref<1x128xi32, #tpu.memory_space<vmem>>
    %dma_start3A_58 = tpu.memref_squeeze %dma_start3A_57 : memref<1x128xi32, #tpu.memory_space<vmem>> -> memref<128xi32, #tpu.memory_space<vmem>>
    %dma_start3A_59 = tpu.memref_slice %arg3[%mul3A_54] : memref<327680xi32, #tpu.memory_space<hbm>> -> memref<128xi32, #tpu.memory_space<hbm>>
    %dma_start3A_60 = arith.constant 0 : i32
    %dma_start3A_61 = tpu.memref_slice %arg6[%dma_start3A_55, %dma_start3A_60] : memref<4x128xi32, #tpu.memory_space<vmem>> -> memref<1x128xi32, #tpu.memory_space<vmem>>
    %dma_start3A_62 = tpu.memref_squeeze %dma_start3A_61 : memref<1x128xi32, #tpu.memory_space<vmem>> -> memref<128xi32, #tpu.memory_space<vmem>>
    %dma_start3A_63 = tpu.memref_slice %arg3[%mul3A_54] : memref<327680xi32, #tpu.memory_space<hbm>> -> memref<128xi32, #tpu.memory_space<hbm>>
    tpu.enqueue_dma source(%dma_start3A_63 : memref<128xi32, #tpu.memory_space<hbm>>) target(%dma_start3A_62 : memref<128xi32, #tpu.memory_space<vmem>>) target_semaphore(%arg14 : memref<!tpu.dma_semaphore, #tpu.memory_space<semaphore_mem>>)
    %add3A_64 = arith.constant 3 : i32
    %add3A_65 = arith.addi %mul3A_2, %add3A_64 : i32
    %mul3A_66 = arith.constant 128 : i32
    %mul3A_67 = arith.muli %add3A_65, %mul3A_66 : i32
    %dma_start3A_68 = arith.constant 3 : i32
    %dma_start3A_69 = arith.constant 0 : i32
    %dma_start3A_70 = tpu.memref_slice %arg6[%dma_start3A_68, %dma_start3A_69] : memref<4x128xi32, #tpu.memory_space<vmem>> -> memref<1x128xi32, #tpu.memory_space<vmem>>
    %dma_start3A_71 = tpu.memref_squeeze %dma_start3A_70 : memref<1x128xi32, #tpu.memory_space<vmem>> -> memref<128xi32, #tpu.memory_space<vmem>>
    %dma_start3A_72 = tpu.memref_slice %arg3[%mul3A_67] : memref<327680xi32, #tpu.memory_space<hbm>> -> memref<128xi32, #tpu.memory_space<hbm>>
    %dma_start3A_73 = arith.constant 0 : i32
    %dma_start3A_74 = tpu.memref_slice %arg6[%dma_start3A_68, %dma_start3A_73] : memref<4x128xi32, #tpu.memory_space<vmem>> -> memref<1x128xi32, #tpu.memory_space<vmem>>
    %dma_start3A_75 = tpu.memref_squeeze %dma_start3A_74 : memref<1x128xi32, #tpu.memory_space<vmem>> -> memref<128xi32, #tpu.memory_space<vmem>>
    %dma_start3A_76 = tpu.memref_slice %arg3[%mul3A_67] : memref<327680xi32, #tpu.memory_space<hbm>> -> memref<128xi32, #tpu.memory_space<hbm>>
    tpu.enqueue_dma source(%dma_start3A_76 : memref<128xi32, #tpu.memory_space<hbm>>) target(%dma_start3A_75 : memref<128xi32, #tpu.memory_space<vmem>>) target_semaphore(%arg15 : memref<!tpu.dma_semaphore, #tpu.memory_space<semaphore_mem>>)
    %add3A_77 = arith.constant 0 : i32
    %add3A_78 = arith.addi %mul3A_2, %add3A_77 : i32
    %mul3A_79 = arith.constant 128 : i32
    %mul3A_80 = arith.muli %add3A_78, %mul3A_79 : i32
    %dma_start3A_81 = arith.constant 0 : i32
    %dma_start3A_82 = arith.constant 0 : i32
    %dma_start3A_83 = tpu.memref_slice %arg7[%dma_start3A_81, %dma_start3A_82] : memref<2x128xi32, #tpu.memory_space<vmem>> -> memref<1x128xi32, #tpu.memory_space<vmem>>
    %dma_start3A_84 = tpu.memref_squeeze %dma_start3A_83 : memref<1x128xi32, #tpu.memory_space<vmem>> -> memref<128xi32, #tpu.memory_space<vmem>>
    %dma_start3A_85 = tpu.memref_slice %arg4[%mul3A_80] : memref<327680xi32, #tpu.memory_space<hbm>> -> memref<128xi32, #tpu.memory_space<hbm>>
    %dma_start3A_86 = arith.constant 0 : i32
    %dma_start3A_87 = tpu.memref_slice %arg7[%dma_start3A_81, %dma_start3A_86] : memref<2x128xi32, #tpu.memory_space<vmem>> -> memref<1x128xi32, #tpu.memory_space<vmem>>
    %dma_start3A_88 = tpu.memref_squeeze %dma_start3A_87 : memref<1x128xi32, #tpu.memory_space<vmem>> -> memref<128xi32, #tpu.memory_space<vmem>>
    %dma_start3A_89 = tpu.memref_slice %arg4[%mul3A_80] : memref<327680xi32, #tpu.memory_space<hbm>> -> memref<128xi32, #tpu.memory_space<hbm>>
    tpu.enqueue_dma source(%dma_start3A_89 : memref<128xi32, #tpu.memory_space<hbm>>) target(%dma_start3A_88 : memref<128xi32, #tpu.memory_space<vmem>>) target_semaphore(%arg16 : memref<!tpu.dma_semaphore, #tpu.memory_space<semaphore_mem>>)
    %add3A_90 = arith.constant 1 : i32
    %add3A_91 = arith.addi %mul3A_2, %add3A_90 : i32
    %mul3A_92 = arith.constant 128 : i32
    %mul3A_93 = arith.muli %add3A_91, %mul3A_92 : i32
    %dma_start3A_94 = arith.constant 1 : i32
    %dma_start3A_95 = arith.constant 0 : i32
    %dma_start3A_96 = tpu.memref_slice %arg7[%dma_start3A_94, %dma_start3A_95] : memref<2x128xi32, #tpu.memory_space<vmem>> -> memref<1x128xi32, #tpu.memory_space<vmem>>
    %dma_start3A_97 = tpu.memref_squeeze %dma_start3A_96 : memref<1x128xi32, #tpu.memory_space<vmem>> -> memref<128xi32, #tpu.memory_space<vmem>>
    %dma_start3A_98 = tpu.memref_slice %arg4[%mul3A_93] : memref<327680xi32, #tpu.memory_space<hbm>> -> memref<128xi32, #tpu.memory_space<hbm>>
    %dma_start3A_99 = arith.constant 0 : i32
    %dma_start3A_100 = tpu.memref_slice %arg7[%dma_start3A_94, %dma_start3A_99] : memref<2x128xi32, #tpu.memory_space<vmem>> -> memref<1x128xi32, #tpu.memory_space<vmem>>
    %dma_start3A_101 = tpu.memref_squeeze %dma_start3A_100 : memref<1x128xi32, #tpu.memory_space<vmem>> -> memref<128xi32, #tpu.memory_space<vmem>>
    %dma_start3A_102 = tpu.memref_slice %arg4[%mul3A_93] : memref<327680xi32, #tpu.memory_space<hbm>> -> memref<128xi32, #tpu.memory_space<hbm>>
    tpu.enqueue_dma source(%dma_start3A_102 : memref<128xi32, #tpu.memory_space<hbm>>) target(%dma_start3A_101 : memref<128xi32, #tpu.memory_space<vmem>>) target_semaphore(%arg17 : memref<!tpu.dma_semaphore, #tpu.memory_space<semaphore_mem>>)
    %add3A_103 = arith.constant 0 : i32
    %add3A_104 = arith.addi %mul3A_2, %add3A_103 : i32
    %mul3A_105 = arith.constant 128 : i32
    %mul3A_106 = arith.muli %add3A_104, %mul3A_105 : i32
    %dma_wait3A = arith.constant 0 : i32
    %dma_wait3A_107 = arith.constant 0 : i32
    %dma_wait3A_108 = tpu.memref_slice %arg6[%dma_wait3A, %dma_wait3A_107] : memref<4x128xi32, #tpu.memory_space<vmem>> -> memref<1x128xi32, #tpu.memory_space<vmem>>
    %dma_wait3A_109 = tpu.memref_squeeze %dma_wait3A_108 : memref<1x128xi32, #tpu.memory_space<vmem>> -> memref<128xi32, #tpu.memory_space<vmem>>
    %dma_wait3A_110 = tpu.memref_slice %arg3[%mul3A_106] : memref<327680xi32, #tpu.memory_space<hbm>> -> memref<128xi32, #tpu.memory_space<hbm>>
    %dma_wait3A_111 = arith.constant 0 : i32
    %dma_wait3A_112 = tpu.memref_slice %arg6[%dma_wait3A, %dma_wait3A_111] : memref<4x128xi32, #tpu.memory_space<vmem>> -> memref<1x128xi32, #tpu.memory_space<vmem>>
    %dma_wait3A_113 = tpu.memref_squeeze %dma_wait3A_112 : memref<1x128xi32, #tpu.memory_space<vmem>> -> memref<128xi32, #tpu.memory_space<vmem>>
    %dma_wait3A_114 = tpu.memref_slice %arg3[%mul3A_106] : memref<327680xi32, #tpu.memory_space<hbm>> -> memref<128xi32, #tpu.memory_space<hbm>>
    tpu.wait_dma2 semaphore(%arg12 : memref<!tpu.dma_semaphore, #tpu.memory_space<semaphore_mem>>) src(%dma_wait3A_114 : memref<128xi32, #tpu.memory_space<hbm>>) dst(%dma_wait3A_113 : memref<128xi32, #tpu.memory_space<vmem>>)
    %dma_start3A_115 = arith.constant 0 : i32
    %dma_start3A_116 = arith.constant 0 : i32
    %dma_start3A_117 = arith.constant 0 : i32
    %dma_start3A_118 = arith.constant 0 : i32
    %dma_start3A_119 = tpu.memref_slice %arg8[%dma_start3A_116, %dma_start3A_117, %dma_start3A_118] : memref<2x128x128xf32, #tpu.memory_space<vmem>> -> memref<1x128x128xf32, #tpu.memory_space<vmem>>
    %dma_start3A_120 = tpu.memref_squeeze %dma_start3A_119 : memref<1x128x128xf32, #tpu.memory_space<vmem>> -> memref<128x128xf32, #tpu.memory_space<vmem>>
    %dma_start3A_121 = arith.constant 0 : i32
    %dma_start3A_122 = tpu.memref_slice %arg6[%dma_start3A_115, %dma_start3A_121] : memref<4x128xi32, #tpu.memory_space<vmem>> -> memref<1x128xi32, #tpu.memory_space<vmem>>
    %dma_start3A_123 = tpu.memref_squeeze %dma_start3A_122 : memref<1x128xi32, #tpu.memory_space<vmem>> -> memref<128xi32, #tpu.memory_space<vmem>>
    %dma_start3A_124 = arith.constant 0 : i32
    %dma_start3A_125 = arith.constant 0 : i32
    %dma_start3A_126 = tpu.memref_slice %arg2[%dma_start3A_124, %dma_start3A_125] : memref<10112x128xf32, #tpu.memory_space<hbm>> -> memref<10112x128xf32, #tpu.memory_space<hbm>>
    tpu.enqueue_indirect_dma source(%dma_start3A_126 : memref<10112x128xf32, #tpu.memory_space<hbm>>) target(%dma_start3A_120 : memref<128x128xf32, #tpu.memory_space<vmem>>) offsets(%dma_start3A_123 : memref<128xi32, #tpu.memory_space<vmem>>) semaphore(%arg10 : memref<!tpu.dma_semaphore, #tpu.memory_space<semaphore_mem>>)
    %add3A_127 = arith.constant 1 : i32
    %add3A_128 = arith.addi %mul3A_2, %add3A_127 : i32
    %mul3A_129 = arith.constant 128 : i32
    %mul3A_130 = arith.muli %add3A_128, %mul3A_129 : i32
    %dma_wait3A_131 = arith.constant 1 : i32
    %dma_wait3A_132 = arith.constant 0 : i32
    %dma_wait3A_133 = tpu.memref_slice %arg6[%dma_wait3A_131, %dma_wait3A_132] : memref<4x128xi32, #tpu.memory_space<vmem>> -> memref<1x128xi32, #tpu.memory_space<vmem>>
    %dma_wait3A_134 = tpu.memref_squeeze %dma_wait3A_133 : memref<1x128xi32, #tpu.memory_space<vmem>> -> memref<128xi32, #tpu.memory_space<vmem>>
    %dma_wait3A_135 = tpu.memref_slice %arg3[%mul3A_130] : memref<327680xi32, #tpu.memory_space<hbm>> -> memref<128xi32, #tpu.memory_space<hbm>>
    %dma_wait3A_136 = arith.constant 0 : i32
    %dma_wait3A_137 = tpu.memref_slice %arg6[%dma_wait3A_131, %dma_wait3A_136] : memref<4x128xi32, #tpu.memory_space<vmem>> -> memref<1x128xi32, #tpu.memory_space<vmem>>
    %dma_wait3A_138 = tpu.memref_squeeze %dma_wait3A_137 : memref<1x128xi32, #tpu.memory_space<vmem>> -> memref<128xi32, #tpu.memory_space<vmem>>
    %dma_wait3A_139 = tpu.memref_slice %arg3[%mul3A_130] : memref<327680xi32, #tpu.memory_space<hbm>> -> memref<128xi32, #tpu.memory_space<hbm>>
    tpu.wait_dma2 semaphore(%arg13 : memref<!tpu.dma_semaphore, #tpu.memory_space<semaphore_mem>>) src(%dma_wait3A_139 : memref<128xi32, #tpu.memory_space<hbm>>) dst(%dma_wait3A_138 : memref<128xi32, #tpu.memory_space<vmem>>)
    %dma_start3A_140 = arith.constant 1 : i32
    %dma_start3A_141 = arith.constant 1 : i32
    %dma_start3A_142 = arith.constant 0 : i32
    %dma_start3A_143 = arith.constant 0 : i32
    %dma_start3A_144 = tpu.memref_slice %arg8[%dma_start3A_141, %dma_start3A_142, %dma_start3A_143] : memref<2x128x128xf32, #tpu.memory_space<vmem>> -> memref<1x128x128xf32, #tpu.memory_space<vmem>>
    %dma_start3A_145 = tpu.memref_squeeze %dma_start3A_144 : memref<1x128x128xf32, #tpu.memory_space<vmem>> -> memref<128x128xf32, #tpu.memory_space<vmem>>
    %dma_start3A_146 = arith.constant 0 : i32
    %dma_start3A_147 = tpu.memref_slice %arg6[%dma_start3A_140, %dma_start3A_146] : memref<4x128xi32, #tpu.memory_space<vmem>> -> memref<1x128xi32, #tpu.memory_space<vmem>>
    %dma_start3A_148 = tpu.memref_squeeze %dma_start3A_147 : memref<1x128xi32, #tpu.memory_space<vmem>> -> memref<128xi32, #tpu.memory_space<vmem>>
    %dma_start3A_149 = arith.constant 0 : i32
    %dma_start3A_150 = arith.constant 0 : i32
    %dma_start3A_151 = tpu.memref_slice %arg2[%dma_start3A_149, %dma_start3A_150] : memref<10112x128xf32, #tpu.memory_space<hbm>> -> memref<10112x128xf32, #tpu.memory_space<hbm>>
    tpu.enqueue_indirect_dma source(%dma_start3A_151 : memref<10112x128xf32, #tpu.memory_space<hbm>>) target(%dma_start3A_145 : memref<128x128xf32, #tpu.memory_space<vmem>>) offsets(%dma_start3A_148 : memref<128xi32, #tpu.memory_space<vmem>>) semaphore(%arg11 : memref<!tpu.dma_semaphore, #tpu.memory_space<semaphore_mem>>)
    %scan3A_152 = arith.constant 0 : i32
    %scan3A_153 = arith.constant 0 : i32
    %scan3A_154 = arith.constant 20 : i32
    %scan3A_155 = arith.addi %scan3A_153, %scan3A_154 : i32
    %scan3A_156 = arith.constant 1 : i32
    scf.for %scan3A_159 = %scan3A_153 to %scan3A_155 step %scan3A_156  : i32 {
      %mul3A_160 = arith.constant 4 : i32
      %mul3A_161 = arith.muli %scan3A_159, %mul3A_160 : i32
      %add3A_162 = arith.constant 0 : i32
      %add3A_163 = arith.addi %mul3A_161, %add3A_162 : i32
      %dma_wait3A_164 = arith.constant 0 : i32
      %dma_wait3A_165 = arith.constant 0 : i32
      %dma_wait3A_166 = arith.constant 0 : i32
      %dma_wait3A_167 = arith.constant 0 : i32
      %dma_wait3A_168 = tpu.memref_slice %arg8[%dma_wait3A_165, %dma_wait3A_166, %dma_wait3A_167] : memref<2x128x128xf32, #tpu.memory_space<vmem>> -> memref<1x128x128xf32, #tpu.memory_space<vmem>>
      %dma_wait3A_169 = tpu.memref_squeeze %dma_wait3A_168 : memref<1x128x128xf32, #tpu.memory_space<vmem>> -> memref<128x128xf32, #tpu.memory_space<vmem>>
      %dma_wait3A_170 = arith.constant 0 : i32
      %dma_wait3A_171 = tpu.memref_slice %arg6[%dma_wait3A_164, %dma_wait3A_170] : memref<4x128xi32, #tpu.memory_space<vmem>> -> memref<1x128xi32, #tpu.memory_space<vmem>>
      %dma_wait3A_172 = tpu.memref_squeeze %dma_wait3A_171 : memref<1x128xi32, #tpu.memory_space<vmem>> -> memref<128xi32, #tpu.memory_space<vmem>>
      %dma_wait3A_173 = arith.constant 0 : i32
      %dma_wait3A_174 = arith.constant 0 : i32
      %dma_wait3A_175 = tpu.memref_slice %arg2[%dma_wait3A_173, %dma_wait3A_174] : memref<10112x128xf32, #tpu.memory_space<hbm>> -> memref<10112x128xf32, #tpu.memory_space<hbm>>
      tpu.wait_indirect_dma semaphore(%arg10 : memref<!tpu.dma_semaphore, #tpu.memory_space<semaphore_mem>>) src(%dma_wait3A_175 : memref<10112x128xf32, #tpu.memory_space<hbm>>) dst(%dma_wait3A_169 : memref<128x128xf32, #tpu.memory_space<vmem>>)
      %add3A_176 = arith.addi %mul3A_2, %add3A_163 : i32
      %mul3A_177 = arith.constant 128 : i32
      %mul3A_178 = arith.muli %add3A_176, %mul3A_177 : i32
      %dma_wait3A_179 = arith.constant 0 : i32
      %dma_wait3A_180 = arith.constant 0 : i32
      %dma_wait3A_181 = tpu.memref_slice %arg7[%dma_wait3A_179, %dma_wait3A_180] : memref<2x128xi32, #tpu.memory_space<vmem>> -> memref<1x128xi32, #tpu.memory_space<vmem>>
      %dma_wait3A_182 = tpu.memref_squeeze %dma_wait3A_181 : memref<1x128xi32, #tpu.memory_space<vmem>> -> memref<128xi32, #tpu.memory_space<vmem>>
      %dma_wait3A_183 = tpu.memref_slice %arg4[%mul3A_178] : memref<327680xi32, #tpu.memory_space<hbm>> -> memref<128xi32, #tpu.memory_space<hbm>>
      %dma_wait3A_184 = arith.constant 0 : i32
      %dma_wait3A_185 = tpu.memref_slice %arg7[%dma_wait3A_179, %dma_wait3A_184] : memref<2x128xi32, #tpu.memory_space<vmem>> -> memref<1x128xi32, #tpu.memory_space<vmem>>
      %dma_wait3A_186 = tpu.memref_squeeze %dma_wait3A_185 : memref<1x128xi32, #tpu.memory_space<vmem>> -> memref<128xi32, #tpu.memory_space<vmem>>
      %dma_wait3A_187 = tpu.memref_slice %arg4[%mul3A_178] : memref<327680xi32, #tpu.memory_space<hbm>> -> memref<128xi32, #tpu.memory_space<hbm>>
      tpu.wait_dma2 semaphore(%arg16 : memref<!tpu.dma_semaphore, #tpu.memory_space<semaphore_mem>>) src(%dma_wait3A_187 : memref<128xi32, #tpu.memory_space<hbm>>) dst(%dma_wait3A_186 : memref<128xi32, #tpu.memory_space<vmem>>)
      %run_scoped3A_188 = arith.constant 0 : i32
      %run_scoped3A_189 = arith.constant 0 : i32
      "tpu.region"() ({
        %run_scoped3A_361 = tpu.sem_alloc : memref<!tpu.dma_semaphore, #tpu.memory_space<semaphore_mem>>
        %dma_start3A_362 = arith.constant 0 : i32
        %dma_start3A_363 = arith.constant 0 : i32
        %dma_start3A_364 = tpu.memref_slice %arg8[%run_scoped3A_188, %dma_start3A_362, %dma_start3A_363] : memref<2x128x128xf32, #tpu.memory_space<vmem>> -> memref<1x128x128xf32, #tpu.memory_space<vmem>>
        %dma_start3A_365 = tpu.memref_squeeze %dma_start3A_364 : memref<1x128x128xf32, #tpu.memory_space<vmem>> -> memref<128x128xf32, #tpu.memory_space<vmem>>
        %dma_start3A_366 = arith.constant 0 : i32
        %dma_start3A_367 = tpu.memref_slice %arg7[%run_scoped3A_189, %dma_start3A_366] : memref<2x128xi32, #tpu.memory_space<vmem>> -> memref<1x128xi32, #tpu.memory_space<vmem>>
        %dma_start3A_368 = tpu.memref_squeeze %dma_start3A_367 : memref<1x128xi32, #tpu.memory_space<vmem>> -> memref<128xi32, #tpu.memory_space<vmem>>
        %dma_start3A_369 = arith.constant 0 : i32
        %dma_start3A_370 = arith.constant 0 : i32
        %dma_start3A_371 = tpu.memref_slice %arg9[%dma_start3A_369, %dma_start3A_370] : memref<10112x128xf32, #tpu.memory_space<vmem_shared>> -> memref<10112x128xf32, #tpu.memory_space<vmem_shared>>
        tpu.enqueue_indirect_dma source(%dma_start3A_365 : memref<128x128xf32, #tpu.memory_space<vmem>>) target(%dma_start3A_371 : memref<10112x128xf32, #tpu.memory_space<vmem_shared>>) offsets(%dma_start3A_368 : memref<128xi32, #tpu.memory_space<vmem>>) semaphore(%run_scoped3A_361 : memref<!tpu.dma_semaphore, #tpu.memory_space<semaphore_mem>>) {add = true}
        %dma_wait3A_372 = arith.constant 0 : i32
        %dma_wait3A_373 = arith.constant 0 : i32
        %dma_wait3A_374 = tpu.memref_slice %arg8[%run_scoped3A_188, %dma_wait3A_372, %dma_wait3A_373] : memref<2x128x128xf32, #tpu.memory_space<vmem>> -> memref<1x128x128xf32, #tpu.memory_space<vmem>>
        %dma_wait3A_375 = tpu.memref_squeeze %dma_wait3A_374 : memref<1x128x128xf32, #tpu.memory_space<vmem>> -> memref<128x128xf32, #tpu.memory_space<vmem>>
        %dma_wait3A_376 = arith.constant 0 : i32
        %dma_wait3A_377 = tpu.memref_slice %arg7[%run_scoped3A_189, %dma_wait3A_376] : memref<2x128xi32, #tpu.memory_space<vmem>> -> memref<1x128xi32, #tpu.memory_space<vmem>>
        %dma_wait3A_378 = tpu.memref_squeeze %dma_wait3A_377 : memref<1x128xi32, #tpu.memory_space<vmem>> -> memref<128xi32, #tpu.memory_space<vmem>>
        %dma_wait3A_379 = arith.constant 0 : i32
        %dma_wait3A_380 = arith.constant 0 : i32
        %dma_wait3A_381 = tpu.memref_slice %arg9[%dma_wait3A_379, %dma_wait3A_380] : memref<10112x128xf32, #tpu.memory_space<vmem_shared>> -> memref<10112x128xf32, #tpu.memory_space<vmem_shared>>
        tpu.wait_indirect_dma semaphore(%run_scoped3A_361 : memref<!tpu.dma_semaphore, #tpu.memory_space<semaphore_mem>>) src(%dma_wait3A_375 : memref<128x128xf32, #tpu.memory_space<vmem>>) dst(%dma_wait3A_381 : memref<10112x128xf32, #tpu.memory_space<vmem_shared>>)
        tpu.yield
      }) : () -> ()
      %add3A_190 = arith.constant 2 : i32
      %add3A_191 = arith.addi %add3A_163, %add3A_190 : i32
      %lt3A = arith.constant 80 : i32
      %lt3A_192 = arith.cmpi slt, %add3A_191, %lt3A : i32
      %convert_element_type3A = arith.extui %lt3A_192 : i1 to i32
      %cond3A = arith.constant 0 : i32
      %cond3A_193 = arith.cmpi ne, %convert_element_type3A, %cond3A : i32
      scf.if %cond3A_193 {
        %add3A_361 = arith.constant 2 : i32
        %add3A_362 = arith.addi %add3A_163, %add3A_361 : i32
        %add3A_363 = arith.addi %mul3A_2, %add3A_362 : i32
        %mul3A_364 = arith.constant 128 : i32
        %mul3A_365 = arith.muli %add3A_363, %mul3A_364 : i32
        %dma_start3A_366 = arith.constant 0 : i32
        %dma_start3A_367 = arith.constant 0 : i32
        %dma_start3A_368 = tpu.memref_slice %arg7[%dma_start3A_366, %dma_start3A_367] : memref<2x128xi32, #tpu.memory_space<vmem>> -> memref<1x128xi32, #tpu.memory_space<vmem>>
        %dma_start3A_369 = tpu.memref_squeeze %dma_start3A_368 : memref<1x128xi32, #tpu.memory_space<vmem>> -> memref<128xi32, #tpu.memory_space<vmem>>
        %dma_start3A_370 = tpu.memref_slice %arg4[%mul3A_365] : memref<327680xi32, #tpu.memory_space<hbm>> -> memref<128xi32, #tpu.memory_space<hbm>>
        %dma_start3A_371 = arith.constant 0 : i32
        %dma_start3A_372 = tpu.memref_slice %arg7[%dma_start3A_366, %dma_start3A_371] : memref<2x128xi32, #tpu.memory_space<vmem>> -> memref<1x128xi32, #tpu.memory_space<vmem>>
        %dma_start3A_373 = tpu.memref_squeeze %dma_start3A_372 : memref<1x128xi32, #tpu.memory_space<vmem>> -> memref<128xi32, #tpu.memory_space<vmem>>
        %dma_start3A_374 = tpu.memref_slice %arg4[%mul3A_365] : memref<327680xi32, #tpu.memory_space<hbm>> -> memref<128xi32, #tpu.memory_space<hbm>>
        tpu.enqueue_dma source(%dma_start3A_374 : memref<128xi32, #tpu.memory_space<hbm>>) target(%dma_start3A_373 : memref<128xi32, #tpu.memory_space<vmem>>) target_semaphore(%arg16 : memref<!tpu.dma_semaphore, #tpu.memory_space<semaphore_mem>>)
      } else {
      }
      %add3A_194 = arith.constant 4 : i32
      %add3A_195 = arith.addi %add3A_163, %add3A_194 : i32
      %lt3A_196 = arith.constant 80 : i32
      %lt3A_197 = arith.cmpi slt, %add3A_195, %lt3A_196 : i32
      %convert_element_type3A_198 = arith.extui %lt3A_197 : i1 to i32
      %cond3A_199 = arith.constant 0 : i32
      %cond3A_200 = arith.cmpi ne, %convert_element_type3A_198, %cond3A_199 : i32
      scf.if %cond3A_200 {
        %add3A_361 = arith.constant 4 : i32
        %add3A_362 = arith.addi %add3A_163, %add3A_361 : i32
        %add3A_363 = arith.addi %mul3A_2, %add3A_362 : i32
        %mul3A_364 = arith.constant 128 : i32
        %mul3A_365 = arith.muli %add3A_363, %mul3A_364 : i32
        %dma_start3A_366 = arith.constant 0 : i32
        %dma_start3A_367 = arith.constant 0 : i32
        %dma_start3A_368 = tpu.memref_slice %arg6[%dma_start3A_366, %dma_start3A_367] : memref<4x128xi32, #tpu.memory_space<vmem>> -> memref<1x128xi32, #tpu.memory_space<vmem>>
        %dma_start3A_369 = tpu.memref_squeeze %dma_start3A_368 : memref<1x128xi32, #tpu.memory_space<vmem>> -> memref<128xi32, #tpu.memory_space<vmem>>
        %dma_start3A_370 = tpu.memref_slice %arg3[%mul3A_365] : memref<327680xi32, #tpu.memory_space<hbm>> -> memref<128xi32, #tpu.memory_space<hbm>>
        %dma_start3A_371 = arith.constant 0 : i32
        %dma_start3A_372 = tpu.memref_slice %arg6[%dma_start3A_366, %dma_start3A_371] : memref<4x128xi32, #tpu.memory_space<vmem>> -> memref<1x128xi32, #tpu.memory_space<vmem>>
        %dma_start3A_373 = tpu.memref_squeeze %dma_start3A_372 : memref<1x128xi32, #tpu.memory_space<vmem>> -> memref<128xi32, #tpu.memory_space<vmem>>
        %dma_start3A_374 = tpu.memref_slice %arg3[%mul3A_365] : memref<327680xi32, #tpu.memory_space<hbm>> -> memref<128xi32, #tpu.memory_space<hbm>>
        tpu.enqueue_dma source(%dma_start3A_374 : memref<128xi32, #tpu.memory_space<hbm>>) target(%dma_start3A_373 : memref<128xi32, #tpu.memory_space<vmem>>) target_semaphore(%arg12 : memref<!tpu.dma_semaphore, #tpu.memory_space<semaphore_mem>>)
      } else {
      }
      %add3A_201 = arith.constant 2 : i32
      %add3A_202 = arith.addi %add3A_163, %add3A_201 : i32
      %lt3A_203 = arith.constant 80 : i32
      %lt3A_204 = arith.cmpi slt, %add3A_202, %lt3A_203 : i32
      %convert_element_type3A_205 = arith.extui %lt3A_204 : i1 to i32
      %cond3A_206 = arith.constant 0 : i32
      %cond3A_207 = arith.cmpi ne, %convert_element_type3A_205, %cond3A_206 : i32
      scf.if %cond3A_207 {
        %add3A_361 = arith.constant 2 : i32
        %add3A_362 = arith.addi %add3A_163, %add3A_361 : i32
        %add3A_363 = arith.addi %mul3A_2, %add3A_362 : i32
        %mul3A_364 = arith.constant 128 : i32
        %mul3A_365 = arith.muli %add3A_363, %mul3A_364 : i32
        %dma_wait3A_366 = arith.constant 2 : i32
        %dma_wait3A_367 = arith.constant 0 : i32
        %dma_wait3A_368 = tpu.memref_slice %arg6[%dma_wait3A_366, %dma_wait3A_367] : memref<4x128xi32, #tpu.memory_space<vmem>> -> memref<1x128xi32, #tpu.memory_space<vmem>>
        %dma_wait3A_369 = tpu.memref_squeeze %dma_wait3A_368 : memref<1x128xi32, #tpu.memory_space<vmem>> -> memref<128xi32, #tpu.memory_space<vmem>>
        %dma_wait3A_370 = tpu.memref_slice %arg3[%mul3A_365] : memref<327680xi32, #tpu.memory_space<hbm>> -> memref<128xi32, #tpu.memory_space<hbm>>
        %dma_wait3A_371 = arith.constant 0 : i32
        %dma_wait3A_372 = tpu.memref_slice %arg6[%dma_wait3A_366, %dma_wait3A_371] : memref<4x128xi32, #tpu.memory_space<vmem>> -> memref<1x128xi32, #tpu.memory_space<vmem>>
        %dma_wait3A_373 = tpu.memref_squeeze %dma_wait3A_372 : memref<1x128xi32, #tpu.memory_space<vmem>> -> memref<128xi32, #tpu.memory_space<vmem>>
        %dma_wait3A_374 = tpu.memref_slice %arg3[%mul3A_365] : memref<327680xi32, #tpu.memory_space<hbm>> -> memref<128xi32, #tpu.memory_space<hbm>>
        tpu.wait_dma2 semaphore(%arg14 : memref<!tpu.dma_semaphore, #tpu.memory_space<semaphore_mem>>) src(%dma_wait3A_374 : memref<128xi32, #tpu.memory_space<hbm>>) dst(%dma_wait3A_373 : memref<128xi32, #tpu.memory_space<vmem>>)
        %dma_start3A_375 = arith.constant 2 : i32
        %dma_start3A_376 = arith.constant 0 : i32
        %dma_start3A_377 = arith.constant 0 : i32
        %dma_start3A_378 = arith.constant 0 : i32
        %dma_start3A_379 = tpu.memref_slice %arg8[%dma_start3A_376, %dma_start3A_377, %dma_start3A_378] : memref<2x128x128xf32, #tpu.memory_space<vmem>> -> memref<1x128x128xf32, #tpu.memory_space<vmem>>
        %dma_start3A_380 = tpu.memref_squeeze %dma_start3A_379 : memref<1x128x128xf32, #tpu.memory_space<vmem>> -> memref<128x128xf32, #tpu.memory_space<vmem>>
        %dma_start3A_381 = arith.constant 0 : i32
        %dma_start3A_382 = tpu.memref_slice %arg6[%dma_start3A_375, %dma_start3A_381] : memref<4x128xi32, #tpu.memory_space<vmem>> -> memref<1x128xi32, #tpu.memory_space<vmem>>
        %dma_start3A_383 = tpu.memref_squeeze %dma_start3A_382 : memref<1x128xi32, #tpu.memory_space<vmem>> -> memref<128xi32, #tpu.memory_space<vmem>>
        %dma_start3A_384 = arith.constant 0 : i32
        %dma_start3A_385 = arith.constant 0 : i32
        %dma_start3A_386 = tpu.memref_slice %arg2[%dma_start3A_384, %dma_start3A_385] : memref<10112x128xf32, #tpu.memory_space<hbm>> -> memref<10112x128xf32, #tpu.memory_space<hbm>>
        tpu.enqueue_indirect_dma source(%dma_start3A_386 : memref<10112x128xf32, #tpu.memory_space<hbm>>) target(%dma_start3A_380 : memref<128x128xf32, #tpu.memory_space<vmem>>) offsets(%dma_start3A_383 : memref<128xi32, #tpu.memory_space<vmem>>) semaphore(%arg10 : memref<!tpu.dma_semaphore, #tpu.memory_space<semaphore_mem>>)
      } else {
      }
      %mul3A_208 = arith.constant 4 : i32
      %mul3A_209 = arith.muli %scan3A_159, %mul3A_208 : i32
      %add3A_210 = arith.constant 1 : i32
      %add3A_211 = arith.addi %mul3A_209, %add3A_210 : i32
      %dma_wait3A_212 = arith.constant 1 : i32
      %dma_wait3A_213 = arith.constant 1 : i32
      %dma_wait3A_214 = arith.constant 0 : i32
      %dma_wait3A_215 = arith.constant 0 : i32
      %dma_wait3A_216 = tpu.memref_slice %arg8[%dma_wait3A_213, %dma_wait3A_214, %dma_wait3A_215] : memref<2x128x128xf32, #tpu.memory_space<vmem>> -> memref<1x128x128xf32, #tpu.memory_space<vmem>>
      %dma_wait3A_217 = tpu.memref_squeeze %dma_wait3A_216 : memref<1x128x128xf32, #tpu.memory_space<vmem>> -> memref<128x128xf32, #tpu.memory_space<vmem>>
      %dma_wait3A_218 = arith.constant 0 : i32
      %dma_wait3A_219 = tpu.memref_slice %arg6[%dma_wait3A_212, %dma_wait3A_218] : memref<4x128xi32, #tpu.memory_space<vmem>> -> memref<1x128xi32, #tpu.memory_space<vmem>>
      %dma_wait3A_220 = tpu.memref_squeeze %dma_wait3A_219 : memref<1x128xi32, #tpu.memory_space<vmem>> -> memref<128xi32, #tpu.memory_space<vmem>>
      %dma_wait3A_221 = arith.constant 0 : i32
      %dma_wait3A_222 = arith.constant 0 : i32
      %dma_wait3A_223 = tpu.memref_slice %arg2[%dma_wait3A_221, %dma_wait3A_222] : memref<10112x128xf32, #tpu.memory_space<hbm>> -> memref<10112x128xf32, #tpu.memory_space<hbm>>
      tpu.wait_indirect_dma semaphore(%arg11 : memref<!tpu.dma_semaphore, #tpu.memory_space<semaphore_mem>>) src(%dma_wait3A_223 : memref<10112x128xf32, #tpu.memory_space<hbm>>) dst(%dma_wait3A_217 : memref<128x128xf32, #tpu.memory_space<vmem>>)
      %add3A_224 = arith.addi %mul3A_2, %add3A_211 : i32
      %mul3A_225 = arith.constant 128 : i32
      %mul3A_226 = arith.muli %add3A_224, %mul3A_225 : i32
      %dma_wait3A_227 = arith.constant 1 : i32
      %dma_wait3A_228 = arith.constant 0 : i32
      %dma_wait3A_229 = tpu.memref_slice %arg7[%dma_wait3A_227, %dma_wait3A_228] : memref<2x128xi32, #tpu.memory_space<vmem>> -> memref<1x128xi32, #tpu.memory_space<vmem>>
      %dma_wait3A_230 = tpu.memref_squeeze %dma_wait3A_229 : memref<1x128xi32, #tpu.memory_space<vmem>> -> memref<128xi32, #tpu.memory_space<vmem>>
      %dma_wait3A_231 = tpu.memref_slice %arg4[%mul3A_226] : memref<327680xi32, #tpu.memory_space<hbm>> -> memref<128xi32, #tpu.memory_space<hbm>>
      %dma_wait3A_232 = arith.constant 0 : i32
      %dma_wait3A_233 = tpu.memref_slice %arg7[%dma_wait3A_227, %dma_wait3A_232] : memref<2x128xi32, #tpu.memory_space<vmem>> -> memref<1x128xi32, #tpu.memory_space<vmem>>
      %dma_wait3A_234 = tpu.memref_squeeze %dma_wait3A_233 : memref<1x128xi32, #tpu.memory_space<vmem>> -> memref<128xi32, #tpu.memory_space<vmem>>
      %dma_wait3A_235 = tpu.memref_slice %arg4[%mul3A_226] : memref<327680xi32, #tpu.memory_space<hbm>> -> memref<128xi32, #tpu.memory_space<hbm>>
      tpu.wait_dma2 semaphore(%arg17 : memref<!tpu.dma_semaphore, #tpu.memory_space<semaphore_mem>>) src(%dma_wait3A_235 : memref<128xi32, #tpu.memory_space<hbm>>) dst(%dma_wait3A_234 : memref<128xi32, #tpu.memory_space<vmem>>)
      %run_scoped3A_236 = arith.constant 1 : i32
      %run_scoped3A_237 = arith.constant 1 : i32
      "tpu.region"() ({
        %run_scoped3A_361 = tpu.sem_alloc : memref<!tpu.dma_semaphore, #tpu.memory_space<semaphore_mem>>
        %dma_start3A_362 = arith.constant 0 : i32
        %dma_start3A_363 = arith.constant 0 : i32
        %dma_start3A_364 = tpu.memref_slice %arg8[%run_scoped3A_236, %dma_start3A_362, %dma_start3A_363] : memref<2x128x128xf32, #tpu.memory_space<vmem>> -> memref<1x128x128xf32, #tpu.memory_space<vmem>>
        %dma_start3A_365 = tpu.memref_squeeze %dma_start3A_364 : memref<1x128x128xf32, #tpu.memory_space<vmem>> -> memref<128x128xf32, #tpu.memory_space<vmem>>
        %dma_start3A_366 = arith.constant 0 : i32
        %dma_start3A_367 = tpu.memref_slice %arg7[%run_scoped3A_237, %dma_start3A_366] : memref<2x128xi32, #tpu.memory_space<vmem>> -> memref<1x128xi32, #tpu.memory_space<vmem>>
        %dma_start3A_368 = tpu.memref_squeeze %dma_start3A_367 : memref<1x128xi32, #tpu.memory_space<vmem>> -> memref<128xi32, #tpu.memory_space<vmem>>
        %dma_start3A_369 = arith.constant 0 : i32
        %dma_start3A_370 = arith.constant 0 : i32
        %dma_start3A_371 = tpu.memref_slice %arg9[%dma_start3A_369, %dma_start3A_370] : memref<10112x128xf32, #tpu.memory_space<vmem_shared>> -> memref<10112x128xf32, #tpu.memory_space<vmem_shared>>
        tpu.enqueue_indirect_dma source(%dma_start3A_365 : memref<128x128xf32, #tpu.memory_space<vmem>>) target(%dma_start3A_371 : memref<10112x128xf32, #tpu.memory_space<vmem_shared>>) offsets(%dma_start3A_368 : memref<128xi32, #tpu.memory_space<vmem>>) semaphore(%run_scoped3A_361 : memref<!tpu.dma_semaphore, #tpu.memory_space<semaphore_mem>>) {add = true}
        %dma_wait3A_372 = arith.constant 0 : i32
        %dma_wait3A_373 = arith.constant 0 : i32
        %dma_wait3A_374 = tpu.memref_slice %arg8[%run_scoped3A_236, %dma_wait3A_372, %dma_wait3A_373] : memref<2x128x128xf32, #tpu.memory_space<vmem>> -> memref<1x128x128xf32, #tpu.memory_space<vmem>>
        %dma_wait3A_375 = tpu.memref_squeeze %dma_wait3A_374 : memref<1x128x128xf32, #tpu.memory_space<vmem>> -> memref<128x128xf32, #tpu.memory_space<vmem>>
        %dma_wait3A_376 = arith.constant 0 : i32
        %dma_wait3A_377 = tpu.memref_slice %arg7[%run_scoped3A_237, %dma_wait3A_376] : memref<2x128xi32, #tpu.memory_space<vmem>> -> memref<1x128xi32, #tpu.memory_space<vmem>>
        %dma_wait3A_378 = tpu.memref_squeeze %dma_wait3A_377 : memref<1x128xi32, #tpu.memory_space<vmem>> -> memref<128xi32, #tpu.memory_space<vmem>>
        %dma_wait3A_379 = arith.constant 0 : i32
        %dma_wait3A_380 = arith.constant 0 : i32
        %dma_wait3A_381 = tpu.memref_slice %arg9[%dma_wait3A_379, %dma_wait3A_380] : memref<10112x128xf32, #tpu.memory_space<vmem_shared>> -> memref<10112x128xf32, #tpu.memory_space<vmem_shared>>
        tpu.wait_indirect_dma semaphore(%run_scoped3A_361 : memref<!tpu.dma_semaphore, #tpu.memory_space<semaphore_mem>>) src(%dma_wait3A_375 : memref<128x128xf32, #tpu.memory_space<vmem>>) dst(%dma_wait3A_381 : memref<10112x128xf32, #tpu.memory_space<vmem_shared>>)
        tpu.yield
      }) : () -> ()
      %add3A_238 = arith.constant 2 : i32
      %add3A_239 = arith.addi %add3A_211, %add3A_238 : i32
      %lt3A_240 = arith.constant 80 : i32
      %lt3A_241 = arith.cmpi slt, %add3A_239, %lt3A_240 : i32
      %convert_element_type3A_242 = arith.extui %lt3A_241 : i1 to i32
      %cond3A_243 = arith.constant 0 : i32
      %cond3A_244 = arith.cmpi ne, %convert_element_type3A_242, %cond3A_243 : i32
      scf.if %cond3A_244 {
        %add3A_361 = arith.constant 2 : i32
        %add3A_362 = arith.addi %add3A_211, %add3A_361 : i32
        %add3A_363 = arith.addi %mul3A_2, %add3A_362 : i32
        %mul3A_364 = arith.constant 128 : i32
        %mul3A_365 = arith.muli %add3A_363, %mul3A_364 : i32
        %dma_start3A_366 = arith.constant 1 : i32
        %dma_start3A_367 = arith.constant 0 : i32
        %dma_start3A_368 = tpu.memref_slice %arg7[%dma_start3A_366, %dma_start3A_367] : memref<2x128xi32, #tpu.memory_space<vmem>> -> memref<1x128xi32, #tpu.memory_space<vmem>>
        %dma_start3A_369 = tpu.memref_squeeze %dma_start3A_368 : memref<1x128xi32, #tpu.memory_space<vmem>> -> memref<128xi32, #tpu.memory_space<vmem>>
        %dma_start3A_370 = tpu.memref_slice %arg4[%mul3A_365] : memref<327680xi32, #tpu.memory_space<hbm>> -> memref<128xi32, #tpu.memory_space<hbm>>
        %dma_start3A_371 = arith.constant 0 : i32
        %dma_start3A_372 = tpu.memref_slice %arg7[%dma_start3A_366, %dma_start3A_371] : memref<2x128xi32, #tpu.memory_space<vmem>> -> memref<1x128xi32, #tpu.memory_space<vmem>>
        %dma_start3A_373 = tpu.memref_squeeze %dma_start3A_372 : memref<1x128xi32, #tpu.memory_space<vmem>> -> memref<128xi32, #tpu.memory_space<vmem>>
        %dma_start3A_374 = tpu.memref_slice %arg4[%mul3A_365] : memref<327680xi32, #tpu.memory_space<hbm>> -> memref<128xi32, #tpu.memory_space<hbm>>
        tpu.enqueue_dma source(%dma_start3A_374 : memref<128xi32, #tpu.memory_space<hbm>>) target(%dma_start3A_373 : memref<128xi32, #tpu.memory_space<vmem>>) target_semaphore(%arg17 : memref<!tpu.dma_semaphore, #tpu.memory_space<semaphore_mem>>)
      } else {
      }
      %add3A_245 = arith.constant 4 : i32
      %add3A_246 = arith.addi %add3A_211, %add3A_245 : i32
      %lt3A_247 = arith.constant 80 : i32
      %lt3A_248 = arith.cmpi slt, %add3A_246, %lt3A_247 : i32
      %convert_element_type3A_249 = arith.extui %lt3A_248 : i1 to i32
      %cond3A_250 = arith.constant 0 : i32
      %cond3A_251 = arith.cmpi ne, %convert_element_type3A_249, %cond3A_250 : i32
      scf.if %cond3A_251 {
        %add3A_361 = arith.constant 4 : i32
        %add3A_362 = arith.addi %add3A_211, %add3A_361 : i32
        %add3A_363 = arith.addi %mul3A_2, %add3A_362 : i32
        %mul3A_364 = arith.constant 128 : i32
        %mul3A_365 = arith.muli %add3A_363, %mul3A_364 : i32
        %dma_start3A_366 = arith.constant 1 : i32
        %dma_start3A_367 = arith.constant 0 : i32
        %dma_start3A_368 = tpu.memref_slice %arg6[%dma_start3A_366, %dma_start3A_367] : memref<4x128xi32, #tpu.memory_space<vmem>> -> memref<1x128xi32, #tpu.memory_space<vmem>>
        %dma_start3A_369 = tpu.memref_squeeze %dma_start3A_368 : memref<1x128xi32, #tpu.memory_space<vmem>> -> memref<128xi32, #tpu.memory_space<vmem>>
        %dma_start3A_370 = tpu.memref_slice %arg3[%mul3A_365] : memref<327680xi32, #tpu.memory_space<hbm>> -> memref<128xi32, #tpu.memory_space<hbm>>
        %dma_start3A_371 = arith.constant 0 : i32
        %dma_start3A_372 = tpu.memref_slice %arg6[%dma_start3A_366, %dma_start3A_371] : memref<4x128xi32, #tpu.memory_space<vmem>> -> memref<1x128xi32, #tpu.memory_space<vmem>>
        %dma_start3A_373 = tpu.memref_squeeze %dma_start3A_372 : memref<1x128xi32, #tpu.memory_space<vmem>> -> memref<128xi32, #tpu.memory_space<vmem>>
        %dma_start3A_374 = tpu.memref_slice %arg3[%mul3A_365] : memref<327680xi32, #tpu.memory_space<hbm>> -> memref<128xi32, #tpu.memory_space<hbm>>
        tpu.enqueue_dma source(%dma_start3A_374 : memref<128xi32, #tpu.memory_space<hbm>>) target(%dma_start3A_373 : memref<128xi32, #tpu.memory_space<vmem>>) target_semaphore(%arg13 : memref<!tpu.dma_semaphore, #tpu.memory_space<semaphore_mem>>)
      } else {
      }
      %add3A_252 = arith.constant 2 : i32
      %add3A_253 = arith.addi %add3A_211, %add3A_252 : i32
      %lt3A_254 = arith.constant 80 : i32
      %lt3A_255 = arith.cmpi slt, %add3A_253, %lt3A_254 : i32
      %convert_element_type3A_256 = arith.extui %lt3A_255 : i1 to i32
      %cond3A_257 = arith.constant 0 : i32
      %cond3A_258 = arith.cmpi ne, %convert_element_type3A_256, %cond3A_257 : i32
      scf.if %cond3A_258 {
        %add3A_361 = arith.constant 2 : i32
        %add3A_362 = arith.addi %add3A_211, %add3A_361 : i32
        %add3A_363 = arith.addi %mul3A_2, %add3A_362 : i32
        %mul3A_364 = arith.constant 128 : i32
        %mul3A_365 = arith.muli %add3A_363, %mul3A_364 : i32
        %dma_wait3A_366 = arith.constant 3 : i32
        %dma_wait3A_367 = arith.constant 0 : i32
        %dma_wait3A_368 = tpu.memref_slice %arg6[%dma_wait3A_366, %dma_wait3A_367] : memref<4x128xi32, #tpu.memory_space<vmem>> -> memref<1x128xi32, #tpu.memory_space<vmem>>
        %dma_wait3A_369 = tpu.memref_squeeze %dma_wait3A_368 : memref<1x128xi32, #tpu.memory_space<vmem>> -> memref<128xi32, #tpu.memory_space<vmem>>
        %dma_wait3A_370 = tpu.memref_slice %arg3[%mul3A_365] : memref<327680xi32, #tpu.memory_space<hbm>> -> memref<128xi32, #tpu.memory_space<hbm>>
        %dma_wait3A_371 = arith.constant 0 : i32
        %dma_wait3A_372 = tpu.memref_slice %arg6[%dma_wait3A_366, %dma_wait3A_371] : memref<4x128xi32, #tpu.memory_space<vmem>> -> memref<1x128xi32, #tpu.memory_space<vmem>>
        %dma_wait3A_373 = tpu.memref_squeeze %dma_wait3A_372 : memref<1x128xi32, #tpu.memory_space<vmem>> -> memref<128xi32, #tpu.memory_space<vmem>>
        %dma_wait3A_374 = tpu.memref_slice %arg3[%mul3A_365] : memref<327680xi32, #tpu.memory_space<hbm>> -> memref<128xi32, #tpu.memory_space<hbm>>
        tpu.wait_dma2 semaphore(%arg15 : memref<!tpu.dma_semaphore, #tpu.memory_space<semaphore_mem>>) src(%dma_wait3A_374 : memref<128xi32, #tpu.memory_space<hbm>>) dst(%dma_wait3A_373 : memref<128xi32, #tpu.memory_space<vmem>>)
        %dma_start3A_375 = arith.constant 3 : i32
        %dma_start3A_376 = arith.constant 1 : i32
        %dma_start3A_377 = arith.constant 0 : i32
        %dma_start3A_378 = arith.constant 0 : i32
        %dma_start3A_379 = tpu.memref_slice %arg8[%dma_start3A_376, %dma_start3A_377, %dma_start3A_378] : memref<2x128x128xf32, #tpu.memory_space<vmem>> -> memref<1x128x128xf32, #tpu.memory_space<vmem>>
        %dma_start3A_380 = tpu.memref_squeeze %dma_start3A_379 : memref<1x128x128xf32, #tpu.memory_space<vmem>> -> memref<128x128xf32, #tpu.memory_space<vmem>>
        %dma_start3A_381 = arith.constant 0 : i32
        %dma_start3A_382 = tpu.memref_slice %arg6[%dma_start3A_375, %dma_start3A_381] : memref<4x128xi32, #tpu.memory_space<vmem>> -> memref<1x128xi32, #tpu.memory_space<vmem>>
        %dma_start3A_383 = tpu.memref_squeeze %dma_start3A_382 : memref<1x128xi32, #tpu.memory_space<vmem>> -> memref<128xi32, #tpu.memory_space<vmem>>
        %dma_start3A_384 = arith.constant 0 : i32
        %dma_start3A_385 = arith.constant 0 : i32
        %dma_start3A_386 = tpu.memref_slice %arg2[%dma_start3A_384, %dma_start3A_385] : memref<10112x128xf32, #tpu.memory_space<hbm>> -> memref<10112x128xf32, #tpu.memory_space<hbm>>
        tpu.enqueue_indirect_dma source(%dma_start3A_386 : memref<10112x128xf32, #tpu.memory_space<hbm>>) target(%dma_start3A_380 : memref<128x128xf32, #tpu.memory_space<vmem>>) offsets(%dma_start3A_383 : memref<128xi32, #tpu.memory_space<vmem>>) semaphore(%arg11 : memref<!tpu.dma_semaphore, #tpu.memory_space<semaphore_mem>>)
      } else {
      }
      %mul3A_259 = arith.constant 4 : i32
      %mul3A_260 = arith.muli %scan3A_159, %mul3A_259 : i32
      %add3A_261 = arith.constant 2 : i32
      %add3A_262 = arith.addi %mul3A_260, %add3A_261 : i32
      %dma_wait3A_263 = arith.constant 2 : i32
      %dma_wait3A_264 = arith.constant 0 : i32
      %dma_wait3A_265 = arith.constant 0 : i32
      %dma_wait3A_266 = arith.constant 0 : i32
      %dma_wait3A_267 = tpu.memref_slice %arg8[%dma_wait3A_264, %dma_wait3A_265, %dma_wait3A_266] : memref<2x128x128xf32, #tpu.memory_space<vmem>> -> memref<1x128x128xf32, #tpu.memory_space<vmem>>
      %dma_wait3A_268 = tpu.memref_squeeze %dma_wait3A_267 : memref<1x128x128xf32, #tpu.memory_space<vmem>> -> memref<128x128xf32, #tpu.memory_space<vmem>>
      %dma_wait3A_269 = arith.constant 0 : i32
      %dma_wait3A_270 = tpu.memref_slice %arg6[%dma_wait3A_263, %dma_wait3A_269] : memref<4x128xi32, #tpu.memory_space<vmem>> -> memref<1x128xi32, #tpu.memory_space<vmem>>
      %dma_wait3A_271 = tpu.memref_squeeze %dma_wait3A_270 : memref<1x128xi32, #tpu.memory_space<vmem>> -> memref<128xi32, #tpu.memory_space<vmem>>
      %dma_wait3A_272 = arith.constant 0 : i32
      %dma_wait3A_273 = arith.constant 0 : i32
      %dma_wait3A_274 = tpu.memref_slice %arg2[%dma_wait3A_272, %dma_wait3A_273] : memref<10112x128xf32, #tpu.memory_space<hbm>> -> memref<10112x128xf32, #tpu.memory_space<hbm>>
      tpu.wait_indirect_dma semaphore(%arg10 : memref<!tpu.dma_semaphore, #tpu.memory_space<semaphore_mem>>) src(%dma_wait3A_274 : memref<10112x128xf32, #tpu.memory_space<hbm>>) dst(%dma_wait3A_268 : memref<128x128xf32, #tpu.memory_space<vmem>>)
      %add3A_275 = arith.addi %mul3A_2, %add3A_262 : i32
      %mul3A_276 = arith.constant 128 : i32
      %mul3A_277 = arith.muli %add3A_275, %mul3A_276 : i32
      %dma_wait3A_278 = arith.constant 0 : i32
      %dma_wait3A_279 = arith.constant 0 : i32
      %dma_wait3A_280 = tpu.memref_slice %arg7[%dma_wait3A_278, %dma_wait3A_279] : memref<2x128xi32, #tpu.memory_space<vmem>> -> memref<1x128xi32, #tpu.memory_space<vmem>>
      %dma_wait3A_281 = tpu.memref_squeeze %dma_wait3A_280 : memref<1x128xi32, #tpu.memory_space<vmem>> -> memref<128xi32, #tpu.memory_space<vmem>>
      %dma_wait3A_282 = tpu.memref_slice %arg4[%mul3A_277] : memref<327680xi32, #tpu.memory_space<hbm>> -> memref<128xi32, #tpu.memory_space<hbm>>
      %dma_wait3A_283 = arith.constant 0 : i32
      %dma_wait3A_284 = tpu.memref_slice %arg7[%dma_wait3A_278, %dma_wait3A_283] : memref<2x128xi32, #tpu.memory_space<vmem>> -> memref<1x128xi32, #tpu.memory_space<vmem>>
      %dma_wait3A_285 = tpu.memref_squeeze %dma_wait3A_284 : memref<1x128xi32, #tpu.memory_space<vmem>> -> memref<128xi32, #tpu.memory_space<vmem>>
      %dma_wait3A_286 = tpu.memref_slice %arg4[%mul3A_277] : memref<327680xi32, #tpu.memory_space<hbm>> -> memref<128xi32, #tpu.memory_space<hbm>>
      tpu.wait_dma2 semaphore(%arg16 : memref<!tpu.dma_semaphore, #tpu.memory_space<semaphore_mem>>) src(%dma_wait3A_286 : memref<128xi32, #tpu.memory_space<hbm>>) dst(%dma_wait3A_285 : memref<128xi32, #tpu.memory_space<vmem>>)
      %run_scoped3A_287 = arith.constant 0 : i32
      %run_scoped3A_288 = arith.constant 0 : i32
      "tpu.region"() ({
        %run_scoped3A_361 = tpu.sem_alloc : memref<!tpu.dma_semaphore, #tpu.memory_space<semaphore_mem>>
        %dma_start3A_362 = arith.constant 0 : i32
        %dma_start3A_363 = arith.constant 0 : i32
        %dma_start3A_364 = tpu.memref_slice %arg8[%run_scoped3A_287, %dma_start3A_362, %dma_start3A_363] : memref<2x128x128xf32, #tpu.memory_space<vmem>> -> memref<1x128x128xf32, #tpu.memory_space<vmem>>
        %dma_start3A_365 = tpu.memref_squeeze %dma_start3A_364 : memref<1x128x128xf32, #tpu.memory_space<vmem>> -> memref<128x128xf32, #tpu.memory_space<vmem>>
        %dma_start3A_366 = arith.constant 0 : i32
        %dma_start3A_367 = tpu.memref_slice %arg7[%run_scoped3A_288, %dma_start3A_366] : memref<2x128xi32, #tpu.memory_space<vmem>> -> memref<1x128xi32, #tpu.memory_space<vmem>>
        %dma_start3A_368 = tpu.memref_squeeze %dma_start3A_367 : memref<1x128xi32, #tpu.memory_space<vmem>> -> memref<128xi32, #tpu.memory_space<vmem>>
        %dma_start3A_369 = arith.constant 0 : i32
        %dma_start3A_370 = arith.constant 0 : i32
        %dma_start3A_371 = tpu.memref_slice %arg9[%dma_start3A_369, %dma_start3A_370] : memref<10112x128xf32, #tpu.memory_space<vmem_shared>> -> memref<10112x128xf32, #tpu.memory_space<vmem_shared>>
        tpu.enqueue_indirect_dma source(%dma_start3A_365 : memref<128x128xf32, #tpu.memory_space<vmem>>) target(%dma_start3A_371 : memref<10112x128xf32, #tpu.memory_space<vmem_shared>>) offsets(%dma_start3A_368 : memref<128xi32, #tpu.memory_space<vmem>>) semaphore(%run_scoped3A_361 : memref<!tpu.dma_semaphore, #tpu.memory_space<semaphore_mem>>) {add = true}
        %dma_wait3A_372 = arith.constant 0 : i32
        %dma_wait3A_373 = arith.constant 0 : i32
        %dma_wait3A_374 = tpu.memref_slice %arg8[%run_scoped3A_287, %dma_wait3A_372, %dma_wait3A_373] : memref<2x128x128xf32, #tpu.memory_space<vmem>> -> memref<1x128x128xf32, #tpu.memory_space<vmem>>
        %dma_wait3A_375 = tpu.memref_squeeze %dma_wait3A_374 : memref<1x128x128xf32, #tpu.memory_space<vmem>> -> memref<128x128xf32, #tpu.memory_space<vmem>>
        %dma_wait3A_376 = arith.constant 0 : i32
        %dma_wait3A_377 = tpu.memref_slice %arg7[%run_scoped3A_288, %dma_wait3A_376] : memref<2x128xi32, #tpu.memory_space<vmem>> -> memref<1x128xi32, #tpu.memory_space<vmem>>
        %dma_wait3A_378 = tpu.memref_squeeze %dma_wait3A_377 : memref<1x128xi32, #tpu.memory_space<vmem>> -> memref<128xi32, #tpu.memory_space<vmem>>
        %dma_wait3A_379 = arith.constant 0 : i32
        %dma_wait3A_380 = arith.constant 0 : i32
        %dma_wait3A_381 = tpu.memref_slice %arg9[%dma_wait3A_379, %dma_wait3A_380] : memref<10112x128xf32, #tpu.memory_space<vmem_shared>> -> memref<10112x128xf32, #tpu.memory_space<vmem_shared>>
        tpu.wait_indirect_dma semaphore(%run_scoped3A_361 : memref<!tpu.dma_semaphore, #tpu.memory_space<semaphore_mem>>) src(%dma_wait3A_375 : memref<128x128xf32, #tpu.memory_space<vmem>>) dst(%dma_wait3A_381 : memref<10112x128xf32, #tpu.memory_space<vmem_shared>>)
        tpu.yield
      }) : () -> ()
      %add3A_289 = arith.constant 2 : i32
      %add3A_290 = arith.addi %add3A_262, %add3A_289 : i32
      %lt3A_291 = arith.constant 80 : i32
      %lt3A_292 = arith.cmpi slt, %add3A_290, %lt3A_291 : i32
      %convert_element_type3A_293 = arith.extui %lt3A_292 : i1 to i32
      %cond3A_294 = arith.constant 0 : i32
      %cond3A_295 = arith.cmpi ne, %convert_element_type3A_293, %cond3A_294 : i32
      scf.if %cond3A_295 {
        %add3A_361 = arith.constant 2 : i32
        %add3A_362 = arith.addi %add3A_262, %add3A_361 : i32
        %add3A_363 = arith.addi %mul3A_2, %add3A_362 : i32
        %mul3A_364 = arith.constant 128 : i32
        %mul3A_365 = arith.muli %add3A_363, %mul3A_364 : i32
        %dma_start3A_366 = arith.constant 0 : i32
        %dma_start3A_367 = arith.constant 0 : i32
        %dma_start3A_368 = tpu.memref_slice %arg7[%dma_start3A_366, %dma_start3A_367] : memref<2x128xi32, #tpu.memory_space<vmem>> -> memref<1x128xi32, #tpu.memory_space<vmem>>
        %dma_start3A_369 = tpu.memref_squeeze %dma_start3A_368 : memref<1x128xi32, #tpu.memory_space<vmem>> -> memref<128xi32, #tpu.memory_space<vmem>>
        %dma_start3A_370 = tpu.memref_slice %arg4[%mul3A_365] : memref<327680xi32, #tpu.memory_space<hbm>> -> memref<128xi32, #tpu.memory_space<hbm>>
        %dma_start3A_371 = arith.constant 0 : i32
        %dma_start3A_372 = tpu.memref_slice %arg7[%dma_start3A_366, %dma_start3A_371] : memref<2x128xi32, #tpu.memory_space<vmem>> -> memref<1x128xi32, #tpu.memory_space<vmem>>
        %dma_start3A_373 = tpu.memref_squeeze %dma_start3A_372 : memref<1x128xi32, #tpu.memory_space<vmem>> -> memref<128xi32, #tpu.memory_space<vmem>>
        %dma_start3A_374 = tpu.memref_slice %arg4[%mul3A_365] : memref<327680xi32, #tpu.memory_space<hbm>> -> memref<128xi32, #tpu.memory_space<hbm>>
        tpu.enqueue_dma source(%dma_start3A_374 : memref<128xi32, #tpu.memory_space<hbm>>) target(%dma_start3A_373 : memref<128xi32, #tpu.memory_space<vmem>>) target_semaphore(%arg16 : memref<!tpu.dma_semaphore, #tpu.memory_space<semaphore_mem>>)
      } else {
      }
      %add3A_296 = arith.constant 4 : i32
      %add3A_297 = arith.addi %add3A_262, %add3A_296 : i32
      %lt3A_298 = arith.constant 80 : i32
      %lt3A_299 = arith.cmpi slt, %add3A_297, %lt3A_298 : i32
      %convert_element_type3A_300 = arith.extui %lt3A_299 : i1 to i32
      %cond3A_301 = arith.constant 0 : i32
      %cond3A_302 = arith.cmpi ne, %convert_element_type3A_300, %cond3A_301 : i32
      scf.if %cond3A_302 {
        %add3A_361 = arith.constant 4 : i32
        %add3A_362 = arith.addi %add3A_262, %add3A_361 : i32
        %add3A_363 = arith.addi %mul3A_2, %add3A_362 : i32
        %mul3A_364 = arith.constant 128 : i32
        %mul3A_365 = arith.muli %add3A_363, %mul3A_364 : i32
        %dma_start3A_366 = arith.constant 2 : i32
        %dma_start3A_367 = arith.constant 0 : i32
        %dma_start3A_368 = tpu.memref_slice %arg6[%dma_start3A_366, %dma_start3A_367] : memref<4x128xi32, #tpu.memory_space<vmem>> -> memref<1x128xi32, #tpu.memory_space<vmem>>
        %dma_start3A_369 = tpu.memref_squeeze %dma_start3A_368 : memref<1x128xi32, #tpu.memory_space<vmem>> -> memref<128xi32, #tpu.memory_space<vmem>>
        %dma_start3A_370 = tpu.memref_slice %arg3[%mul3A_365] : memref<327680xi32, #tpu.memory_space<hbm>> -> memref<128xi32, #tpu.memory_space<hbm>>
        %dma_start3A_371 = arith.constant 0 : i32
        %dma_start3A_372 = tpu.memref_slice %arg6[%dma_start3A_366, %dma_start3A_371] : memref<4x128xi32, #tpu.memory_space<vmem>> -> memref<1x128xi32, #tpu.memory_space<vmem>>
        %dma_start3A_373 = tpu.memref_squeeze %dma_start3A_372 : memref<1x128xi32, #tpu.memory_space<vmem>> -> memref<128xi32, #tpu.memory_space<vmem>>
        %dma_start3A_374 = tpu.memref_slice %arg3[%mul3A_365] : memref<327680xi32, #tpu.memory_space<hbm>> -> memref<128xi32, #tpu.memory_space<hbm>>
        tpu.enqueue_dma source(%dma_start3A_374 : memref<128xi32, #tpu.memory_space<hbm>>) target(%dma_start3A_373 : memref<128xi32, #tpu.memory_space<vmem>>) target_semaphore(%arg14 : memref<!tpu.dma_semaphore, #tpu.memory_space<semaphore_mem>>)
      } else {
      }
      %add3A_303 = arith.constant 2 : i32
      %add3A_304 = arith.addi %add3A_262, %add3A_303 : i32
      %lt3A_305 = arith.constant 80 : i32
      %lt3A_306 = arith.cmpi slt, %add3A_304, %lt3A_305 : i32
      %convert_element_type3A_307 = arith.extui %lt3A_306 : i1 to i32
      %cond3A_308 = arith.constant 0 : i32
      %cond3A_309 = arith.cmpi ne, %convert_element_type3A_307, %cond3A_308 : i32
      scf.if %cond3A_309 {
        %add3A_361 = arith.constant 2 : i32
        %add3A_362 = arith.addi %add3A_262, %add3A_361 : i32
        %add3A_363 = arith.addi %mul3A_2, %add3A_362 : i32
        %mul3A_364 = arith.constant 128 : i32
        %mul3A_365 = arith.muli %add3A_363, %mul3A_364 : i32
        %dma_wait3A_366 = arith.constant 0 : i32
        %dma_wait3A_367 = arith.constant 0 : i32
        %dma_wait3A_368 = tpu.memref_slice %arg6[%dma_wait3A_366, %dma_wait3A_367] : memref<4x128xi32, #tpu.memory_space<vmem>> -> memref<1x128xi32, #tpu.memory_space<vmem>>
        %dma_wait3A_369 = tpu.memref_squeeze %dma_wait3A_368 : memref<1x128xi32, #tpu.memory_space<vmem>> -> memref<128xi32, #tpu.memory_space<vmem>>
        %dma_wait3A_370 = tpu.memref_slice %arg3[%mul3A_365] : memref<327680xi32, #tpu.memory_space<hbm>> -> memref<128xi32, #tpu.memory_space<hbm>>
        %dma_wait3A_371 = arith.constant 0 : i32
        %dma_wait3A_372 = tpu.memref_slice %arg6[%dma_wait3A_366, %dma_wait3A_371] : memref<4x128xi32, #tpu.memory_space<vmem>> -> memref<1x128xi32, #tpu.memory_space<vmem>>
        %dma_wait3A_373 = tpu.memref_squeeze %dma_wait3A_372 : memref<1x128xi32, #tpu.memory_space<vmem>> -> memref<128xi32, #tpu.memory_space<vmem>>
        %dma_wait3A_374 = tpu.memref_slice %arg3[%mul3A_365] : memref<327680xi32, #tpu.memory_space<hbm>> -> memref<128xi32, #tpu.memory_space<hbm>>
        tpu.wait_dma2 semaphore(%arg12 : memref<!tpu.dma_semaphore, #tpu.memory_space<semaphore_mem>>) src(%dma_wait3A_374 : memref<128xi32, #tpu.memory_space<hbm>>) dst(%dma_wait3A_373 : memref<128xi32, #tpu.memory_space<vmem>>)
        %dma_start3A_375 = arith.constant 0 : i32
        %dma_start3A_376 = arith.constant 0 : i32
        %dma_start3A_377 = arith.constant 0 : i32
        %dma_start3A_378 = arith.constant 0 : i32
        %dma_start3A_379 = tpu.memref_slice %arg8[%dma_start3A_376, %dma_start3A_377, %dma_start3A_378] : memref<2x128x128xf32, #tpu.memory_space<vmem>> -> memref<1x128x128xf32, #tpu.memory_space<vmem>>
        %dma_start3A_380 = tpu.memref_squeeze %dma_start3A_379 : memref<1x128x128xf32, #tpu.memory_space<vmem>> -> memref<128x128xf32, #tpu.memory_space<vmem>>
        %dma_start3A_381 = arith.constant 0 : i32
        %dma_start3A_382 = tpu.memref_slice %arg6[%dma_start3A_375, %dma_start3A_381] : memref<4x128xi32, #tpu.memory_space<vmem>> -> memref<1x128xi32, #tpu.memory_space<vmem>>
        %dma_start3A_383 = tpu.memref_squeeze %dma_start3A_382 : memref<1x128xi32, #tpu.memory_space<vmem>> -> memref<128xi32, #tpu.memory_space<vmem>>
        %dma_start3A_384 = arith.constant 0 : i32
        %dma_start3A_385 = arith.constant 0 : i32
        %dma_start3A_386 = tpu.memref_slice %arg2[%dma_start3A_384, %dma_start3A_385] : memref<10112x128xf32, #tpu.memory_space<hbm>> -> memref<10112x128xf32, #tpu.memory_space<hbm>>
        tpu.enqueue_indirect_dma source(%dma_start3A_386 : memref<10112x128xf32, #tpu.memory_space<hbm>>) target(%dma_start3A_380 : memref<128x128xf32, #tpu.memory_space<vmem>>) offsets(%dma_start3A_383 : memref<128xi32, #tpu.memory_space<vmem>>) semaphore(%arg10 : memref<!tpu.dma_semaphore, #tpu.memory_space<semaphore_mem>>)
      } else {
      }
      %mul3A_310 = arith.constant 4 : i32
      %mul3A_311 = arith.muli %scan3A_159, %mul3A_310 : i32
      %add3A_312 = arith.constant 3 : i32
      %add3A_313 = arith.addi %mul3A_311, %add3A_312 : i32
      %dma_wait3A_314 = arith.constant 3 : i32
      %dma_wait3A_315 = arith.constant 1 : i32
      %dma_wait3A_316 = arith.constant 0 : i32
      %dma_wait3A_317 = arith.constant 0 : i32
      %dma_wait3A_318 = tpu.memref_slice %arg8[%dma_wait3A_315, %dma_wait3A_316, %dma_wait3A_317] : memref<2x128x128xf32, #tpu.memory_space<vmem>> -> memref<1x128x128xf32, #tpu.memory_space<vmem>>
      %dma_wait3A_319 = tpu.memref_squeeze %dma_wait3A_318 : memref<1x128x128xf32, #tpu.memory_space<vmem>> -> memref<128x128xf32, #tpu.memory_space<vmem>>
      %dma_wait3A_320 = arith.constant 0 : i32
      %dma_wait3A_321 = tpu.memref_slice %arg6[%dma_wait3A_314, %dma_wait3A_320] : memref<4x128xi32, #tpu.memory_space<vmem>> -> memref<1x128xi32, #tpu.memory_space<vmem>>
      %dma_wait3A_322 = tpu.memref_squeeze %dma_wait3A_321 : memref<1x128xi32, #tpu.memory_space<vmem>> -> memref<128xi32, #tpu.memory_space<vmem>>
      %dma_wait3A_323 = arith.constant 0 : i32
      %dma_wait3A_324 = arith.constant 0 : i32
      %dma_wait3A_325 = tpu.memref_slice %arg2[%dma_wait3A_323, %dma_wait3A_324] : memref<10112x128xf32, #tpu.memory_space<hbm>> -> memref<10112x128xf32, #tpu.memory_space<hbm>>
      tpu.wait_indirect_dma semaphore(%arg11 : memref<!tpu.dma_semaphore, #tpu.memory_space<semaphore_mem>>) src(%dma_wait3A_325 : memref<10112x128xf32, #tpu.memory_space<hbm>>) dst(%dma_wait3A_319 : memref<128x128xf32, #tpu.memory_space<vmem>>)
      %add3A_326 = arith.addi %mul3A_2, %add3A_313 : i32
      %mul3A_327 = arith.constant 128 : i32
      %mul3A_328 = arith.muli %add3A_326, %mul3A_327 : i32
      %dma_wait3A_329 = arith.constant 1 : i32
      %dma_wait3A_330 = arith.constant 0 : i32
      %dma_wait3A_331 = tpu.memref_slice %arg7[%dma_wait3A_329, %dma_wait3A_330] : memref<2x128xi32, #tpu.memory_space<vmem>> -> memref<1x128xi32, #tpu.memory_space<vmem>>
      %dma_wait3A_332 = tpu.memref_squeeze %dma_wait3A_331 : memref<1x128xi32, #tpu.memory_space<vmem>> -> memref<128xi32, #tpu.memory_space<vmem>>
      %dma_wait3A_333 = tpu.memref_slice %arg4[%mul3A_328] : memref<327680xi32, #tpu.memory_space<hbm>> -> memref<128xi32, #tpu.memory_space<hbm>>
      %dma_wait3A_334 = arith.constant 0 : i32
      %dma_wait3A_335 = tpu.memref_slice %arg7[%dma_wait3A_329, %dma_wait3A_334] : memref<2x128xi32, #tpu.memory_space<vmem>> -> memref<1x128xi32, #tpu.memory_space<vmem>>
      %dma_wait3A_336 = tpu.memref_squeeze %dma_wait3A_335 : memref<1x128xi32, #tpu.memory_space<vmem>> -> memref<128xi32, #tpu.memory_space<vmem>>
      %dma_wait3A_337 = tpu.memref_slice %arg4[%mul3A_328] : memref<327680xi32, #tpu.memory_space<hbm>> -> memref<128xi32, #tpu.memory_space<hbm>>
      tpu.wait_dma2 semaphore(%arg17 : memref<!tpu.dma_semaphore, #tpu.memory_space<semaphore_mem>>) src(%dma_wait3A_337 : memref<128xi32, #tpu.memory_space<hbm>>) dst(%dma_wait3A_336 : memref<128xi32, #tpu.memory_space<vmem>>)
      %run_scoped3A_338 = arith.constant 1 : i32
      %run_scoped3A_339 = arith.constant 1 : i32
      "tpu.region"() ({
        %run_scoped3A_361 = tpu.sem_alloc : memref<!tpu.dma_semaphore, #tpu.memory_space<semaphore_mem>>
        %dma_start3A_362 = arith.constant 0 : i32
        %dma_start3A_363 = arith.constant 0 : i32
        %dma_start3A_364 = tpu.memref_slice %arg8[%run_scoped3A_338, %dma_start3A_362, %dma_start3A_363] : memref<2x128x128xf32, #tpu.memory_space<vmem>> -> memref<1x128x128xf32, #tpu.memory_space<vmem>>
        %dma_start3A_365 = tpu.memref_squeeze %dma_start3A_364 : memref<1x128x128xf32, #tpu.memory_space<vmem>> -> memref<128x128xf32, #tpu.memory_space<vmem>>
        %dma_start3A_366 = arith.constant 0 : i32
        %dma_start3A_367 = tpu.memref_slice %arg7[%run_scoped3A_339, %dma_start3A_366] : memref<2x128xi32, #tpu.memory_space<vmem>> -> memref<1x128xi32, #tpu.memory_space<vmem>>
        %dma_start3A_368 = tpu.memref_squeeze %dma_start3A_367 : memref<1x128xi32, #tpu.memory_space<vmem>> -> memref<128xi32, #tpu.memory_space<vmem>>
        %dma_start3A_369 = arith.constant 0 : i32
        %dma_start3A_370 = arith.constant 0 : i32
        %dma_start3A_371 = tpu.memref_slice %arg9[%dma_start3A_369, %dma_start3A_370] : memref<10112x128xf32, #tpu.memory_space<vmem_shared>> -> memref<10112x128xf32, #tpu.memory_space<vmem_shared>>
        tpu.enqueue_indirect_dma source(%dma_start3A_365 : memref<128x128xf32, #tpu.memory_space<vmem>>) target(%dma_start3A_371 : memref<10112x128xf32, #tpu.memory_space<vmem_shared>>) offsets(%dma_start3A_368 : memref<128xi32, #tpu.memory_space<vmem>>) semaphore(%run_scoped3A_361 : memref<!tpu.dma_semaphore, #tpu.memory_space<semaphore_mem>>) {add = true}
        %dma_wait3A_372 = arith.constant 0 : i32
        %dma_wait3A_373 = arith.constant 0 : i32
        %dma_wait3A_374 = tpu.memref_slice %arg8[%run_scoped3A_338, %dma_wait3A_372, %dma_wait3A_373] : memref<2x128x128xf32, #tpu.memory_space<vmem>> -> memref<1x128x128xf32, #tpu.memory_space<vmem>>
        %dma_wait3A_375 = tpu.memref_squeeze %dma_wait3A_374 : memref<1x128x128xf32, #tpu.memory_space<vmem>> -> memref<128x128xf32, #tpu.memory_space<vmem>>
        %dma_wait3A_376 = arith.constant 0 : i32
        %dma_wait3A_377 = tpu.memref_slice %arg7[%run_scoped3A_339, %dma_wait3A_376] : memref<2x128xi32, #tpu.memory_space<vmem>> -> memref<1x128xi32, #tpu.memory_space<vmem>>
        %dma_wait3A_378 = tpu.memref_squeeze %dma_wait3A_377 : memref<1x128xi32, #tpu.memory_space<vmem>> -> memref<128xi32, #tpu.memory_space<vmem>>
        %dma_wait3A_379 = arith.constant 0 : i32
        %dma_wait3A_380 = arith.constant 0 : i32
        %dma_wait3A_381 = tpu.memref_slice %arg9[%dma_wait3A_379, %dma_wait3A_380] : memref<10112x128xf32, #tpu.memory_space<vmem_shared>> -> memref<10112x128xf32, #tpu.memory_space<vmem_shared>>
        tpu.wait_indirect_dma semaphore(%run_scoped3A_361 : memref<!tpu.dma_semaphore, #tpu.memory_space<semaphore_mem>>) src(%dma_wait3A_375 : memref<128x128xf32, #tpu.memory_space<vmem>>) dst(%dma_wait3A_381 : memref<10112x128xf32, #tpu.memory_space<vmem_shared>>)
        tpu.yield
      }) : () -> ()
      %add3A_340 = arith.constant 2 : i32
      %add3A_341 = arith.addi %add3A_313, %add3A_340 : i32
      %lt3A_342 = arith.constant 80 : i32
      %lt3A_343 = arith.cmpi slt, %add3A_341, %lt3A_342 : i32
      %convert_element_type3A_344 = arith.extui %lt3A_343 : i1 to i32
      %cond3A_345 = arith.constant 0 : i32
      %cond3A_346 = arith.cmpi ne, %convert_element_type3A_344, %cond3A_345 : i32
      scf.if %cond3A_346 {
        %add3A_361 = arith.constant 2 : i32
        %add3A_362 = arith.addi %add3A_313, %add3A_361 : i32
        %add3A_363 = arith.addi %mul3A_2, %add3A_362 : i32
        %mul3A_364 = arith.constant 128 : i32
        %mul3A_365 = arith.muli %add3A_363, %mul3A_364 : i32
        %dma_start3A_366 = arith.constant 1 : i32
        %dma_start3A_367 = arith.constant 0 : i32
        %dma_start3A_368 = tpu.memref_slice %arg7[%dma_start3A_366, %dma_start3A_367] : memref<2x128xi32, #tpu.memory_space<vmem>> -> memref<1x128xi32, #tpu.memory_space<vmem>>
        %dma_start3A_369 = tpu.memref_squeeze %dma_start3A_368 : memref<1x128xi32, #tpu.memory_space<vmem>> -> memref<128xi32, #tpu.memory_space<vmem>>
        %dma_start3A_370 = tpu.memref_slice %arg4[%mul3A_365] : memref<327680xi32, #tpu.memory_space<hbm>> -> memref<128xi32, #tpu.memory_space<hbm>>
        %dma_start3A_371 = arith.constant 0 : i32
        %dma_start3A_372 = tpu.memref_slice %arg7[%dma_start3A_366, %dma_start3A_371] : memref<2x128xi32, #tpu.memory_space<vmem>> -> memref<1x128xi32, #tpu.memory_space<vmem>>
        %dma_start3A_373 = tpu.memref_squeeze %dma_start3A_372 : memref<1x128xi32, #tpu.memory_space<vmem>> -> memref<128xi32, #tpu.memory_space<vmem>>
        %dma_start3A_374 = tpu.memref_slice %arg4[%mul3A_365] : memref<327680xi32, #tpu.memory_space<hbm>> -> memref<128xi32, #tpu.memory_space<hbm>>
        tpu.enqueue_dma source(%dma_start3A_374 : memref<128xi32, #tpu.memory_space<hbm>>) target(%dma_start3A_373 : memref<128xi32, #tpu.memory_space<vmem>>) target_semaphore(%arg17 : memref<!tpu.dma_semaphore, #tpu.memory_space<semaphore_mem>>)
      } else {
      }
      %add3A_347 = arith.constant 4 : i32
      %add3A_348 = arith.addi %add3A_313, %add3A_347 : i32
      %lt3A_349 = arith.constant 80 : i32
      %lt3A_350 = arith.cmpi slt, %add3A_348, %lt3A_349 : i32
      %convert_element_type3A_351 = arith.extui %lt3A_350 : i1 to i32
      %cond3A_352 = arith.constant 0 : i32
      %cond3A_353 = arith.cmpi ne, %convert_element_type3A_351, %cond3A_352 : i32
      scf.if %cond3A_353 {
        %add3A_361 = arith.constant 4 : i32
        %add3A_362 = arith.addi %add3A_313, %add3A_361 : i32
        %add3A_363 = arith.addi %mul3A_2, %add3A_362 : i32
        %mul3A_364 = arith.constant 128 : i32
        %mul3A_365 = arith.muli %add3A_363, %mul3A_364 : i32
        %dma_start3A_366 = arith.constant 3 : i32
        %dma_start3A_367 = arith.constant 0 : i32
        %dma_start3A_368 = tpu.memref_slice %arg6[%dma_start3A_366, %dma_start3A_367] : memref<4x128xi32, #tpu.memory_space<vmem>> -> memref<1x128xi32, #tpu.memory_space<vmem>>
        %dma_start3A_369 = tpu.memref_squeeze %dma_start3A_368 : memref<1x128xi32, #tpu.memory_space<vmem>> -> memref<128xi32, #tpu.memory_space<vmem>>
        %dma_start3A_370 = tpu.memref_slice %arg3[%mul3A_365] : memref<327680xi32, #tpu.memory_space<hbm>> -> memref<128xi32, #tpu.memory_space<hbm>>
        %dma_start3A_371 = arith.constant 0 : i32
        %dma_start3A_372 = tpu.memref_slice %arg6[%dma_start3A_366, %dma_start3A_371] : memref<4x128xi32, #tpu.memory_space<vmem>> -> memref<1x128xi32, #tpu.memory_space<vmem>>
        %dma_start3A_373 = tpu.memref_squeeze %dma_start3A_372 : memref<1x128xi32, #tpu.memory_space<vmem>> -> memref<128xi32, #tpu.memory_space<vmem>>
        %dma_start3A_374 = tpu.memref_slice %arg3[%mul3A_365] : memref<327680xi32, #tpu.memory_space<hbm>> -> memref<128xi32, #tpu.memory_space<hbm>>
        tpu.enqueue_dma source(%dma_start3A_374 : memref<128xi32, #tpu.memory_space<hbm>>) target(%dma_start3A_373 : memref<128xi32, #tpu.memory_space<vmem>>) target_semaphore(%arg15 : memref<!tpu.dma_semaphore, #tpu.memory_space<semaphore_mem>>)
      } else {
      }
      %add3A_354 = arith.constant 2 : i32
      %add3A_355 = arith.addi %add3A_313, %add3A_354 : i32
      %lt3A_356 = arith.constant 80 : i32
      %lt3A_357 = arith.cmpi slt, %add3A_355, %lt3A_356 : i32
      %convert_element_type3A_358 = arith.extui %lt3A_357 : i1 to i32
      %cond3A_359 = arith.constant 0 : i32
      %cond3A_360 = arith.cmpi ne, %convert_element_type3A_358, %cond3A_359 : i32
      scf.if %cond3A_360 {
        %add3A_361 = arith.constant 2 : i32
        %add3A_362 = arith.addi %add3A_313, %add3A_361 : i32
        %add3A_363 = arith.addi %mul3A_2, %add3A_362 : i32
        %mul3A_364 = arith.constant 128 : i32
        %mul3A_365 = arith.muli %add3A_363, %mul3A_364 : i32
        %dma_wait3A_366 = arith.constant 1 : i32
        %dma_wait3A_367 = arith.constant 0 : i32
        %dma_wait3A_368 = tpu.memref_slice %arg6[%dma_wait3A_366, %dma_wait3A_367] : memref<4x128xi32, #tpu.memory_space<vmem>> -> memref<1x128xi32, #tpu.memory_space<vmem>>
        %dma_wait3A_369 = tpu.memref_squeeze %dma_wait3A_368 : memref<1x128xi32, #tpu.memory_space<vmem>> -> memref<128xi32, #tpu.memory_space<vmem>>
        %dma_wait3A_370 = tpu.memref_slice %arg3[%mul3A_365] : memref<327680xi32, #tpu.memory_space<hbm>> -> memref<128xi32, #tpu.memory_space<hbm>>
        %dma_wait3A_371 = arith.constant 0 : i32
        %dma_wait3A_372 = tpu.memref_slice %arg6[%dma_wait3A_366, %dma_wait3A_371] : memref<4x128xi32, #tpu.memory_space<vmem>> -> memref<1x128xi32, #tpu.memory_space<vmem>>
        %dma_wait3A_373 = tpu.memref_squeeze %dma_wait3A_372 : memref<1x128xi32, #tpu.memory_space<vmem>> -> memref<128xi32, #tpu.memory_space<vmem>>
        %dma_wait3A_374 = tpu.memref_slice %arg3[%mul3A_365] : memref<327680xi32, #tpu.memory_space<hbm>> -> memref<128xi32, #tpu.memory_space<hbm>>
        tpu.wait_dma2 semaphore(%arg13 : memref<!tpu.dma_semaphore, #tpu.memory_space<semaphore_mem>>) src(%dma_wait3A_374 : memref<128xi32, #tpu.memory_space<hbm>>) dst(%dma_wait3A_373 : memref<128xi32, #tpu.memory_space<vmem>>)
        %dma_start3A_375 = arith.constant 1 : i32
        %dma_start3A_376 = arith.constant 1 : i32
        %dma_start3A_377 = arith.constant 0 : i32
        %dma_start3A_378 = arith.constant 0 : i32
        %dma_start3A_379 = tpu.memref_slice %arg8[%dma_start3A_376, %dma_start3A_377, %dma_start3A_378] : memref<2x128x128xf32, #tpu.memory_space<vmem>> -> memref<1x128x128xf32, #tpu.memory_space<vmem>>
        %dma_start3A_380 = tpu.memref_squeeze %dma_start3A_379 : memref<1x128x128xf32, #tpu.memory_space<vmem>> -> memref<128x128xf32, #tpu.memory_space<vmem>>
        %dma_start3A_381 = arith.constant 0 : i32
        %dma_start3A_382 = tpu.memref_slice %arg6[%dma_start3A_375, %dma_start3A_381] : memref<4x128xi32, #tpu.memory_space<vmem>> -> memref<1x128xi32, #tpu.memory_space<vmem>>
        %dma_start3A_383 = tpu.memref_squeeze %dma_start3A_382 : memref<1x128xi32, #tpu.memory_space<vmem>> -> memref<128xi32, #tpu.memory_space<vmem>>
        %dma_start3A_384 = arith.constant 0 : i32
        %dma_start3A_385 = arith.constant 0 : i32
        %dma_start3A_386 = tpu.memref_slice %arg2[%dma_start3A_384, %dma_start3A_385] : memref<10112x128xf32, #tpu.memory_space<hbm>> -> memref<10112x128xf32, #tpu.memory_space<hbm>>
        tpu.enqueue_indirect_dma source(%dma_start3A_386 : memref<10112x128xf32, #tpu.memory_space<hbm>>) target(%dma_start3A_380 : memref<128x128xf32, #tpu.memory_space<vmem>>) offsets(%dma_start3A_383 : memref<128xi32, #tpu.memory_space<vmem>>) semaphore(%arg11 : memref<!tpu.dma_semaphore, #tpu.memory_space<semaphore_mem>>)
      } else {
      }
    }
    %scan3A_157 = arith.constant 20 : i32
    %barrier3A_158 = arith.constant 0 : index
    tpu.barrier barrier_id(%barrier3A_158)
    "tpu.region"() ({
      %run_scoped3A_159 = tpu.sem_alloc : memref<!tpu.dma_semaphore, #tpu.memory_space<semaphore_mem>>
      %dma_start3A_160 = arith.constant 0 : i32
      %dma_start3A_161 = tpu.memref_slice %arg5[%arg0, %mul3A_4, %dma_start3A_160] : memref<2x10112x128xf32, #tpu.memory_space<hbm>> -> memref<1x632x128xf32, #tpu.memory_space<hbm>>
      %dma_start3A_162 = tpu.memref_squeeze %dma_start3A_161 : memref<1x632x128xf32, #tpu.memory_space<hbm>> -> memref<632x128xf32, #tpu.memory_space<hbm>>
      %dma_start3A_163 = arith.constant 0 : i32
      %dma_start3A_164 = tpu.memref_slice %arg9[%mul3A_4, %dma_start3A_163] : memref<10112x128xf32, #tpu.memory_space<vmem_shared>> -> memref<632x128xf32, #tpu.memory_space<vmem_shared>>
      tpu.enqueue_dma source(%dma_start3A_164 : memref<632x128xf32, #tpu.memory_space<vmem_shared>>) target(%dma_start3A_162 : memref<632x128xf32, #tpu.memory_space<hbm>>) target_semaphore(%run_scoped3A_159 : memref<!tpu.dma_semaphore, #tpu.memory_space<semaphore_mem>>)
      %dma_wait3A_165 = arith.constant 0 : i32
      %dma_wait3A_166 = tpu.memref_slice %arg5[%arg0, %mul3A_4, %dma_wait3A_165] : memref<2x10112x128xf32, #tpu.memory_space<hbm>> -> memref<1x632x128xf32, #tpu.memory_space<hbm>>
      %dma_wait3A_167 = tpu.memref_squeeze %dma_wait3A_166 : memref<1x632x128xf32, #tpu.memory_space<hbm>> -> memref<632x128xf32, #tpu.memory_space<hbm>>
      %dma_wait3A_168 = arith.constant 0 : i32
      %dma_wait3A_169 = tpu.memref_slice %arg9[%mul3A_4, %dma_wait3A_168] : memref<10112x128xf32, #tpu.memory_space<vmem_shared>> -> memref<632x128xf32, #tpu.memory_space<vmem_shared>>
      tpu.wait_dma2 semaphore(%run_scoped3A_159 : memref<!tpu.dma_semaphore, #tpu.memory_space<semaphore_mem>>) src(%dma_wait3A_169 : memref<632x128xf32, #tpu.memory_space<vmem_shared>>) dst(%dma_wait3A_167 : memref<632x128xf32, #tpu.memory_space<hbm>>)
      tpu.yield
    }) : () -> ()
    return
  }
}

#map = affine_map<(d0, d1) -> (0)>
#map1 = affine_map<(d0, d1) -> (0, 0, 0)>
module attributes {stable_mosaic.version = 14 : i64} {
  func.func @deg_kernel(%arg0: i32, %arg1: i32, %arg2: memref<327680xi32, #tpu.memory_space<hbm>>, %arg3: memref<2x10112x16xf32, #tpu.memory_space<hbm>>, %arg4: memref<4x128xi32, #tpu.memory_space<vmem>>, %arg5: memref<128x16xf32, #tpu.memory_space<vmem>>, %arg6: memref<10112x16xf32, #tpu.memory_space<vmem_shared>>, %arg7: memref<!tpu.dma_semaphore, #tpu.memory_space<semaphore_mem>>, %arg8: memref<!tpu.dma_semaphore, #tpu.memory_space<semaphore_mem>>, %arg9: memref<!tpu.dma_semaphore, #tpu.memory_space<semaphore_mem>>, %arg10: memref<!tpu.dma_semaphore, #tpu.memory_space<semaphore_mem>>, %arg11: memref<!tpu.dma_semaphore, #tpu.memory_space<semaphore_mem>>, %arg12: memref<!tpu.dma_semaphore, #tpu.memory_space<semaphore_mem>>) attributes {dimension_semantics = [#tpu.dimension_semantics<core_parallel>, #tpu.dimension_semantics<subcore_parallel>], iteration_bounds = array<i64: 2, 16>, scalar_prefetch = 0 : i64, scratch_operands = 9 : i64, tpu.core_type = #tpu.core_type<sc_vector_subcore>, window_params = [{transform_indices = #map}, {transform_indices = #map1}]} {
    %mul3A = arith.constant 16 : i32
    %mul3A_0 = arith.muli %arg0, %mul3A : i32
    %add3A = arith.addi %mul3A_0, %arg1 : i32
    %mul3A_1 = arith.constant 80 : i32
    %mul3A_2 = arith.muli %add3A, %mul3A_1 : i32
    %mul3A_3 = arith.constant 632 : i32
    %mul3A_4 = arith.muli %arg1, %mul3A_3 : i32
    %broadcast_in_dim3A = arith.constant 0.000000e+00 : f32
    %broadcast_in_dim3A_5 = vector.broadcast %broadcast_in_dim3A : f32 to vector<16xf32>
    %scan3A = arith.constant 0 : i32
    %scan3A_6 = arith.constant 0 : i32
    %scan3A_7 = arith.constant 128 : i32
    %scan3A_8 = arith.addi %scan3A_6, %scan3A_7 : i32
    %scan3A_9 = arith.constant 1 : i32
    scf.for %scan3A_74 = %scan3A_6 to %scan3A_8 step %scan3A_9  : i32 {
      %swap3A = arith.index_cast %scan3A_74 : i32 to index
      %swap3A_75 = arith.constant 0 : index
      %swap3A_76 = tpu.vector_load %arg5[%swap3A, %swap3A_75] {strides = array<i32>} : memref<128x16xf32, #tpu.memory_space<vmem>>, vector<1x16xf32>,
      %swap3A_77 = vector.shape_cast %swap3A_76 : vector<1x16xf32> to vector<16xf32>
      %swap3A_78 = vector.shape_cast %broadcast_in_dim3A_5 : vector<16xf32> to vector<1x16xf32>
      tpu.vector_store %arg5[%swap3A, %swap3A_75], %swap3A_78 {strides = array<i32>} : memref<128x16xf32, #tpu.memory_space<vmem>>, vector<1x16xf32>,
    }
    %scan3A_10 = arith.constant 128 : i32
    %add3A_11 = arith.constant 0 : i32
    %add3A_12 = arith.addi %mul3A_4, %add3A_11 : i32
    "tpu.region"() ({
      %run_scoped3A = tpu.sem_alloc : memref<!tpu.dma_semaphore, #tpu.memory_space<semaphore_mem>>
      %dma_start3A_74 = arith.constant 0 : i32
      %dma_start3A_75 = tpu.memref_slice %arg6[%add3A_12, %dma_start3A_74] : memref<10112x16xf32, #tpu.memory_space<vmem_shared>> -> memref<128x16xf32, #tpu.memory_space<vmem_shared>>
      %dma_start3A_76 = arith.constant 0 : i32
      %dma_start3A_77 = tpu.memref_slice %arg6[%add3A_12, %dma_start3A_76] : memref<10112x16xf32, #tpu.memory_space<vmem_shared>> -> memref<128x16xf32, #tpu.memory_space<vmem_shared>>
      tpu.enqueue_dma source(%arg5 : memref<128x16xf32, #tpu.memory_space<vmem>>) target(%dma_start3A_77 : memref<128x16xf32, #tpu.memory_space<vmem_shared>>) target_semaphore(%run_scoped3A : memref<!tpu.dma_semaphore, #tpu.memory_space<semaphore_mem>>)
      %dma_wait3A_78 = arith.constant 0 : i32
      %dma_wait3A_79 = tpu.memref_slice %arg6[%add3A_12, %dma_wait3A_78] : memref<10112x16xf32, #tpu.memory_space<vmem_shared>> -> memref<128x16xf32, #tpu.memory_space<vmem_shared>>
      %dma_wait3A_80 = arith.constant 0 : i32
      %dma_wait3A_81 = tpu.memref_slice %arg6[%add3A_12, %dma_wait3A_80] : memref<10112x16xf32, #tpu.memory_space<vmem_shared>> -> memref<128x16xf32, #tpu.memory_space<vmem_shared>>
      tpu.wait_dma2 semaphore(%run_scoped3A : memref<!tpu.dma_semaphore, #tpu.memory_space<semaphore_mem>>) src(%arg5 : memref<128x16xf32, #tpu.memory_space<vmem>>) dst(%dma_wait3A_81 : memref<128x16xf32, #tpu.memory_space<vmem_shared>>)
      tpu.yield
    }) : () -> ()
    %add3A_13 = arith.constant 128 : i32
    %add3A_14 = arith.addi %mul3A_4, %add3A_13 : i32
    "tpu.region"() ({
      %run_scoped3A = tpu.sem_alloc : memref<!tpu.dma_semaphore, #tpu.memory_space<semaphore_mem>>
      %dma_start3A_74 = arith.constant 0 : i32
      %dma_start3A_75 = tpu.memref_slice %arg6[%add3A_14, %dma_start3A_74] : memref<10112x16xf32, #tpu.memory_space<vmem_shared>> -> memref<128x16xf32, #tpu.memory_space<vmem_shared>>
      %dma_start3A_76 = arith.constant 0 : i32
      %dma_start3A_77 = tpu.memref_slice %arg6[%add3A_14, %dma_start3A_76] : memref<10112x16xf32, #tpu.memory_space<vmem_shared>> -> memref<128x16xf32, #tpu.memory_space<vmem_shared>>
      tpu.enqueue_dma source(%arg5 : memref<128x16xf32, #tpu.memory_space<vmem>>) target(%dma_start3A_77 : memref<128x16xf32, #tpu.memory_space<vmem_shared>>) target_semaphore(%run_scoped3A : memref<!tpu.dma_semaphore, #tpu.memory_space<semaphore_mem>>)
      %dma_wait3A_78 = arith.constant 0 : i32
      %dma_wait3A_79 = tpu.memref_slice %arg6[%add3A_14, %dma_wait3A_78] : memref<10112x16xf32, #tpu.memory_space<vmem_shared>> -> memref<128x16xf32, #tpu.memory_space<vmem_shared>>
      %dma_wait3A_80 = arith.constant 0 : i32
      %dma_wait3A_81 = tpu.memref_slice %arg6[%add3A_14, %dma_wait3A_80] : memref<10112x16xf32, #tpu.memory_space<vmem_shared>> -> memref<128x16xf32, #tpu.memory_space<vmem_shared>>
      tpu.wait_dma2 semaphore(%run_scoped3A : memref<!tpu.dma_semaphore, #tpu.memory_space<semaphore_mem>>) src(%arg5 : memref<128x16xf32, #tpu.memory_space<vmem>>) dst(%dma_wait3A_81 : memref<128x16xf32, #tpu.memory_space<vmem_shared>>)
      tpu.yield
    }) : () -> ()
    %add3A_15 = arith.constant 256 : i32
    %add3A_16 = arith.addi %mul3A_4, %add3A_15 : i32
    "tpu.region"() ({
      %run_scoped3A = tpu.sem_alloc : memref<!tpu.dma_semaphore, #tpu.memory_space<semaphore_mem>>
      %dma_start3A_74 = arith.constant 0 : i32
      %dma_start3A_75 = tpu.memref_slice %arg6[%add3A_16, %dma_start3A_74] : memref<10112x16xf32, #tpu.memory_space<vmem_shared>> -> memref<128x16xf32, #tpu.memory_space<vmem_shared>>
      %dma_start3A_76 = arith.constant 0 : i32
      %dma_start3A_77 = tpu.memref_slice %arg6[%add3A_16, %dma_start3A_76] : memref<10112x16xf32, #tpu.memory_space<vmem_shared>> -> memref<128x16xf32, #tpu.memory_space<vmem_shared>>
      tpu.enqueue_dma source(%arg5 : memref<128x16xf32, #tpu.memory_space<vmem>>) target(%dma_start3A_77 : memref<128x16xf32, #tpu.memory_space<vmem_shared>>) target_semaphore(%run_scoped3A : memref<!tpu.dma_semaphore, #tpu.memory_space<semaphore_mem>>)
      %dma_wait3A_78 = arith.constant 0 : i32
      %dma_wait3A_79 = tpu.memref_slice %arg6[%add3A_16, %dma_wait3A_78] : memref<10112x16xf32, #tpu.memory_space<vmem_shared>> -> memref<128x16xf32, #tpu.memory_space<vmem_shared>>
      %dma_wait3A_80 = arith.constant 0 : i32
      %dma_wait3A_81 = tpu.memref_slice %arg6[%add3A_16, %dma_wait3A_80] : memref<10112x16xf32, #tpu.memory_space<vmem_shared>> -> memref<128x16xf32, #tpu.memory_space<vmem_shared>>
      tpu.wait_dma2 semaphore(%run_scoped3A : memref<!tpu.dma_semaphore, #tpu.memory_space<semaphore_mem>>) src(%arg5 : memref<128x16xf32, #tpu.memory_space<vmem>>) dst(%dma_wait3A_81 : memref<128x16xf32, #tpu.memory_space<vmem_shared>>)
      tpu.yield
    }) : () -> ()
    %add3A_17 = arith.constant 384 : i32
    %add3A_18 = arith.addi %mul3A_4, %add3A_17 : i32
    "tpu.region"() ({
      %run_scoped3A = tpu.sem_alloc : memref<!tpu.dma_semaphore, #tpu.memory_space<semaphore_mem>>
      %dma_start3A_74 = arith.constant 0 : i32
      %dma_start3A_75 = tpu.memref_slice %arg6[%add3A_18, %dma_start3A_74] : memref<10112x16xf32, #tpu.memory_space<vmem_shared>> -> memref<128x16xf32, #tpu.memory_space<vmem_shared>>
      %dma_start3A_76 = arith.constant 0 : i32
      %dma_start3A_77 = tpu.memref_slice %arg6[%add3A_18, %dma_start3A_76] : memref<10112x16xf32, #tpu.memory_space<vmem_shared>> -> memref<128x16xf32, #tpu.memory_space<vmem_shared>>
      tpu.enqueue_dma source(%arg5 : memref<128x16xf32, #tpu.memory_space<vmem>>) target(%dma_start3A_77 : memref<128x16xf32, #tpu.memory_space<vmem_shared>>) target_semaphore(%run_scoped3A : memref<!tpu.dma_semaphore, #tpu.memory_space<semaphore_mem>>)
      %dma_wait3A_78 = arith.constant 0 : i32
      %dma_wait3A_79 = tpu.memref_slice %arg6[%add3A_18, %dma_wait3A_78] : memref<10112x16xf32, #tpu.memory_space<vmem_shared>> -> memref<128x16xf32, #tpu.memory_space<vmem_shared>>
      %dma_wait3A_80 = arith.constant 0 : i32
      %dma_wait3A_81 = tpu.memref_slice %arg6[%add3A_18, %dma_wait3A_80] : memref<10112x16xf32, #tpu.memory_space<vmem_shared>> -> memref<128x16xf32, #tpu.memory_space<vmem_shared>>
      tpu.wait_dma2 semaphore(%run_scoped3A : memref<!tpu.dma_semaphore, #tpu.memory_space<semaphore_mem>>) src(%arg5 : memref<128x16xf32, #tpu.memory_space<vmem>>) dst(%dma_wait3A_81 : memref<128x16xf32, #tpu.memory_space<vmem_shared>>)
      tpu.yield
    }) : () -> ()
    %add3A_19 = arith.constant 512 : i32
    %add3A_20 = arith.addi %mul3A_4, %add3A_19 : i32
    "tpu.region"() ({
      %run_scoped3A = tpu.sem_alloc : memref<!tpu.dma_semaphore, #tpu.memory_space<semaphore_mem>>
      %dma_start3A_74 = arith.constant 0 : i32
      %dma_start3A_75 = arith.constant 0 : i32
      %dma_start3A_76 = tpu.memref_slice %arg5[%dma_start3A_74, %dma_start3A_75] : memref<128x16xf32, #tpu.memory_space<vmem>> -> memref<120x16xf32, #tpu.memory_space<vmem>>
      %dma_start3A_77 = arith.constant 0 : i32
      %dma_start3A_78 = tpu.memref_slice %arg6[%add3A_20, %dma_start3A_77] : memref<10112x16xf32, #tpu.memory_space<vmem_shared>> -> memref<120x16xf32, #tpu.memory_space<vmem_shared>>
      %dma_start3A_79 = arith.constant 0 : i32
      %dma_start3A_80 = tpu.memref_slice %arg6[%add3A_20, %dma_start3A_79] : memref<10112x16xf32, #tpu.memory_space<vmem_shared>> -> memref<120x16xf32, #tpu.memory_space<vmem_shared>>
      %dma_start3A_81 = arith.constant 0 : i32
      %dma_start3A_82 = arith.constant 0 : i32
      %dma_start3A_83 = tpu.memref_slice %arg5[%dma_start3A_81, %dma_start3A_82] : memref<128x16xf32, #tpu.memory_space<vmem>> -> memref<120x16xf32, #tpu.memory_space<vmem>>
      tpu.enqueue_dma source(%dma_start3A_83 : memref<120x16xf32, #tpu.memory_space<vmem>>) target(%dma_start3A_80 : memref<120x16xf32, #tpu.memory_space<vmem_shared>>) target_semaphore(%run_scoped3A : memref<!tpu.dma_semaphore, #tpu.memory_space<semaphore_mem>>)
      %dma_wait3A_84 = arith.constant 0 : i32
      %dma_wait3A_85 = arith.constant 0 : i32
      %dma_wait3A_86 = tpu.memref_slice %arg5[%dma_wait3A_84, %dma_wait3A_85] : memref<128x16xf32, #tpu.memory_space<vmem>> -> memref<120x16xf32, #tpu.memory_space<vmem>>
      %dma_wait3A_87 = arith.constant 0 : i32
      %dma_wait3A_88 = tpu.memref_slice %arg6[%add3A_20, %dma_wait3A_87] : memref<10112x16xf32, #tpu.memory_space<vmem_shared>> -> memref<120x16xf32, #tpu.memory_space<vmem_shared>>
      %dma_wait3A_89 = arith.constant 0 : i32
      %dma_wait3A_90 = tpu.memref_slice %arg6[%add3A_20, %dma_wait3A_89] : memref<10112x16xf32, #tpu.memory_space<vmem_shared>> -> memref<120x16xf32, #tpu.memory_space<vmem_shared>>
      %dma_wait3A_91 = arith.constant 0 : i32
      %dma_wait3A_92 = arith.constant 0 : i32
      %dma_wait3A_93 = tpu.memref_slice %arg5[%dma_wait3A_91, %dma_wait3A_92] : memref<128x16xf32, #tpu.memory_space<vmem>> -> memref<120x16xf32, #tpu.memory_space<vmem>>
      tpu.wait_dma2 semaphore(%run_scoped3A : memref<!tpu.dma_semaphore, #tpu.memory_space<semaphore_mem>>) src(%dma_wait3A_93 : memref<120x16xf32, #tpu.memory_space<vmem>>) dst(%dma_wait3A_90 : memref<120x16xf32, #tpu.memory_space<vmem_shared>>)
      tpu.yield
    }) : () -> ()
    %broadcast_in_dim3A_21 = arith.constant 1.000000e+00 : f32
    %broadcast_in_dim3A_22 = vector.broadcast %broadcast_in_dim3A_21 : f32 to vector<16xf32>
    %scan3A_23 = arith.constant 0 : i32
    %scan3A_24 = arith.constant 0 : i32
    %scan3A_25 = arith.constant 128 : i32
    %scan3A_26 = arith.addi %scan3A_24, %scan3A_25 : i32
    %scan3A_27 = arith.constant 1 : i32
    scf.for %scan3A_74 = %scan3A_24 to %scan3A_26 step %scan3A_27  : i32 {
      %swap3A = arith.index_cast %scan3A_74 : i32 to index
      %swap3A_75 = arith.constant 0 : index
      %swap3A_76 = tpu.vector_load %arg5[%swap3A, %swap3A_75] {strides = array<i32>} : memref<128x16xf32, #tpu.memory_space<vmem>>, vector<1x16xf32>,
      %swap3A_77 = vector.shape_cast %swap3A_76 : vector<1x16xf32> to vector<16xf32>
      %swap3A_78 = vector.shape_cast %broadcast_in_dim3A_22 : vector<16xf32> to vector<1x16xf32>
      tpu.vector_store %arg5[%swap3A, %swap3A_75], %swap3A_78 {strides = array<i32>} : memref<128x16xf32, #tpu.memory_space<vmem>>, vector<1x16xf32>,
    }
    %scan3A_28 = arith.constant 128 : i32
    %barrier3A = arith.constant 0 : index
    tpu.barrier barrier_id(%barrier3A)
    %add3A_29 = arith.constant 0 : i32
    %add3A_30 = arith.addi %mul3A_2, %add3A_29 : i32
    %mul3A_31 = arith.constant 128 : i32
    %mul3A_32 = arith.muli %add3A_30, %mul3A_31 : i32
    %dma_start3A = arith.constant 0 : i32
    %dma_start3A_33 = arith.constant 0 : i32
    %dma_start3A_34 = tpu.memref_slice %arg4[%dma_start3A, %dma_start3A_33] : memref<4x128xi32, #tpu.memory_space<vmem>> -> memref<1x128xi32, #tpu.memory_space<vmem>>
    %dma_start3A_35 = tpu.memref_squeeze %dma_start3A_34 : memref<1x128xi32, #tpu.memory_space<vmem>> -> memref<128xi32, #tpu.memory_space<vmem>>
    %dma_start3A_36 = tpu.memref_slice %arg2[%mul3A_32] : memref<327680xi32, #tpu.memory_space<hbm>> -> memref<128xi32, #tpu.memory_space<hbm>>
    %dma_start3A_37 = arith.constant 0 : i32
    %dma_start3A_38 = tpu.memref_slice %arg4[%dma_start3A, %dma_start3A_37] : memref<4x128xi32, #tpu.memory_space<vmem>> -> memref<1x128xi32, #tpu.memory_space<vmem>>
    %dma_start3A_39 = tpu.memref_squeeze %dma_start3A_38 : memref<1x128xi32, #tpu.memory_space<vmem>> -> memref<128xi32, #tpu.memory_space<vmem>>
    %dma_start3A_40 = tpu.memref_slice %arg2[%mul3A_32] : memref<327680xi32, #tpu.memory_space<hbm>> -> memref<128xi32, #tpu.memory_space<hbm>>
    tpu.enqueue_dma source(%dma_start3A_40 : memref<128xi32, #tpu.memory_space<hbm>>) target(%dma_start3A_39 : memref<128xi32, #tpu.memory_space<vmem>>) target_semaphore(%arg7 : memref<!tpu.dma_semaphore, #tpu.memory_space<semaphore_mem>>)
    %add3A_41 = arith.constant 1 : i32
    %add3A_42 = arith.addi %mul3A_2, %add3A_41 : i32
    %mul3A_43 = arith.constant 128 : i32
    %mul3A_44 = arith.muli %add3A_42, %mul3A_43 : i32
    %dma_start3A_45 = arith.constant 1 : i32
    %dma_start3A_46 = arith.constant 0 : i32
    %dma_start3A_47 = tpu.memref_slice %arg4[%dma_start3A_45, %dma_start3A_46] : memref<4x128xi32, #tpu.memory_space<vmem>> -> memref<1x128xi32, #tpu.memory_space<vmem>>
    %dma_start3A_48 = tpu.memref_squeeze %dma_start3A_47 : memref<1x128xi32, #tpu.memory_space<vmem>> -> memref<128xi32, #tpu.memory_space<vmem>>
    %dma_start3A_49 = tpu.memref_slice %arg2[%mul3A_44] : memref<327680xi32, #tpu.memory_space<hbm>> -> memref<128xi32, #tpu.memory_space<hbm>>
    %dma_start3A_50 = arith.constant 0 : i32
    %dma_start3A_51 = tpu.memref_slice %arg4[%dma_start3A_45, %dma_start3A_50] : memref<4x128xi32, #tpu.memory_space<vmem>> -> memref<1x128xi32, #tpu.memory_space<vmem>>
    %dma_start3A_52 = tpu.memref_squeeze %dma_start3A_51 : memref<1x128xi32, #tpu.memory_space<vmem>> -> memref<128xi32, #tpu.memory_space<vmem>>
    %dma_start3A_53 = tpu.memref_slice %arg2[%mul3A_44] : memref<327680xi32, #tpu.memory_space<hbm>> -> memref<128xi32, #tpu.memory_space<hbm>>
    tpu.enqueue_dma source(%dma_start3A_53 : memref<128xi32, #tpu.memory_space<hbm>>) target(%dma_start3A_52 : memref<128xi32, #tpu.memory_space<vmem>>) target_semaphore(%arg8 : memref<!tpu.dma_semaphore, #tpu.memory_space<semaphore_mem>>)
    %scan3A_54 = arith.constant 0 : i32
    %scan3A_55 = arith.constant 0 : i32
    %scan3A_56 = arith.constant 20 : i32
    %scan3A_57 = arith.addi %scan3A_55, %scan3A_56 : i32
    %scan3A_58 = arith.constant 1 : i32
    scf.for %scan3A_74 = %scan3A_55 to %scan3A_57 step %scan3A_58  : i32 {
      %mul3A_75 = arith.constant 4 : i32
      %mul3A_76 = arith.muli %scan3A_74, %mul3A_75 : i32
      %add3A_77 = arith.constant 0 : i32
      %add3A_78 = arith.addi %mul3A_76, %add3A_77 : i32
      %add3A_79 = arith.addi %mul3A_2, %add3A_78 : i32
      %mul3A_80 = arith.constant 128 : i32
      %mul3A_81 = arith.muli %add3A_79, %mul3A_80 : i32
      %dma_wait3A_82 = arith.constant 0 : i32
      %dma_wait3A_83 = arith.constant 0 : i32
      %dma_wait3A_84 = tpu.memref_slice %arg4[%dma_wait3A_82, %dma_wait3A_83] : memref<4x128xi32, #tpu.memory_space<vmem>> -> memref<1x128xi32, #tpu.memory_space<vmem>>
      %dma_wait3A_85 = tpu.memref_squeeze %dma_wait3A_84 : memref<1x128xi32, #tpu.memory_space<vmem>> -> memref<128xi32, #tpu.memory_space<vmem>>
      %dma_wait3A_86 = tpu.memref_slice %arg2[%mul3A_81] : memref<327680xi32, #tpu.memory_space<hbm>> -> memref<128xi32, #tpu.memory_space<hbm>>
      %dma_wait3A_87 = arith.constant 0 : i32
      %dma_wait3A_88 = tpu.memref_slice %arg4[%dma_wait3A_82, %dma_wait3A_87] : memref<4x128xi32, #tpu.memory_space<vmem>> -> memref<1x128xi32, #tpu.memory_space<vmem>>
      %dma_wait3A_89 = tpu.memref_squeeze %dma_wait3A_88 : memref<1x128xi32, #tpu.memory_space<vmem>> -> memref<128xi32, #tpu.memory_space<vmem>>
      %dma_wait3A_90 = tpu.memref_slice %arg2[%mul3A_81] : memref<327680xi32, #tpu.memory_space<hbm>> -> memref<128xi32, #tpu.memory_space<hbm>>
      tpu.wait_dma2 semaphore(%arg7 : memref<!tpu.dma_semaphore, #tpu.memory_space<semaphore_mem>>) src(%dma_wait3A_90 : memref<128xi32, #tpu.memory_space<hbm>>) dst(%dma_wait3A_89 : memref<128xi32, #tpu.memory_space<vmem>>)
      %ge3A = arith.constant 2 : i32
      %ge3A_91 = arith.cmpi sge, %add3A_78, %ge3A : i32
      %convert_element_type3A = arith.extui %ge3A_91 : i1 to i32
      %cond3A = arith.constant 0 : i32
      %cond3A_92 = arith.cmpi ne, %convert_element_type3A, %cond3A : i32
      scf.if %cond3A_92 {
        %dma_wait3A_211 = arith.constant 2 : i32
        %dma_wait3A_212 = arith.constant 0 : i32
        %dma_wait3A_213 = tpu.memref_slice %arg4[%dma_wait3A_211, %dma_wait3A_212] : memref<4x128xi32, #tpu.memory_space<vmem>> -> memref<1x128xi32, #tpu.memory_space<vmem>>
        %dma_wait3A_214 = tpu.memref_squeeze %dma_wait3A_213 : memref<1x128xi32, #tpu.memory_space<vmem>> -> memref<128xi32, #tpu.memory_space<vmem>>
        %dma_wait3A_215 = arith.constant 0 : i32
        %dma_wait3A_216 = arith.constant 0 : i32
        %dma_wait3A_217 = tpu.memref_slice %arg6[%dma_wait3A_215, %dma_wait3A_216] : memref<10112x16xf32, #tpu.memory_space<vmem_shared>> -> memref<10112x16xf32, #tpu.memory_space<vmem_shared>>
        tpu.wait_indirect_dma semaphore(%arg11 : memref<!tpu.dma_semaphore, #tpu.memory_space<semaphore_mem>>) src(%arg5 : memref<128x16xf32, #tpu.memory_space<vmem>>) dst(%dma_wait3A_217 : memref<10112x16xf32, #tpu.memory_space<vmem_shared>>)
      } else {
      }
      %dma_start3A_93 = arith.constant 0 : i32
      %dma_start3A_94 = arith.constant 0 : i32
      %dma_start3A_95 = tpu.memref_slice %arg4[%dma_start3A_93, %dma_start3A_94] : memref<4x128xi32, #tpu.memory_space<vmem>> -> memref<1x128xi32, #tpu.memory_space<vmem>>
      %dma_start3A_96 = tpu.memref_squeeze %dma_start3A_95 : memref<1x128xi32, #tpu.memory_space<vmem>> -> memref<128xi32, #tpu.memory_space<vmem>>
      %dma_start3A_97 = arith.constant 0 : i32
      %dma_start3A_98 = arith.constant 0 : i32
      %dma_start3A_99 = tpu.memref_slice %arg6[%dma_start3A_97, %dma_start3A_98] : memref<10112x16xf32, #tpu.memory_space<vmem_shared>> -> memref<10112x16xf32, #tpu.memory_space<vmem_shared>>
      tpu.enqueue_indirect_dma source(%arg5 : memref<128x16xf32, #tpu.memory_space<vmem>>) target(%dma_start3A_99 : memref<10112x16xf32, #tpu.memory_space<vmem_shared>>) offsets(%dma_start3A_96 : memref<128xi32, #tpu.memory_space<vmem>>) semaphore(%arg11 : memref<!tpu.dma_semaphore, #tpu.memory_space<semaphore_mem>>) {add = true}
      %add3A_100 = arith.constant 2 : i32
      %add3A_101 = arith.addi %add3A_78, %add3A_100 : i32
      %lt3A = arith.constant 80 : i32
      %lt3A_102 = arith.cmpi slt, %add3A_101, %lt3A : i32
      %convert_element_type3A_103 = arith.extui %lt3A_102 : i1 to i32
      %cond3A_104 = arith.constant 0 : i32
      %cond3A_105 = arith.cmpi ne, %convert_element_type3A_103, %cond3A_104 : i32
      scf.if %cond3A_105 {
        %add3A_211 = arith.constant 2 : i32
        %add3A_212 = arith.addi %add3A_78, %add3A_211 : i32
        %add3A_213 = arith.addi %mul3A_2, %add3A_212 : i32
        %mul3A_214 = arith.constant 128 : i32
        %mul3A_215 = arith.muli %add3A_213, %mul3A_214 : i32
        %dma_start3A_216 = arith.constant 2 : i32
        %dma_start3A_217 = arith.constant 0 : i32
        %dma_start3A_218 = tpu.memref_slice %arg4[%dma_start3A_216, %dma_start3A_217] : memref<4x128xi32, #tpu.memory_space<vmem>> -> memref<1x128xi32, #tpu.memory_space<vmem>>
        %dma_start3A_219 = tpu.memref_squeeze %dma_start3A_218 : memref<1x128xi32, #tpu.memory_space<vmem>> -> memref<128xi32, #tpu.memory_space<vmem>>
        %dma_start3A_220 = tpu.memref_slice %arg2[%mul3A_215] : memref<327680xi32, #tpu.memory_space<hbm>> -> memref<128xi32, #tpu.memory_space<hbm>>
        %dma_start3A_221 = arith.constant 0 : i32
        %dma_start3A_222 = tpu.memref_slice %arg4[%dma_start3A_216, %dma_start3A_221] : memref<4x128xi32, #tpu.memory_space<vmem>> -> memref<1x128xi32, #tpu.memory_space<vmem>>
        %dma_start3A_223 = tpu.memref_squeeze %dma_start3A_222 : memref<1x128xi32, #tpu.memory_space<vmem>> -> memref<128xi32, #tpu.memory_space<vmem>>
        %dma_start3A_224 = tpu.memref_slice %arg2[%mul3A_215] : memref<327680xi32, #tpu.memory_space<hbm>> -> memref<128xi32, #tpu.memory_space<hbm>>
        tpu.enqueue_dma source(%dma_start3A_224 : memref<128xi32, #tpu.memory_space<hbm>>) target(%dma_start3A_223 : memref<128xi32, #tpu.memory_space<vmem>>) target_semaphore(%arg9 : memref<!tpu.dma_semaphore, #tpu.memory_space<semaphore_mem>>)
      } else {
      }
      %mul3A_106 = arith.constant 4 : i32
      %mul3A_107 = arith.muli %scan3A_74, %mul3A_106 : i32
      %add3A_108 = arith.constant 1 : i32
      %add3A_109 = arith.addi %mul3A_107, %add3A_108 : i32
      %add3A_110 = arith.addi %mul3A_2, %add3A_109 : i32
      %mul3A_111 = arith.constant 128 : i32
      %mul3A_112 = arith.muli %add3A_110, %mul3A_111 : i32
      %dma_wait3A_113 = arith.constant 1 : i32
      %dma_wait3A_114 = arith.constant 0 : i32
      %dma_wait3A_115 = tpu.memref_slice %arg4[%dma_wait3A_113, %dma_wait3A_114] : memref<4x128xi32, #tpu.memory_space<vmem>> -> memref<1x128xi32, #tpu.memory_space<vmem>>
      %dma_wait3A_116 = tpu.memref_squeeze %dma_wait3A_115 : memref<1x128xi32, #tpu.memory_space<vmem>> -> memref<128xi32, #tpu.memory_space<vmem>>
      %dma_wait3A_117 = tpu.memref_slice %arg2[%mul3A_112] : memref<327680xi32, #tpu.memory_space<hbm>> -> memref<128xi32, #tpu.memory_space<hbm>>
      %dma_wait3A_118 = arith.constant 0 : i32
      %dma_wait3A_119 = tpu.memref_slice %arg4[%dma_wait3A_113, %dma_wait3A_118] : memref<4x128xi32, #tpu.memory_space<vmem>> -> memref<1x128xi32, #tpu.memory_space<vmem>>
      %dma_wait3A_120 = tpu.memref_squeeze %dma_wait3A_119 : memref<1x128xi32, #tpu.memory_space<vmem>> -> memref<128xi32, #tpu.memory_space<vmem>>
      %dma_wait3A_121 = tpu.memref_slice %arg2[%mul3A_112] : memref<327680xi32, #tpu.memory_space<hbm>> -> memref<128xi32, #tpu.memory_space<hbm>>
      tpu.wait_dma2 semaphore(%arg8 : memref<!tpu.dma_semaphore, #tpu.memory_space<semaphore_mem>>) src(%dma_wait3A_121 : memref<128xi32, #tpu.memory_space<hbm>>) dst(%dma_wait3A_120 : memref<128xi32, #tpu.memory_space<vmem>>)
      %ge3A_122 = arith.constant 2 : i32
      %ge3A_123 = arith.cmpi sge, %add3A_109, %ge3A_122 : i32
      %convert_element_type3A_124 = arith.extui %ge3A_123 : i1 to i32
      %cond3A_125 = arith.constant 0 : i32
      %cond3A_126 = arith.cmpi ne, %convert_element_type3A_124, %cond3A_125 : i32
      scf.if %cond3A_126 {
        %dma_wait3A_211 = arith.constant 3 : i32
        %dma_wait3A_212 = arith.constant 0 : i32
        %dma_wait3A_213 = tpu.memref_slice %arg4[%dma_wait3A_211, %dma_wait3A_212] : memref<4x128xi32, #tpu.memory_space<vmem>> -> memref<1x128xi32, #tpu.memory_space<vmem>>
        %dma_wait3A_214 = tpu.memref_squeeze %dma_wait3A_213 : memref<1x128xi32, #tpu.memory_space<vmem>> -> memref<128xi32, #tpu.memory_space<vmem>>
        %dma_wait3A_215 = arith.constant 0 : i32
        %dma_wait3A_216 = arith.constant 0 : i32
        %dma_wait3A_217 = tpu.memref_slice %arg6[%dma_wait3A_215, %dma_wait3A_216] : memref<10112x16xf32, #tpu.memory_space<vmem_shared>> -> memref<10112x16xf32, #tpu.memory_space<vmem_shared>>
        tpu.wait_indirect_dma semaphore(%arg12 : memref<!tpu.dma_semaphore, #tpu.memory_space<semaphore_mem>>) src(%arg5 : memref<128x16xf32, #tpu.memory_space<vmem>>) dst(%dma_wait3A_217 : memref<10112x16xf32, #tpu.memory_space<vmem_shared>>)
      } else {
      }
      %dma_start3A_127 = arith.constant 1 : i32
      %dma_start3A_128 = arith.constant 0 : i32
      %dma_start3A_129 = tpu.memref_slice %arg4[%dma_start3A_127, %dma_start3A_128] : memref<4x128xi32, #tpu.memory_space<vmem>> -> memref<1x128xi32, #tpu.memory_space<vmem>>
      %dma_start3A_130 = tpu.memref_squeeze %dma_start3A_129 : memref<1x128xi32, #tpu.memory_space<vmem>> -> memref<128xi32, #tpu.memory_space<vmem>>
      %dma_start3A_131 = arith.constant 0 : i32
      %dma_start3A_132 = arith.constant 0 : i32
      %dma_start3A_133 = tpu.memref_slice %arg6[%dma_start3A_131, %dma_start3A_132] : memref<10112x16xf32, #tpu.memory_space<vmem_shared>> -> memref<10112x16xf32, #tpu.memory_space<vmem_shared>>
      tpu.enqueue_indirect_dma source(%arg5 : memref<128x16xf32, #tpu.memory_space<vmem>>) target(%dma_start3A_133 : memref<10112x16xf32, #tpu.memory_space<vmem_shared>>) offsets(%dma_start3A_130 : memref<128xi32, #tpu.memory_space<vmem>>) semaphore(%arg12 : memref<!tpu.dma_semaphore, #tpu.memory_space<semaphore_mem>>) {add = true}
      %add3A_134 = arith.constant 2 : i32
      %add3A_135 = arith.addi %add3A_109, %add3A_134 : i32
      %lt3A_136 = arith.constant 80 : i32
      %lt3A_137 = arith.cmpi slt, %add3A_135, %lt3A_136 : i32
      %convert_element_type3A_138 = arith.extui %lt3A_137 : i1 to i32
      %cond3A_139 = arith.constant 0 : i32
      %cond3A_140 = arith.cmpi ne, %convert_element_type3A_138, %cond3A_139 : i32
      scf.if %cond3A_140 {
        %add3A_211 = arith.constant 2 : i32
        %add3A_212 = arith.addi %add3A_109, %add3A_211 : i32
        %add3A_213 = arith.addi %mul3A_2, %add3A_212 : i32
        %mul3A_214 = arith.constant 128 : i32
        %mul3A_215 = arith.muli %add3A_213, %mul3A_214 : i32
        %dma_start3A_216 = arith.constant 3 : i32
        %dma_start3A_217 = arith.constant 0 : i32
        %dma_start3A_218 = tpu.memref_slice %arg4[%dma_start3A_216, %dma_start3A_217] : memref<4x128xi32, #tpu.memory_space<vmem>> -> memref<1x128xi32, #tpu.memory_space<vmem>>
        %dma_start3A_219 = tpu.memref_squeeze %dma_start3A_218 : memref<1x128xi32, #tpu.memory_space<vmem>> -> memref<128xi32, #tpu.memory_space<vmem>>
        %dma_start3A_220 = tpu.memref_slice %arg2[%mul3A_215] : memref<327680xi32, #tpu.memory_space<hbm>> -> memref<128xi32, #tpu.memory_space<hbm>>
        %dma_start3A_221 = arith.constant 0 : i32
        %dma_start3A_222 = tpu.memref_slice %arg4[%dma_start3A_216, %dma_start3A_221] : memref<4x128xi32, #tpu.memory_space<vmem>> -> memref<1x128xi32, #tpu.memory_space<vmem>>
        %dma_start3A_223 = tpu.memref_squeeze %dma_start3A_222 : memref<1x128xi32, #tpu.memory_space<vmem>> -> memref<128xi32, #tpu.memory_space<vmem>>
        %dma_start3A_224 = tpu.memref_slice %arg2[%mul3A_215] : memref<327680xi32, #tpu.memory_space<hbm>> -> memref<128xi32, #tpu.memory_space<hbm>>
        tpu.enqueue_dma source(%dma_start3A_224 : memref<128xi32, #tpu.memory_space<hbm>>) target(%dma_start3A_223 : memref<128xi32, #tpu.memory_space<vmem>>) target_semaphore(%arg10 : memref<!tpu.dma_semaphore, #tpu.memory_space<semaphore_mem>>)
      } else {
      }
      %mul3A_141 = arith.constant 4 : i32
      %mul3A_142 = arith.muli %scan3A_74, %mul3A_141 : i32
      %add3A_143 = arith.constant 2 : i32
      %add3A_144 = arith.addi %mul3A_142, %add3A_143 : i32
      %add3A_145 = arith.addi %mul3A_2, %add3A_144 : i32
      %mul3A_146 = arith.constant 128 : i32
      %mul3A_147 = arith.muli %add3A_145, %mul3A_146 : i32
      %dma_wait3A_148 = arith.constant 2 : i32
      %dma_wait3A_149 = arith.constant 0 : i32
      %dma_wait3A_150 = tpu.memref_slice %arg4[%dma_wait3A_148, %dma_wait3A_149] : memref<4x128xi32, #tpu.memory_space<vmem>> -> memref<1x128xi32, #tpu.memory_space<vmem>>
      %dma_wait3A_151 = tpu.memref_squeeze %dma_wait3A_150 : memref<1x128xi32, #tpu.memory_space<vmem>> -> memref<128xi32, #tpu.memory_space<vmem>>
      %dma_wait3A_152 = tpu.memref_slice %arg2[%mul3A_147] : memref<327680xi32, #tpu.memory_space<hbm>> -> memref<128xi32, #tpu.memory_space<hbm>>
      %dma_wait3A_153 = arith.constant 0 : i32
      %dma_wait3A_154 = tpu.memref_slice %arg4[%dma_wait3A_148, %dma_wait3A_153] : memref<4x128xi32, #tpu.memory_space<vmem>> -> memref<1x128xi32, #tpu.memory_space<vmem>>
      %dma_wait3A_155 = tpu.memref_squeeze %dma_wait3A_154 : memref<1x128xi32, #tpu.memory_space<vmem>> -> memref<128xi32, #tpu.memory_space<vmem>>
      %dma_wait3A_156 = tpu.memref_slice %arg2[%mul3A_147] : memref<327680xi32, #tpu.memory_space<hbm>> -> memref<128xi32, #tpu.memory_space<hbm>>
      tpu.wait_dma2 semaphore(%arg9 : memref<!tpu.dma_semaphore, #tpu.memory_space<semaphore_mem>>) src(%dma_wait3A_156 : memref<128xi32, #tpu.memory_space<hbm>>) dst(%dma_wait3A_155 : memref<128xi32, #tpu.memory_space<vmem>>)
      %ge3A_157 = arith.constant 2 : i32
      %ge3A_158 = arith.cmpi sge, %add3A_144, %ge3A_157 : i32
      %convert_element_type3A_159 = arith.extui %ge3A_158 : i1 to i32
      %cond3A_160 = arith.constant 0 : i32
      %cond3A_161 = arith.cmpi ne, %convert_element_type3A_159, %cond3A_160 : i32
      scf.if %cond3A_161 {
        %dma_wait3A_211 = arith.constant 0 : i32
        %dma_wait3A_212 = arith.constant 0 : i32
        %dma_wait3A_213 = tpu.memref_slice %arg4[%dma_wait3A_211, %dma_wait3A_212] : memref<4x128xi32, #tpu.memory_space<vmem>> -> memref<1x128xi32, #tpu.memory_space<vmem>>
        %dma_wait3A_214 = tpu.memref_squeeze %dma_wait3A_213 : memref<1x128xi32, #tpu.memory_space<vmem>> -> memref<128xi32, #tpu.memory_space<vmem>>
        %dma_wait3A_215 = arith.constant 0 : i32
        %dma_wait3A_216 = arith.constant 0 : i32
        %dma_wait3A_217 = tpu.memref_slice %arg6[%dma_wait3A_215, %dma_wait3A_216] : memref<10112x16xf32, #tpu.memory_space<vmem_shared>> -> memref<10112x16xf32, #tpu.memory_space<vmem_shared>>
        tpu.wait_indirect_dma semaphore(%arg11 : memref<!tpu.dma_semaphore, #tpu.memory_space<semaphore_mem>>) src(%arg5 : memref<128x16xf32, #tpu.memory_space<vmem>>) dst(%dma_wait3A_217 : memref<10112x16xf32, #tpu.memory_space<vmem_shared>>)
      } else {
      }
      %dma_start3A_162 = arith.constant 2 : i32
      %dma_start3A_163 = arith.constant 0 : i32
      %dma_start3A_164 = tpu.memref_slice %arg4[%dma_start3A_162, %dma_start3A_163] : memref<4x128xi32, #tpu.memory_space<vmem>> -> memref<1x128xi32, #tpu.memory_space<vmem>>
      %dma_start3A_165 = tpu.memref_squeeze %dma_start3A_164 : memref<1x128xi32, #tpu.memory_space<vmem>> -> memref<128xi32, #tpu.memory_space<vmem>>
      %dma_start3A_166 = arith.constant 0 : i32
      %dma_start3A_167 = arith.constant 0 : i32
      %dma_start3A_168 = tpu.memref_slice %arg6[%dma_start3A_166, %dma_start3A_167] : memref<10112x16xf32, #tpu.memory_space<vmem_shared>> -> memref<10112x16xf32, #tpu.memory_space<vmem_shared>>
      tpu.enqueue_indirect_dma source(%arg5 : memref<128x16xf32, #tpu.memory_space<vmem>>) target(%dma_start3A_168 : memref<10112x16xf32, #tpu.memory_space<vmem_shared>>) offsets(%dma_start3A_165 : memref<128xi32, #tpu.memory_space<vmem>>) semaphore(%arg11 : memref<!tpu.dma_semaphore, #tpu.memory_space<semaphore_mem>>) {add = true}
      %add3A_169 = arith.constant 2 : i32
      %add3A_170 = arith.addi %add3A_144, %add3A_169 : i32
      %lt3A_171 = arith.constant 80 : i32
      %lt3A_172 = arith.cmpi slt, %add3A_170, %lt3A_171 : i32
      %convert_element_type3A_173 = arith.extui %lt3A_172 : i1 to i32
      %cond3A_174 = arith.constant 0 : i32
      %cond3A_175 = arith.cmpi ne, %convert_element_type3A_173, %cond3A_174 : i32
      scf.if %cond3A_175 {
        %add3A_211 = arith.constant 2 : i32
        %add3A_212 = arith.addi %add3A_144, %add3A_211 : i32
        %add3A_213 = arith.addi %mul3A_2, %add3A_212 : i32
        %mul3A_214 = arith.constant 128 : i32
        %mul3A_215 = arith.muli %add3A_213, %mul3A_214 : i32
        %dma_start3A_216 = arith.constant 0 : i32
        %dma_start3A_217 = arith.constant 0 : i32
        %dma_start3A_218 = tpu.memref_slice %arg4[%dma_start3A_216, %dma_start3A_217] : memref<4x128xi32, #tpu.memory_space<vmem>> -> memref<1x128xi32, #tpu.memory_space<vmem>>
        %dma_start3A_219 = tpu.memref_squeeze %dma_start3A_218 : memref<1x128xi32, #tpu.memory_space<vmem>> -> memref<128xi32, #tpu.memory_space<vmem>>
        %dma_start3A_220 = tpu.memref_slice %arg2[%mul3A_215] : memref<327680xi32, #tpu.memory_space<hbm>> -> memref<128xi32, #tpu.memory_space<hbm>>
        %dma_start3A_221 = arith.constant 0 : i32
        %dma_start3A_222 = tpu.memref_slice %arg4[%dma_start3A_216, %dma_start3A_221] : memref<4x128xi32, #tpu.memory_space<vmem>> -> memref<1x128xi32, #tpu.memory_space<vmem>>
        %dma_start3A_223 = tpu.memref_squeeze %dma_start3A_222 : memref<1x128xi32, #tpu.memory_space<vmem>> -> memref<128xi32, #tpu.memory_space<vmem>>
        %dma_start3A_224 = tpu.memref_slice %arg2[%mul3A_215] : memref<327680xi32, #tpu.memory_space<hbm>> -> memref<128xi32, #tpu.memory_space<hbm>>
        tpu.enqueue_dma source(%dma_start3A_224 : memref<128xi32, #tpu.memory_space<hbm>>) target(%dma_start3A_223 : memref<128xi32, #tpu.memory_space<vmem>>) target_semaphore(%arg7 : memref<!tpu.dma_semaphore, #tpu.memory_space<semaphore_mem>>)
      } else {
      }
      %mul3A_176 = arith.constant 4 : i32
      %mul3A_177 = arith.muli %scan3A_74, %mul3A_176 : i32
      %add3A_178 = arith.constant 3 : i32
      %add3A_179 = arith.addi %mul3A_177, %add3A_178 : i32
      %add3A_180 = arith.addi %mul3A_2, %add3A_179 : i32
      %mul3A_181 = arith.constant 128 : i32
      %mul3A_182 = arith.muli %add3A_180, %mul3A_181 : i32
      %dma_wait3A_183 = arith.constant 3 : i32
      %dma_wait3A_184 = arith.constant 0 : i32
      %dma_wait3A_185 = tpu.memref_slice %arg4[%dma_wait3A_183, %dma_wait3A_184] : memref<4x128xi32, #tpu.memory_space<vmem>> -> memref<1x128xi32, #tpu.memory_space<vmem>>
      %dma_wait3A_186 = tpu.memref_squeeze %dma_wait3A_185 : memref<1x128xi32, #tpu.memory_space<vmem>> -> memref<128xi32, #tpu.memory_space<vmem>>
      %dma_wait3A_187 = tpu.memref_slice %arg2[%mul3A_182] : memref<327680xi32, #tpu.memory_space<hbm>> -> memref<128xi32, #tpu.memory_space<hbm>>
      %dma_wait3A_188 = arith.constant 0 : i32
      %dma_wait3A_189 = tpu.memref_slice %arg4[%dma_wait3A_183, %dma_wait3A_188] : memref<4x128xi32, #tpu.memory_space<vmem>> -> memref<1x128xi32, #tpu.memory_space<vmem>>
      %dma_wait3A_190 = tpu.memref_squeeze %dma_wait3A_189 : memref<1x128xi32, #tpu.memory_space<vmem>> -> memref<128xi32, #tpu.memory_space<vmem>>
      %dma_wait3A_191 = tpu.memref_slice %arg2[%mul3A_182] : memref<327680xi32, #tpu.memory_space<hbm>> -> memref<128xi32, #tpu.memory_space<hbm>>
      tpu.wait_dma2 semaphore(%arg10 : memref<!tpu.dma_semaphore, #tpu.memory_space<semaphore_mem>>) src(%dma_wait3A_191 : memref<128xi32, #tpu.memory_space<hbm>>) dst(%dma_wait3A_190 : memref<128xi32, #tpu.memory_space<vmem>>)
      %ge3A_192 = arith.constant 2 : i32
      %ge3A_193 = arith.cmpi sge, %add3A_179, %ge3A_192 : i32
      %convert_element_type3A_194 = arith.extui %ge3A_193 : i1 to i32
      %cond3A_195 = arith.constant 0 : i32
      %cond3A_196 = arith.cmpi ne, %convert_element_type3A_194, %cond3A_195 : i32
      scf.if %cond3A_196 {
        %dma_wait3A_211 = arith.constant 1 : i32
        %dma_wait3A_212 = arith.constant 0 : i32
        %dma_wait3A_213 = tpu.memref_slice %arg4[%dma_wait3A_211, %dma_wait3A_212] : memref<4x128xi32, #tpu.memory_space<vmem>> -> memref<1x128xi32, #tpu.memory_space<vmem>>
        %dma_wait3A_214 = tpu.memref_squeeze %dma_wait3A_213 : memref<1x128xi32, #tpu.memory_space<vmem>> -> memref<128xi32, #tpu.memory_space<vmem>>
        %dma_wait3A_215 = arith.constant 0 : i32
        %dma_wait3A_216 = arith.constant 0 : i32
        %dma_wait3A_217 = tpu.memref_slice %arg6[%dma_wait3A_215, %dma_wait3A_216] : memref<10112x16xf32, #tpu.memory_space<vmem_shared>> -> memref<10112x16xf32, #tpu.memory_space<vmem_shared>>
        tpu.wait_indirect_dma semaphore(%arg12 : memref<!tpu.dma_semaphore, #tpu.memory_space<semaphore_mem>>) src(%arg5 : memref<128x16xf32, #tpu.memory_space<vmem>>) dst(%dma_wait3A_217 : memref<10112x16xf32, #tpu.memory_space<vmem_shared>>)
      } else {
      }
      %dma_start3A_197 = arith.constant 3 : i32
      %dma_start3A_198 = arith.constant 0 : i32
      %dma_start3A_199 = tpu.memref_slice %arg4[%dma_start3A_197, %dma_start3A_198] : memref<4x128xi32, #tpu.memory_space<vmem>> -> memref<1x128xi32, #tpu.memory_space<vmem>>
      %dma_start3A_200 = tpu.memref_squeeze %dma_start3A_199 : memref<1x128xi32, #tpu.memory_space<vmem>> -> memref<128xi32, #tpu.memory_space<vmem>>
      %dma_start3A_201 = arith.constant 0 : i32
      %dma_start3A_202 = arith.constant 0 : i32
      %dma_start3A_203 = tpu.memref_slice %arg6[%dma_start3A_201, %dma_start3A_202] : memref<10112x16xf32, #tpu.memory_space<vmem_shared>> -> memref<10112x16xf32, #tpu.memory_space<vmem_shared>>
      tpu.enqueue_indirect_dma source(%arg5 : memref<128x16xf32, #tpu.memory_space<vmem>>) target(%dma_start3A_203 : memref<10112x16xf32, #tpu.memory_space<vmem_shared>>) offsets(%dma_start3A_200 : memref<128xi32, #tpu.memory_space<vmem>>) semaphore(%arg12 : memref<!tpu.dma_semaphore, #tpu.memory_space<semaphore_mem>>) {add = true}
      %add3A_204 = arith.constant 2 : i32
      %add3A_205 = arith.addi %add3A_179, %add3A_204 : i32
      %lt3A_206 = arith.constant 80 : i32
      %lt3A_207 = arith.cmpi slt, %add3A_205, %lt3A_206 : i32
      %convert_element_type3A_208 = arith.extui %lt3A_207 : i1 to i32
      %cond3A_209 = arith.constant 0 : i32
      %cond3A_210 = arith.cmpi ne, %convert_element_type3A_208, %cond3A_209 : i32
      scf.if %cond3A_210 {
        %add3A_211 = arith.constant 2 : i32
        %add3A_212 = arith.addi %add3A_179, %add3A_211 : i32
        %add3A_213 = arith.addi %mul3A_2, %add3A_212 : i32
        %mul3A_214 = arith.constant 128 : i32
        %mul3A_215 = arith.muli %add3A_213, %mul3A_214 : i32
        %dma_start3A_216 = arith.constant 1 : i32
        %dma_start3A_217 = arith.constant 0 : i32
        %dma_start3A_218 = tpu.memref_slice %arg4[%dma_start3A_216, %dma_start3A_217] : memref<4x128xi32, #tpu.memory_space<vmem>> -> memref<1x128xi32, #tpu.memory_space<vmem>>
        %dma_start3A_219 = tpu.memref_squeeze %dma_start3A_218 : memref<1x128xi32, #tpu.memory_space<vmem>> -> memref<128xi32, #tpu.memory_space<vmem>>
        %dma_start3A_220 = tpu.memref_slice %arg2[%mul3A_215] : memref<327680xi32, #tpu.memory_space<hbm>> -> memref<128xi32, #tpu.memory_space<hbm>>
        %dma_start3A_221 = arith.constant 0 : i32
        %dma_start3A_222 = tpu.memref_slice %arg4[%dma_start3A_216, %dma_start3A_221] : memref<4x128xi32, #tpu.memory_space<vmem>> -> memref<1x128xi32, #tpu.memory_space<vmem>>
        %dma_start3A_223 = tpu.memref_squeeze %dma_start3A_222 : memref<1x128xi32, #tpu.memory_space<vmem>> -> memref<128xi32, #tpu.memory_space<vmem>>
        %dma_start3A_224 = tpu.memref_slice %arg2[%mul3A_215] : memref<327680xi32, #tpu.memory_space<hbm>> -> memref<128xi32, #tpu.memory_space<hbm>>
        tpu.enqueue_dma source(%dma_start3A_224 : memref<128xi32, #tpu.memory_space<hbm>>) target(%dma_start3A_223 : memref<128xi32, #tpu.memory_space<vmem>>) target_semaphore(%arg8 : memref<!tpu.dma_semaphore, #tpu.memory_space<semaphore_mem>>)
      } else {
      }
    }
    %scan3A_59 = arith.constant 20 : i32
    %dma_wait3A = arith.constant 2 : i32
    %dma_wait3A_60 = arith.constant 0 : i32
    %dma_wait3A_61 = tpu.memref_slice %arg4[%dma_wait3A, %dma_wait3A_60] : memref<4x128xi32, #tpu.memory_space<vmem>> -> memref<1x128xi32, #tpu.memory_space<vmem>>
    %dma_wait3A_62 = tpu.memref_squeeze %dma_wait3A_61 : memref<1x128xi32, #tpu.memory_space<vmem>> -> memref<128xi32, #tpu.memory_space<vmem>>
    %dma_wait3A_63 = arith.constant 0 : i32
    %dma_wait3A_64 = arith.constant 0 : i32
    %dma_wait3A_65 = tpu.memref_slice %arg6[%dma_wait3A_63, %dma_wait3A_64] : memref<10112x16xf32, #tpu.memory_space<vmem_shared>> -> memref<10112x16xf32, #tpu.memory_space<vmem_shared>>
    tpu.wait_indirect_dma semaphore(%arg11 : memref<!tpu.dma_semaphore, #tpu.memory_space<semaphore_mem>>) src(%arg5 : memref<128x16xf32, #tpu.memory_space<vmem>>) dst(%dma_wait3A_65 : memref<10112x16xf32, #tpu.memory_space<vmem_shared>>)
    %dma_wait3A_66 = arith.constant 3 : i32
    %dma_wait3A_67 = arith.constant 0 : i32
    %dma_wait3A_68 = tpu.memref_slice %arg4[%dma_wait3A_66, %dma_wait3A_67] : memref<4x128xi32, #tpu.memory_space<vmem>> -> memref<1x128xi32, #tpu.memory_space<vmem>>
    %dma_wait3A_69 = tpu.memref_squeeze %dma_wait3A_68 : memref<1x128xi32, #tpu.memory_space<vmem>> -> memref<128xi32, #tpu.memory_space<vmem>>
    %dma_wait3A_70 = arith.constant 0 : i32
    %dma_wait3A_71 = arith.constant 0 : i32
    %dma_wait3A_72 = tpu.memref_slice %arg6[%dma_wait3A_70, %dma_wait3A_71] : memref<10112x16xf32, #tpu.memory_space<vmem_shared>> -> memref<10112x16xf32, #tpu.memory_space<vmem_shared>>
    tpu.wait_indirect_dma semaphore(%arg12 : memref<!tpu.dma_semaphore, #tpu.memory_space<semaphore_mem>>) src(%arg5 : memref<128x16xf32, #tpu.memory_space<vmem>>) dst(%dma_wait3A_72 : memref<10112x16xf32, #tpu.memory_space<vmem_shared>>)
    %barrier3A_73 = arith.constant 0 : index
    tpu.barrier barrier_id(%barrier3A_73)
    "tpu.region"() ({
      %run_scoped3A = tpu.sem_alloc : memref<!tpu.dma_semaphore, #tpu.memory_space<semaphore_mem>>
      %dma_start3A_74 = arith.constant 0 : i32
      %dma_start3A_75 = tpu.memref_slice %arg3[%arg0, %mul3A_4, %dma_start3A_74] : memref<2x10112x16xf32, #tpu.memory_space<hbm>> -> memref<1x632x16xf32, #tpu.memory_space<hbm>>
      %dma_start3A_76 = tpu.memref_squeeze %dma_start3A_75 : memref<1x632x16xf32, #tpu.memory_space<hbm>> -> memref<632x16xf32, #tpu.memory_space<hbm>>
      %dma_start3A_77 = arith.constant 0 : i32
      %dma_start3A_78 = tpu.memref_slice %arg6[%mul3A_4, %dma_start3A_77] : memref<10112x16xf32, #tpu.memory_space<vmem_shared>> -> memref<632x16xf32, #tpu.memory_space<vmem_shared>>
      tpu.enqueue_dma source(%dma_start3A_78 : memref<632x16xf32, #tpu.memory_space<vmem_shared>>) target(%dma_start3A_76 : memref<632x16xf32, #tpu.memory_space<hbm>>) target_semaphore(%run_scoped3A : memref<!tpu.dma_semaphore, #tpu.memory_space<semaphore_mem>>)
      %dma_wait3A_79 = arith.constant 0 : i32
      %dma_wait3A_80 = tpu.memref_slice %arg3[%arg0, %mul3A_4, %dma_wait3A_79] : memref<2x10112x16xf32, #tpu.memory_space<hbm>> -> memref<1x632x16xf32, #tpu.memory_space<hbm>>
      %dma_wait3A_81 = tpu.memref_squeeze %dma_wait3A_80 : memref<1x632x16xf32, #tpu.memory_space<hbm>> -> memref<632x16xf32, #tpu.memory_space<hbm>>
      %dma_wait3A_82 = arith.constant 0 : i32
      %dma_wait3A_83 = tpu.memref_slice %arg6[%mul3A_4, %dma_wait3A_82] : memref<10112x16xf32, #tpu.memory_space<vmem_shared>> -> memref<632x16xf32, #tpu.memory_space<vmem_shared>>
      tpu.wait_dma2 semaphore(%run_scoped3A : memref<!tpu.dma_semaphore, #tpu.memory_space<semaphore_mem>>) src(%dma_wait3A_83 : memref<632x16xf32, #tpu.memory_space<vmem_shared>>) dst(%dma_wait3A_81 : memref<632x16xf32, #tpu.memory_space<hbm>>)
      tpu.yield
    }) : () -> ()
    return
  }
}

#map = affine_map<(d0, d1) -> (0, 0)>
#map1 = affine_map<(d0, d1) -> (0)>
#map2 = affine_map<(d0, d1) -> (0, 0, 0)>
module attributes {stable_mosaic.version = 14 : i64} {
  func.func @prop_kernel(%arg0: i32, %arg1: i32, %arg2: memref<10112x128xf32, #tpu.memory_space<hbm>>, %arg3: memref<327680xi32, #tpu.memory_space<hbm>>, %arg4: memref<327680xi32, #tpu.memory_space<hbm>>, %arg5: memref<2x10112x128xf32, #tpu.memory_space<hbm>>, %arg6: memref<4x128xi32, #tpu.memory_space<vmem>>, %arg7: memref<2x128xi32, #tpu.memory_space<vmem>>, %arg8: memref<2x128x128xf32, #tpu.memory_space<vmem>>, %arg9: memref<10112x128xf32, #tpu.memory_space<vmem_shared>>, %arg10: memref<!tpu.dma_semaphore, #tpu.memory_space<semaphore_mem>>, %arg11: memref<!tpu.dma_semaphore, #tpu.memory_space<semaphore_mem>>, %arg12: memref<!tpu.dma_semaphore, #tpu.memory_space<semaphore_mem>>, %arg13: memref<!tpu.dma_semaphore, #tpu.memory_space<semaphore_mem>>, %arg14: memref<!tpu.dma_semaphore, #tpu.memory_space<semaphore_mem>>, %arg15: memref<!tpu.dma_semaphore, #tpu.memory_space<semaphore_mem>>, %arg16: memref<!tpu.dma_semaphore, #tpu.memory_space<semaphore_mem>>, %arg17: memref<!tpu.dma_semaphore, #tpu.memory_space<semaphore_mem>>) attributes {dimension_semantics = [#tpu.dimension_semantics<core_parallel>, #tpu.dimension_semantics<subcore_parallel>], iteration_bounds = array<i64: 2, 16>, scalar_prefetch = 0 : i64, scratch_operands = 12 : i64, tpu.core_type = #tpu.core_type<sc_vector_subcore>, window_params = [{transform_indices = #map}, {transform_indices = #map1}, {transform_indices = #map1}, {transform_indices = #map2}]} {
    %mul3A = arith.constant 16 : i32
    %mul3A_0 = arith.muli %arg0, %mul3A : i32
    %add3A = arith.addi %mul3A_0, %arg1 : i32
    %mul3A_1 = arith.constant 80 : i32
    %mul3A_2 = arith.muli %add3A, %mul3A_1 : i32
    %mul3A_3 = arith.constant 632 : i32
    %mul3A_4 = arith.muli %arg1, %mul3A_3 : i32
    %broadcast_in_dim3A = arith.constant 0.000000e+00 : f32
    %broadcast_in_dim3A_5 = vector.broadcast %broadcast_in_dim3A : f32 to vector<16xf32>
    %scan3A = arith.constant 0 : i32
    %scan3A_6 = arith.constant 0 : i32
    %scan3A_7 = arith.constant 0 : i32
    %scan3A_8 = arith.constant 128 : i32
    %scan3A_9 = arith.addi %scan3A_7, %scan3A_8 : i32
    %scan3A_10 = arith.constant 1 : i32
    scf.for %scan3A_159 = %scan3A_7 to %scan3A_9 step %scan3A_10  : i32 {
      %swap3A = arith.constant 0 : i32
      %swap3A_160 = arith.constant 0 : i32
      %swap3A_161 = tpu.memref_slice %arg8[%scan3A_6, %swap3A, %swap3A_160] : memref<2x128x128xf32, #tpu.memory_space<vmem>> -> memref<1x128x128xf32, #tpu.memory_space<vmem>>
      %swap3A_162 = tpu.memref_squeeze %swap3A_161 : memref<1x128x128xf32, #tpu.memory_space<vmem>> -> memref<128x128xf32, #tpu.memory_space<vmem>>
      %swap3A_163 = arith.index_cast %scan3A_159 : i32 to index
      %swap3A_164 = arith.constant 0 : index
      %swap3A_165 = tpu.vector_load %swap3A_162[%swap3A_163, %swap3A_164] {strides = array<i32>} : memref<128x128xf32, #tpu.memory_space<vmem>>, vector<1x16xf32>,
      %swap3A_166 = vector.shape_cast %swap3A_165 : vector<1x16xf32> to vector<16xf32>
      %swap3A_167 = vector.shape_cast %broadcast_in_dim3A_5 : vector<16xf32> to vector<1x16xf32>
      tpu.vector_store %swap3A_162[%swap3A_163, %swap3A_164], %swap3A_167 {strides = array<i32>} : memref<128x128xf32, #tpu.memory_space<vmem>>, vector<1x16xf32>,
      %swap3A_168 = arith.constant 0 : i32
      %swap3A_169 = arith.constant 0 : i32
      %swap3A_170 = tpu.memref_slice %arg8[%scan3A_6, %swap3A_168, %swap3A_169] : memref<2x128x128xf32, #tpu.memory_space<vmem>> -> memref<1x128x128xf32, #tpu.memory_space<vmem>>
      %swap3A_171 = tpu.memref_squeeze %swap3A_170 : memref<1x128x128xf32, #tpu.memory_space<vmem>> -> memref<128x128xf32, #tpu.memory_space<vmem>>
      %swap3A_172 = arith.index_cast %scan3A_159 : i32 to index
      %swap3A_173 = arith.constant 16 : index
      %swap3A_174 = tpu.vector_load %swap3A_171[%swap3A_172, %swap3A_173] {strides = array<i32>} : memref<128x128xf32, #tpu.memory_space<vmem>>, vector<1x16xf32>,
      %swap3A_175 = vector.shape_cast %swap3A_174 : vector<1x16xf32> to vector<16xf32>
      %swap3A_176 = vector.shape_cast %broadcast_in_dim3A_5 : vector<16xf32> to vector<1x16xf32>
      tpu.vector_store %swap3A_171[%swap3A_172, %swap3A_173], %swap3A_176 {strides = array<i32>} : memref<128x128xf32, #tpu.memory_space<vmem>>, vector<1x16xf32>,
      %swap3A_177 = arith.constant 0 : i32
      %swap3A_178 = arith.constant 0 : i32
      %swap3A_179 = tpu.memref_slice %arg8[%scan3A_6, %swap3A_177, %swap3A_178] : memref<2x128x128xf32, #tpu.memory_space<vmem>> -> memref<1x128x128xf32, #tpu.memory_space<vmem>>
      %swap3A_180 = tpu.memref_squeeze %swap3A_179 : memref<1x128x128xf32, #tpu.memory_space<vmem>> -> memref<128x128xf32, #tpu.memory_space<vmem>>
      %swap3A_181 = arith.index_cast %scan3A_159 : i32 to index
      %swap3A_182 = arith.constant 32 : index
      %swap3A_183 = tpu.vector_load %swap3A_180[%swap3A_181, %swap3A_182] {strides = array<i32>} : memref<128x128xf32, #tpu.memory_space<vmem>>, vector<1x16xf32>,
      %swap3A_184 = vector.shape_cast %swap3A_183 : vector<1x16xf32> to vector<16xf32>
      %swap3A_185 = vector.shape_cast %broadcast_in_dim3A_5 : vector<16xf32> to vector<1x16xf32>
      tpu.vector_store %swap3A_180[%swap3A_181, %swap3A_182], %swap3A_185 {strides = array<i32>} : memref<128x128xf32, #tpu.memory_space<vmem>>, vector<1x16xf32>,
      %swap3A_186 = arith.constant 0 : i32
      %swap3A_187 = arith.constant 0 : i32
      %swap3A_188 = tpu.memref_slice %arg8[%scan3A_6, %swap3A_186, %swap3A_187] : memref<2x128x128xf32, #tpu.memory_space<vmem>> -> memref<1x128x128xf32, #tpu.memory_space<vmem>>
      %swap3A_189 = tpu.memref_squeeze %swap3A_188 : memref<1x128x128xf32, #tpu.memory_space<vmem>> -> memref<128x128xf32, #tpu.memory_space<vmem>>
      %swap3A_190 = arith.index_cast %scan3A_159 : i32 to index
      %swap3A_191 = arith.constant 48 : index
      %swap3A_192 = tpu.vector_load %swap3A_189[%swap3A_190, %swap3A_191] {strides = array<i32>} : memref<128x128xf32, #tpu.memory_space<vmem>>, vector<1x16xf32>,
      %swap3A_193 = vector.shape_cast %swap3A_192 : vector<1x16xf32> to vector<16xf32>
      %swap3A_194 = vector.shape_cast %broadcast_in_dim3A_5 : vector<16xf32> to vector<1x16xf32>
      tpu.vector_store %swap3A_189[%swap3A_190, %swap3A_191], %swap3A_194 {strides = array<i32>} : memref<128x128xf32, #tpu.memory_space<vmem>>, vector<1x16xf32>,
      %swap3A_195 = arith.constant 0 : i32
      %swap3A_196 = arith.constant 0 : i32
      %swap3A_197 = tpu.memref_slice %arg8[%scan3A_6, %swap3A_195, %swap3A_196] : memref<2x128x128xf32, #tpu.memory_space<vmem>> -> memref<1x128x128xf32, #tpu.memory_space<vmem>>
      %swap3A_198 = tpu.memref_squeeze %swap3A_197 : memref<1x128x128xf32, #tpu.memory_space<vmem>> -> memref<128x128xf32, #tpu.memory_space<vmem>>
      %swap3A_199 = arith.index_cast %scan3A_159 : i32 to index
      %swap3A_200 = arith.constant 64 : index
      %swap3A_201 = tpu.vector_load %swap3A_198[%swap3A_199, %swap3A_200] {strides = array<i32>} : memref<128x128xf32, #tpu.memory_space<vmem>>, vector<1x16xf32>,
      %swap3A_202 = vector.shape_cast %swap3A_201 : vector<1x16xf32> to vector<16xf32>
      %swap3A_203 = vector.shape_cast %broadcast_in_dim3A_5 : vector<16xf32> to vector<1x16xf32>
      tpu.vector_store %swap3A_198[%swap3A_199, %swap3A_200], %swap3A_203 {strides = array<i32>} : memref<128x128xf32, #tpu.memory_space<vmem>>, vector<1x16xf32>,
      %swap3A_204 = arith.constant 0 : i32
      %swap3A_205 = arith.constant 0 : i32
      %swap3A_206 = tpu.memref_slice %arg8[%scan3A_6, %swap3A_204, %swap3A_205] : memref<2x128x128xf32, #tpu.memory_space<vmem>> -> memref<1x128x128xf32, #tpu.memory_space<vmem>>
      %swap3A_207 = tpu.memref_squeeze %swap3A_206 : memref<1x128x128xf32, #tpu.memory_space<vmem>> -> memref<128x128xf32, #tpu.memory_space<vmem>>
      %swap3A_208 = arith.index_cast %scan3A_159 : i32 to index
      %swap3A_209 = arith.constant 80 : index
      %swap3A_210 = tpu.vector_load %swap3A_207[%swap3A_208, %swap3A_209] {strides = array<i32>} : memref<128x128xf32, #tpu.memory_space<vmem>>, vector<1x16xf32>,
      %swap3A_211 = vector.shape_cast %swap3A_210 : vector<1x16xf32> to vector<16xf32>
      %swap3A_212 = vector.shape_cast %broadcast_in_dim3A_5 : vector<16xf32> to vector<1x16xf32>
      tpu.vector_store %swap3A_207[%swap3A_208, %swap3A_209], %swap3A_212 {strides = array<i32>} : memref<128x128xf32, #tpu.memory_space<vmem>>, vector<1x16xf32>,
      %swap3A_213 = arith.constant 0 : i32
      %swap3A_214 = arith.constant 0 : i32
      %swap3A_215 = tpu.memref_slice %arg8[%scan3A_6, %swap3A_213, %swap3A_214] : memref<2x128x128xf32, #tpu.memory_space<vmem>> -> memref<1x128x128xf32, #tpu.memory_space<vmem>>
      %swap3A_216 = tpu.memref_squeeze %swap3A_215 : memref<1x128x128xf32, #tpu.memory_space<vmem>> -> memref<128x128xf32, #tpu.memory_space<vmem>>
      %swap3A_217 = arith.index_cast %scan3A_159 : i32 to index
      %swap3A_218 = arith.constant 96 : index
      %swap3A_219 = tpu.vector_load %swap3A_216[%swap3A_217, %swap3A_218] {strides = array<i32>} : memref<128x128xf32, #tpu.memory_space<vmem>>, vector<1x16xf32>,
      %swap3A_220 = vector.shape_cast %swap3A_219 : vector<1x16xf32> to vector<16xf32>
      %swap3A_221 = vector.shape_cast %broadcast_in_dim3A_5 : vector<16xf32> to vector<1x16xf32>
      tpu.vector_store %swap3A_216[%swap3A_217, %swap3A_218], %swap3A_221 {strides = array<i32>} : memref<128x128xf32, #tpu.memory_space<vmem>>, vector<1x16xf32>,
      %swap3A_222 = arith.constant 0 : i32
      %swap3A_223 = arith.constant 0 : i32
      %swap3A_224 = tpu.memref_slice %arg8[%scan3A_6, %swap3A_222, %swap3A_223] : memref<2x128x128xf32, #tpu.memory_space<vmem>> -> memref<1x128x128xf32, #tpu.memory_space<vmem>>
      %swap3A_225 = tpu.memref_squeeze %swap3A_224 : memref<1x128x128xf32, #tpu.memory_space<vmem>> -> memref<128x128xf32, #tpu.memory_space<vmem>>
      %swap3A_226 = arith.index_cast %scan3A_159 : i32 to index
      %swap3A_227 = arith.constant 112 : index
      %swap3A_228 = tpu.vector_load %swap3A_225[%swap3A_226, %swap3A_227] {strides = array<i32>} : memref<128x128xf32, #tpu.memory_space<vmem>>, vector<1x16xf32>,
      %swap3A_229 = vector.shape_cast %swap3A_228 : vector<1x16xf32> to vector<16xf32>
      %swap3A_230 = vector.shape_cast %broadcast_in_dim3A_5 : vector<16xf32> to vector<1x16xf32>
      tpu.vector_store %swap3A_225[%swap3A_226, %swap3A_227], %swap3A_230 {strides = array<i32>} : memref<128x128xf32, #tpu.memory_space<vmem>>, vector<1x16xf32>,
    }
    %scan3A_11 = arith.constant 128 : i32
    %add3A_12 = arith.constant 0 : i32
    %add3A_13 = arith.addi %mul3A_4, %add3A_12 : i32
    %run_scoped3A = arith.constant 0 : i32
    "tpu.region"() ({
      %run_scoped3A_159 = tpu.sem_alloc : memref<!tpu.dma_semaphore, #tpu.memory_space<semaphore_mem>>
      %dma_start3A_160 = arith.constant 0 : i32
      %dma_start3A_161 = arith.constant 0 : i32
      %dma_start3A_162 = tpu.memref_slice %arg8[%run_scoped3A, %dma_start3A_160, %dma_start3A_161] : memref<2x128x128xf32, #tpu.memory_space<vmem>> -> memref<1x128x128xf32, #tpu.memory_space<vmem>>
      %dma_start3A_163 = tpu.memref_squeeze %dma_start3A_162 : memref<1x128x128xf32, #tpu.memory_space<vmem>> -> memref<128x128xf32, #tpu.memory_space<vmem>>
      %dma_start3A_164 = arith.constant 0 : i32
      %dma_start3A_165 = tpu.memref_slice %arg9[%add3A_13, %dma_start3A_164] : memref<10112x128xf32, #tpu.memory_space<vmem_shared>> -> memref<128x128xf32, #tpu.memory_space<vmem_shared>>
      %dma_start3A_166 = arith.constant 0 : i32
      %dma_start3A_167 = tpu.memref_slice %arg9[%add3A_13, %dma_start3A_166] : memref<10112x128xf32, #tpu.memory_space<vmem_shared>> -> memref<128x128xf32, #tpu.memory_space<vmem_shared>>
      %dma_start3A_168 = arith.constant 0 : i32
      %dma_start3A_169 = arith.constant 0 : i32
      %dma_start3A_170 = tpu.memref_slice %arg8[%run_scoped3A, %dma_start3A_168, %dma_start3A_169] : memref<2x128x128xf32, #tpu.memory_space<vmem>> -> memref<1x128x128xf32, #tpu.memory_space<vmem>>
      %dma_start3A_171 = tpu.memref_squeeze %dma_start3A_170 : memref<1x128x128xf32, #tpu.memory_space<vmem>> -> memref<128x128xf32, #tpu.memory_space<vmem>>
      tpu.enqueue_dma source(%dma_start3A_171 : memref<128x128xf32, #tpu.memory_space<vmem>>) target(%dma_start3A_167 : memref<128x128xf32, #tpu.memory_space<vmem_shared>>) target_semaphore(%run_scoped3A_159 : memref<!tpu.dma_semaphore, #tpu.memory_space<semaphore_mem>>)
      %dma_wait3A_172 = arith.constant 0 : i32
      %dma_wait3A_173 = arith.constant 0 : i32
      %dma_wait3A_174 = tpu.memref_slice %arg8[%run_scoped3A, %dma_wait3A_172, %dma_wait3A_173] : memref<2x128x128xf32, #tpu.memory_space<vmem>> -> memref<1x128x128xf32, #tpu.memory_space<vmem>>
      %dma_wait3A_175 = tpu.memref_squeeze %dma_wait3A_174 : memref<1x128x128xf32, #tpu.memory_space<vmem>> -> memref<128x128xf32, #tpu.memory_space<vmem>>
      %dma_wait3A_176 = arith.constant 0 : i32
      %dma_wait3A_177 = tpu.memref_slice %arg9[%add3A_13, %dma_wait3A_176] : memref<10112x128xf32, #tpu.memory_space<vmem_shared>> -> memref<128x128xf32, #tpu.memory_space<vmem_shared>>
      %dma_wait3A_178 = arith.constant 0 : i32
      %dma_wait3A_179 = tpu.memref_slice %arg9[%add3A_13, %dma_wait3A_178] : memref<10112x128xf32, #tpu.memory_space<vmem_shared>> -> memref<128x128xf32, #tpu.memory_space<vmem_shared>>
      %dma_wait3A_180 = arith.constant 0 : i32
      %dma_wait3A_181 = arith.constant 0 : i32
      %dma_wait3A_182 = tpu.memref_slice %arg8[%run_scoped3A, %dma_wait3A_180, %dma_wait3A_181] : memref<2x128x128xf32, #tpu.memory_space<vmem>> -> memref<1x128x128xf32, #tpu.memory_space<vmem>>
      %dma_wait3A_183 = tpu.memref_squeeze %dma_wait3A_182 : memref<1x128x128xf32, #tpu.memory_space<vmem>> -> memref<128x128xf32, #tpu.memory_space<vmem>>
      tpu.wait_dma2 semaphore(%run_scoped3A_159 : memref<!tpu.dma_semaphore, #tpu.memory_space<semaphore_mem>>) src(%dma_wait3A_183 : memref<128x128xf32, #tpu.memory_space<vmem>>) dst(%dma_wait3A_179 : memref<128x128xf32, #tpu.memory_space<vmem_shared>>)
      tpu.yield
    }) : () -> ()
    %add3A_14 = arith.constant 128 : i32
    %add3A_15 = arith.addi %mul3A_4, %add3A_14 : i32
    %run_scoped3A_16 = arith.constant 0 : i32
    "tpu.region"() ({
      %run_scoped3A_159 = tpu.sem_alloc : memref<!tpu.dma_semaphore, #tpu.memory_space<semaphore_mem>>
      %dma_start3A_160 = arith.constant 0 : i32
      %dma_start3A_161 = arith.constant 0 : i32
      %dma_start3A_162 = tpu.memref_slice %arg8[%run_scoped3A_16, %dma_start3A_160, %dma_start3A_161] : memref<2x128x128xf32, #tpu.memory_space<vmem>> -> memref<1x128x128xf32, #tpu.memory_space<vmem>>
      %dma_start3A_163 = tpu.memref_squeeze %dma_start3A_162 : memref<1x128x128xf32, #tpu.memory_space<vmem>> -> memref<128x128xf32, #tpu.memory_space<vmem>>
      %dma_start3A_164 = arith.constant 0 : i32
      %dma_start3A_165 = tpu.memref_slice %arg9[%add3A_15, %dma_start3A_164] : memref<10112x128xf32, #tpu.memory_space<vmem_shared>> -> memref<128x128xf32, #tpu.memory_space<vmem_shared>>
      %dma_start3A_166 = arith.constant 0 : i32
      %dma_start3A_167 = tpu.memref_slice %arg9[%add3A_15, %dma_start3A_166] : memref<10112x128xf32, #tpu.memory_space<vmem_shared>> -> memref<128x128xf32, #tpu.memory_space<vmem_shared>>
      %dma_start3A_168 = arith.constant 0 : i32
      %dma_start3A_169 = arith.constant 0 : i32
      %dma_start3A_170 = tpu.memref_slice %arg8[%run_scoped3A_16, %dma_start3A_168, %dma_start3A_169] : memref<2x128x128xf32, #tpu.memory_space<vmem>> -> memref<1x128x128xf32, #tpu.memory_space<vmem>>
      %dma_start3A_171 = tpu.memref_squeeze %dma_start3A_170 : memref<1x128x128xf32, #tpu.memory_space<vmem>> -> memref<128x128xf32, #tpu.memory_space<vmem>>
      tpu.enqueue_dma source(%dma_start3A_171 : memref<128x128xf32, #tpu.memory_space<vmem>>) target(%dma_start3A_167 : memref<128x128xf32, #tpu.memory_space<vmem_shared>>) target_semaphore(%run_scoped3A_159 : memref<!tpu.dma_semaphore, #tpu.memory_space<semaphore_mem>>)
      %dma_wait3A_172 = arith.constant 0 : i32
      %dma_wait3A_173 = arith.constant 0 : i32
      %dma_wait3A_174 = tpu.memref_slice %arg8[%run_scoped3A_16, %dma_wait3A_172, %dma_wait3A_173] : memref<2x128x128xf32, #tpu.memory_space<vmem>> -> memref<1x128x128xf32, #tpu.memory_space<vmem>>
      %dma_wait3A_175 = tpu.memref_squeeze %dma_wait3A_174 : memref<1x128x128xf32, #tpu.memory_space<vmem>> -> memref<128x128xf32, #tpu.memory_space<vmem>>
      %dma_wait3A_176 = arith.constant 0 : i32
      %dma_wait3A_177 = tpu.memref_slice %arg9[%add3A_15, %dma_wait3A_176] : memref<10112x128xf32, #tpu.memory_space<vmem_shared>> -> memref<128x128xf32, #tpu.memory_space<vmem_shared>>
      %dma_wait3A_178 = arith.constant 0 : i32
      %dma_wait3A_179 = tpu.memref_slice %arg9[%add3A_15, %dma_wait3A_178] : memref<10112x128xf32, #tpu.memory_space<vmem_shared>> -> memref<128x128xf32, #tpu.memory_space<vmem_shared>>
      %dma_wait3A_180 = arith.constant 0 : i32
      %dma_wait3A_181 = arith.constant 0 : i32
      %dma_wait3A_182 = tpu.memref_slice %arg8[%run_scoped3A_16, %dma_wait3A_180, %dma_wait3A_181] : memref<2x128x128xf32, #tpu.memory_space<vmem>> -> memref<1x128x128xf32, #tpu.memory_space<vmem>>
      %dma_wait3A_183 = tpu.memref_squeeze %dma_wait3A_182 : memref<1x128x128xf32, #tpu.memory_space<vmem>> -> memref<128x128xf32, #tpu.memory_space<vmem>>
      tpu.wait_dma2 semaphore(%run_scoped3A_159 : memref<!tpu.dma_semaphore, #tpu.memory_space<semaphore_mem>>) src(%dma_wait3A_183 : memref<128x128xf32, #tpu.memory_space<vmem>>) dst(%dma_wait3A_179 : memref<128x128xf32, #tpu.memory_space<vmem_shared>>)
      tpu.yield
    }) : () -> ()
    %add3A_17 = arith.constant 256 : i32
    %add3A_18 = arith.addi %mul3A_4, %add3A_17 : i32
    %run_scoped3A_19 = arith.constant 0 : i32
    "tpu.region"() ({
      %run_scoped3A_159 = tpu.sem_alloc : memref<!tpu.dma_semaphore, #tpu.memory_space<semaphore_mem>>
      %dma_start3A_160 = arith.constant 0 : i32
      %dma_start3A_161 = arith.constant 0 : i32
      %dma_start3A_162 = tpu.memref_slice %arg8[%run_scoped3A_19, %dma_start3A_160, %dma_start3A_161] : memref<2x128x128xf32, #tpu.memory_space<vmem>> -> memref<1x128x128xf32, #tpu.memory_space<vmem>>
      %dma_start3A_163 = tpu.memref_squeeze %dma_start3A_162 : memref<1x128x128xf32, #tpu.memory_space<vmem>> -> memref<128x128xf32, #tpu.memory_space<vmem>>
      %dma_start3A_164 = arith.constant 0 : i32
      %dma_start3A_165 = tpu.memref_slice %arg9[%add3A_18, %dma_start3A_164] : memref<10112x128xf32, #tpu.memory_space<vmem_shared>> -> memref<128x128xf32, #tpu.memory_space<vmem_shared>>
      %dma_start3A_166 = arith.constant 0 : i32
      %dma_start3A_167 = tpu.memref_slice %arg9[%add3A_18, %dma_start3A_166] : memref<10112x128xf32, #tpu.memory_space<vmem_shared>> -> memref<128x128xf32, #tpu.memory_space<vmem_shared>>
      %dma_start3A_168 = arith.constant 0 : i32
      %dma_start3A_169 = arith.constant 0 : i32
      %dma_start3A_170 = tpu.memref_slice %arg8[%run_scoped3A_19, %dma_start3A_168, %dma_start3A_169] : memref<2x128x128xf32, #tpu.memory_space<vmem>> -> memref<1x128x128xf32, #tpu.memory_space<vmem>>
      %dma_start3A_171 = tpu.memref_squeeze %dma_start3A_170 : memref<1x128x128xf32, #tpu.memory_space<vmem>> -> memref<128x128xf32, #tpu.memory_space<vmem>>
      tpu.enqueue_dma source(%dma_start3A_171 : memref<128x128xf32, #tpu.memory_space<vmem>>) target(%dma_start3A_167 : memref<128x128xf32, #tpu.memory_space<vmem_shared>>) target_semaphore(%run_scoped3A_159 : memref<!tpu.dma_semaphore, #tpu.memory_space<semaphore_mem>>)
      %dma_wait3A_172 = arith.constant 0 : i32
      %dma_wait3A_173 = arith.constant 0 : i32
      %dma_wait3A_174 = tpu.memref_slice %arg8[%run_scoped3A_19, %dma_wait3A_172, %dma_wait3A_173] : memref<2x128x128xf32, #tpu.memory_space<vmem>> -> memref<1x128x128xf32, #tpu.memory_space<vmem>>
      %dma_wait3A_175 = tpu.memref_squeeze %dma_wait3A_174 : memref<1x128x128xf32, #tpu.memory_space<vmem>> -> memref<128x128xf32, #tpu.memory_space<vmem>>
      %dma_wait3A_176 = arith.constant 0 : i32
      %dma_wait3A_177 = tpu.memref_slice %arg9[%add3A_18, %dma_wait3A_176] : memref<10112x128xf32, #tpu.memory_space<vmem_shared>> -> memref<128x128xf32, #tpu.memory_space<vmem_shared>>
      %dma_wait3A_178 = arith.constant 0 : i32
      %dma_wait3A_179 = tpu.memref_slice %arg9[%add3A_18, %dma_wait3A_178] : memref<10112x128xf32, #tpu.memory_space<vmem_shared>> -> memref<128x128xf32, #tpu.memory_space<vmem_shared>>
      %dma_wait3A_180 = arith.constant 0 : i32
      %dma_wait3A_181 = arith.constant 0 : i32
      %dma_wait3A_182 = tpu.memref_slice %arg8[%run_scoped3A_19, %dma_wait3A_180, %dma_wait3A_181] : memref<2x128x128xf32, #tpu.memory_space<vmem>> -> memref<1x128x128xf32, #tpu.memory_space<vmem>>
      %dma_wait3A_183 = tpu.memref_squeeze %dma_wait3A_182 : memref<1x128x128xf32, #tpu.memory_space<vmem>> -> memref<128x128xf32, #tpu.memory_space<vmem>>
      tpu.wait_dma2 semaphore(%run_scoped3A_159 : memref<!tpu.dma_semaphore, #tpu.memory_space<semaphore_mem>>) src(%dma_wait3A_183 : memref<128x128xf32, #tpu.memory_space<vmem>>) dst(%dma_wait3A_179 : memref<128x128xf32, #tpu.memory_space<vmem_shared>>)
      tpu.yield
    }) : () -> ()
    %add3A_20 = arith.constant 384 : i32
    %add3A_21 = arith.addi %mul3A_4, %add3A_20 : i32
    %run_scoped3A_22 = arith.constant 0 : i32
    "tpu.region"() ({
      %run_scoped3A_159 = tpu.sem_alloc : memref<!tpu.dma_semaphore, #tpu.memory_space<semaphore_mem>>
      %dma_start3A_160 = arith.constant 0 : i32
      %dma_start3A_161 = arith.constant 0 : i32
      %dma_start3A_162 = tpu.memref_slice %arg8[%run_scoped3A_22, %dma_start3A_160, %dma_start3A_161] : memref<2x128x128xf32, #tpu.memory_space<vmem>> -> memref<1x128x128xf32, #tpu.memory_space<vmem>>
      %dma_start3A_163 = tpu.memref_squeeze %dma_start3A_162 : memref<1x128x128xf32, #tpu.memory_space<vmem>> -> memref<128x128xf32, #tpu.memory_space<vmem>>
      %dma_start3A_164 = arith.constant 0 : i32
      %dma_start3A_165 = tpu.memref_slice %arg9[%add3A_21, %dma_start3A_164] : memref<10112x128xf32, #tpu.memory_space<vmem_shared>> -> memref<128x128xf32, #tpu.memory_space<vmem_shared>>
      %dma_start3A_166 = arith.constant 0 : i32
      %dma_start3A_167 = tpu.memref_slice %arg9[%add3A_21, %dma_start3A_166] : memref<10112x128xf32, #tpu.memory_space<vmem_shared>> -> memref<128x128xf32, #tpu.memory_space<vmem_shared>>
      %dma_start3A_168 = arith.constant 0 : i32
      %dma_start3A_169 = arith.constant 0 : i32
      %dma_start3A_170 = tpu.memref_slice %arg8[%run_scoped3A_22, %dma_start3A_168, %dma_start3A_169] : memref<2x128x128xf32, #tpu.memory_space<vmem>> -> memref<1x128x128xf32, #tpu.memory_space<vmem>>
      %dma_start3A_171 = tpu.memref_squeeze %dma_start3A_170 : memref<1x128x128xf32, #tpu.memory_space<vmem>> -> memref<128x128xf32, #tpu.memory_space<vmem>>
      tpu.enqueue_dma source(%dma_start3A_171 : memref<128x128xf32, #tpu.memory_space<vmem>>) target(%dma_start3A_167 : memref<128x128xf32, #tpu.memory_space<vmem_shared>>) target_semaphore(%run_scoped3A_159 : memref<!tpu.dma_semaphore, #tpu.memory_space<semaphore_mem>>)
      %dma_wait3A_172 = arith.constant 0 : i32
      %dma_wait3A_173 = arith.constant 0 : i32
      %dma_wait3A_174 = tpu.memref_slice %arg8[%run_scoped3A_22, %dma_wait3A_172, %dma_wait3A_173] : memref<2x128x128xf32, #tpu.memory_space<vmem>> -> memref<1x128x128xf32, #tpu.memory_space<vmem>>
      %dma_wait3A_175 = tpu.memref_squeeze %dma_wait3A_174 : memref<1x128x128xf32, #tpu.memory_space<vmem>> -> memref<128x128xf32, #tpu.memory_space<vmem>>
      %dma_wait3A_176 = arith.constant 0 : i32
      %dma_wait3A_177 = tpu.memref_slice %arg9[%add3A_21, %dma_wait3A_176] : memref<10112x128xf32, #tpu.memory_space<vmem_shared>> -> memref<128x128xf32, #tpu.memory_space<vmem_shared>>
      %dma_wait3A_178 = arith.constant 0 : i32
      %dma_wait3A_179 = tpu.memref_slice %arg9[%add3A_21, %dma_wait3A_178] : memref<10112x128xf32, #tpu.memory_space<vmem_shared>> -> memref<128x128xf32, #tpu.memory_space<vmem_shared>>
      %dma_wait3A_180 = arith.constant 0 : i32
      %dma_wait3A_181 = arith.constant 0 : i32
      %dma_wait3A_182 = tpu.memref_slice %arg8[%run_scoped3A_22, %dma_wait3A_180, %dma_wait3A_181] : memref<2x128x128xf32, #tpu.memory_space<vmem>> -> memref<1x128x128xf32, #tpu.memory_space<vmem>>
      %dma_wait3A_183 = tpu.memref_squeeze %dma_wait3A_182 : memref<1x128x128xf32, #tpu.memory_space<vmem>> -> memref<128x128xf32, #tpu.memory_space<vmem>>
      tpu.wait_dma2 semaphore(%run_scoped3A_159 : memref<!tpu.dma_semaphore, #tpu.memory_space<semaphore_mem>>) src(%dma_wait3A_183 : memref<128x128xf32, #tpu.memory_space<vmem>>) dst(%dma_wait3A_179 : memref<128x128xf32, #tpu.memory_space<vmem_shared>>)
      tpu.yield
    }) : () -> ()
    %add3A_23 = arith.constant 512 : i32
    %add3A_24 = arith.addi %mul3A_4, %add3A_23 : i32
    %run_scoped3A_25 = arith.constant 0 : i32
    "tpu.region"() ({
      %run_scoped3A_159 = tpu.sem_alloc : memref<!tpu.dma_semaphore, #tpu.memory_space<semaphore_mem>>
      %dma_start3A_160 = arith.constant 0 : i32
      %dma_start3A_161 = arith.constant 0 : i32
      %dma_start3A_162 = tpu.memref_slice %arg8[%run_scoped3A_25, %dma_start3A_160, %dma_start3A_161] : memref<2x128x128xf32, #tpu.memory_space<vmem>> -> memref<1x128x128xf32, #tpu.memory_space<vmem>>
      %dma_start3A_163 = tpu.memref_squeeze %dma_start3A_162 : memref<1x128x128xf32, #tpu.memory_space<vmem>> -> memref<128x128xf32, #tpu.memory_space<vmem>>
      %dma_start3A_164 = arith.constant 0 : i32
      %dma_start3A_165 = arith.constant 0 : i32
      %dma_start3A_166 = tpu.memref_slice %dma_start3A_163[%dma_start3A_164, %dma_start3A_165] : memref<128x128xf32, #tpu.memory_space<vmem>> -> memref<120x128xf32, #tpu.memory_space<vmem>>
      %dma_start3A_167 = arith.constant 0 : i32
      %dma_start3A_168 = tpu.memref_slice %arg9[%add3A_24, %dma_start3A_167] : memref<10112x128xf32, #tpu.memory_space<vmem_shared>> -> memref<120x128xf32, #tpu.memory_space<vmem_shared>>
      %dma_start3A_169 = arith.constant 0 : i32
      %dma_start3A_170 = tpu.memref_slice %arg9[%add3A_24, %dma_start3A_169] : memref<10112x128xf32, #tpu.memory_space<vmem_shared>> -> memref<120x128xf32, #tpu.memory_space<vmem_shared>>
      %dma_start3A_171 = arith.constant 0 : i32
      %dma_start3A_172 = arith.constant 0 : i32
      %dma_start3A_173 = tpu.memref_slice %arg8[%run_scoped3A_25, %dma_start3A_171, %dma_start3A_172] : memref<2x128x128xf32, #tpu.memory_space<vmem>> -> memref<1x128x128xf32, #tpu.memory_space<vmem>>
      %dma_start3A_174 = tpu.memref_squeeze %dma_start3A_173 : memref<1x128x128xf32, #tpu.memory_space<vmem>> -> memref<128x128xf32, #tpu.memory_space<vmem>>
      %dma_start3A_175 = arith.constant 0 : i32
      %dma_start3A_176 = arith.constant 0 : i32
      %dma_start3A_177 = tpu.memref_slice %dma_start3A_174[%dma_start3A_175, %dma_start3A_176] : memref<128x128xf32, #tpu.memory_space<vmem>> -> memref<120x128xf32, #tpu.memory_space<vmem>>
      tpu.enqueue_dma source(%dma_start3A_177 : memref<120x128xf32, #tpu.memory_space<vmem>>) target(%dma_start3A_170 : memref<120x128xf32, #tpu.memory_space<vmem_shared>>) target_semaphore(%run_scoped3A_159 : memref<!tpu.dma_semaphore, #tpu.memory_space<semaphore_mem>>)
      %dma_wait3A_178 = arith.constant 0 : i32
      %dma_wait3A_179 = arith.constant 0 : i32
      %dma_wait3A_180 = tpu.memref_slice %arg8[%run_scoped3A_25, %dma_wait3A_178, %dma_wait3A_179] : memref<2x128x128xf32, #tpu.memory_space<vmem>> -> memref<1x128x128xf32, #tpu.memory_space<vmem>>
      %dma_wait3A_181 = tpu.memref_squeeze %dma_wait3A_180 : memref<1x128x128xf32, #tpu.memory_space<vmem>> -> memref<128x128xf32, #tpu.memory_space<vmem>>
      %dma_wait3A_182 = arith.constant 0 : i32
      %dma_wait3A_183 = arith.constant 0 : i32
      %dma_wait3A_184 = tpu.memref_slice %dma_wait3A_181[%dma_wait3A_182, %dma_wait3A_183] : memref<128x128xf32, #tpu.memory_space<vmem>> -> memref<120x128xf32, #tpu.memory_space<vmem>>
      %dma_wait3A_185 = arith.constant 0 : i32
      %dma_wait3A_186 = tpu.memref_slice %arg9[%add3A_24, %dma_wait3A_185] : memref<10112x128xf32, #tpu.memory_space<vmem_shared>> -> memref<120x128xf32, #tpu.memory_space<vmem_shared>>
      %dma_wait3A_187 = arith.constant 0 : i32
      %dma_wait3A_188 = tpu.memref_slice %arg9[%add3A_24, %dma_wait3A_187] : memref<10112x128xf32, #tpu.memory_space<vmem_shared>> -> memref<120x128xf32, #tpu.memory_space<vmem_shared>>
      %dma_wait3A_189 = arith.constant 0 : i32
      %dma_wait3A_190 = arith.constant 0 : i32
      %dma_wait3A_191 = tpu.memref_slice %arg8[%run_scoped3A_25, %dma_wait3A_189, %dma_wait3A_190] : memref<2x128x128xf32, #tpu.memory_space<vmem>> -> memref<1x128x128xf32, #tpu.memory_space<vmem>>
      %dma_wait3A_192 = tpu.memref_squeeze %dma_wait3A_191 : memref<1x128x128xf32, #tpu.memory_space<vmem>> -> memref<128x128xf32, #tpu.memory_space<vmem>>
      %dma_wait3A_193 = arith.constant 0 : i32
      %dma_wait3A_194 = arith.constant 0 : i32
      %dma_wait3A_195 = tpu.memref_slice %dma_wait3A_192[%dma_wait3A_193, %dma_wait3A_194] : memref<128x128xf32, #tpu.memory_space<vmem>> -> memref<120x128xf32, #tpu.memory_space<vmem>>
      tpu.wait_dma2 semaphore(%run_scoped3A_159 : memref<!tpu.dma_semaphore, #tpu.memory_space<semaphore_mem>>) src(%dma_wait3A_195 : memref<120x128xf32, #tpu.memory_space<vmem>>) dst(%dma_wait3A_188 : memref<120x128xf32, #tpu.memory_space<vmem_shared>>)
      tpu.yield
    }) : () -> ()
    %barrier3A = arith.constant 0 : index
    tpu.barrier barrier_id(%barrier3A)
    %add3A_26 = arith.constant 0 : i32
    %add3A_27 = arith.addi %mul3A_2, %add3A_26 : i32
    %mul3A_28 = arith.constant 128 : i32
    %mul3A_29 = arith.muli %add3A_27, %mul3A_28 : i32
    %dma_start3A = arith.constant 0 : i32
    %dma_start3A_30 = arith.constant 0 : i32
    %dma_start3A_31 = tpu.memref_slice %arg6[%dma_start3A, %dma_start3A_30] : memref<4x128xi32, #tpu.memory_space<vmem>> -> memref<1x128xi32, #tpu.memory_space<vmem>>
    %dma_start3A_32 = tpu.memref_squeeze %dma_start3A_31 : memref<1x128xi32, #tpu.memory_space<vmem>> -> memref<128xi32, #tpu.memory_space<vmem>>
    %dma_start3A_33 = tpu.memref_slice %arg3[%mul3A_29] : memref<327680xi32, #tpu.memory_space<hbm>> -> memref<128xi32, #tpu.memory_space<hbm>>
    %dma_start3A_34 = arith.constant 0 : i32
    %dma_start3A_35 = tpu.memref_slice %arg6[%dma_start3A, %dma_start3A_34] : memref<4x128xi32, #tpu.memory_space<vmem>> -> memref<1x128xi32, #tpu.memory_space<vmem>>
    %dma_start3A_36 = tpu.memref_squeeze %dma_start3A_35 : memref<1x128xi32, #tpu.memory_space<vmem>> -> memref<128xi32, #tpu.memory_space<vmem>>
    %dma_start3A_37 = tpu.memref_slice %arg3[%mul3A_29] : memref<327680xi32, #tpu.memory_space<hbm>> -> memref<128xi32, #tpu.memory_space<hbm>>
    tpu.enqueue_dma source(%dma_start3A_37 : memref<128xi32, #tpu.memory_space<hbm>>) target(%dma_start3A_36 : memref<128xi32, #tpu.memory_space<vmem>>) target_semaphore(%arg12 : memref<!tpu.dma_semaphore, #tpu.memory_space<semaphore_mem>>)
    %add3A_38 = arith.constant 1 : i32
    %add3A_39 = arith.addi %mul3A_2, %add3A_38 : i32
    %mul3A_40 = arith.constant 128 : i32
    %mul3A_41 = arith.muli %add3A_39, %mul3A_40 : i32
    %dma_start3A_42 = arith.constant 1 : i32
    %dma_start3A_43 = arith.constant 0 : i32
    %dma_start3A_44 = tpu.memref_slice %arg6[%dma_start3A_42, %dma_start3A_43] : memref<4x128xi32, #tpu.memory_space<vmem>> -> memref<1x128xi32, #tpu.memory_space<vmem>>
    %dma_start3A_45 = tpu.memref_squeeze %dma_start3A_44 : memref<1x128xi32, #tpu.memory_space<vmem>> -> memref<128xi32, #tpu.memory_space<vmem>>
    %dma_start3A_46 = tpu.memref_slice %arg3[%mul3A_41] : memref<327680xi32, #tpu.memory_space<hbm>> -> memref<128xi32, #tpu.memory_space<hbm>>
    %dma_start3A_47 = arith.constant 0 : i32
    %dma_start3A_48 = tpu.memref_slice %arg6[%dma_start3A_42, %dma_start3A_47] : memref<4x128xi32, #tpu.memory_space<vmem>> -> memref<1x128xi32, #tpu.memory_space<vmem>>
    %dma_start3A_49 = tpu.memref_squeeze %dma_start3A_48 : memref<1x128xi32, #tpu.memory_space<vmem>> -> memref<128xi32, #tpu.memory_space<vmem>>
    %dma_start3A_50 = tpu.memref_slice %arg3[%mul3A_41] : memref<327680xi32, #tpu.memory_space<hbm>> -> memref<128xi32, #tpu.memory_space<hbm>>
    tpu.enqueue_dma source(%dma_start3A_50 : memref<128xi32, #tpu.memory_space<hbm>>) target(%dma_start3A_49 : memref<128xi32, #tpu.memory_space<vmem>>) target_semaphore(%arg13 : memref<!tpu.dma_semaphore, #tpu.memory_space<semaphore_mem>>)
    %add3A_51 = arith.constant 2 : i32
    %add3A_52 = arith.addi %mul3A_2, %add3A_51 : i32
    %mul3A_53 = arith.constant 128 : i32
    %mul3A_54 = arith.muli %add3A_52, %mul3A_53 : i32
    %dma_start3A_55 = arith.constant 2 : i32
    %dma_start3A_56 = arith.constant 0 : i32
    %dma_start3A_57 = tpu.memref_slice %arg6[%dma_start3A_55, %dma_start3A_56] : memref<4x128xi32, #tpu.memory_space<vmem>> -> memref<1x128xi32, #tpu.memory_space<vmem>>
    %dma_start3A_58 = tpu.memref_squeeze %dma_start3A_57 : memref<1x128xi32, #tpu.memory_space<vmem>> -> memref<128xi32, #tpu.memory_space<vmem>>
    %dma_start3A_59 = tpu.memref_slice %arg3[%mul3A_54] : memref<327680xi32, #tpu.memory_space<hbm>> -> memref<128xi32, #tpu.memory_space<hbm>>
    %dma_start3A_60 = arith.constant 0 : i32
    %dma_start3A_61 = tpu.memref_slice %arg6[%dma_start3A_55, %dma_start3A_60] : memref<4x128xi32, #tpu.memory_space<vmem>> -> memref<1x128xi32, #tpu.memory_space<vmem>>
    %dma_start3A_62 = tpu.memref_squeeze %dma_start3A_61 : memref<1x128xi32, #tpu.memory_space<vmem>> -> memref<128xi32, #tpu.memory_space<vmem>>
    %dma_start3A_63 = tpu.memref_slice %arg3[%mul3A_54] : memref<327680xi32, #tpu.memory_space<hbm>> -> memref<128xi32, #tpu.memory_space<hbm>>
    tpu.enqueue_dma source(%dma_start3A_63 : memref<128xi32, #tpu.memory_space<hbm>>) target(%dma_start3A_62 : memref<128xi32, #tpu.memory_space<vmem>>) target_semaphore(%arg14 : memref<!tpu.dma_semaphore, #tpu.memory_space<semaphore_mem>>)
    %add3A_64 = arith.constant 3 : i32
    %add3A_65 = arith.addi %mul3A_2, %add3A_64 : i32
    %mul3A_66 = arith.constant 128 : i32
    %mul3A_67 = arith.muli %add3A_65, %mul3A_66 : i32
    %dma_start3A_68 = arith.constant 3 : i32
    %dma_start3A_69 = arith.constant 0 : i32
    %dma_start3A_70 = tpu.memref_slice %arg6[%dma_start3A_68, %dma_start3A_69] : memref<4x128xi32, #tpu.memory_space<vmem>> -> memref<1x128xi32, #tpu.memory_space<vmem>>
    %dma_start3A_71 = tpu.memref_squeeze %dma_start3A_70 : memref<1x128xi32, #tpu.memory_space<vmem>> -> memref<128xi32, #tpu.memory_space<vmem>>
    %dma_start3A_72 = tpu.memref_slice %arg3[%mul3A_67] : memref<327680xi32, #tpu.memory_space<hbm>> -> memref<128xi32, #tpu.memory_space<hbm>>
    %dma_start3A_73 = arith.constant 0 : i32
    %dma_start3A_74 = tpu.memref_slice %arg6[%dma_start3A_68, %dma_start3A_73] : memref<4x128xi32, #tpu.memory_space<vmem>> -> memref<1x128xi32, #tpu.memory_space<vmem>>
    %dma_start3A_75 = tpu.memref_squeeze %dma_start3A_74 : memref<1x128xi32, #tpu.memory_space<vmem>> -> memref<128xi32, #tpu.memory_space<vmem>>
    %dma_start3A_76 = tpu.memref_slice %arg3[%mul3A_67] : memref<327680xi32, #tpu.memory_space<hbm>> -> memref<128xi32, #tpu.memory_space<hbm>>
    tpu.enqueue_dma source(%dma_start3A_76 : memref<128xi32, #tpu.memory_space<hbm>>) target(%dma_start3A_75 : memref<128xi32, #tpu.memory_space<vmem>>) target_semaphore(%arg15 : memref<!tpu.dma_semaphore, #tpu.memory_space<semaphore_mem>>)
    %add3A_77 = arith.constant 0 : i32
    %add3A_78 = arith.addi %mul3A_2, %add3A_77 : i32
    %mul3A_79 = arith.constant 128 : i32
    %mul3A_80 = arith.muli %add3A_78, %mul3A_79 : i32
    %dma_start3A_81 = arith.constant 0 : i32
    %dma_start3A_82 = arith.constant 0 : i32
    %dma_start3A_83 = tpu.memref_slice %arg7[%dma_start3A_81, %dma_start3A_82] : memref<2x128xi32, #tpu.memory_space<vmem>> -> memref<1x128xi32, #tpu.memory_space<vmem>>
    %dma_start3A_84 = tpu.memref_squeeze %dma_start3A_83 : memref<1x128xi32, #tpu.memory_space<vmem>> -> memref<128xi32, #tpu.memory_space<vmem>>
    %dma_start3A_85 = tpu.memref_slice %arg4[%mul3A_80] : memref<327680xi32, #tpu.memory_space<hbm>> -> memref<128xi32, #tpu.memory_space<hbm>>
    %dma_start3A_86 = arith.constant 0 : i32
    %dma_start3A_87 = tpu.memref_slice %arg7[%dma_start3A_81, %dma_start3A_86] : memref<2x128xi32, #tpu.memory_space<vmem>> -> memref<1x128xi32, #tpu.memory_space<vmem>>
    %dma_start3A_88 = tpu.memref_squeeze %dma_start3A_87 : memref<1x128xi32, #tpu.memory_space<vmem>> -> memref<128xi32, #tpu.memory_space<vmem>>
    %dma_start3A_89 = tpu.memref_slice %arg4[%mul3A_80] : memref<327680xi32, #tpu.memory_space<hbm>> -> memref<128xi32, #tpu.memory_space<hbm>>
    tpu.enqueue_dma source(%dma_start3A_89 : memref<128xi32, #tpu.memory_space<hbm>>) target(%dma_start3A_88 : memref<128xi32, #tpu.memory_space<vmem>>) target_semaphore(%arg16 : memref<!tpu.dma_semaphore, #tpu.memory_space<semaphore_mem>>)
    %add3A_90 = arith.constant 1 : i32
    %add3A_91 = arith.addi %mul3A_2, %add3A_90 : i32
    %mul3A_92 = arith.constant 128 : i32
    %mul3A_93 = arith.muli %add3A_91, %mul3A_92 : i32
    %dma_start3A_94 = arith.constant 1 : i32
    %dma_start3A_95 = arith.constant 0 : i32
    %dma_start3A_96 = tpu.memref_slice %arg7[%dma_start3A_94, %dma_start3A_95] : memref<2x128xi32, #tpu.memory_space<vmem>> -> memref<1x128xi32, #tpu.memory_space<vmem>>
    %dma_start3A_97 = tpu.memref_squeeze %dma_start3A_96 : memref<1x128xi32, #tpu.memory_space<vmem>> -> memref<128xi32, #tpu.memory_space<vmem>>
    %dma_start3A_98 = tpu.memref_slice %arg4[%mul3A_93] : memref<327680xi32, #tpu.memory_space<hbm>> -> memref<128xi32, #tpu.memory_space<hbm>>
    %dma_start3A_99 = arith.constant 0 : i32
    %dma_start3A_100 = tpu.memref_slice %arg7[%dma_start3A_94, %dma_start3A_99] : memref<2x128xi32, #tpu.memory_space<vmem>> -> memref<1x128xi32, #tpu.memory_space<vmem>>
    %dma_start3A_101 = tpu.memref_squeeze %dma_start3A_100 : memref<1x128xi32, #tpu.memory_space<vmem>> -> memref<128xi32, #tpu.memory_space<vmem>>
    %dma_start3A_102 = tpu.memref_slice %arg4[%mul3A_93] : memref<327680xi32, #tpu.memory_space<hbm>> -> memref<128xi32, #tpu.memory_space<hbm>>
    tpu.enqueue_dma source(%dma_start3A_102 : memref<128xi32, #tpu.memory_space<hbm>>) target(%dma_start3A_101 : memref<128xi32, #tpu.memory_space<vmem>>) target_semaphore(%arg17 : memref<!tpu.dma_semaphore, #tpu.memory_space<semaphore_mem>>)
    %add3A_103 = arith.constant 0 : i32
    %add3A_104 = arith.addi %mul3A_2, %add3A_103 : i32
    %mul3A_105 = arith.constant 128 : i32
    %mul3A_106 = arith.muli %add3A_104, %mul3A_105 : i32
    %dma_wait3A = arith.constant 0 : i32
    %dma_wait3A_107 = arith.constant 0 : i32
    %dma_wait3A_108 = tpu.memref_slice %arg6[%dma_wait3A, %dma_wait3A_107] : memref<4x128xi32, #tpu.memory_space<vmem>> -> memref<1x128xi32, #tpu.memory_space<vmem>>
    %dma_wait3A_109 = tpu.memref_squeeze %dma_wait3A_108 : memref<1x128xi32, #tpu.memory_space<vmem>> -> memref<128xi32, #tpu.memory_space<vmem>>
    %dma_wait3A_110 = tpu.memref_slice %arg3[%mul3A_106] : memref<327680xi32, #tpu.memory_space<hbm>> -> memref<128xi32, #tpu.memory_space<hbm>>
    %dma_wait3A_111 = arith.constant 0 : i32
    %dma_wait3A_112 = tpu.memref_slice %arg6[%dma_wait3A, %dma_wait3A_111] : memref<4x128xi32, #tpu.memory_space<vmem>> -> memref<1x128xi32, #tpu.memory_space<vmem>>
    %dma_wait3A_113 = tpu.memref_squeeze %dma_wait3A_112 : memref<1x128xi32, #tpu.memory_space<vmem>> -> memref<128xi32, #tpu.memory_space<vmem>>
    %dma_wait3A_114 = tpu.memref_slice %arg3[%mul3A_106] : memref<327680xi32, #tpu.memory_space<hbm>> -> memref<128xi32, #tpu.memory_space<hbm>>
    tpu.wait_dma2 semaphore(%arg12 : memref<!tpu.dma_semaphore, #tpu.memory_space<semaphore_mem>>) src(%dma_wait3A_114 : memref<128xi32, #tpu.memory_space<hbm>>) dst(%dma_wait3A_113 : memref<128xi32, #tpu.memory_space<vmem>>)
    %dma_start3A_115 = arith.constant 0 : i32
    %dma_start3A_116 = arith.constant 0 : i32
    %dma_start3A_117 = arith.constant 0 : i32
    %dma_start3A_118 = arith.constant 0 : i32
    %dma_start3A_119 = tpu.memref_slice %arg8[%dma_start3A_116, %dma_start3A_117, %dma_start3A_118] : memref<2x128x128xf32, #tpu.memory_space<vmem>> -> memref<1x128x128xf32, #tpu.memory_space<vmem>>
    %dma_start3A_120 = tpu.memref_squeeze %dma_start3A_119 : memref<1x128x128xf32, #tpu.memory_space<vmem>> -> memref<128x128xf32, #tpu.memory_space<vmem>>
    %dma_start3A_121 = arith.constant 0 : i32
    %dma_start3A_122 = tpu.memref_slice %arg6[%dma_start3A_115, %dma_start3A_121] : memref<4x128xi32, #tpu.memory_space<vmem>> -> memref<1x128xi32, #tpu.memory_space<vmem>>
    %dma_start3A_123 = tpu.memref_squeeze %dma_start3A_122 : memref<1x128xi32, #tpu.memory_space<vmem>> -> memref<128xi32, #tpu.memory_space<vmem>>
    %dma_start3A_124 = arith.constant 0 : i32
    %dma_start3A_125 = arith.constant 0 : i32
    %dma_start3A_126 = tpu.memref_slice %arg2[%dma_start3A_124, %dma_start3A_125] : memref<10112x128xf32, #tpu.memory_space<hbm>> -> memref<10112x128xf32, #tpu.memory_space<hbm>>
    tpu.enqueue_indirect_dma source(%dma_start3A_126 : memref<10112x128xf32, #tpu.memory_space<hbm>>) target(%dma_start3A_120 : memref<128x128xf32, #tpu.memory_space<vmem>>) offsets(%dma_start3A_123 : memref<128xi32, #tpu.memory_space<vmem>>) semaphore(%arg10 : memref<!tpu.dma_semaphore, #tpu.memory_space<semaphore_mem>>)
    %add3A_127 = arith.constant 1 : i32
    %add3A_128 = arith.addi %mul3A_2, %add3A_127 : i32
    %mul3A_129 = arith.constant 128 : i32
    %mul3A_130 = arith.muli %add3A_128, %mul3A_129 : i32
    %dma_wait3A_131 = arith.constant 1 : i32
    %dma_wait3A_132 = arith.constant 0 : i32
    %dma_wait3A_133 = tpu.memref_slice %arg6[%dma_wait3A_131, %dma_wait3A_132] : memref<4x128xi32, #tpu.memory_space<vmem>> -> memref<1x128xi32, #tpu.memory_space<vmem>>
    %dma_wait3A_134 = tpu.memref_squeeze %dma_wait3A_133 : memref<1x128xi32, #tpu.memory_space<vmem>> -> memref<128xi32, #tpu.memory_space<vmem>>
    %dma_wait3A_135 = tpu.memref_slice %arg3[%mul3A_130] : memref<327680xi32, #tpu.memory_space<hbm>> -> memref<128xi32, #tpu.memory_space<hbm>>
    %dma_wait3A_136 = arith.constant 0 : i32
    %dma_wait3A_137 = tpu.memref_slice %arg6[%dma_wait3A_131, %dma_wait3A_136] : memref<4x128xi32, #tpu.memory_space<vmem>> -> memref<1x128xi32, #tpu.memory_space<vmem>>
    %dma_wait3A_138 = tpu.memref_squeeze %dma_wait3A_137 : memref<1x128xi32, #tpu.memory_space<vmem>> -> memref<128xi32, #tpu.memory_space<vmem>>
    %dma_wait3A_139 = tpu.memref_slice %arg3[%mul3A_130] : memref<327680xi32, #tpu.memory_space<hbm>> -> memref<128xi32, #tpu.memory_space<hbm>>
    tpu.wait_dma2 semaphore(%arg13 : memref<!tpu.dma_semaphore, #tpu.memory_space<semaphore_mem>>) src(%dma_wait3A_139 : memref<128xi32, #tpu.memory_space<hbm>>) dst(%dma_wait3A_138 : memref<128xi32, #tpu.memory_space<vmem>>)
    %dma_start3A_140 = arith.constant 1 : i32
    %dma_start3A_141 = arith.constant 1 : i32
    %dma_start3A_142 = arith.constant 0 : i32
    %dma_start3A_143 = arith.constant 0 : i32
    %dma_start3A_144 = tpu.memref_slice %arg8[%dma_start3A_141, %dma_start3A_142, %dma_start3A_143] : memref<2x128x128xf32, #tpu.memory_space<vmem>> -> memref<1x128x128xf32, #tpu.memory_space<vmem>>
    %dma_start3A_145 = tpu.memref_squeeze %dma_start3A_144 : memref<1x128x128xf32, #tpu.memory_space<vmem>> -> memref<128x128xf32, #tpu.memory_space<vmem>>
    %dma_start3A_146 = arith.constant 0 : i32
    %dma_start3A_147 = tpu.memref_slice %arg6[%dma_start3A_140, %dma_start3A_146] : memref<4x128xi32, #tpu.memory_space<vmem>> -> memref<1x128xi32, #tpu.memory_space<vmem>>
    %dma_start3A_148 = tpu.memref_squeeze %dma_start3A_147 : memref<1x128xi32, #tpu.memory_space<vmem>> -> memref<128xi32, #tpu.memory_space<vmem>>
    %dma_start3A_149 = arith.constant 0 : i32
    %dma_start3A_150 = arith.constant 0 : i32
    %dma_start3A_151 = tpu.memref_slice %arg2[%dma_start3A_149, %dma_start3A_150] : memref<10112x128xf32, #tpu.memory_space<hbm>> -> memref<10112x128xf32, #tpu.memory_space<hbm>>
    tpu.enqueue_indirect_dma source(%dma_start3A_151 : memref<10112x128xf32, #tpu.memory_space<hbm>>) target(%dma_start3A_145 : memref<128x128xf32, #tpu.memory_space<vmem>>) offsets(%dma_start3A_148 : memref<128xi32, #tpu.memory_space<vmem>>) semaphore(%arg11 : memref<!tpu.dma_semaphore, #tpu.memory_space<semaphore_mem>>)
    %scan3A_152 = arith.constant 0 : i32
    %scan3A_153 = arith.constant 0 : i32
    %scan3A_154 = arith.constant 20 : i32
    %scan3A_155 = arith.addi %scan3A_153, %scan3A_154 : i32
    %scan3A_156 = arith.constant 1 : i32
    scf.for %scan3A_159 = %scan3A_153 to %scan3A_155 step %scan3A_156  : i32 {
      %mul3A_160 = arith.constant 4 : i32
      %mul3A_161 = arith.muli %scan3A_159, %mul3A_160 : i32
      %add3A_162 = arith.constant 0 : i32
      %add3A_163 = arith.addi %mul3A_161, %add3A_162 : i32
      %dma_wait3A_164 = arith.constant 0 : i32
      %dma_wait3A_165 = arith.constant 0 : i32
      %dma_wait3A_166 = arith.constant 0 : i32
      %dma_wait3A_167 = arith.constant 0 : i32
      %dma_wait3A_168 = tpu.memref_slice %arg8[%dma_wait3A_165, %dma_wait3A_166, %dma_wait3A_167] : memref<2x128x128xf32, #tpu.memory_space<vmem>> -> memref<1x128x128xf32, #tpu.memory_space<vmem>>
      %dma_wait3A_169 = tpu.memref_squeeze %dma_wait3A_168 : memref<1x128x128xf32, #tpu.memory_space<vmem>> -> memref<128x128xf32, #tpu.memory_space<vmem>>
      %dma_wait3A_170 = arith.constant 0 : i32
      %dma_wait3A_171 = tpu.memref_slice %arg6[%dma_wait3A_164, %dma_wait3A_170] : memref<4x128xi32, #tpu.memory_space<vmem>> -> memref<1x128xi32, #tpu.memory_space<vmem>>
      %dma_wait3A_172 = tpu.memref_squeeze %dma_wait3A_171 : memref<1x128xi32, #tpu.memory_space<vmem>> -> memref<128xi32, #tpu.memory_space<vmem>>
      %dma_wait3A_173 = arith.constant 0 : i32
      %dma_wait3A_174 = arith.constant 0 : i32
      %dma_wait3A_175 = tpu.memref_slice %arg2[%dma_wait3A_173, %dma_wait3A_174] : memref<10112x128xf32, #tpu.memory_space<hbm>> -> memref<10112x128xf32, #tpu.memory_space<hbm>>
      tpu.wait_indirect_dma semaphore(%arg10 : memref<!tpu.dma_semaphore, #tpu.memory_space<semaphore_mem>>) src(%dma_wait3A_175 : memref<10112x128xf32, #tpu.memory_space<hbm>>) dst(%dma_wait3A_169 : memref<128x128xf32, #tpu.memory_space<vmem>>)
      %add3A_176 = arith.addi %mul3A_2, %add3A_163 : i32
      %mul3A_177 = arith.constant 128 : i32
      %mul3A_178 = arith.muli %add3A_176, %mul3A_177 : i32
      %dma_wait3A_179 = arith.constant 0 : i32
      %dma_wait3A_180 = arith.constant 0 : i32
      %dma_wait3A_181 = tpu.memref_slice %arg7[%dma_wait3A_179, %dma_wait3A_180] : memref<2x128xi32, #tpu.memory_space<vmem>> -> memref<1x128xi32, #tpu.memory_space<vmem>>
      %dma_wait3A_182 = tpu.memref_squeeze %dma_wait3A_181 : memref<1x128xi32, #tpu.memory_space<vmem>> -> memref<128xi32, #tpu.memory_space<vmem>>
      %dma_wait3A_183 = tpu.memref_slice %arg4[%mul3A_178] : memref<327680xi32, #tpu.memory_space<hbm>> -> memref<128xi32, #tpu.memory_space<hbm>>
      %dma_wait3A_184 = arith.constant 0 : i32
      %dma_wait3A_185 = tpu.memref_slice %arg7[%dma_wait3A_179, %dma_wait3A_184] : memref<2x128xi32, #tpu.memory_space<vmem>> -> memref<1x128xi32, #tpu.memory_space<vmem>>
      %dma_wait3A_186 = tpu.memref_squeeze %dma_wait3A_185 : memref<1x128xi32, #tpu.memory_space<vmem>> -> memref<128xi32, #tpu.memory_space<vmem>>
      %dma_wait3A_187 = tpu.memref_slice %arg4[%mul3A_178] : memref<327680xi32, #tpu.memory_space<hbm>> -> memref<128xi32, #tpu.memory_space<hbm>>
      tpu.wait_dma2 semaphore(%arg16 : memref<!tpu.dma_semaphore, #tpu.memory_space<semaphore_mem>>) src(%dma_wait3A_187 : memref<128xi32, #tpu.memory_space<hbm>>) dst(%dma_wait3A_186 : memref<128xi32, #tpu.memory_space<vmem>>)
      %run_scoped3A_188 = arith.constant 0 : i32
      %run_scoped3A_189 = arith.constant 0 : i32
      "tpu.region"() ({
        %run_scoped3A_361 = tpu.sem_alloc : memref<!tpu.dma_semaphore, #tpu.memory_space<semaphore_mem>>
        %dma_start3A_362 = arith.constant 0 : i32
        %dma_start3A_363 = arith.constant 0 : i32
        %dma_start3A_364 = tpu.memref_slice %arg8[%run_scoped3A_188, %dma_start3A_362, %dma_start3A_363] : memref<2x128x128xf32, #tpu.memory_space<vmem>> -> memref<1x128x128xf32, #tpu.memory_space<vmem>>
        %dma_start3A_365 = tpu.memref_squeeze %dma_start3A_364 : memref<1x128x128xf32, #tpu.memory_space<vmem>> -> memref<128x128xf32, #tpu.memory_space<vmem>>
        %dma_start3A_366 = arith.constant 0 : i32
        %dma_start3A_367 = tpu.memref_slice %arg7[%run_scoped3A_189, %dma_start3A_366] : memref<2x128xi32, #tpu.memory_space<vmem>> -> memref<1x128xi32, #tpu.memory_space<vmem>>
        %dma_start3A_368 = tpu.memref_squeeze %dma_start3A_367 : memref<1x128xi32, #tpu.memory_space<vmem>> -> memref<128xi32, #tpu.memory_space<vmem>>
        %dma_start3A_369 = arith.constant 0 : i32
        %dma_start3A_370 = arith.constant 0 : i32
        %dma_start3A_371 = tpu.memref_slice %arg9[%dma_start3A_369, %dma_start3A_370] : memref<10112x128xf32, #tpu.memory_space<vmem_shared>> -> memref<10112x128xf32, #tpu.memory_space<vmem_shared>>
        tpu.enqueue_indirect_dma source(%dma_start3A_365 : memref<128x128xf32, #tpu.memory_space<vmem>>) target(%dma_start3A_371 : memref<10112x128xf32, #tpu.memory_space<vmem_shared>>) offsets(%dma_start3A_368 : memref<128xi32, #tpu.memory_space<vmem>>) semaphore(%run_scoped3A_361 : memref<!tpu.dma_semaphore, #tpu.memory_space<semaphore_mem>>) {add = true}
        %dma_wait3A_372 = arith.constant 0 : i32
        %dma_wait3A_373 = arith.constant 0 : i32
        %dma_wait3A_374 = tpu.memref_slice %arg8[%run_scoped3A_188, %dma_wait3A_372, %dma_wait3A_373] : memref<2x128x128xf32, #tpu.memory_space<vmem>> -> memref<1x128x128xf32, #tpu.memory_space<vmem>>
        %dma_wait3A_375 = tpu.memref_squeeze %dma_wait3A_374 : memref<1x128x128xf32, #tpu.memory_space<vmem>> -> memref<128x128xf32, #tpu.memory_space<vmem>>
        %dma_wait3A_376 = arith.constant 0 : i32
        %dma_wait3A_377 = tpu.memref_slice %arg7[%run_scoped3A_189, %dma_wait3A_376] : memref<2x128xi32, #tpu.memory_space<vmem>> -> memref<1x128xi32, #tpu.memory_space<vmem>>
        %dma_wait3A_378 = tpu.memref_squeeze %dma_wait3A_377 : memref<1x128xi32, #tpu.memory_space<vmem>> -> memref<128xi32, #tpu.memory_space<vmem>>
        %dma_wait3A_379 = arith.constant 0 : i32
        %dma_wait3A_380 = arith.constant 0 : i32
        %dma_wait3A_381 = tpu.memref_slice %arg9[%dma_wait3A_379, %dma_wait3A_380] : memref<10112x128xf32, #tpu.memory_space<vmem_shared>> -> memref<10112x128xf32, #tpu.memory_space<vmem_shared>>
        tpu.wait_indirect_dma semaphore(%run_scoped3A_361 : memref<!tpu.dma_semaphore, #tpu.memory_space<semaphore_mem>>) src(%dma_wait3A_375 : memref<128x128xf32, #tpu.memory_space<vmem>>) dst(%dma_wait3A_381 : memref<10112x128xf32, #tpu.memory_space<vmem_shared>>)
        tpu.yield
      }) : () -> ()
      %add3A_190 = arith.constant 2 : i32
      %add3A_191 = arith.addi %add3A_163, %add3A_190 : i32
      %lt3A = arith.constant 80 : i32
      %lt3A_192 = arith.cmpi slt, %add3A_191, %lt3A : i32
      %convert_element_type3A = arith.extui %lt3A_192 : i1 to i32
      %cond3A = arith.constant 0 : i32
      %cond3A_193 = arith.cmpi ne, %convert_element_type3A, %cond3A : i32
      scf.if %cond3A_193 {
        %add3A_361 = arith.constant 2 : i32
        %add3A_362 = arith.addi %add3A_163, %add3A_361 : i32
        %add3A_363 = arith.addi %mul3A_2, %add3A_362 : i32
        %mul3A_364 = arith.constant 128 : i32
        %mul3A_365 = arith.muli %add3A_363, %mul3A_364 : i32
        %dma_start3A_366 = arith.constant 0 : i32
        %dma_start3A_367 = arith.constant 0 : i32
        %dma_start3A_368 = tpu.memref_slice %arg7[%dma_start3A_366, %dma_start3A_367] : memref<2x128xi32, #tpu.memory_space<vmem>> -> memref<1x128xi32, #tpu.memory_space<vmem>>
        %dma_start3A_369 = tpu.memref_squeeze %dma_start3A_368 : memref<1x128xi32, #tpu.memory_space<vmem>> -> memref<128xi32, #tpu.memory_space<vmem>>
        %dma_start3A_370 = tpu.memref_slice %arg4[%mul3A_365] : memref<327680xi32, #tpu.memory_space<hbm>> -> memref<128xi32, #tpu.memory_space<hbm>>
        %dma_start3A_371 = arith.constant 0 : i32
        %dma_start3A_372 = tpu.memref_slice %arg7[%dma_start3A_366, %dma_start3A_371] : memref<2x128xi32, #tpu.memory_space<vmem>> -> memref<1x128xi32, #tpu.memory_space<vmem>>
        %dma_start3A_373 = tpu.memref_squeeze %dma_start3A_372 : memref<1x128xi32, #tpu.memory_space<vmem>> -> memref<128xi32, #tpu.memory_space<vmem>>
        %dma_start3A_374 = tpu.memref_slice %arg4[%mul3A_365] : memref<327680xi32, #tpu.memory_space<hbm>> -> memref<128xi32, #tpu.memory_space<hbm>>
        tpu.enqueue_dma source(%dma_start3A_374 : memref<128xi32, #tpu.memory_space<hbm>>) target(%dma_start3A_373 : memref<128xi32, #tpu.memory_space<vmem>>) target_semaphore(%arg16 : memref<!tpu.dma_semaphore, #tpu.memory_space<semaphore_mem>>)
      } else {
      }
      %add3A_194 = arith.constant 4 : i32
      %add3A_195 = arith.addi %add3A_163, %add3A_194 : i32
      %lt3A_196 = arith.constant 80 : i32
      %lt3A_197 = arith.cmpi slt, %add3A_195, %lt3A_196 : i32
      %convert_element_type3A_198 = arith.extui %lt3A_197 : i1 to i32
      %cond3A_199 = arith.constant 0 : i32
      %cond3A_200 = arith.cmpi ne, %convert_element_type3A_198, %cond3A_199 : i32
      scf.if %cond3A_200 {
        %add3A_361 = arith.constant 4 : i32
        %add3A_362 = arith.addi %add3A_163, %add3A_361 : i32
        %add3A_363 = arith.addi %mul3A_2, %add3A_362 : i32
        %mul3A_364 = arith.constant 128 : i32
        %mul3A_365 = arith.muli %add3A_363, %mul3A_364 : i32
        %dma_start3A_366 = arith.constant 0 : i32
        %dma_start3A_367 = arith.constant 0 : i32
        %dma_start3A_368 = tpu.memref_slice %arg6[%dma_start3A_366, %dma_start3A_367] : memref<4x128xi32, #tpu.memory_space<vmem>> -> memref<1x128xi32, #tpu.memory_space<vmem>>
        %dma_start3A_369 = tpu.memref_squeeze %dma_start3A_368 : memref<1x128xi32, #tpu.memory_space<vmem>> -> memref<128xi32, #tpu.memory_space<vmem>>
        %dma_start3A_370 = tpu.memref_slice %arg3[%mul3A_365] : memref<327680xi32, #tpu.memory_space<hbm>> -> memref<128xi32, #tpu.memory_space<hbm>>
        %dma_start3A_371 = arith.constant 0 : i32
        %dma_start3A_372 = tpu.memref_slice %arg6[%dma_start3A_366, %dma_start3A_371] : memref<4x128xi32, #tpu.memory_space<vmem>> -> memref<1x128xi32, #tpu.memory_space<vmem>>
        %dma_start3A_373 = tpu.memref_squeeze %dma_start3A_372 : memref<1x128xi32, #tpu.memory_space<vmem>> -> memref<128xi32, #tpu.memory_space<vmem>>
        %dma_start3A_374 = tpu.memref_slice %arg3[%mul3A_365] : memref<327680xi32, #tpu.memory_space<hbm>> -> memref<128xi32, #tpu.memory_space<hbm>>
        tpu.enqueue_dma source(%dma_start3A_374 : memref<128xi32, #tpu.memory_space<hbm>>) target(%dma_start3A_373 : memref<128xi32, #tpu.memory_space<vmem>>) target_semaphore(%arg12 : memref<!tpu.dma_semaphore, #tpu.memory_space<semaphore_mem>>)
      } else {
      }
      %add3A_201 = arith.constant 2 : i32
      %add3A_202 = arith.addi %add3A_163, %add3A_201 : i32
      %lt3A_203 = arith.constant 80 : i32
      %lt3A_204 = arith.cmpi slt, %add3A_202, %lt3A_203 : i32
      %convert_element_type3A_205 = arith.extui %lt3A_204 : i1 to i32
      %cond3A_206 = arith.constant 0 : i32
      %cond3A_207 = arith.cmpi ne, %convert_element_type3A_205, %cond3A_206 : i32
      scf.if %cond3A_207 {
        %add3A_361 = arith.constant 2 : i32
        %add3A_362 = arith.addi %add3A_163, %add3A_361 : i32
        %add3A_363 = arith.addi %mul3A_2, %add3A_362 : i32
        %mul3A_364 = arith.constant 128 : i32
        %mul3A_365 = arith.muli %add3A_363, %mul3A_364 : i32
        %dma_wait3A_366 = arith.constant 2 : i32
        %dma_wait3A_367 = arith.constant 0 : i32
        %dma_wait3A_368 = tpu.memref_slice %arg6[%dma_wait3A_366, %dma_wait3A_367] : memref<4x128xi32, #tpu.memory_space<vmem>> -> memref<1x128xi32, #tpu.memory_space<vmem>>
        %dma_wait3A_369 = tpu.memref_squeeze %dma_wait3A_368 : memref<1x128xi32, #tpu.memory_space<vmem>> -> memref<128xi32, #tpu.memory_space<vmem>>
        %dma_wait3A_370 = tpu.memref_slice %arg3[%mul3A_365] : memref<327680xi32, #tpu.memory_space<hbm>> -> memref<128xi32, #tpu.memory_space<hbm>>
        %dma_wait3A_371 = arith.constant 0 : i32
        %dma_wait3A_372 = tpu.memref_slice %arg6[%dma_wait3A_366, %dma_wait3A_371] : memref<4x128xi32, #tpu.memory_space<vmem>> -> memref<1x128xi32, #tpu.memory_space<vmem>>
        %dma_wait3A_373 = tpu.memref_squeeze %dma_wait3A_372 : memref<1x128xi32, #tpu.memory_space<vmem>> -> memref<128xi32, #tpu.memory_space<vmem>>
        %dma_wait3A_374 = tpu.memref_slice %arg3[%mul3A_365] : memref<327680xi32, #tpu.memory_space<hbm>> -> memref<128xi32, #tpu.memory_space<hbm>>
        tpu.wait_dma2 semaphore(%arg14 : memref<!tpu.dma_semaphore, #tpu.memory_space<semaphore_mem>>) src(%dma_wait3A_374 : memref<128xi32, #tpu.memory_space<hbm>>) dst(%dma_wait3A_373 : memref<128xi32, #tpu.memory_space<vmem>>)
        %dma_start3A_375 = arith.constant 2 : i32
        %dma_start3A_376 = arith.constant 0 : i32
        %dma_start3A_377 = arith.constant 0 : i32
        %dma_start3A_378 = arith.constant 0 : i32
        %dma_start3A_379 = tpu.memref_slice %arg8[%dma_start3A_376, %dma_start3A_377, %dma_start3A_378] : memref<2x128x128xf32, #tpu.memory_space<vmem>> -> memref<1x128x128xf32, #tpu.memory_space<vmem>>
        %dma_start3A_380 = tpu.memref_squeeze %dma_start3A_379 : memref<1x128x128xf32, #tpu.memory_space<vmem>> -> memref<128x128xf32, #tpu.memory_space<vmem>>
        %dma_start3A_381 = arith.constant 0 : i32
        %dma_start3A_382 = tpu.memref_slice %arg6[%dma_start3A_375, %dma_start3A_381] : memref<4x128xi32, #tpu.memory_space<vmem>> -> memref<1x128xi32, #tpu.memory_space<vmem>>
        %dma_start3A_383 = tpu.memref_squeeze %dma_start3A_382 : memref<1x128xi32, #tpu.memory_space<vmem>> -> memref<128xi32, #tpu.memory_space<vmem>>
        %dma_start3A_384 = arith.constant 0 : i32
        %dma_start3A_385 = arith.constant 0 : i32
        %dma_start3A_386 = tpu.memref_slice %arg2[%dma_start3A_384, %dma_start3A_385] : memref<10112x128xf32, #tpu.memory_space<hbm>> -> memref<10112x128xf32, #tpu.memory_space<hbm>>
        tpu.enqueue_indirect_dma source(%dma_start3A_386 : memref<10112x128xf32, #tpu.memory_space<hbm>>) target(%dma_start3A_380 : memref<128x128xf32, #tpu.memory_space<vmem>>) offsets(%dma_start3A_383 : memref<128xi32, #tpu.memory_space<vmem>>) semaphore(%arg10 : memref<!tpu.dma_semaphore, #tpu.memory_space<semaphore_mem>>)
      } else {
      }
      %mul3A_208 = arith.constant 4 : i32
      %mul3A_209 = arith.muli %scan3A_159, %mul3A_208 : i32
      %add3A_210 = arith.constant 1 : i32
      %add3A_211 = arith.addi %mul3A_209, %add3A_210 : i32
      %dma_wait3A_212 = arith.constant 1 : i32
      %dma_wait3A_213 = arith.constant 1 : i32
      %dma_wait3A_214 = arith.constant 0 : i32
      %dma_wait3A_215 = arith.constant 0 : i32
      %dma_wait3A_216 = tpu.memref_slice %arg8[%dma_wait3A_213, %dma_wait3A_214, %dma_wait3A_215] : memref<2x128x128xf32, #tpu.memory_space<vmem>> -> memref<1x128x128xf32, #tpu.memory_space<vmem>>
      %dma_wait3A_217 = tpu.memref_squeeze %dma_wait3A_216 : memref<1x128x128xf32, #tpu.memory_space<vmem>> -> memref<128x128xf32, #tpu.memory_space<vmem>>
      %dma_wait3A_218 = arith.constant 0 : i32
      %dma_wait3A_219 = tpu.memref_slice %arg6[%dma_wait3A_212, %dma_wait3A_218] : memref<4x128xi32, #tpu.memory_space<vmem>> -> memref<1x128xi32, #tpu.memory_space<vmem>>
      %dma_wait3A_220 = tpu.memref_squeeze %dma_wait3A_219 : memref<1x128xi32, #tpu.memory_space<vmem>> -> memref<128xi32, #tpu.memory_space<vmem>>
      %dma_wait3A_221 = arith.constant 0 : i32
      %dma_wait3A_222 = arith.constant 0 : i32
      %dma_wait3A_223 = tpu.memref_slice %arg2[%dma_wait3A_221, %dma_wait3A_222] : memref<10112x128xf32, #tpu.memory_space<hbm>> -> memref<10112x128xf32, #tpu.memory_space<hbm>>
      tpu.wait_indirect_dma semaphore(%arg11 : memref<!tpu.dma_semaphore, #tpu.memory_space<semaphore_mem>>) src(%dma_wait3A_223 : memref<10112x128xf32, #tpu.memory_space<hbm>>) dst(%dma_wait3A_217 : memref<128x128xf32, #tpu.memory_space<vmem>>)
      %add3A_224 = arith.addi %mul3A_2, %add3A_211 : i32
      %mul3A_225 = arith.constant 128 : i32
      %mul3A_226 = arith.muli %add3A_224, %mul3A_225 : i32
      %dma_wait3A_227 = arith.constant 1 : i32
      %dma_wait3A_228 = arith.constant 0 : i32
      %dma_wait3A_229 = tpu.memref_slice %arg7[%dma_wait3A_227, %dma_wait3A_228] : memref<2x128xi32, #tpu.memory_space<vmem>> -> memref<1x128xi32, #tpu.memory_space<vmem>>
      %dma_wait3A_230 = tpu.memref_squeeze %dma_wait3A_229 : memref<1x128xi32, #tpu.memory_space<vmem>> -> memref<128xi32, #tpu.memory_space<vmem>>
      %dma_wait3A_231 = tpu.memref_slice %arg4[%mul3A_226] : memref<327680xi32, #tpu.memory_space<hbm>> -> memref<128xi32, #tpu.memory_space<hbm>>
      %dma_wait3A_232 = arith.constant 0 : i32
      %dma_wait3A_233 = tpu.memref_slice %arg7[%dma_wait3A_227, %dma_wait3A_232] : memref<2x128xi32, #tpu.memory_space<vmem>> -> memref<1x128xi32, #tpu.memory_space<vmem>>
      %dma_wait3A_234 = tpu.memref_squeeze %dma_wait3A_233 : memref<1x128xi32, #tpu.memory_space<vmem>> -> memref<128xi32, #tpu.memory_space<vmem>>
      %dma_wait3A_235 = tpu.memref_slice %arg4[%mul3A_226] : memref<327680xi32, #tpu.memory_space<hbm>> -> memref<128xi32, #tpu.memory_space<hbm>>
      tpu.wait_dma2 semaphore(%arg17 : memref<!tpu.dma_semaphore, #tpu.memory_space<semaphore_mem>>) src(%dma_wait3A_235 : memref<128xi32, #tpu.memory_space<hbm>>) dst(%dma_wait3A_234 : memref<128xi32, #tpu.memory_space<vmem>>)
      %run_scoped3A_236 = arith.constant 1 : i32
      %run_scoped3A_237 = arith.constant 1 : i32
      "tpu.region"() ({
        %run_scoped3A_361 = tpu.sem_alloc : memref<!tpu.dma_semaphore, #tpu.memory_space<semaphore_mem>>
        %dma_start3A_362 = arith.constant 0 : i32
        %dma_start3A_363 = arith.constant 0 : i32
        %dma_start3A_364 = tpu.memref_slice %arg8[%run_scoped3A_236, %dma_start3A_362, %dma_start3A_363] : memref<2x128x128xf32, #tpu.memory_space<vmem>> -> memref<1x128x128xf32, #tpu.memory_space<vmem>>
        %dma_start3A_365 = tpu.memref_squeeze %dma_start3A_364 : memref<1x128x128xf32, #tpu.memory_space<vmem>> -> memref<128x128xf32, #tpu.memory_space<vmem>>
        %dma_start3A_366 = arith.constant 0 : i32
        %dma_start3A_367 = tpu.memref_slice %arg7[%run_scoped3A_237, %dma_start3A_366] : memref<2x128xi32, #tpu.memory_space<vmem>> -> memref<1x128xi32, #tpu.memory_space<vmem>>
        %dma_start3A_368 = tpu.memref_squeeze %dma_start3A_367 : memref<1x128xi32, #tpu.memory_space<vmem>> -> memref<128xi32, #tpu.memory_space<vmem>>
        %dma_start3A_369 = arith.constant 0 : i32
        %dma_start3A_370 = arith.constant 0 : i32
        %dma_start3A_371 = tpu.memref_slice %arg9[%dma_start3A_369, %dma_start3A_370] : memref<10112x128xf32, #tpu.memory_space<vmem_shared>> -> memref<10112x128xf32, #tpu.memory_space<vmem_shared>>
        tpu.enqueue_indirect_dma source(%dma_start3A_365 : memref<128x128xf32, #tpu.memory_space<vmem>>) target(%dma_start3A_371 : memref<10112x128xf32, #tpu.memory_space<vmem_shared>>) offsets(%dma_start3A_368 : memref<128xi32, #tpu.memory_space<vmem>>) semaphore(%run_scoped3A_361 : memref<!tpu.dma_semaphore, #tpu.memory_space<semaphore_mem>>) {add = true}
        %dma_wait3A_372 = arith.constant 0 : i32
        %dma_wait3A_373 = arith.constant 0 : i32
        %dma_wait3A_374 = tpu.memref_slice %arg8[%run_scoped3A_236, %dma_wait3A_372, %dma_wait3A_373] : memref<2x128x128xf32, #tpu.memory_space<vmem>> -> memref<1x128x128xf32, #tpu.memory_space<vmem>>
        %dma_wait3A_375 = tpu.memref_squeeze %dma_wait3A_374 : memref<1x128x128xf32, #tpu.memory_space<vmem>> -> memref<128x128xf32, #tpu.memory_space<vmem>>
        %dma_wait3A_376 = arith.constant 0 : i32
        %dma_wait3A_377 = tpu.memref_slice %arg7[%run_scoped3A_237, %dma_wait3A_376] : memref<2x128xi32, #tpu.memory_space<vmem>> -> memref<1x128xi32, #tpu.memory_space<vmem>>
        %dma_wait3A_378 = tpu.memref_squeeze %dma_wait3A_377 : memref<1x128xi32, #tpu.memory_space<vmem>> -> memref<128xi32, #tpu.memory_space<vmem>>
        %dma_wait3A_379 = arith.constant 0 : i32
        %dma_wait3A_380 = arith.constant 0 : i32
        %dma_wait3A_381 = tpu.memref_slice %arg9[%dma_wait3A_379, %dma_wait3A_380] : memref<10112x128xf32, #tpu.memory_space<vmem_shared>> -> memref<10112x128xf32, #tpu.memory_space<vmem_shared>>
        tpu.wait_indirect_dma semaphore(%run_scoped3A_361 : memref<!tpu.dma_semaphore, #tpu.memory_space<semaphore_mem>>) src(%dma_wait3A_375 : memref<128x128xf32, #tpu.memory_space<vmem>>) dst(%dma_wait3A_381 : memref<10112x128xf32, #tpu.memory_space<vmem_shared>>)
        tpu.yield
      }) : () -> ()
      %add3A_238 = arith.constant 2 : i32
      %add3A_239 = arith.addi %add3A_211, %add3A_238 : i32
      %lt3A_240 = arith.constant 80 : i32
      %lt3A_241 = arith.cmpi slt, %add3A_239, %lt3A_240 : i32
      %convert_element_type3A_242 = arith.extui %lt3A_241 : i1 to i32
      %cond3A_243 = arith.constant 0 : i32
      %cond3A_244 = arith.cmpi ne, %convert_element_type3A_242, %cond3A_243 : i32
      scf.if %cond3A_244 {
        %add3A_361 = arith.constant 2 : i32
        %add3A_362 = arith.addi %add3A_211, %add3A_361 : i32
        %add3A_363 = arith.addi %mul3A_2, %add3A_362 : i32
        %mul3A_364 = arith.constant 128 : i32
        %mul3A_365 = arith.muli %add3A_363, %mul3A_364 : i32
        %dma_start3A_366 = arith.constant 1 : i32
        %dma_start3A_367 = arith.constant 0 : i32
        %dma_start3A_368 = tpu.memref_slice %arg7[%dma_start3A_366, %dma_start3A_367] : memref<2x128xi32, #tpu.memory_space<vmem>> -> memref<1x128xi32, #tpu.memory_space<vmem>>
        %dma_start3A_369 = tpu.memref_squeeze %dma_start3A_368 : memref<1x128xi32, #tpu.memory_space<vmem>> -> memref<128xi32, #tpu.memory_space<vmem>>
        %dma_start3A_370 = tpu.memref_slice %arg4[%mul3A_365] : memref<327680xi32, #tpu.memory_space<hbm>> -> memref<128xi32, #tpu.memory_space<hbm>>
        %dma_start3A_371 = arith.constant 0 : i32
        %dma_start3A_372 = tpu.memref_slice %arg7[%dma_start3A_366, %dma_start3A_371] : memref<2x128xi32, #tpu.memory_space<vmem>> -> memref<1x128xi32, #tpu.memory_space<vmem>>
        %dma_start3A_373 = tpu.memref_squeeze %dma_start3A_372 : memref<1x128xi32, #tpu.memory_space<vmem>> -> memref<128xi32, #tpu.memory_space<vmem>>
        %dma_start3A_374 = tpu.memref_slice %arg4[%mul3A_365] : memref<327680xi32, #tpu.memory_space<hbm>> -> memref<128xi32, #tpu.memory_space<hbm>>
        tpu.enqueue_dma source(%dma_start3A_374 : memref<128xi32, #tpu.memory_space<hbm>>) target(%dma_start3A_373 : memref<128xi32, #tpu.memory_space<vmem>>) target_semaphore(%arg17 : memref<!tpu.dma_semaphore, #tpu.memory_space<semaphore_mem>>)
      } else {
      }
      %add3A_245 = arith.constant 4 : i32
      %add3A_246 = arith.addi %add3A_211, %add3A_245 : i32
      %lt3A_247 = arith.constant 80 : i32
      %lt3A_248 = arith.cmpi slt, %add3A_246, %lt3A_247 : i32
      %convert_element_type3A_249 = arith.extui %lt3A_248 : i1 to i32
      %cond3A_250 = arith.constant 0 : i32
      %cond3A_251 = arith.cmpi ne, %convert_element_type3A_249, %cond3A_250 : i32
      scf.if %cond3A_251 {
        %add3A_361 = arith.constant 4 : i32
        %add3A_362 = arith.addi %add3A_211, %add3A_361 : i32
        %add3A_363 = arith.addi %mul3A_2, %add3A_362 : i32
        %mul3A_364 = arith.constant 128 : i32
        %mul3A_365 = arith.muli %add3A_363, %mul3A_364 : i32
        %dma_start3A_366 = arith.constant 1 : i32
        %dma_start3A_367 = arith.constant 0 : i32
        %dma_start3A_368 = tpu.memref_slice %arg6[%dma_start3A_366, %dma_start3A_367] : memref<4x128xi32, #tpu.memory_space<vmem>> -> memref<1x128xi32, #tpu.memory_space<vmem>>
        %dma_start3A_369 = tpu.memref_squeeze %dma_start3A_368 : memref<1x128xi32, #tpu.memory_space<vmem>> -> memref<128xi32, #tpu.memory_space<vmem>>
        %dma_start3A_370 = tpu.memref_slice %arg3[%mul3A_365] : memref<327680xi32, #tpu.memory_space<hbm>> -> memref<128xi32, #tpu.memory_space<hbm>>
        %dma_start3A_371 = arith.constant 0 : i32
        %dma_start3A_372 = tpu.memref_slice %arg6[%dma_start3A_366, %dma_start3A_371] : memref<4x128xi32, #tpu.memory_space<vmem>> -> memref<1x128xi32, #tpu.memory_space<vmem>>
        %dma_start3A_373 = tpu.memref_squeeze %dma_start3A_372 : memref<1x128xi32, #tpu.memory_space<vmem>> -> memref<128xi32, #tpu.memory_space<vmem>>
        %dma_start3A_374 = tpu.memref_slice %arg3[%mul3A_365] : memref<327680xi32, #tpu.memory_space<hbm>> -> memref<128xi32, #tpu.memory_space<hbm>>
        tpu.enqueue_dma source(%dma_start3A_374 : memref<128xi32, #tpu.memory_space<hbm>>) target(%dma_start3A_373 : memref<128xi32, #tpu.memory_space<vmem>>) target_semaphore(%arg13 : memref<!tpu.dma_semaphore, #tpu.memory_space<semaphore_mem>>)
      } else {
      }
      %add3A_252 = arith.constant 2 : i32
      %add3A_253 = arith.addi %add3A_211, %add3A_252 : i32
      %lt3A_254 = arith.constant 80 : i32
      %lt3A_255 = arith.cmpi slt, %add3A_253, %lt3A_254 : i32
      %convert_element_type3A_256 = arith.extui %lt3A_255 : i1 to i32
      %cond3A_257 = arith.constant 0 : i32
      %cond3A_258 = arith.cmpi ne, %convert_element_type3A_256, %cond3A_257 : i32
      scf.if %cond3A_258 {
        %add3A_361 = arith.constant 2 : i32
        %add3A_362 = arith.addi %add3A_211, %add3A_361 : i32
        %add3A_363 = arith.addi %mul3A_2, %add3A_362 : i32
        %mul3A_364 = arith.constant 128 : i32
        %mul3A_365 = arith.muli %add3A_363, %mul3A_364 : i32
        %dma_wait3A_366 = arith.constant 3 : i32
        %dma_wait3A_367 = arith.constant 0 : i32
        %dma_wait3A_368 = tpu.memref_slice %arg6[%dma_wait3A_366, %dma_wait3A_367] : memref<4x128xi32, #tpu.memory_space<vmem>> -> memref<1x128xi32, #tpu.memory_space<vmem>>
        %dma_wait3A_369 = tpu.memref_squeeze %dma_wait3A_368 : memref<1x128xi32, #tpu.memory_space<vmem>> -> memref<128xi32, #tpu.memory_space<vmem>>
        %dma_wait3A_370 = tpu.memref_slice %arg3[%mul3A_365] : memref<327680xi32, #tpu.memory_space<hbm>> -> memref<128xi32, #tpu.memory_space<hbm>>
        %dma_wait3A_371 = arith.constant 0 : i32
        %dma_wait3A_372 = tpu.memref_slice %arg6[%dma_wait3A_366, %dma_wait3A_371] : memref<4x128xi32, #tpu.memory_space<vmem>> -> memref<1x128xi32, #tpu.memory_space<vmem>>
        %dma_wait3A_373 = tpu.memref_squeeze %dma_wait3A_372 : memref<1x128xi32, #tpu.memory_space<vmem>> -> memref<128xi32, #tpu.memory_space<vmem>>
        %dma_wait3A_374 = tpu.memref_slice %arg3[%mul3A_365] : memref<327680xi32, #tpu.memory_space<hbm>> -> memref<128xi32, #tpu.memory_space<hbm>>
        tpu.wait_dma2 semaphore(%arg15 : memref<!tpu.dma_semaphore, #tpu.memory_space<semaphore_mem>>) src(%dma_wait3A_374 : memref<128xi32, #tpu.memory_space<hbm>>) dst(%dma_wait3A_373 : memref<128xi32, #tpu.memory_space<vmem>>)
        %dma_start3A_375 = arith.constant 3 : i32
        %dma_start3A_376 = arith.constant 1 : i32
        %dma_start3A_377 = arith.constant 0 : i32
        %dma_start3A_378 = arith.constant 0 : i32
        %dma_start3A_379 = tpu.memref_slice %arg8[%dma_start3A_376, %dma_start3A_377, %dma_start3A_378] : memref<2x128x128xf32, #tpu.memory_space<vmem>> -> memref<1x128x128xf32, #tpu.memory_space<vmem>>
        %dma_start3A_380 = tpu.memref_squeeze %dma_start3A_379 : memref<1x128x128xf32, #tpu.memory_space<vmem>> -> memref<128x128xf32, #tpu.memory_space<vmem>>
        %dma_start3A_381 = arith.constant 0 : i32
        %dma_start3A_382 = tpu.memref_slice %arg6[%dma_start3A_375, %dma_start3A_381] : memref<4x128xi32, #tpu.memory_space<vmem>> -> memref<1x128xi32, #tpu.memory_space<vmem>>
        %dma_start3A_383 = tpu.memref_squeeze %dma_start3A_382 : memref<1x128xi32, #tpu.memory_space<vmem>> -> memref<128xi32, #tpu.memory_space<vmem>>
        %dma_start3A_384 = arith.constant 0 : i32
        %dma_start3A_385 = arith.constant 0 : i32
        %dma_start3A_386 = tpu.memref_slice %arg2[%dma_start3A_384, %dma_start3A_385] : memref<10112x128xf32, #tpu.memory_space<hbm>> -> memref<10112x128xf32, #tpu.memory_space<hbm>>
        tpu.enqueue_indirect_dma source(%dma_start3A_386 : memref<10112x128xf32, #tpu.memory_space<hbm>>) target(%dma_start3A_380 : memref<128x128xf32, #tpu.memory_space<vmem>>) offsets(%dma_start3A_383 : memref<128xi32, #tpu.memory_space<vmem>>) semaphore(%arg11 : memref<!tpu.dma_semaphore, #tpu.memory_space<semaphore_mem>>)
      } else {
      }
      %mul3A_259 = arith.constant 4 : i32
      %mul3A_260 = arith.muli %scan3A_159, %mul3A_259 : i32
      %add3A_261 = arith.constant 2 : i32
      %add3A_262 = arith.addi %mul3A_260, %add3A_261 : i32
      %dma_wait3A_263 = arith.constant 2 : i32
      %dma_wait3A_264 = arith.constant 0 : i32
      %dma_wait3A_265 = arith.constant 0 : i32
      %dma_wait3A_266 = arith.constant 0 : i32
      %dma_wait3A_267 = tpu.memref_slice %arg8[%dma_wait3A_264, %dma_wait3A_265, %dma_wait3A_266] : memref<2x128x128xf32, #tpu.memory_space<vmem>> -> memref<1x128x128xf32, #tpu.memory_space<vmem>>
      %dma_wait3A_268 = tpu.memref_squeeze %dma_wait3A_267 : memref<1x128x128xf32, #tpu.memory_space<vmem>> -> memref<128x128xf32, #tpu.memory_space<vmem>>
      %dma_wait3A_269 = arith.constant 0 : i32
      %dma_wait3A_270 = tpu.memref_slice %arg6[%dma_wait3A_263, %dma_wait3A_269] : memref<4x128xi32, #tpu.memory_space<vmem>> -> memref<1x128xi32, #tpu.memory_space<vmem>>
      %dma_wait3A_271 = tpu.memref_squeeze %dma_wait3A_270 : memref<1x128xi32, #tpu.memory_space<vmem>> -> memref<128xi32, #tpu.memory_space<vmem>>
      %dma_wait3A_272 = arith.constant 0 : i32
      %dma_wait3A_273 = arith.constant 0 : i32
      %dma_wait3A_274 = tpu.memref_slice %arg2[%dma_wait3A_272, %dma_wait3A_273] : memref<10112x128xf32, #tpu.memory_space<hbm>> -> memref<10112x128xf32, #tpu.memory_space<hbm>>
      tpu.wait_indirect_dma semaphore(%arg10 : memref<!tpu.dma_semaphore, #tpu.memory_space<semaphore_mem>>) src(%dma_wait3A_274 : memref<10112x128xf32, #tpu.memory_space<hbm>>) dst(%dma_wait3A_268 : memref<128x128xf32, #tpu.memory_space<vmem>>)
      %add3A_275 = arith.addi %mul3A_2, %add3A_262 : i32
      %mul3A_276 = arith.constant 128 : i32
      %mul3A_277 = arith.muli %add3A_275, %mul3A_276 : i32
      %dma_wait3A_278 = arith.constant 0 : i32
      %dma_wait3A_279 = arith.constant 0 : i32
      %dma_wait3A_280 = tpu.memref_slice %arg7[%dma_wait3A_278, %dma_wait3A_279] : memref<2x128xi32, #tpu.memory_space<vmem>> -> memref<1x128xi32, #tpu.memory_space<vmem>>
      %dma_wait3A_281 = tpu.memref_squeeze %dma_wait3A_280 : memref<1x128xi32, #tpu.memory_space<vmem>> -> memref<128xi32, #tpu.memory_space<vmem>>
      %dma_wait3A_282 = tpu.memref_slice %arg4[%mul3A_277] : memref<327680xi32, #tpu.memory_space<hbm>> -> memref<128xi32, #tpu.memory_space<hbm>>
      %dma_wait3A_283 = arith.constant 0 : i32
      %dma_wait3A_284 = tpu.memref_slice %arg7[%dma_wait3A_278, %dma_wait3A_283] : memref<2x128xi32, #tpu.memory_space<vmem>> -> memref<1x128xi32, #tpu.memory_space<vmem>>
      %dma_wait3A_285 = tpu.memref_squeeze %dma_wait3A_284 : memref<1x128xi32, #tpu.memory_space<vmem>> -> memref<128xi32, #tpu.memory_space<vmem>>
      %dma_wait3A_286 = tpu.memref_slice %arg4[%mul3A_277] : memref<327680xi32, #tpu.memory_space<hbm>> -> memref<128xi32, #tpu.memory_space<hbm>>
      tpu.wait_dma2 semaphore(%arg16 : memref<!tpu.dma_semaphore, #tpu.memory_space<semaphore_mem>>) src(%dma_wait3A_286 : memref<128xi32, #tpu.memory_space<hbm>>) dst(%dma_wait3A_285 : memref<128xi32, #tpu.memory_space<vmem>>)
      %run_scoped3A_287 = arith.constant 0 : i32
      %run_scoped3A_288 = arith.constant 0 : i32
      "tpu.region"() ({
        %run_scoped3A_361 = tpu.sem_alloc : memref<!tpu.dma_semaphore, #tpu.memory_space<semaphore_mem>>
        %dma_start3A_362 = arith.constant 0 : i32
        %dma_start3A_363 = arith.constant 0 : i32
        %dma_start3A_364 = tpu.memref_slice %arg8[%run_scoped3A_287, %dma_start3A_362, %dma_start3A_363] : memref<2x128x128xf32, #tpu.memory_space<vmem>> -> memref<1x128x128xf32, #tpu.memory_space<vmem>>
        %dma_start3A_365 = tpu.memref_squeeze %dma_start3A_364 : memref<1x128x128xf32, #tpu.memory_space<vmem>> -> memref<128x128xf32, #tpu.memory_space<vmem>>
        %dma_start3A_366 = arith.constant 0 : i32
        %dma_start3A_367 = tpu.memref_slice %arg7[%run_scoped3A_288, %dma_start3A_366] : memref<2x128xi32, #tpu.memory_space<vmem>> -> memref<1x128xi32, #tpu.memory_space<vmem>>
        %dma_start3A_368 = tpu.memref_squeeze %dma_start3A_367 : memref<1x128xi32, #tpu.memory_space<vmem>> -> memref<128xi32, #tpu.memory_space<vmem>>
        %dma_start3A_369 = arith.constant 0 : i32
        %dma_start3A_370 = arith.constant 0 : i32
        %dma_start3A_371 = tpu.memref_slice %arg9[%dma_start3A_369, %dma_start3A_370] : memref<10112x128xf32, #tpu.memory_space<vmem_shared>> -> memref<10112x128xf32, #tpu.memory_space<vmem_shared>>
        tpu.enqueue_indirect_dma source(%dma_start3A_365 : memref<128x128xf32, #tpu.memory_space<vmem>>) target(%dma_start3A_371 : memref<10112x128xf32, #tpu.memory_space<vmem_shared>>) offsets(%dma_start3A_368 : memref<128xi32, #tpu.memory_space<vmem>>) semaphore(%run_scoped3A_361 : memref<!tpu.dma_semaphore, #tpu.memory_space<semaphore_mem>>) {add = true}
        %dma_wait3A_372 = arith.constant 0 : i32
        %dma_wait3A_373 = arith.constant 0 : i32
        %dma_wait3A_374 = tpu.memref_slice %arg8[%run_scoped3A_287, %dma_wait3A_372, %dma_wait3A_373] : memref<2x128x128xf32, #tpu.memory_space<vmem>> -> memref<1x128x128xf32, #tpu.memory_space<vmem>>
        %dma_wait3A_375 = tpu.memref_squeeze %dma_wait3A_374 : memref<1x128x128xf32, #tpu.memory_space<vmem>> -> memref<128x128xf32, #tpu.memory_space<vmem>>
        %dma_wait3A_376 = arith.constant 0 : i32
        %dma_wait3A_377 = tpu.memref_slice %arg7[%run_scoped3A_288, %dma_wait3A_376] : memref<2x128xi32, #tpu.memory_space<vmem>> -> memref<1x128xi32, #tpu.memory_space<vmem>>
        %dma_wait3A_378 = tpu.memref_squeeze %dma_wait3A_377 : memref<1x128xi32, #tpu.memory_space<vmem>> -> memref<128xi32, #tpu.memory_space<vmem>>
        %dma_wait3A_379 = arith.constant 0 : i32
        %dma_wait3A_380 = arith.constant 0 : i32
        %dma_wait3A_381 = tpu.memref_slice %arg9[%dma_wait3A_379, %dma_wait3A_380] : memref<10112x128xf32, #tpu.memory_space<vmem_shared>> -> memref<10112x128xf32, #tpu.memory_space<vmem_shared>>
        tpu.wait_indirect_dma semaphore(%run_scoped3A_361 : memref<!tpu.dma_semaphore, #tpu.memory_space<semaphore_mem>>) src(%dma_wait3A_375 : memref<128x128xf32, #tpu.memory_space<vmem>>) dst(%dma_wait3A_381 : memref<10112x128xf32, #tpu.memory_space<vmem_shared>>)
        tpu.yield
      }) : () -> ()
      %add3A_289 = arith.constant 2 : i32
      %add3A_290 = arith.addi %add3A_262, %add3A_289 : i32
      %lt3A_291 = arith.constant 80 : i32
      %lt3A_292 = arith.cmpi slt, %add3A_290, %lt3A_291 : i32
      %convert_element_type3A_293 = arith.extui %lt3A_292 : i1 to i32
      %cond3A_294 = arith.constant 0 : i32
      %cond3A_295 = arith.cmpi ne, %convert_element_type3A_293, %cond3A_294 : i32
      scf.if %cond3A_295 {
        %add3A_361 = arith.constant 2 : i32
        %add3A_362 = arith.addi %add3A_262, %add3A_361 : i32
        %add3A_363 = arith.addi %mul3A_2, %add3A_362 : i32
        %mul3A_364 = arith.constant 128 : i32
        %mul3A_365 = arith.muli %add3A_363, %mul3A_364 : i32
        %dma_start3A_366 = arith.constant 0 : i32
        %dma_start3A_367 = arith.constant 0 : i32
        %dma_start3A_368 = tpu.memref_slice %arg7[%dma_start3A_366, %dma_start3A_367] : memref<2x128xi32, #tpu.memory_space<vmem>> -> memref<1x128xi32, #tpu.memory_space<vmem>>
        %dma_start3A_369 = tpu.memref_squeeze %dma_start3A_368 : memref<1x128xi32, #tpu.memory_space<vmem>> -> memref<128xi32, #tpu.memory_space<vmem>>
        %dma_start3A_370 = tpu.memref_slice %arg4[%mul3A_365] : memref<327680xi32, #tpu.memory_space<hbm>> -> memref<128xi32, #tpu.memory_space<hbm>>
        %dma_start3A_371 = arith.constant 0 : i32
        %dma_start3A_372 = tpu.memref_slice %arg7[%dma_start3A_366, %dma_start3A_371] : memref<2x128xi32, #tpu.memory_space<vmem>> -> memref<1x128xi32, #tpu.memory_space<vmem>>
        %dma_start3A_373 = tpu.memref_squeeze %dma_start3A_372 : memref<1x128xi32, #tpu.memory_space<vmem>> -> memref<128xi32, #tpu.memory_space<vmem>>
        %dma_start3A_374 = tpu.memref_slice %arg4[%mul3A_365] : memref<327680xi32, #tpu.memory_space<hbm>> -> memref<128xi32, #tpu.memory_space<hbm>>
        tpu.enqueue_dma source(%dma_start3A_374 : memref<128xi32, #tpu.memory_space<hbm>>) target(%dma_start3A_373 : memref<128xi32, #tpu.memory_space<vmem>>) target_semaphore(%arg16 : memref<!tpu.dma_semaphore, #tpu.memory_space<semaphore_mem>>)
      } else {
      }
      %add3A_296 = arith.constant 4 : i32
      %add3A_297 = arith.addi %add3A_262, %add3A_296 : i32
      %lt3A_298 = arith.constant 80 : i32
      %lt3A_299 = arith.cmpi slt, %add3A_297, %lt3A_298 : i32
      %convert_element_type3A_300 = arith.extui %lt3A_299 : i1 to i32
      %cond3A_301 = arith.constant 0 : i32
      %cond3A_302 = arith.cmpi ne, %convert_element_type3A_300, %cond3A_301 : i32
      scf.if %cond3A_302 {
        %add3A_361 = arith.constant 4 : i32
        %add3A_362 = arith.addi %add3A_262, %add3A_361 : i32
        %add3A_363 = arith.addi %mul3A_2, %add3A_362 : i32
        %mul3A_364 = arith.constant 128 : i32
        %mul3A_365 = arith.muli %add3A_363, %mul3A_364 : i32
        %dma_start3A_366 = arith.constant 2 : i32
        %dma_start3A_367 = arith.constant 0 : i32
        %dma_start3A_368 = tpu.memref_slice %arg6[%dma_start3A_366, %dma_start3A_367] : memref<4x128xi32, #tpu.memory_space<vmem>> -> memref<1x128xi32, #tpu.memory_space<vmem>>
        %dma_start3A_369 = tpu.memref_squeeze %dma_start3A_368 : memref<1x128xi32, #tpu.memory_space<vmem>> -> memref<128xi32, #tpu.memory_space<vmem>>
        %dma_start3A_370 = tpu.memref_slice %arg3[%mul3A_365] : memref<327680xi32, #tpu.memory_space<hbm>> -> memref<128xi32, #tpu.memory_space<hbm>>
        %dma_start3A_371 = arith.constant 0 : i32
        %dma_start3A_372 = tpu.memref_slice %arg6[%dma_start3A_366, %dma_start3A_371] : memref<4x128xi32, #tpu.memory_space<vmem>> -> memref<1x128xi32, #tpu.memory_space<vmem>>
        %dma_start3A_373 = tpu.memref_squeeze %dma_start3A_372 : memref<1x128xi32, #tpu.memory_space<vmem>> -> memref<128xi32, #tpu.memory_space<vmem>>
        %dma_start3A_374 = tpu.memref_slice %arg3[%mul3A_365] : memref<327680xi32, #tpu.memory_space<hbm>> -> memref<128xi32, #tpu.memory_space<hbm>>
        tpu.enqueue_dma source(%dma_start3A_374 : memref<128xi32, #tpu.memory_space<hbm>>) target(%dma_start3A_373 : memref<128xi32, #tpu.memory_space<vmem>>) target_semaphore(%arg14 : memref<!tpu.dma_semaphore, #tpu.memory_space<semaphore_mem>>)
      } else {
      }
      %add3A_303 = arith.constant 2 : i32
      %add3A_304 = arith.addi %add3A_262, %add3A_303 : i32
      %lt3A_305 = arith.constant 80 : i32
      %lt3A_306 = arith.cmpi slt, %add3A_304, %lt3A_305 : i32
      %convert_element_type3A_307 = arith.extui %lt3A_306 : i1 to i32
      %cond3A_308 = arith.constant 0 : i32
      %cond3A_309 = arith.cmpi ne, %convert_element_type3A_307, %cond3A_308 : i32
      scf.if %cond3A_309 {
        %add3A_361 = arith.constant 2 : i32
        %add3A_362 = arith.addi %add3A_262, %add3A_361 : i32
        %add3A_363 = arith.addi %mul3A_2, %add3A_362 : i32
        %mul3A_364 = arith.constant 128 : i32
        %mul3A_365 = arith.muli %add3A_363, %mul3A_364 : i32
        %dma_wait3A_366 = arith.constant 0 : i32
        %dma_wait3A_367 = arith.constant 0 : i32
        %dma_wait3A_368 = tpu.memref_slice %arg6[%dma_wait3A_366, %dma_wait3A_367] : memref<4x128xi32, #tpu.memory_space<vmem>> -> memref<1x128xi32, #tpu.memory_space<vmem>>
        %dma_wait3A_369 = tpu.memref_squeeze %dma_wait3A_368 : memref<1x128xi32, #tpu.memory_space<vmem>> -> memref<128xi32, #tpu.memory_space<vmem>>
        %dma_wait3A_370 = tpu.memref_slice %arg3[%mul3A_365] : memref<327680xi32, #tpu.memory_space<hbm>> -> memref<128xi32, #tpu.memory_space<hbm>>
        %dma_wait3A_371 = arith.constant 0 : i32
        %dma_wait3A_372 = tpu.memref_slice %arg6[%dma_wait3A_366, %dma_wait3A_371] : memref<4x128xi32, #tpu.memory_space<vmem>> -> memref<1x128xi32, #tpu.memory_space<vmem>>
        %dma_wait3A_373 = tpu.memref_squeeze %dma_wait3A_372 : memref<1x128xi32, #tpu.memory_space<vmem>> -> memref<128xi32, #tpu.memory_space<vmem>>
        %dma_wait3A_374 = tpu.memref_slice %arg3[%mul3A_365] : memref<327680xi32, #tpu.memory_space<hbm>> -> memref<128xi32, #tpu.memory_space<hbm>>
        tpu.wait_dma2 semaphore(%arg12 : memref<!tpu.dma_semaphore, #tpu.memory_space<semaphore_mem>>) src(%dma_wait3A_374 : memref<128xi32, #tpu.memory_space<hbm>>) dst(%dma_wait3A_373 : memref<128xi32, #tpu.memory_space<vmem>>)
        %dma_start3A_375 = arith.constant 0 : i32
        %dma_start3A_376 = arith.constant 0 : i32
        %dma_start3A_377 = arith.constant 0 : i32
        %dma_start3A_378 = arith.constant 0 : i32
        %dma_start3A_379 = tpu.memref_slice %arg8[%dma_start3A_376, %dma_start3A_377, %dma_start3A_378] : memref<2x128x128xf32, #tpu.memory_space<vmem>> -> memref<1x128x128xf32, #tpu.memory_space<vmem>>
        %dma_start3A_380 = tpu.memref_squeeze %dma_start3A_379 : memref<1x128x128xf32, #tpu.memory_space<vmem>> -> memref<128x128xf32, #tpu.memory_space<vmem>>
        %dma_start3A_381 = arith.constant 0 : i32
        %dma_start3A_382 = tpu.memref_slice %arg6[%dma_start3A_375, %dma_start3A_381] : memref<4x128xi32, #tpu.memory_space<vmem>> -> memref<1x128xi32, #tpu.memory_space<vmem>>
        %dma_start3A_383 = tpu.memref_squeeze %dma_start3A_382 : memref<1x128xi32, #tpu.memory_space<vmem>> -> memref<128xi32, #tpu.memory_space<vmem>>
        %dma_start3A_384 = arith.constant 0 : i32
        %dma_start3A_385 = arith.constant 0 : i32
        %dma_start3A_386 = tpu.memref_slice %arg2[%dma_start3A_384, %dma_start3A_385] : memref<10112x128xf32, #tpu.memory_space<hbm>> -> memref<10112x128xf32, #tpu.memory_space<hbm>>
        tpu.enqueue_indirect_dma source(%dma_start3A_386 : memref<10112x128xf32, #tpu.memory_space<hbm>>) target(%dma_start3A_380 : memref<128x128xf32, #tpu.memory_space<vmem>>) offsets(%dma_start3A_383 : memref<128xi32, #tpu.memory_space<vmem>>) semaphore(%arg10 : memref<!tpu.dma_semaphore, #tpu.memory_space<semaphore_mem>>)
      } else {
      }
      %mul3A_310 = arith.constant 4 : i32
      %mul3A_311 = arith.muli %scan3A_159, %mul3A_310 : i32
      %add3A_312 = arith.constant 3 : i32
      %add3A_313 = arith.addi %mul3A_311, %add3A_312 : i32
      %dma_wait3A_314 = arith.constant 3 : i32
      %dma_wait3A_315 = arith.constant 1 : i32
      %dma_wait3A_316 = arith.constant 0 : i32
      %dma_wait3A_317 = arith.constant 0 : i32
      %dma_wait3A_318 = tpu.memref_slice %arg8[%dma_wait3A_315, %dma_wait3A_316, %dma_wait3A_317] : memref<2x128x128xf32, #tpu.memory_space<vmem>> -> memref<1x128x128xf32, #tpu.memory_space<vmem>>
      %dma_wait3A_319 = tpu.memref_squeeze %dma_wait3A_318 : memref<1x128x128xf32, #tpu.memory_space<vmem>> -> memref<128x128xf32, #tpu.memory_space<vmem>>
      %dma_wait3A_320 = arith.constant 0 : i32
      %dma_wait3A_321 = tpu.memref_slice %arg6[%dma_wait3A_314, %dma_wait3A_320] : memref<4x128xi32, #tpu.memory_space<vmem>> -> memref<1x128xi32, #tpu.memory_space<vmem>>
      %dma_wait3A_322 = tpu.memref_squeeze %dma_wait3A_321 : memref<1x128xi32, #tpu.memory_space<vmem>> -> memref<128xi32, #tpu.memory_space<vmem>>
      %dma_wait3A_323 = arith.constant 0 : i32
      %dma_wait3A_324 = arith.constant 0 : i32
      %dma_wait3A_325 = tpu.memref_slice %arg2[%dma_wait3A_323, %dma_wait3A_324] : memref<10112x128xf32, #tpu.memory_space<hbm>> -> memref<10112x128xf32, #tpu.memory_space<hbm>>
      tpu.wait_indirect_dma semaphore(%arg11 : memref<!tpu.dma_semaphore, #tpu.memory_space<semaphore_mem>>) src(%dma_wait3A_325 : memref<10112x128xf32, #tpu.memory_space<hbm>>) dst(%dma_wait3A_319 : memref<128x128xf32, #tpu.memory_space<vmem>>)
      %add3A_326 = arith.addi %mul3A_2, %add3A_313 : i32
      %mul3A_327 = arith.constant 128 : i32
      %mul3A_328 = arith.muli %add3A_326, %mul3A_327 : i32
      %dma_wait3A_329 = arith.constant 1 : i32
      %dma_wait3A_330 = arith.constant 0 : i32
      %dma_wait3A_331 = tpu.memref_slice %arg7[%dma_wait3A_329, %dma_wait3A_330] : memref<2x128xi32, #tpu.memory_space<vmem>> -> memref<1x128xi32, #tpu.memory_space<vmem>>
      %dma_wait3A_332 = tpu.memref_squeeze %dma_wait3A_331 : memref<1x128xi32, #tpu.memory_space<vmem>> -> memref<128xi32, #tpu.memory_space<vmem>>
      %dma_wait3A_333 = tpu.memref_slice %arg4[%mul3A_328] : memref<327680xi32, #tpu.memory_space<hbm>> -> memref<128xi32, #tpu.memory_space<hbm>>
      %dma_wait3A_334 = arith.constant 0 : i32
      %dma_wait3A_335 = tpu.memref_slice %arg7[%dma_wait3A_329, %dma_wait3A_334] : memref<2x128xi32, #tpu.memory_space<vmem>> -> memref<1x128xi32, #tpu.memory_space<vmem>>
      %dma_wait3A_336 = tpu.memref_squeeze %dma_wait3A_335 : memref<1x128xi32, #tpu.memory_space<vmem>> -> memref<128xi32, #tpu.memory_space<vmem>>
      %dma_wait3A_337 = tpu.memref_slice %arg4[%mul3A_328] : memref<327680xi32, #tpu.memory_space<hbm>> -> memref<128xi32, #tpu.memory_space<hbm>>
      tpu.wait_dma2 semaphore(%arg17 : memref<!tpu.dma_semaphore, #tpu.memory_space<semaphore_mem>>) src(%dma_wait3A_337 : memref<128xi32, #tpu.memory_space<hbm>>) dst(%dma_wait3A_336 : memref<128xi32, #tpu.memory_space<vmem>>)
      %run_scoped3A_338 = arith.constant 1 : i32
      %run_scoped3A_339 = arith.constant 1 : i32
      "tpu.region"() ({
        %run_scoped3A_361 = tpu.sem_alloc : memref<!tpu.dma_semaphore, #tpu.memory_space<semaphore_mem>>
        %dma_start3A_362 = arith.constant 0 : i32
        %dma_start3A_363 = arith.constant 0 : i32
        %dma_start3A_364 = tpu.memref_slice %arg8[%run_scoped3A_338, %dma_start3A_362, %dma_start3A_363] : memref<2x128x128xf32, #tpu.memory_space<vmem>> -> memref<1x128x128xf32, #tpu.memory_space<vmem>>
        %dma_start3A_365 = tpu.memref_squeeze %dma_start3A_364 : memref<1x128x128xf32, #tpu.memory_space<vmem>> -> memref<128x128xf32, #tpu.memory_space<vmem>>
        %dma_start3A_366 = arith.constant 0 : i32
        %dma_start3A_367 = tpu.memref_slice %arg7[%run_scoped3A_339, %dma_start3A_366] : memref<2x128xi32, #tpu.memory_space<vmem>> -> memref<1x128xi32, #tpu.memory_space<vmem>>
        %dma_start3A_368 = tpu.memref_squeeze %dma_start3A_367 : memref<1x128xi32, #tpu.memory_space<vmem>> -> memref<128xi32, #tpu.memory_space<vmem>>
        %dma_start3A_369 = arith.constant 0 : i32
        %dma_start3A_370 = arith.constant 0 : i32
        %dma_start3A_371 = tpu.memref_slice %arg9[%dma_start3A_369, %dma_start3A_370] : memref<10112x128xf32, #tpu.memory_space<vmem_shared>> -> memref<10112x128xf32, #tpu.memory_space<vmem_shared>>
        tpu.enqueue_indirect_dma source(%dma_start3A_365 : memref<128x128xf32, #tpu.memory_space<vmem>>) target(%dma_start3A_371 : memref<10112x128xf32, #tpu.memory_space<vmem_shared>>) offsets(%dma_start3A_368 : memref<128xi32, #tpu.memory_space<vmem>>) semaphore(%run_scoped3A_361 : memref<!tpu.dma_semaphore, #tpu.memory_space<semaphore_mem>>) {add = true}
        %dma_wait3A_372 = arith.constant 0 : i32
        %dma_wait3A_373 = arith.constant 0 : i32
        %dma_wait3A_374 = tpu.memref_slice %arg8[%run_scoped3A_338, %dma_wait3A_372, %dma_wait3A_373] : memref<2x128x128xf32, #tpu.memory_space<vmem>> -> memref<1x128x128xf32, #tpu.memory_space<vmem>>
        %dma_wait3A_375 = tpu.memref_squeeze %dma_wait3A_374 : memref<1x128x128xf32, #tpu.memory_space<vmem>> -> memref<128x128xf32, #tpu.memory_space<vmem>>
        %dma_wait3A_376 = arith.constant 0 : i32
        %dma_wait3A_377 = tpu.memref_slice %arg7[%run_scoped3A_339, %dma_wait3A_376] : memref<2x128xi32, #tpu.memory_space<vmem>> -> memref<1x128xi32, #tpu.memory_space<vmem>>
        %dma_wait3A_378 = tpu.memref_squeeze %dma_wait3A_377 : memref<1x128xi32, #tpu.memory_space<vmem>> -> memref<128xi32, #tpu.memory_space<vmem>>
        %dma_wait3A_379 = arith.constant 0 : i32
        %dma_wait3A_380 = arith.constant 0 : i32
        %dma_wait3A_381 = tpu.memref_slice %arg9[%dma_wait3A_379, %dma_wait3A_380] : memref<10112x128xf32, #tpu.memory_space<vmem_shared>> -> memref<10112x128xf32, #tpu.memory_space<vmem_shared>>
        tpu.wait_indirect_dma semaphore(%run_scoped3A_361 : memref<!tpu.dma_semaphore, #tpu.memory_space<semaphore_mem>>) src(%dma_wait3A_375 : memref<128x128xf32, #tpu.memory_space<vmem>>) dst(%dma_wait3A_381 : memref<10112x128xf32, #tpu.memory_space<vmem_shared>>)
        tpu.yield
      }) : () -> ()
      %add3A_340 = arith.constant 2 : i32
      %add3A_341 = arith.addi %add3A_313, %add3A_340 : i32
      %lt3A_342 = arith.constant 80 : i32
      %lt3A_343 = arith.cmpi slt, %add3A_341, %lt3A_342 : i32
      %convert_element_type3A_344 = arith.extui %lt3A_343 : i1 to i32
      %cond3A_345 = arith.constant 0 : i32
      %cond3A_346 = arith.cmpi ne, %convert_element_type3A_344, %cond3A_345 : i32
      scf.if %cond3A_346 {
        %add3A_361 = arith.constant 2 : i32
        %add3A_362 = arith.addi %add3A_313, %add3A_361 : i32
        %add3A_363 = arith.addi %mul3A_2, %add3A_362 : i32
        %mul3A_364 = arith.constant 128 : i32
        %mul3A_365 = arith.muli %add3A_363, %mul3A_364 : i32
        %dma_start3A_366 = arith.constant 1 : i32
        %dma_start3A_367 = arith.constant 0 : i32
        %dma_start3A_368 = tpu.memref_slice %arg7[%dma_start3A_366, %dma_start3A_367] : memref<2x128xi32, #tpu.memory_space<vmem>> -> memref<1x128xi32, #tpu.memory_space<vmem>>
        %dma_start3A_369 = tpu.memref_squeeze %dma_start3A_368 : memref<1x128xi32, #tpu.memory_space<vmem>> -> memref<128xi32, #tpu.memory_space<vmem>>
        %dma_start3A_370 = tpu.memref_slice %arg4[%mul3A_365] : memref<327680xi32, #tpu.memory_space<hbm>> -> memref<128xi32, #tpu.memory_space<hbm>>
        %dma_start3A_371 = arith.constant 0 : i32
        %dma_start3A_372 = tpu.memref_slice %arg7[%dma_start3A_366, %dma_start3A_371] : memref<2x128xi32, #tpu.memory_space<vmem>> -> memref<1x128xi32, #tpu.memory_space<vmem>>
        %dma_start3A_373 = tpu.memref_squeeze %dma_start3A_372 : memref<1x128xi32, #tpu.memory_space<vmem>> -> memref<128xi32, #tpu.memory_space<vmem>>
        %dma_start3A_374 = tpu.memref_slice %arg4[%mul3A_365] : memref<327680xi32, #tpu.memory_space<hbm>> -> memref<128xi32, #tpu.memory_space<hbm>>
        tpu.enqueue_dma source(%dma_start3A_374 : memref<128xi32, #tpu.memory_space<hbm>>) target(%dma_start3A_373 : memref<128xi32, #tpu.memory_space<vmem>>) target_semaphore(%arg17 : memref<!tpu.dma_semaphore, #tpu.memory_space<semaphore_mem>>)
      } else {
      }
      %add3A_347 = arith.constant 4 : i32
      %add3A_348 = arith.addi %add3A_313, %add3A_347 : i32
      %lt3A_349 = arith.constant 80 : i32
      %lt3A_350 = arith.cmpi slt, %add3A_348, %lt3A_349 : i32
      %convert_element_type3A_351 = arith.extui %lt3A_350 : i1 to i32
      %cond3A_352 = arith.constant 0 : i32
      %cond3A_353 = arith.cmpi ne, %convert_element_type3A_351, %cond3A_352 : i32
      scf.if %cond3A_353 {
        %add3A_361 = arith.constant 4 : i32
        %add3A_362 = arith.addi %add3A_313, %add3A_361 : i32
        %add3A_363 = arith.addi %mul3A_2, %add3A_362 : i32
        %mul3A_364 = arith.constant 128 : i32
        %mul3A_365 = arith.muli %add3A_363, %mul3A_364 : i32
        %dma_start3A_366 = arith.constant 3 : i32
        %dma_start3A_367 = arith.constant 0 : i32
        %dma_start3A_368 = tpu.memref_slice %arg6[%dma_start3A_366, %dma_start3A_367] : memref<4x128xi32, #tpu.memory_space<vmem>> -> memref<1x128xi32, #tpu.memory_space<vmem>>
        %dma_start3A_369 = tpu.memref_squeeze %dma_start3A_368 : memref<1x128xi32, #tpu.memory_space<vmem>> -> memref<128xi32, #tpu.memory_space<vmem>>
        %dma_start3A_370 = tpu.memref_slice %arg3[%mul3A_365] : memref<327680xi32, #tpu.memory_space<hbm>> -> memref<128xi32, #tpu.memory_space<hbm>>
        %dma_start3A_371 = arith.constant 0 : i32
        %dma_start3A_372 = tpu.memref_slice %arg6[%dma_start3A_366, %dma_start3A_371] : memref<4x128xi32, #tpu.memory_space<vmem>> -> memref<1x128xi32, #tpu.memory_space<vmem>>
        %dma_start3A_373 = tpu.memref_squeeze %dma_start3A_372 : memref<1x128xi32, #tpu.memory_space<vmem>> -> memref<128xi32, #tpu.memory_space<vmem>>
        %dma_start3A_374 = tpu.memref_slice %arg3[%mul3A_365] : memref<327680xi32, #tpu.memory_space<hbm>> -> memref<128xi32, #tpu.memory_space<hbm>>
        tpu.enqueue_dma source(%dma_start3A_374 : memref<128xi32, #tpu.memory_space<hbm>>) target(%dma_start3A_373 : memref<128xi32, #tpu.memory_space<vmem>>) target_semaphore(%arg15 : memref<!tpu.dma_semaphore, #tpu.memory_space<semaphore_mem>>)
      } else {
      }
      %add3A_354 = arith.constant 2 : i32
      %add3A_355 = arith.addi %add3A_313, %add3A_354 : i32
      %lt3A_356 = arith.constant 80 : i32
      %lt3A_357 = arith.cmpi slt, %add3A_355, %lt3A_356 : i32
      %convert_element_type3A_358 = arith.extui %lt3A_357 : i1 to i32
      %cond3A_359 = arith.constant 0 : i32
      %cond3A_360 = arith.cmpi ne, %convert_element_type3A_358, %cond3A_359 : i32
      scf.if %cond3A_360 {
        %add3A_361 = arith.constant 2 : i32
        %add3A_362 = arith.addi %add3A_313, %add3A_361 : i32
        %add3A_363 = arith.addi %mul3A_2, %add3A_362 : i32
        %mul3A_364 = arith.constant 128 : i32
        %mul3A_365 = arith.muli %add3A_363, %mul3A_364 : i32
        %dma_wait3A_366 = arith.constant 1 : i32
        %dma_wait3A_367 = arith.constant 0 : i32
        %dma_wait3A_368 = tpu.memref_slice %arg6[%dma_wait3A_366, %dma_wait3A_367] : memref<4x128xi32, #tpu.memory_space<vmem>> -> memref<1x128xi32, #tpu.memory_space<vmem>>
        %dma_wait3A_369 = tpu.memref_squeeze %dma_wait3A_368 : memref<1x128xi32, #tpu.memory_space<vmem>> -> memref<128xi32, #tpu.memory_space<vmem>>
        %dma_wait3A_370 = tpu.memref_slice %arg3[%mul3A_365] : memref<327680xi32, #tpu.memory_space<hbm>> -> memref<128xi32, #tpu.memory_space<hbm>>
        %dma_wait3A_371 = arith.constant 0 : i32
        %dma_wait3A_372 = tpu.memref_slice %arg6[%dma_wait3A_366, %dma_wait3A_371] : memref<4x128xi32, #tpu.memory_space<vmem>> -> memref<1x128xi32, #tpu.memory_space<vmem>>
        %dma_wait3A_373 = tpu.memref_squeeze %dma_wait3A_372 : memref<1x128xi32, #tpu.memory_space<vmem>> -> memref<128xi32, #tpu.memory_space<vmem>>
        %dma_wait3A_374 = tpu.memref_slice %arg3[%mul3A_365] : memref<327680xi32, #tpu.memory_space<hbm>> -> memref<128xi32, #tpu.memory_space<hbm>>
        tpu.wait_dma2 semaphore(%arg13 : memref<!tpu.dma_semaphore, #tpu.memory_space<semaphore_mem>>) src(%dma_wait3A_374 : memref<128xi32, #tpu.memory_space<hbm>>) dst(%dma_wait3A_373 : memref<128xi32, #tpu.memory_space<vmem>>)
        %dma_start3A_375 = arith.constant 1 : i32
        %dma_start3A_376 = arith.constant 1 : i32
        %dma_start3A_377 = arith.constant 0 : i32
        %dma_start3A_378 = arith.constant 0 : i32
        %dma_start3A_379 = tpu.memref_slice %arg8[%dma_start3A_376, %dma_start3A_377, %dma_start3A_378] : memref<2x128x128xf32, #tpu.memory_space<vmem>> -> memref<1x128x128xf32, #tpu.memory_space<vmem>>
        %dma_start3A_380 = tpu.memref_squeeze %dma_start3A_379 : memref<1x128x128xf32, #tpu.memory_space<vmem>> -> memref<128x128xf32, #tpu.memory_space<vmem>>
        %dma_start3A_381 = arith.constant 0 : i32
        %dma_start3A_382 = tpu.memref_slice %arg6[%dma_start3A_375, %dma_start3A_381] : memref<4x128xi32, #tpu.memory_space<vmem>> -> memref<1x128xi32, #tpu.memory_space<vmem>>
        %dma_start3A_383 = tpu.memref_squeeze %dma_start3A_382 : memref<1x128xi32, #tpu.memory_space<vmem>> -> memref<128xi32, #tpu.memory_space<vmem>>
        %dma_start3A_384 = arith.constant 0 : i32
        %dma_start3A_385 = arith.constant 0 : i32
        %dma_start3A_386 = tpu.memref_slice %arg2[%dma_start3A_384, %dma_start3A_385] : memref<10112x128xf32, #tpu.memory_space<hbm>> -> memref<10112x128xf32, #tpu.memory_space<hbm>>
        tpu.enqueue_indirect_dma source(%dma_start3A_386 : memref<10112x128xf32, #tpu.memory_space<hbm>>) target(%dma_start3A_380 : memref<128x128xf32, #tpu.memory_space<vmem>>) offsets(%dma_start3A_383 : memref<128xi32, #tpu.memory_space<vmem>>) semaphore(%arg11 : memref<!tpu.dma_semaphore, #tpu.memory_space<semaphore_mem>>)
      } else {
      }
    }
    %scan3A_157 = arith.constant 20 : i32
    %barrier3A_158 = arith.constant 0 : index
    tpu.barrier barrier_id(%barrier3A_158)
    "tpu.region"() ({
      %run_scoped3A_159 = tpu.sem_alloc : memref<!tpu.dma_semaphore, #tpu.memory_space<semaphore_mem>>
      %dma_start3A_160 = arith.constant 0 : i32
      %dma_start3A_161 = tpu.memref_slice %arg5[%arg0, %mul3A_4, %dma_start3A_160] : memref<2x10112x128xf32, #tpu.memory_space<hbm>> -> memref<1x632x128xf32, #tpu.memory_space<hbm>>
      %dma_start3A_162 = tpu.memref_squeeze %dma_start3A_161 : memref<1x632x128xf32, #tpu.memory_space<hbm>> -> memref<632x128xf32, #tpu.memory_space<hbm>>
      %dma_start3A_163 = arith.constant 0 : i32
      %dma_start3A_164 = tpu.memref_slice %arg9[%mul3A_4, %dma_start3A_163] : memref<10112x128xf32, #tpu.memory_space<vmem_shared>> -> memref<632x128xf32, #tpu.memory_space<vmem_shared>>
      tpu.enqueue_dma source(%dma_start3A_164 : memref<632x128xf32, #tpu.memory_space<vmem_shared>>) target(%dma_start3A_162 : memref<632x128xf32, #tpu.memory_space<hbm>>) target_semaphore(%run_scoped3A_159 : memref<!tpu.dma_semaphore, #tpu.memory_space<semaphore_mem>>)
      %dma_wait3A_165 = arith.constant 0 : i32
      %dma_wait3A_166 = tpu.memref_slice %arg5[%arg0, %mul3A_4, %dma_wait3A_165] : memref<2x10112x128xf32, #tpu.memory_space<hbm>> -> memref<1x632x128xf32, #tpu.memory_space<hbm>>
      %dma_wait3A_167 = tpu.memref_squeeze %dma_wait3A_166 : memref<1x632x128xf32, #tpu.memory_space<hbm>> -> memref<632x128xf32, #tpu.memory_space<hbm>>
      %dma_wait3A_168 = arith.constant 0 : i32
      %dma_wait3A_169 = tpu.memref_slice %arg9[%mul3A_4, %dma_wait3A_168] : memref<10112x128xf32, #tpu.memory_space<vmem_shared>> -> memref<632x128xf32, #tpu.memory_space<vmem_shared>>
      tpu.wait_dma2 semaphore(%run_scoped3A_159 : memref<!tpu.dma_semaphore, #tpu.memory_space<semaphore_mem>>) src(%dma_wait3A_169 : memref<632x128xf32, #tpu.memory_space<vmem_shared>>) dst(%dma_wait3A_167 : memref<632x128xf32, #tpu.memory_space<hbm>>)
      tpu.yield
    }) : () -> ()
    return
  }
}

module attributes {stable_mosaic.version = 14 : i64} {
  func.func @_tca_body(%arg0: memref<10000x128xf32, #tpu.memory_space<vmem>>, %arg1: memref<128x128xf32, #tpu.memory_space<vmem>>, %arg2: memref<10000x128xf32, #tpu.memory_space<vmem>>) attributes {dimension_semantics = [], scalar_prefetch = 0 : i64, scratch_operands = 0 : i64, tpu.core_type = #tpu.core_type<tc>} {
    %get3A = arith.constant 0 : index
    %get3A_0 = arith.constant 0 : index
    %get3A_1 = vector.load %arg0[%get3A, %get3A_0] : memref<10000x128xf32, #tpu.memory_space<vmem>>, vector<10000x128xf32>
    %get3A_2 = arith.constant 0 : index
    %get3A_3 = arith.constant 0 : index
    %get3A_4 = vector.load %arg1[%get3A_2, %get3A_3] : memref<128x128xf32, #tpu.memory_space<vmem>>, vector<128x128xf32>
    %dot_general3A = arith.constant dense<0.000000e+00> : vector<10000x128xf32>
    %dot_general3A_5 = tpu.matmul %get3A_1, %get3A_4, %dot_general3A {dimension_numbers = #tpu.dot_dimension_numbers<[1], [0], [0], [1], [0, 0, 1, 1], [], []>, transpose_lhs_hint = false} : vector<10000x128xf32>, vector<128x128xf32>, vector<10000x128xf32> -> vector<10000x128xf32>
    %swap3A = arith.constant 0 : index
    %swap3A_6 = arith.constant 0 : index
    %swap3A_7 = vector.load %arg2[%swap3A, %swap3A_6] : memref<10000x128xf32, #tpu.memory_space<vmem>>, vector<10000x128xf32>
    tpu.vector_store %arg2[%swap3A, %swap3A_6], %dot_general3A_5 {strides = array<i32>} : memref<10000x128xf32, #tpu.memory_space<vmem>>, vector<10000x128xf32>,
    return
  }
}

module attributes {stable_mosaic.version = 14 : i64} {
  func.func @_tcb_body(%arg0: memref<2x10112x16xf32, #tpu.memory_space<vmem>>, %arg1: memref<10000x128xf32, #tpu.memory_space<vmem>>, %arg2: memref<10112x1xf32, #tpu.memory_space<vmem>>, %arg3: memref<10112x128xf32, #tpu.memory_space<vmem>>) attributes {dimension_semantics = [], scalar_prefetch = 0 : i64, scratch_operands = 0 : i64, tpu.core_type = #tpu.core_type<tc>} {
    %get3A = arith.constant 0 : index
    %get3A_0 = arith.constant 0 : index
    %get3A_1 = arith.constant 0 : index
    %get3A_2 = vector.load %arg0[%get3A, %get3A_0, %get3A_1] : memref<2x10112x16xf32, #tpu.memory_space<vmem>>, vector<1x10112x1xf32>
    %get3A_3 = vector.shape_cast %get3A_2 : vector<1x10112x1xf32> to vector<10112x1xf32>
    %get3A_4 = arith.constant 1 : index
    %get3A_5 = arith.constant 0 : index
    %get3A_6 = arith.constant 0 : index
    %get3A_7 = vector.load %arg0[%get3A_4, %get3A_5, %get3A_6] : memref<2x10112x16xf32, #tpu.memory_space<vmem>>, vector<1x10112x1xf32>
    %get3A_8 = vector.shape_cast %get3A_7 : vector<1x10112x1xf32> to vector<10112x1xf32>
    %add3A = arith.addf %get3A_3, %get3A_8 : vector<10112x1xf32>
    %add3A_9 = arith.constant 1.000000e+00 : f32
    %add3A_10 = vector.broadcast %add3A_9 : f32 to vector<10112x1xf32>
    %add3A_11 = arith.addf %add3A, %add3A_10 : vector<10112x1xf32>
    %rsqrt3A = math.rsqrt %add3A_11 : vector<10112x1xf32>
    %swap3A = arith.constant 0 : index
    %swap3A_12 = arith.constant 0 : index
    %swap3A_13 = vector.load %arg2[%swap3A, %swap3A_12] : memref<10112x1xf32, #tpu.memory_space<vmem>>, vector<10112x1xf32>
    tpu.vector_store %arg2[%swap3A, %swap3A_12], %rsqrt3A {strides = array<i32>} : memref<10112x1xf32, #tpu.memory_space<vmem>>, vector<10112x1xf32>,
    %get3A_14 = arith.constant 0 : index
    %get3A_15 = arith.constant 0 : index
    %get3A_16 = vector.load %arg1[%get3A_14, %get3A_15] : memref<10000x128xf32, #tpu.memory_space<vmem>>, vector<10000x128xf32>
    %slice3A = vector.extract_strided_slice %rsqrt3A {offsets = [0, 0], sizes = [10000, 1], strides = [1, 1]} : vector<10112x1xf32> to vector<10000x1xf32>
    %mul3A = vector.broadcast %slice3A : vector<10000x1xf32> to vector<10000x128xf32>
    %mul3A_17 = arith.mulf %get3A_16, %mul3A : vector<10000x128xf32>
    %swap3A_18 = arith.constant 0 : index
    %swap3A_19 = arith.constant 0 : index
    %swap3A_20 = vector.load %arg3[%swap3A_18, %swap3A_19] : memref<10112x128xf32, #tpu.memory_space<vmem>>, vector<10000x128xf32>
    tpu.vector_store %arg3[%swap3A_18, %swap3A_19], %mul3A_17 {strides = array<i32>} : memref<10112x128xf32, #tpu.memory_space<vmem>>, vector<10000x128xf32>,
    %broadcast_in_dim3A = arith.constant 0.000000e+00 : f32
    %broadcast_in_dim3A_21 = vector.broadcast %broadcast_in_dim3A : f32 to vector<112x128xf32>
    %swap3A_22 = arith.constant 10000 : index
    %swap3A_23 = arith.constant 0 : index
    %swap3A_24 = vector.load %arg3[%swap3A_22, %swap3A_23] : memref<10112x128xf32, #tpu.memory_space<vmem>>, vector<112x128xf32>
    tpu.vector_store %arg3[%swap3A_22, %swap3A_23], %broadcast_in_dim3A_21 {strides = array<i32>} : memref<10112x128xf32, #tpu.memory_space<vmem>>, vector<112x128xf32>,
    return
  }
}

module attributes {stable_mosaic.version = 14 : i64} {
  func.func @_tc2_body(%arg0: memref<2x10112x128xf32, #tpu.memory_space<vmem>>, %arg1: memref<10112x128xf32, #tpu.memory_space<vmem>>, %arg2: memref<10112x1xf32, #tpu.memory_space<vmem>>, %arg3: memref<1x128xf32, #tpu.memory_space<vmem>>, %arg4: memref<1x128xf32, #tpu.memory_space<vmem>>, %arg5: memref<1x128xf32, #tpu.memory_space<vmem>>, %arg6: memref<128x128xf32, #tpu.memory_space<vmem>>, %arg7: memref<10112x128xf32, #tpu.memory_space<vmem>>) attributes {dimension_semantics = [], scalar_prefetch = 0 : i64, scratch_operands = 0 : i64, tpu.core_type = #tpu.core_type<tc>} {
    %get3A = arith.constant 0 : index
    %get3A_0 = arith.constant 0 : index
    %get3A_1 = vector.load %arg2[%get3A, %get3A_0] : memref<10112x1xf32, #tpu.memory_space<vmem>>, vector<10112x1xf32>
    %get3A_2 = arith.constant 0 : index
    %get3A_3 = arith.constant 0 : index
    %get3A_4 = arith.constant 0 : index
    %get3A_5 = vector.load %arg0[%get3A_2, %get3A_3, %get3A_4] : memref<2x10112x128xf32, #tpu.memory_space<vmem>>, vector<1x10000x128xf32>
    %get3A_6 = vector.shape_cast %get3A_5 : vector<1x10000x128xf32> to vector<10000x128xf32>
    %get3A_7 = arith.constant 1 : index
    %get3A_8 = arith.constant 0 : index
    %get3A_9 = arith.constant 0 : index
    %get3A_10 = vector.load %arg0[%get3A_7, %get3A_8, %get3A_9] : memref<2x10112x128xf32, #tpu.memory_space<vmem>>, vector<1x10000x128xf32>
    %get3A_11 = vector.shape_cast %get3A_10 : vector<1x10000x128xf32> to vector<10000x128xf32>
    %add3A = arith.addf %get3A_6, %get3A_11 : vector<10000x128xf32>
    %get3A_12 = arith.constant 0 : index
    %get3A_13 = arith.constant 0 : index
    %get3A_14 = vector.load %arg1[%get3A_12, %get3A_13] : memref<10112x128xf32, #tpu.memory_space<vmem>>, vector<10000x128xf32>
    %add3A_15 = arith.addf %add3A, %get3A_14 : vector<10000x128xf32>
    %slice3A = vector.extract_strided_slice %get3A_1 {offsets = [0, 0], sizes = [10000, 1], strides = [1, 1]} : vector<10112x1xf32> to vector<10000x1xf32>
    %mul3A = vector.broadcast %slice3A : vector<10000x1xf32> to vector<10000x128xf32>
    %mul3A_16 = arith.mulf %add3A_15, %mul3A : vector<10000x128xf32>
    %get3A_17 = arith.constant 0 : index
    %get3A_18 = arith.constant 0 : index
    %get3A_19 = vector.load %arg3[%get3A_17, %get3A_18] : memref<1x128xf32, #tpu.memory_space<vmem>>, vector<1x128xf32>
    %add3A_20 = vector.broadcast %get3A_19 : vector<1x128xf32> to vector<10000x128xf32>
    %add3A_21 = arith.addf %mul3A_16, %add3A_20 : vector<10000x128xf32>
    %reduce_sum3A = arith.constant dense<0.000000e+00> : vector<128xf32>
    %reduce_sum3A_22 = vector.multi_reduction <add>, %add3A_21, %reduce_sum3A [0] : vector<10000x128xf32> to vector<128xf32>
    %broadcast_in_dim3A = vector.shape_cast %reduce_sum3A_22 : vector<128xf32> to vector<1x128xf32>
    %div3A = arith.constant 1.000000e+04 : f32
    %div3A_23 = vector.broadcast %div3A : f32 to vector<1x128xf32>
    %div3A_24 = arith.divf %broadcast_in_dim3A, %div3A_23 : vector<1x128xf32>
    %sub3A = vector.broadcast %div3A_24 : vector<1x128xf32> to vector<10000x128xf32>
    %sub3A_25 = arith.subf %add3A_21, %sub3A : vector<10000x128xf32>
    %integer_pow3A = arith.mulf %sub3A_25, %sub3A_25 : vector<10000x128xf32>
    %reduce_sum3A_26 = arith.constant dense<0.000000e+00> : vector<128xf32>
    %reduce_sum3A_27 = vector.multi_reduction <add>, %integer_pow3A, %reduce_sum3A_26 [0] : vector<10000x128xf32> to vector<128xf32>
    %broadcast_in_dim3A_28 = vector.shape_cast %reduce_sum3A_27 : vector<128xf32> to vector<1x128xf32>
    %div3A_29 = arith.constant 1.000000e+04 : f32
    %div3A_30 = vector.broadcast %div3A_29 : f32 to vector<1x128xf32>
    %div3A_31 = arith.divf %broadcast_in_dim3A_28, %div3A_30 : vector<1x128xf32>
    %sub3A_32 = vector.broadcast %div3A_24 : vector<1x128xf32> to vector<10000x128xf32>
    %sub3A_33 = arith.subf %add3A_21, %sub3A_32 : vector<10000x128xf32>
    %add3A_34 = arith.constant 9.99999974E-6 : f32
    %add3A_35 = vector.broadcast %add3A_34 : f32 to vector<1x128xf32>
    %add3A_36 = arith.addf %div3A_31, %add3A_35 : vector<1x128xf32>
    %rsqrt3A = math.rsqrt %add3A_36 : vector<1x128xf32>
    %mul3A_37 = vector.broadcast %rsqrt3A : vector<1x128xf32> to vector<10000x128xf32>
    %mul3A_38 = arith.mulf %sub3A_33, %mul3A_37 : vector<10000x128xf32>
    %get3A_39 = arith.constant 0 : index
    %get3A_40 = arith.constant 0 : index
    %get3A_41 = vector.load %arg4[%get3A_39, %get3A_40] : memref<1x128xf32, #tpu.memory_space<vmem>>, vector<1x128xf32>
    %mul3A_42 = vector.broadcast %get3A_41 : vector<1x128xf32> to vector<10000x128xf32>
    %mul3A_43 = arith.mulf %mul3A_38, %mul3A_42 : vector<10000x128xf32>
    %get3A_44 = arith.constant 0 : index
    %get3A_45 = arith.constant 0 : index
    %get3A_46 = vector.load %arg5[%get3A_44, %get3A_45] : memref<1x128xf32, #tpu.memory_space<vmem>>, vector<1x128xf32>
    %add3A_47 = vector.broadcast %get3A_46 : vector<1x128xf32> to vector<10000x128xf32>
    %add3A_48 = arith.addf %mul3A_43, %add3A_47 : vector<10000x128xf32>
    %max3A = arith.constant 0.000000e+00 : f32
    %max3A_49 = vector.broadcast %max3A : f32 to vector<10000x128xf32>
    %max3A_50 = arith.maximumf %add3A_48, %max3A_49 : vector<10000x128xf32>
    %get3A_51 = arith.constant 0 : index
    %get3A_52 = arith.constant 0 : index
    %get3A_53 = vector.load %arg6[%get3A_51, %get3A_52] : memref<128x128xf32, #tpu.memory_space<vmem>>, vector<128x128xf32>
    %dot_general3A = arith.constant dense<0.000000e+00> : vector<10000x128xf32>
    %dot_general3A_54 = tpu.matmul %max3A_50, %get3A_53, %dot_general3A {dimension_numbers = #tpu.dot_dimension_numbers<[1], [0], [0], [1], [0, 0, 1, 1], [], []>, transpose_lhs_hint = false} : vector<10000x128xf32>, vector<128x128xf32>, vector<10000x128xf32> -> vector<10000x128xf32>
    %slice3A_55 = vector.extract_strided_slice %get3A_1 {offsets = [0, 0], sizes = [10000, 1], strides = [1, 1]} : vector<10112x1xf32> to vector<10000x1xf32>
    %mul3A_56 = vector.broadcast %slice3A_55 : vector<10000x1xf32> to vector<10000x128xf32>
    %mul3A_57 = arith.mulf %dot_general3A_54, %mul3A_56 : vector<10000x128xf32>
    %swap3A = arith.constant 0 : index
    %swap3A_58 = arith.constant 0 : index
    %swap3A_59 = vector.load %arg7[%swap3A, %swap3A_58] : memref<10112x128xf32, #tpu.memory_space<vmem>>, vector<10000x128xf32>
    tpu.vector_store %arg7[%swap3A, %swap3A_58], %mul3A_57 {strides = array<i32>} : memref<10112x128xf32, #tpu.memory_space<vmem>>, vector<10000x128xf32>,
    %broadcast_in_dim3A_60 = arith.constant 0.000000e+00 : f32
    %broadcast_in_dim3A_61 = vector.broadcast %broadcast_in_dim3A_60 : f32 to vector<112x128xf32>
    %swap3A_62 = arith.constant 10000 : index
    %swap3A_63 = arith.constant 0 : index
    %swap3A_64 = vector.load %arg7[%swap3A_62, %swap3A_63] : memref<10112x128xf32, #tpu.memory_space<vmem>>, vector<112x128xf32>
    tpu.vector_store %arg7[%swap3A_62, %swap3A_63], %broadcast_in_dim3A_61 {strides = array<i32>} : memref<10112x128xf32, #tpu.memory_space<vmem>>, vector<112x128xf32>,
    return
  }
}

module attributes {stable_mosaic.version = 14 : i64} {
  func.func @_tc3_body(%arg0: memref<2x10112x128xf32, #tpu.memory_space<vmem>>, %arg1: memref<10112x128xf32, #tpu.memory_space<vmem>>, %arg2: memref<10112x1xf32, #tpu.memory_space<vmem>>, %arg3: memref<1x128xf32, #tpu.memory_space<vmem>>, %arg4: memref<1x128xf32, #tpu.memory_space<vmem>>, %arg5: memref<1x128xf32, #tpu.memory_space<vmem>>, %arg6: memref<128x1xf32, #tpu.memory_space<vmem>>, %arg7: memref<1x1xf32, #tpu.memory_space<vmem>>, %arg8: memref<10000x1xf32, #tpu.memory_space<vmem>>) attributes {dimension_semantics = [], scalar_prefetch = 0 : i64, scratch_operands = 0 : i64, tpu.core_type = #tpu.core_type<tc>} {
    %get3A = arith.constant 0 : index
    %get3A_0 = arith.constant 0 : index
    %get3A_1 = vector.load %arg2[%get3A, %get3A_0] : memref<10112x1xf32, #tpu.memory_space<vmem>>, vector<10112x1xf32>
    %get3A_2 = arith.constant 0 : index
    %get3A_3 = arith.constant 0 : index
    %get3A_4 = arith.constant 0 : index
    %get3A_5 = vector.load %arg0[%get3A_2, %get3A_3, %get3A_4] : memref<2x10112x128xf32, #tpu.memory_space<vmem>>, vector<1x10000x128xf32>
    %get3A_6 = vector.shape_cast %get3A_5 : vector<1x10000x128xf32> to vector<10000x128xf32>
    %get3A_7 = arith.constant 1 : index
    %get3A_8 = arith.constant 0 : index
    %get3A_9 = arith.constant 0 : index
    %get3A_10 = vector.load %arg0[%get3A_7, %get3A_8, %get3A_9] : memref<2x10112x128xf32, #tpu.memory_space<vmem>>, vector<1x10000x128xf32>
    %get3A_11 = vector.shape_cast %get3A_10 : vector<1x10000x128xf32> to vector<10000x128xf32>
    %add3A = arith.addf %get3A_6, %get3A_11 : vector<10000x128xf32>
    %get3A_12 = arith.constant 0 : index
    %get3A_13 = arith.constant 0 : index
    %get3A_14 = vector.load %arg1[%get3A_12, %get3A_13] : memref<10112x128xf32, #tpu.memory_space<vmem>>, vector<10000x128xf32>
    %add3A_15 = arith.addf %add3A, %get3A_14 : vector<10000x128xf32>
    %slice3A = vector.extract_strided_slice %get3A_1 {offsets = [0, 0], sizes = [10000, 1], strides = [1, 1]} : vector<10112x1xf32> to vector<10000x1xf32>
    %mul3A = vector.broadcast %slice3A : vector<10000x1xf32> to vector<10000x128xf32>
    %mul3A_16 = arith.mulf %add3A_15, %mul3A : vector<10000x128xf32>
    %get3A_17 = arith.constant 0 : index
    %get3A_18 = arith.constant 0 : index
    %get3A_19 = vector.load %arg3[%get3A_17, %get3A_18] : memref<1x128xf32, #tpu.memory_space<vmem>>, vector<1x128xf32>
    %add3A_20 = vector.broadcast %get3A_19 : vector<1x128xf32> to vector<10000x128xf32>
    %add3A_21 = arith.addf %mul3A_16, %add3A_20 : vector<10000x128xf32>
    %reduce_sum3A = arith.constant dense<0.000000e+00> : vector<128xf32>
    %reduce_sum3A_22 = vector.multi_reduction <add>, %add3A_21, %reduce_sum3A [0] : vector<10000x128xf32> to vector<128xf32>
    %broadcast_in_dim3A = vector.shape_cast %reduce_sum3A_22 : vector<128xf32> to vector<1x128xf32>
    %div3A = arith.constant 1.000000e+04 : f32
    %div3A_23 = vector.broadcast %div3A : f32 to vector<1x128xf32>
    %div3A_24 = arith.divf %broadcast_in_dim3A, %div3A_23 : vector<1x128xf32>
    %sub3A = vector.broadcast %div3A_24 : vector<1x128xf32> to vector<10000x128xf32>
    %sub3A_25 = arith.subf %add3A_21, %sub3A : vector<10000x128xf32>
    %integer_pow3A = arith.mulf %sub3A_25, %sub3A_25 : vector<10000x128xf32>
    %reduce_sum3A_26 = arith.constant dense<0.000000e+00> : vector<128xf32>
    %reduce_sum3A_27 = vector.multi_reduction <add>, %integer_pow3A, %reduce_sum3A_26 [0] : vector<10000x128xf32> to vector<128xf32>
    %broadcast_in_dim3A_28 = vector.shape_cast %reduce_sum3A_27 : vector<128xf32> to vector<1x128xf32>
    %div3A_29 = arith.constant 1.000000e+04 : f32
    %div3A_30 = vector.broadcast %div3A_29 : f32 to vector<1x128xf32>
    %div3A_31 = arith.divf %broadcast_in_dim3A_28, %div3A_30 : vector<1x128xf32>
    %sub3A_32 = vector.broadcast %div3A_24 : vector<1x128xf32> to vector<10000x128xf32>
    %sub3A_33 = arith.subf %add3A_21, %sub3A_32 : vector<10000x128xf32>
    %add3A_34 = arith.constant 9.99999974E-6 : f32
    %add3A_35 = vector.broadcast %add3A_34 : f32 to vector<1x128xf32>
    %add3A_36 = arith.addf %div3A_31, %add3A_35 : vector<1x128xf32>
    %rsqrt3A = math.rsqrt %add3A_36 : vector<1x128xf32>
    %mul3A_37 = vector.broadcast %rsqrt3A : vector<1x128xf32> to vector<10000x128xf32>
    %mul3A_38 = arith.mulf %sub3A_33, %mul3A_37 : vector<10000x128xf32>
    %get3A_39 = arith.constant 0 : index
    %get3A_40 = arith.constant 0 : index
    %get3A_41 = vector.load %arg4[%get3A_39, %get3A_40] : memref<1x128xf32, #tpu.memory_space<vmem>>, vector<1x128xf32>
    %mul3A_42 = vector.broadcast %get3A_41 : vector<1x128xf32> to vector<10000x128xf32>
    %mul3A_43 = arith.mulf %mul3A_38, %mul3A_42 : vector<10000x128xf32>
    %get3A_44 = arith.constant 0 : index
    %get3A_45 = arith.constant 0 : index
    %get3A_46 = vector.load %arg5[%get3A_44, %get3A_45] : memref<1x128xf32, #tpu.memory_space<vmem>>, vector<1x128xf32>
    %add3A_47 = vector.broadcast %get3A_46 : vector<1x128xf32> to vector<10000x128xf32>
    %add3A_48 = arith.addf %mul3A_43, %add3A_47 : vector<10000x128xf32>
    %max3A = arith.constant 0.000000e+00 : f32
    %max3A_49 = vector.broadcast %max3A : f32 to vector<10000x128xf32>
    %max3A_50 = arith.maximumf %add3A_48, %max3A_49 : vector<10000x128xf32>
    %get3A_51 = arith.constant 0 : index
    %get3A_52 = arith.constant 0 : index
    %get3A_53 = vector.load %arg6[%get3A_51, %get3A_52] : memref<128x1xf32, #tpu.memory_space<vmem>>, vector<128x1xf32>
    %dot_general3A = arith.constant dense<0.000000e+00> : vector<10000x1xf32>
    %dot_general3A_54 = tpu.matmul %max3A_50, %get3A_53, %dot_general3A {dimension_numbers = #tpu.dot_dimension_numbers<[1], [0], [0], [1], [0, 0, 1, 1], [], []>, transpose_lhs_hint = false} : vector<10000x128xf32>, vector<128x1xf32>, vector<10000x1xf32> -> vector<10000x1xf32>
    %get3A_55 = arith.constant 0 : index
    %get3A_56 = arith.constant 0 : index
    %get3A_57 = vector.load %arg7[%get3A_55, %get3A_56] : memref<1x1xf32, #tpu.memory_space<vmem>>, vector<1x1xf32>
    %add3A_58 = vector.broadcast %get3A_57 : vector<1x1xf32> to vector<10000x1xf32>
    %add3A_59 = arith.addf %dot_general3A_54, %add3A_58 : vector<10000x1xf32>
    %swap3A = arith.constant 0 : index
    %swap3A_60 = arith.constant 0 : index
    %swap3A_61 = vector.load %arg8[%swap3A, %swap3A_60] : memref<10000x1xf32, #tpu.memory_space<vmem>>, vector<10000x1xf32>
    tpu.vector_store %arg8[%swap3A, %swap3A_60], %add3A_59 {strides = array<i32>} : memref<10000x1xf32, #tpu.memory_space<vmem>>, vector<10000x1xf32>,
    return
  }
}

</mosaic_0001>

<sc_bundles>
// kernel: kernel.12.cloned.1.call-start
scs
__scs_entry_jumppad:
0x0: {  	(pc) =	sbr.rel $0x88, $3  }
0x1: {  	(tag) =	ssettag $0x0;
	lr =	simm.s32 $0x1  }
0x2: {  	[smem:$0x3F95] =	sst lr;
	_ =	strace $0xD0000000  }
0x3: {  	_ = 	snop  }
0x4: {  	_ = 	snop  }
0x5: {  	_ = 	snop  }
0x6: {  	_ = 	snop  }
0x7: {  	_ = 	snop  }
__scs_overlays_trampoline_lowered:
0x8: {  	[smem:$0x3FA4] =	sst s0  }
0x9: {  	[smem:$0x3FA5] =	sst s1  }
0xa: {  	[smem:$0x3FA6] =	sst s2  }
0xb: {  	[smem:$0x3FA7] =	sst s3  }
0xc: {  	[smem:$0x3FA8] =	sst s4  }
0xd: {  	[smem:$0x3FA9] =	sst s5  }
0xe: {  	[smem:$0x3FAA] =	sst s6  }
0xf: {  	[smem:$0x3FAB] =	sst s7  }
0x10: {  	[smem:$0x3FAC] =	sst s8  }
0x11: {  	[smem:$0x3FAD] =	sst s9;
	s0 =	simm.s32 @!p0 $0x0  }
0x12: {  	s1 =	sld [smem:$0x3F93];
	s0 =	simm.s32 @p0 $0x1  }
0x13: {  	[smem:$0x3FAE] =	sst s0;
	s0 =	simm.s32 @!p1 $0x0  }
0x14: {  	s2 =	sld [smem:$0x3F92];
	s0 =	simm.s32 @p1 $0x1  }
0x15: {  	[smem:$0x3FAF] =	sst s0;
	s0 =	simm.s32 @!p2 $0x0  }
0x16: {  	s3 =	sld [smem:$0x3FDB];
	s0 =	simm.s32 @p2 $0x1  }
0x17: {  	s4 =	simm.s32 $0x1BF5;
	[smem:$0x3FB1] =	sst s0  }
0x18: {  	s0 =	sld [smem:$0x3F94];
	_ =	swait.ge [sflag:s4], $0x0  }
0x19: {  	s7 =	sld [smem:$0x3F95]  }
0x1a: {  	s8 =	sadd.s32 $0xFFFFE003, lr  }
0x1b: {  	s9 =	sadd.s32 $0xFFFFFEF7, lr;
	s5 =	simm.s32 $0xFFFFFFFF;
	p2 =	slt.u32 s8, $0xFFFFF086  }
0x1c: {  	p1 =	slt.u32 s9, $0xF7A;
	s5 =	simm.s32 @!p2 $0x0  }
0x1d: {  	s5 =	simm.s32 @p1 $0x1;
	p0 =	seq.s32 s7, s2  }
0x1e: {  	s7 =	smul.u32 @!p0 $0xF7A, s2;
	p2 =	seq.s32 @!p0 s5, $0x0  }
0x1f: {  	s9 =	smul.u32 $0xF7A, s1;
	s8 =	simm.s32 @!p0 $0x1BF5;
	p2 =	por !p2, p0  }
0x20: {  	[sflag:s8] =	ssyncset.s32 @!p0 $0xFFFFF086;
	s6 =	sadd.s32 @!p0 s3, s7;
	s7 =	simm.s32 @!p0 $0x108  }
0x21: {  	s3 =	sadd.s32 s3, s9;
	s6 =	sadd.s32 @!p0 $0x88, s6;
	s7 =	simm.s32 @p2 $0x1082  }
0x22: {  	[simem:s7], [sflag:s8] =	dma.local @!p0 [hbm:s6], $0xF7A  }
0x23: {  	s9 =	sor.u32 $0xD0000000, s2;
	s6 =	simm.s32 $0x108;
	_ =	swait.ge @!p0 [sflag:s8], $0x0  }
0x24: {  	s3 =	sadd.s32 $0x88, s3;
	s6 =	simm.s32 @!p1 $0x1082;
	[sflag:s4] =	ssyncset.s32 $0xFFFFF086  }
0x25: {  	[simem:s6], [sflag:s4] =	dma.local [hbm:s3], $0xF7A  }
0x26: {  	[smem:$0x3F95] =	sst s1;
	(tag) =	ssettag s2;
	_ =	strace s9  }
0x27: {  	s1 =	sld [smem:$0x3FA5]  }
0x28: {  	s2 =	sld [smem:$0x3FA6]  }
0x29: {  	s4 =	sld [smem:$0x3FA8]  }
0x2a: {  	p0 =	seq.s32 s5, $0x0;
	s5 =	sld [smem:$0x3FA9]  }
0x2b: {  	s6 =	sld [smem:$0x3FAA]  }
0x2c: {  	s7 =	sld [smem:$0x3FAB]  }
0x2d: {  	s3 =	simm.s32 $0x108;
	s8 =	sld [smem:$0x3FAC]  }
0x2e: {  	s3 =	simm.s32 @!p0 $0x1082;
	s9 =	sld [smem:$0x3FAD]  }
0x2f: {  	lr =	sadd.s32 s0, s3;
	s0 =	sld [smem:$0x3FA4]  }
0x30: {  	s3 =	sld [smem:$0x3FA7]  }
0x31: {  	[smem:$0x3FB0] =	sst s10  }
0x32: {  	s10 =	sld [smem:$0x3FAE];
	_ =	sdelay $0x3  }
0x33: {  	p0 =	seq.s32 s10, $0x1;
	s10 =	sld [smem:$0x3FB0];
	_ =	sdelay $0x3  }
0x34: {  	[smem:$0x3FB0] =	sst s10  }
0x35: {  	s10 =	sld [smem:$0x3FAF];
	_ =	sdelay $0x3  }
0x36: {  	p1 =	seq.s32 s10, $0x1;
	s10 =	sld [smem:$0x3FB0];
	_ =	sdelay $0x3  }
0x37: {  	[smem:$0x3FB0] =	sst s10  }
0x38: {  	s10 =	sld [smem:$0x3FB1]  }
0x39: {  	_ = 	snop;
	(pc) =	sbr.ind lr, $3  }
0x3a: {  	_ = 	snop  }
0x3b: {  	_ = 	snop  }
0x3c: {  	p2 =	seq.s32 s10, $0x1;
	s10 =	sld [smem:$0x3FB0]  }
0x3d: {  	_ =	shalt  }
0x3e: {  	_ =	shalt  }
0x3f: {  	_ =	shalt  }
0x40: {  	_ =	shalt  }
0x41: {  	_ =	shalt  }
0x42: {  	_ =	shalt  }
0x43: {  	_ =	shalt  }
0x44: {  	_ =	shalt  }
0x45: {  	_ =	shalt  }
0x46: {  	_ =	shalt  }
0x47: {  	_ =	shalt  }
0x48: {  	_ =	shalt  }
0x49: {  	_ =	shalt  }
0x4a: {  	_ =	shalt  }
0x4b: {  	_ =	shalt  }
0x4c: {  	_ =	shalt  }
0x4d: {  	_ =	shalt  }
0x4e: {  	_ =	shalt  }
0x4f: {  	_ =	shalt  }
0x50: {  	_ =	shalt  }
0x51: {  	_ =	shalt  }
0x52: {  	_ =	shalt  }
0x53: {  	_ =	shalt  }
0x54: {  	_ =	shalt  }
0x55: {  	_ =	shalt  }
0x56: {  	_ =	shalt  }
0x57: {  	_ =	shalt  }
0x58: {  	_ =	shalt  }
0x59: {  	_ =	shalt  }
0x5a: {  	_ =	shalt  }
0x5b: {  	_ =	shalt  }
0x5c: {  	_ =	shalt  }
0x5d: {  	_ =	shalt  }
0x5e: {  	_ =	shalt  }
0x5f: {  	_ =	shalt  }
0x60: {  	_ =	shalt  }
0x61: {  	_ =	shalt  }
0x62: {  	_ =	shalt  }
0x63: {  	_ =	shalt  }
0x64: {  	_ =	shalt  }
0x65: {  	_ =	shalt  }
0x66: {  	_ =	shalt  }
0x67: {  	_ =	shalt  }
0x68: {  	_ =	shalt  }
0x69: {  	_ =	shalt  }
0x6a: {  	_ =	shalt  }
0x6b: {  	_ =	shalt  }
0x6c: {  	_ =	shalt  }
0x6d: {  	_ =	shalt  }
0x6e: {  	_ =	shalt  }
0x6f: {  	_ =	shalt  }
0x70: {  	_ =	shalt  }
0x71: {  	_ =	shalt  }
0x72: {  	_ =	shalt  }
0x73: {  	_ =	shalt  }
0x74: {  	_ =	shalt  }
0x75: {  	_ =	shalt  }
0x76: {  	_ =	shalt  }
0x77: {  	_ =	shalt  }
0x78: {  	_ =	shalt  }
0x79: {  	_ =	shalt  }
0x7a: {  	_ =	shalt  }
0x7b: {  	_ =	shalt  }
0x7c: {  	_ =	shalt  }
0x7d: {  	_ =	shalt  }
0x7e: {  	_ =	shalt  }
0x7f: {  	_ =	shalt  }
0x80: {  	_ =	shalt  }
0x81: {  	_ =	shalt  }
0x82: {  	_ =	shalt  }
0x83: {  	_ =	shalt  }
0x84: {  	_ =	shalt  }
0x85: {  	_ =	shalt  }
0x86: {  	_ =	shalt  }
0x87: {  	_ =	shalt  }
.Lfunc_end0:
.L_simem_size_0:
called_computation.1_lowered:
.L_overlay_start_0:
0x88: {  	s2 =	sld [smem:$0x3FD9]  }
0x89: {  	s3 =	sld [smem:$0x3FFE];
	_ =	sdelay $0x1  }
0x8a: {  	s1 =	srdreg.scid  }
0x8b: {  	s0 =	sand.u32 $0x1, s1  }
0x8c: {  	s16 =	sshll.u32 s0, $0xA;
	s2 =	sadd.s32 s3, s2  }
0x8d: {  	s2 =	sadd.s32 s2, s16  }
0x8e: {  	[smem:$0x3FBC] =	sst s2  }
0x8f: {  	_ = 	snop  }
0x90: {  	(tm) =	ssettm $0x1  }
0x91: {  	s17 =	sld [smem:$0x3FFB];
	_ =	sdelay $0x3  }
0x92: {  	_ =	strace s17  }
0x93: {  	s2 =	sld [smem:$0x3FFC];
	_ =	sdelay $0x3  }
0x94: {  	_ =	strace s2  }
0x95: {  	s2 =	sld [smem:$0x3FFD];
	_ =	sdelay $0x3  }
0x96: {  	_ =	strace s2  }
0x97: {  	_ =	strace $0x8FFFFFFF  }
0x98: {  	s18 =	sld [smem:$0x3FDB];
	_ =	sdelay $0x1  }
0x99: {  	s19 =	simm.s32 $_scs_section_size  }
0x9a: {  	s4 =	simm.s32 $_size__tile_overlayer_lowered;
	s5 =	simm.s32 $_tile_overlayer_lowered  }
0x9b: {  	s22 =	simm.s32 $0x1BFF;
	s21 =	sshll.u32 s5, $0x1;
	s2 =	sadd.s32 s19, s18  }
0x9c: {  	s6 =	simm.s32 $0x0;
	s20 =	sshll.u32 s4, $0x1;
	s4 =	sadd.s32 s21, s2  }
0x9d: {  	[timem:s6], [sflag:s22] =	dma.local [hbm:s4], s20  }
0x9e: {  	_ =	swait.ge [sflag:s22], s20  }
0x9f: {  	s3 =	ssub.s32 $0x0, s20;
	[sflag:s22] =	ssyncset.done $0x0  }
0xa0: {  	[sflag:s22] =	ssyncadd.s32 s3;
	_ =	sdelay $0x1  }
0xa1: {  	s23 =	simm.s32 $0x1B8B  }
0xa2: {  	_ =	swait.ge [sflag:s23], $0x1  }
0xa3: {  	[sflag:s23] =	ssyncset.done $0x0  }
0xa4: {  	s25 =	simm.s32 $0x1B8E;
	s24 =	sld [smem:$0x3FFE];
	[sflag:s23] =	ssyncadd.s32 $0xFFFFFFFF  }
0xa5: {  	s26 =	simm.s32 $execute0_lowered;
	[smem:$0x3FD2] =	sst s25  }
0xa6: {  	s4 =	sshll.u32 s26, $0x1;
	_ =	strace $0x80000049;
	[dreg:$0x1] =	wrdreg $0xFFFFFFFF  }
0xa7: {  	s28 =	simm.s32 $_size_execute0_lowered;
	s2 =	sadd.s32 s2, s4;
	[dreg:$0x0] =	wrdreg $0x0  }
0xa8: {  	s4 =	sshll.u32 s28, $0x1;
	[dreg:$0x2] =	wrdreg s2  }
0xa9: {  	[dreg:$0x3] =	wrdreg s4  }
0xaa: {  	[dreg:$0x4] =	wrdreg $0xC0  }
0xab: {  	_ =	task [dreg:s6], $0x5FFFF  }
0xac: {  	[dreg:$0x1] =	wrdreg $0xFFFFFFFF  }
0xad: {  	[dreg:$0x0] =	wrdreg $0x60  }
0xae: {  	[dreg:$0x2] =	wrdreg s24  }
0xaf: {  	[dreg:$0x3] =	wrdreg $0x83000  }
0xb0: {  	[dreg:$0x4] =	wrdreg $0x9  }
0xb1: {  	_ =	task.clear_ibuf [dreg:s6], $0x5FFFF;
	_ =	strace $0x90000049  }
0xb2: {  	s29 =	simm.s32 $0x9;
	_ =	strace $0x8000004B  }
0xb3: {  	_ =	swait.ge [sflag:s29], $0x1  }
0xb4: {  	[sflag:s29] =	ssyncadd.s32 $0xFFFFFFFF  }
0xb5: {  	_ =	strace $0x9000004B  }
0xb6: {  	_ =	sfence  }
0xb7: {  	s30 =	sld [smem:$0x0];
	_ =	sdelay $0x2  }
0xb8: {  	s31 =	sshll.u32 s1, $0xD;
	s1 =	sshrl.u32 s1, $0x2  }
0xb9: {  	s3 =	sand.u32 $0x4000, s31;
	s1 =	sadd.s32 s1, s30  }
0xba: {  	s0 =	sor.u32 s3, s0;
	s1 =	sshll.u32 s1, $0x11  }
0xbb: {  	s0 =	sor.u32 s1, s0  }
0xbc: {  	s0 =	sadd.s32 $0x8F2B, s0  }
0xbd: {  	[sflag:s0] =	ssyncadd.remote.s32 $0x1  }
0xbe: {  	_ =	sfence.sel $0xFFFF  }
0xbf: {  	[dreg:$0x0] =	wrdreg $0xFFFFFFFF;
	(pc) =	sbr.abs _section_cstart, $3  }
0xc0: {  	[dreg:$0x1] =	wrdreg $0xFFFFFFFF  }
0xc1: {  	_ =	task.clear_ibuf [dreg:s6], $0x2FFFF;
	_ =	strace $0x9FFFFFFF  }
0xc2: {  	(tm) =	ssettm $0x7FFFFFFF  }
0xc3: {  	_ =	shalt  }
tec
execute0_lowered:
.L_overlay_start_1:
0x0: {  	(tag) =	ssettag $0x1  }
0x1: {  	s0 =	rddreg [dreg:$0x0];
	s1 =	srdreg.scid  }
0x2: {  	s2 =	rddreg [dreg:$0x1];
	s12 =	stileid.u32;
	s3 =	simm.s32 $0x0  }
0x3: {  	s28 =	simm.s32 $0x100;
	s29 =	simm.s32 $0x180;
	s30 =	simm.s32 $0x200  }
0x4: {  	s31 =	simm.s32 $0x280;
	s1 =	sand.u32 $0x1, s1;
	s6 =	smul.u32 $0x13C00, s12  }
0x5: {  	[smem:$0x7FF] =	sst s3;
	s4 =	sadd.s32 $0x17000, s0;
	s7 =	smul.u32 $0x4F000, s12  }
0x6: {  	s8 =	sadd.s32 $0xD000, s0;
	s5 =	smul.u32 $0x13C000, s1;
	_ =	strace $0x8000004A  }
0x7: {  	s13 =	ssub.s32 $0x2, s1;
	s10 =	sshll.u32 s1, $0x4;
	s1 =	smul.u32 $0x500, s1  }
0x8: {  	s9 =	sshrl.u32 s13, $0x1;
	s7 =	sshrl.u32 s7, $0x2;
	s10 =	sor.u32 s12, s10  }
0x9: {  	s12 =	smul.u32 $0x50, s12;
	s5 =	sadd.s32 s6, s5;
	s6 =	sadd.s32 $0x3000, s0  }
0xa: {  	s9 =	ssub.s32 s13, s9;
	s17 =	sadd.s32 s7, s2;
	s16 =	smul.u32 $0x500, s10  }
0xb: {  	s7 =	simm.s32 $0x1;
	s13 =	simm.s32 $0x6;
	s5 =	sshrl.u32 s5, $0x3  }
0xc: {  	s14 =	sadd.s32 $0x4000, s17;
	s15 =	sadd.s32 $0x8000, s17;
	[dreg:$0x3] =	wrdreg s17  }
0xd: {  	s18 =	sadd.s32 $0xC000, s17;
	s19 =	sadd.s32 $0x10000, s17;
	[dreg:$0x4] =	wrdreg s14  }
0xe: {  	s1 =	sadd.s32 s12, s1;
	s25 =	smax.u32 s9, $0x1;
	[dreg:$0x5] =	wrdreg s15  }
0xf: {  	s9 =	simm.s32 $0x5;
	s12 =	simm.s32 $0x8;
	[dreg:$0x6] =	wrdreg s18  }
0x10: {  	s0 =	sadd.s32 s5, s0;
	[dreg:$0x7] =	wrdreg s19;
	s20 =	sadd.s32 s6, s16  }
0x11: {  	s11 =	sor.u32 $0x10, s16;
	s23 =	sadd.s32 s8, s16;
	[dreg:$0xf] =	wrdreg s25  }
0x12: {  	s26 =	sshll.u32 s1, $0x4;
	s25 =	simm.s32 $0x9;
	[dreg:$0x8] =	wrdreg s20  }
0x13: {  	s1 =	simm.s32 $0x4;
	s21 =	sadd.s32 s6, s11;
	[dreg:$0xc] =	wrdreg s23  }
0x14: {  	s14 =	simm.s32 $0x0;
	s22 =	sadd.s32 $0x20, s20;
	[dreg:$0x9] =	wrdreg s21  }
0x15: {  	s5 =	sadd.s32 $0x30, s20;
	s24 =	sadd.s32 s8, s11;
	[dreg:$0xa] =	wrdreg s22  }
0x16: {  	s0 =	sadd.s32 $0x3E800, s0;
	s18 =	sadd.s32 s26, s6;
	[dreg:$0xb] =	wrdreg s5  }
.Ltmp0:
0x17: {  	s19 =	sadd.s32 s26, s8;
	[dreg:$0xd] =	wrdreg s24;
	(pc) =	sbr.rel .LBB2_1-.Ltmp0, $4  }
0x18: {  	s11 =	simm.s32 $0x2;
	[dreg:$0xe] =	wrdreg s0;
	s0 =	sor.u32 $0x40, s26  }
0x19: {  	s20 =	sadd.s32 $0x60, s18;
	s21 =	sadd.s32 $0x20, s19;
	s24 =	simm.s32 $0x300  }
0x1a: {  	s26 =	simm.s32 $0x80;
	s22 =	sadd.s32 s0, s8;
	s23 =	sadd.s32 s0, s6  }
0x1b: {  	v0 =	vimm.f32 $0.0e+00;
	s0 =	simm.s32 $0x3;
	s6 =	simm.s32 $0x4300;
	s8 =	simm.s32 $0x7  }
.LBB2_6:
0x1c: {  	_ =	swait.ge [sflag:s11], $0x4000  }
0x1d: {  	[sflag:s11] =	ssyncset.done $0x0  }
0x1e: {  	[sflag:s11] =	ssyncadd.s32 $0xFFFFC000  }
0x1f: {  	_ =	swait.ge [sflag:s12], $0x80  }
0x20: {  	[sflag:s12] =	ssyncset.done $0x0  }
0x21: {  	[sflag:s12] =	ssyncadd.s32 $0xFFFFFF80  }
0x22: {  	[spmem:s2] =	stream.indirect.scatter.add.f32 [tilespmem:s6], [sflag:$0x9], $0x80, s31, s26, $0xb8;
	[tilespmem:$0x1BF00] =	vst v63  }
0x23: {  	_ =	swait.ge [sflag:s25], $0x4000  }
0x24: {  	[sflag:s25] =	ssyncset.done $0x0  }
0x25: {  	[sflag:s25] =	ssyncadd.s32 $0xFFFFC000  }
0x26: {  	s5 =	stileid.u32;
	[bflag:$0x0] =	sbarrier.arrive $0xFFFF  }
0x27: {  	s5 =	sshll.u32 s5, $0x6;
	s17 =	rddreg [dreg:$0x3]  }
0x28: {  	s5 =	sor.u32 $0x1C09, s5;
	s15 =	rddreg [dreg:$0xe];
	s10 =	sshrl.u32 s17, $0x3  }
0x29: {  	[hbm:s15], [sflag:s5] =	dma.local [spmem:s10], $0x2780  }
0x2a: {  	_ =	swait.ge [sflag:s25], $0x2780  }
0x2b: {  	s14 =	sadd.s32 $0x1, s14;
	s16 =	rddreg [dreg:$0xf]  }
0x2c: {  	p0 =	sne.s32 s14, s16  }
.Ltmp1:
0x2d: {  	_ = 	snop;
	(pc) =	sbr.rel @!p0 .LBB2_7-.Ltmp1, $3  }
0x2e: {  	_ =	sdelay $0x1  }
0x2f: {  	[sflag:s25] =	ssyncset.done $0x0  }
0x30: {  	[sflag:s25] =	ssyncadd.s32 $0xFFFFD880  }
.LBB2_1:
0x31: {  	s15 =	simm.s32 $0x0;
	s16 =	simm.s32 $0x200  }
.LBB2_2:
0x32: {  	p0 =	sne.s32 s16, $0xFE00;
	[tilespmem:s15+$0x370] =	vst v0  }
0x33: {  	[tilespmem:s15+$0x300] =	vst v0  }
0x34: {  	[tilespmem:s15+$0x310] =	vst v0  }
.Ltmp2:
0x35: {  	[tilespmem:s15+$0x320] =	vst v0;
	(pc) =	sbr.rel @p0 .LBB2_2-.Ltmp2, $4  }
0x36: {  	[tilespmem:s15+$0x330] =	vst v0  }
0x37: {  	[tilespmem:s15+$0x340] =	vst v0  }
0x38: {  	[tilespmem:s15+$0x350] =	vst v0  }
0x39: {  	[tilespmem:s15+$0x360] =	vst v0;
	s15 =	sshra.s32 s16, $0x2;
	s16 =	sadd.s32 $0x200, s16  }
0x3a: {  	[tilespmem:s15+$0x370] =	vst v0  }
0x3b: {  	[tilespmem:s15+$0x300] =	vst v0  }
0x3c: {  	[tilespmem:s15+$0x310] =	vst v0  }
0x3d: {  	[tilespmem:s15+$0x320] =	vst v0  }
0x3e: {  	[tilespmem:s15+$0x330] =	vst v0  }
0x3f: {  	[tilespmem:s15+$0x340] =	vst v0  }
0x40: {  	[tilespmem:s15+$0x350] =	vst v0  }
0x41: {  	[tilespmem:s15+$0x360] =	vst v0  }
0x42: {  	[spmem:s17] =	stream.linear.scatter [tilespmem:s24], [sflag:$0x9], $0x4000, $0x38;
	[tilespmem:$0x1BF00] =	vst v63  }
0x43: {  	_ =	swait.ge [sflag:s25], $0x4000  }
0x44: {  	[sflag:s25] =	ssyncset.done $0x0  }
0x45: {  	s5 =	rddreg [dreg:$0x4];
	[sflag:s25] =	ssyncadd.s32 $0xFFFFC000  }
0x46: {  	[spmem:s5] =	stream.linear.scatter [tilespmem:s24], [sflag:$0x9], $0x4000, $0x38;
	[tilespmem:$0x1BF00] =	vst v63  }
0x47: {  	_ =	swait.ge [sflag:s25], $0x4000  }
0x48: {  	[sflag:s25] =	ssyncset.done $0x0  }
0x49: {  	s15 =	rddreg [dreg:$0x5];
	[sflag:s25] =	ssyncadd.s32 $0xFFFFC000  }
0x4a: {  	[spmem:s15] =	stream.linear.scatter [tilespmem:s24], [sflag:$0x9], $0x4000, $0x38;
	[tilespmem:$0x1BF00] =	vst v63  }
0x4b: {  	_ =	swait.ge [sflag:s25], $0x4000  }
0x4c: {  	[sflag:s25] =	ssyncset.done $0x0  }
0x4d: {  	s16 =	rddreg [dreg:$0x6];
	[sflag:s25] =	ssyncadd.s32 $0xFFFFC000  }
0x4e: {  	[spmem:s16] =	stream.linear.scatter [tilespmem:s24], [sflag:$0x9], $0x4000, $0x38;
	[tilespmem:$0x1BF00] =	vst v63  }
0x4f: {  	_ =	swait.ge [sflag:s25], $0x4000  }
0x50: {  	[sflag:s25] =	ssyncset.done $0x0  }
0x51: {  	s17 =	rddreg [dreg:$0x7];
	[sflag:s25] =	ssyncadd.s32 $0xFFFFC000  }
0x52: {  	[spmem:s17] =	stream.linear.scatter [tilespmem:s24], [sflag:$0x9], $0x3C00, $0x38;
	[tilespmem:$0x1BF00] =	vst v63  }
0x53: {  	_ =	swait.ge [sflag:s25], $0x3C00  }
0x54: {  	[sflag:s25] =	ssyncset.done $0x0  }
0x55: {  	[sflag:s25] =	ssyncadd.s32 $0xFFFFC400  }
0x56: {  	[bflag:$0x0] =	sbarrier.arrive $0xFFFF  }
0x57: {  	s15 =	simm.s32 $0x0;
	s10 =	rddreg [dreg:$0x8]  }
0x58: {  	[tilespmem:s15], [sflag:$0x3] =	stream.linear.gather [hbm4b:s10+s15], $0x80, $0x38;
	[tilespmem:$0x1BF00] =	vst v63  }
0x59: {  	s16 =	rddreg [dreg:$0x9]  }
0x5a: {  	[tilespmem:s26], [sflag:$0x4] =	stream.linear.gather [hbm4b:s16+s15], $0x80, $0x38;
	[tilespmem:$0x1BF00] =	vst v63  }
0x5b: {  	s17 =	rddreg [dreg:$0xa]  }
0x5c: {  	[tilespmem:s28], [sflag:$0x5] =	stream.linear.gather [hbm4b:s17+s15], $0x80, $0x38;
	[tilespmem:$0x1BF00] =	vst v63  }
0x5d: {  	s10 =	rddreg [dreg:$0xb]  }
0x5e: {  	[tilespmem:s29], [sflag:$0x6] =	stream.linear.gather [hbm4b:s10+s15], $0x80, $0x38;
	[tilespmem:$0x1BF00] =	vst v63  }
0x5f: {  	s16 =	rddreg [dreg:$0xc]  }
0x60: {  	[tilespmem:s30], [sflag:$0x7] =	stream.linear.gather [hbm4b:s16+s15], $0x80, $0x38;
	[tilespmem:$0x1BF00] =	vst v63  }
0x61: {  	s17 =	rddreg [dreg:$0xd]  }
0x62: {  	[tilespmem:s31], [sflag:$0x8] =	stream.linear.gather [hbm4b:s17+s15], $0x80, $0x38;
	[tilespmem:$0x1BF00] =	vst v63  }
0x63: {  	_ =	swait.ge [sflag:s0], $0x80  }
0x64: {  	[sflag:s0] =	ssyncset.done $0x0  }
0x65: {  	[sflag:s0] =	ssyncadd.s32 $0xFFFFFF80  }
0x66: {  	[tilespmem:s24], [sflag:$0x1] =	stream.indirect.gather [hbm4b:s4+s26], $0x80, s15, s26, $0xb8;
	[tilespmem:$0x1BF00] =	vst v63  }
0x67: {  	_ =	swait.ge [sflag:s1], $0x80  }
0x68: {  	[sflag:s1] =	ssyncset.done $0x0  }
0x69: {  	[sflag:s1] =	ssyncadd.s32 $0xFFFFFF80  }
0x6a: {  	[tilespmem:s6], [sflag:$0x2] =	stream.indirect.gather [hbm4b:s4+s26], $0x80, s26, s26, $0xb8;
	[tilespmem:$0x1BF00] =	vst v63  }
.LBB2_4:
0x6b: {  	_ =	swait.ge [sflag:s7], $0x4000  }
0x6c: {  	[sflag:s7] =	ssyncset.done $0x0  }
0x6d: {  	[sflag:s7] =	ssyncadd.s32 $0xFFFFC000  }
0x6e: {  	_ =	swait.ge [sflag:s8], $0x80  }
0x6f: {  	[sflag:s8] =	ssyncset.done $0x0  }
0x70: {  	[sflag:s8] =	ssyncadd.s32 $0xFFFFFF80  }
0x71: {  	[spmem:s2] =	stream.indirect.scatter.add.f32 [tilespmem:s24], [sflag:$0x9], $0x80, s30, s26, $0xb8;
	[tilespmem:$0x1BF00] =	vst v63  }
0x72: {  	_ =	swait.ge [sflag:s25], $0x4000  }
0x73: {  	[sflag:s25] =	ssyncset.done $0x0  }
0x74: {  	s16 =	sadd.s32 s15, s21;
	p0 =	seq.s32 s15, $0x4C0;
	[sflag:s25] =	ssyncadd.s32 $0xFFFFC000  }
0x75: {  	[tilespmem:s30], [sflag:$0x7] =	stream.linear.gather [hbm4b:s16+s3], $0x80, $0x38;
	[tilespmem:$0x1BF00] =	vst v63  }
0x76: {  	s17 =	simm.s32 @!p0 $0x0;
	s16 =	sadd.s32 @!p0 s15, s23  }
0x77: {  	[tilespmem:s17], [sflag:$0x3] =	stream.linear.gather @!p0 [hbm4b:s16+s17], $0x80, $0x38;
	[tilespmem:$0x1BF00] =	vst v63  }
0x78: {  	_ =	swait.ge [sflag:s9], $0x80  }
0x79: {  	[sflag:s9] =	ssyncset.done $0x0  }
0x7a: {  	[sflag:s9] =	ssyncadd.s32 $0xFFFFFF80  }
0x7b: {  	[tilespmem:s24], [sflag:$0x1] =	stream.indirect.gather [hbm4b:s4+s26], $0x80, s28, s26, $0xb8;
	[tilespmem:$0x1BF00] =	vst v63  }
0x7c: {  	_ =	swait.ge [sflag:s11], $0x4000  }
0x7d: {  	[sflag:s11] =	ssyncset.done $0x0  }
0x7e: {  	[sflag:s11] =	ssyncadd.s32 $0xFFFFC000  }
0x7f: {  	_ =	swait.ge [sflag:s12], $0x80  }
0x80: {  	[sflag:s12] =	ssyncset.done $0x0  }
0x81: {  	[sflag:s12] =	ssyncadd.s32 $0xFFFFFF80  }
0x82: {  	[spmem:s2] =	stream.indirect.scatter.add.f32 [tilespmem:s6], [sflag:$0x9], $0x80, s31, s26, $0xb8;
	[tilespmem:$0x1BF00] =	vst v63  }
0x83: {  	_ =	swait.ge [sflag:s25], $0x4000  }
0x84: {  	s16 =	sadd.s32 s15, s19;
	[sflag:s25] =	ssyncset.done $0x0  }
0x85: {  	s10 =	sadd.s32 $0x30, s16;
	[sflag:s25] =	ssyncadd.s32 $0xFFFFC000  }
0x86: {  	[tilespmem:s31], [sflag:$0x8] =	stream.linear.gather [hbm4b:s10+s3], $0x80, $0x38;
	[tilespmem:$0x1BF00] =	vst v63  }
0x87: {  	s10 =	sadd.s32 @!p0 s15, s18  }
0x88: {  	s5 =	simm.s32 @!p0 $0x80;
	s10 =	sadd.s32 @!p0 $0x50, s10  }
0x89: {  	[tilespmem:s5], [sflag:$0x4] =	stream.linear.gather @!p0 [hbm4b:s10+s17], $0x80, $0x38;
	[tilespmem:$0x1BF00] =	vst v63  }
0x8a: {  	_ =	swait.ge [sflag:s13], $0x80  }
0x8b: {  	[sflag:s13] =	ssyncset.done $0x0  }
0x8c: {  	[sflag:s13] =	ssyncadd.s32 $0xFFFFFF80  }
0x8d: {  	[tilespmem:s6], [sflag:$0x2] =	stream.indirect.gather [hbm4b:s4+s26], $0x80, s29, s26, $0xb8;
	[tilespmem:$0x1BF00] =	vst v63  }
0x8e: {  	_ =	swait.ge [sflag:s7], $0x4000  }
0x8f: {  	[sflag:s7] =	ssyncset.done $0x0  }
0x90: {  	[sflag:s7] =	ssyncadd.s32 $0xFFFFC000  }
0x91: {  	_ =	swait.ge [sflag:s8], $0x80  }
0x92: {  	[sflag:s8] =	ssyncset.done $0x0  }
.Ltmp3:
0x93: {  	[sflag:s8] =	ssyncadd.s32 $0xFFFFFF80;
	(pc) =	sbr.rel @p0 .LBB2_6-.Ltmp3, $4  }
0x94: {  	[spmem:s2] =	stream.indirect.scatter.add.f32 [tilespmem:s24], [sflag:$0x9], $0x80, s30, s26, $0xb8;
	[tilespmem:$0x1BF00] =	vst v63  }
0x95: {  	_ =	swait.ge [sflag:s25], $0x4000  }
0x96: {  	[sflag:s25] =	ssyncset.done $0x0  }
0x97: {  	[sflag:s25] =	ssyncadd.s32 $0xFFFFC000  }
0x98: {  	s5 =	sadd.s32 s15, s22  }
0x99: {  	[tilespmem:s30], [sflag:$0x7] =	stream.linear.gather [hbm4b:s5+s3], $0x80, $0x38;
	[tilespmem:$0x1BF00] =	vst v63  }
0x9a: {  	s10 =	sadd.s32 s15, s20  }
0x9b: {  	[tilespmem:s28], [sflag:$0x5] =	stream.linear.gather [hbm4b:s10+s3], $0x80, $0x38;
	[tilespmem:$0x1BF00] =	vst v63  }
0x9c: {  	_ =	swait.ge [sflag:s0], $0x80  }
0x9d: {  	[sflag:s0] =	ssyncset.done $0x0  }
0x9e: {  	[sflag:s0] =	ssyncadd.s32 $0xFFFFFF80  }
0x9f: {  	[tilespmem:s24], [sflag:$0x1] =	stream.indirect.gather [hbm4b:s4+s26], $0x80, s3, s26, $0xb8;
	[tilespmem:$0x1BF00] =	vst v63  }
0xa0: {  	_ =	swait.ge [sflag:s11], $0x4000  }
0xa1: {  	[sflag:s11] =	ssyncset.done $0x0  }
0xa2: {  	[sflag:s11] =	ssyncadd.s32 $0xFFFFC000  }
0xa3: {  	_ =	swait.ge [sflag:s12], $0x80  }
0xa4: {  	[sflag:s12] =	ssyncset.done $0x0  }
0xa5: {  	[sflag:s12] =	ssyncadd.s32 $0xFFFFFF80  }
0xa6: {  	[spmem:s2] =	stream.indirect.scatter.add.f32 [tilespmem:s6], [sflag:$0x9], $0x80, s31, s26, $0xb8;
	[tilespmem:$0x1BF00] =	vst v63  }
0xa7: {  	_ =	swait.ge [sflag:s25], $0x4000  }
0xa8: {  	[sflag:s25] =	ssyncset.done $0x0  }
0xa9: {  	s16 =	sadd.s32 $0x50, s16;
	s17 =	sadd.s32 s15, s18;
	[sflag:s25] =	ssyncadd.s32 $0xFFFFC000  }
0xaa: {  	[tilespmem:s31], [sflag:$0x8] =	stream.linear.gather [hbm4b:s16+s3], $0x80, $0x38;
	[tilespmem:$0x1BF00] =	vst v63  }
0xab: {  	s5 =	sadd.s32 $0x70, s17  }
0xac: {  	[tilespmem:s29], [sflag:$0x6] =	stream.linear.gather [hbm4b:s5+s3], $0x80, $0x38;
	[tilespmem:$0x1BF00] =	vst v63  }
.Ltmp4:
0xad: {  	_ = 	snop;
	(pc) =	sbr.rel .LBB2_4-.Ltmp4, $4  }
0xae: {  	_ =	swait.ge [sflag:s1], $0x80  }
0xaf: {  	[sflag:s1] =	ssyncset.done $0x0  }
0xb0: {  	s15 =	sadd.s32 $0x40, s15;
	[sflag:s1] =	ssyncadd.s32 $0xFFFFFF80  }
0xb1: {  	[tilespmem:s6], [sflag:$0x2] =	stream.indirect.gather [hbm4b:s4+s26], $0x80, s26, s26, $0xb8;
	[tilespmem:$0x1BF00] =	vst v63  }
.LBB2_7:
0xb2: {  	_ =	sfence.sel $0x180000  }
0xb3: {  	[bflag:$0x0] =	sbarrier.arrive $0xFFFF  }
0xb4: {  	_ =	strace $0x9000004A  }
0xb5: {  	s0 =	stileid.u32;
	[bflag:$0x2] =	sbarrier.arrive $0xFFFF  }
0xb6: {  	p0 =	sne.s32 s0, $0x0;
	s0 =	rddreg [dreg:$0x2]  }
0xb7: {  	s0 =	sadd.s32 @!p0 $0x100000, s0  }
0xb8: {  	[sflag:s0] =	ssyncadd.tile.s32 @!p0 $0x1;
	_ =	shalt  }
.Lfunc_end2:
_tile_overlayer_lowered:
.L_overlay_start_2:
0xb9: {  	(tag) =	ssettag $0x2  }
0xba: {  	s0 =	rddreg [dreg:$0x0];
	s2 =	stileid.u32  }
0xbb: {  	s1 =	rddreg [dreg:$0x1];
	p0 =	sne.s32 s2, $0x0  }
0xbc: {  	s3 =	rddreg [dreg:$0x2];
	[bflag:$0x3] =	sbarrier.arrive $0xFFFF;
	s2 =	simm.s32 @!p0 $0x1C09  }
0xbd: {  	[timem:s3], [sflag:s2] =	dma.local @!p0 [hbm:s0], s1  }
0xbe: {  	s0 =	simm.s32 @!p0 $0x9  }
0xbf: {  	_ =	swait.ge @!p0 [sflag:s0], s1  }
0xc0: {  	s1 =	ssub.s32 @!p0 $0x0, s1;
	[sflag:s0] =	ssyncset.done @!p0 $0x0  }
0xc1: {  	[sflag:s0] =	ssyncadd.s32 @!p0 s1  }
0xc2: {  	[bflag:$0x3] =	sbarrier.arrive $0xFFFF  }
0xc3: {  	_ =	shalt  }

// kernel: kernel.15.cloned.1.call-start
scs
__scs_entry_jumppad:
0x0: {  	(pc) =	sbr.rel $0x88, $3  }
0x1: {  	(tag) =	ssettag $0x0;
	lr =	simm.s32 $0x1  }
0x2: {  	[smem:$0x3F95] =	sst lr;
	_ =	strace $0xD0000000  }
0x3: {  	_ = 	snop  }
0x4: {  	_ = 	snop  }
0x5: {  	_ = 	snop  }
0x6: {  	_ = 	snop  }
0x7: {  	_ = 	snop  }
__scs_overlays_trampoline_lowered:
0x8: {  	[smem:$0x3FA4] =	sst s0  }
0x9: {  	[smem:$0x3FA5] =	sst s1  }
0xa: {  	[smem:$0x3FA6] =	sst s2  }
0xb: {  	[smem:$0x3FA7] =	sst s3  }
0xc: {  	[smem:$0x3FA8] =	sst s4  }
0xd: {  	[smem:$0x3FA9] =	sst s5  }
0xe: {  	[smem:$0x3FAA] =	sst s6  }
0xf: {  	[smem:$0x3FAB] =	sst s7  }
0x10: {  	[smem:$0x3FAC] =	sst s8  }
0x11: {  	[smem:$0x3FAD] =	sst s9;
	s0 =	simm.s32 @!p0 $0x0  }
0x12: {  	s1 =	sld [smem:$0x3F93];
	s0 =	simm.s32 @p0 $0x1  }
0x13: {  	[smem:$0x3FAE] =	sst s0;
	s0 =	simm.s32 @!p1 $0x0  }
0x14: {  	s2 =	sld [smem:$0x3F92];
	s0 =	simm.s32 @p1 $0x1  }
0x15: {  	[smem:$0x3FAF] =	sst s0;
	s0 =	simm.s32 @!p2 $0x0  }
0x16: {  	s3 =	sld [smem:$0x3FDB];
	s0 =	simm.s32 @p2 $0x1  }
0x17: {  	s4 =	simm.s32 $0x1BF5;
	[smem:$0x3FB1] =	sst s0  }
0x18: {  	s0 =	sld [smem:$0x3F94];
	_ =	swait.ge [sflag:s4], $0x0  }
0x19: {  	s7 =	sld [smem:$0x3F95]  }
0x1a: {  	s8 =	sadd.s32 $0xFFFFE003, lr  }
0x1b: {  	s9 =	sadd.s32 $0xFFFFFEF7, lr;
	s5 =	simm.s32 $0xFFFFFFFF;
	p2 =	slt.u32 s8, $0xFFFFF086  }
0x1c: {  	p1 =	slt.u32 s9, $0xF7A;
	s5 =	simm.s32 @!p2 $0x0  }
0x1d: {  	s5 =	simm.s32 @p1 $0x1;
	p0 =	seq.s32 s7, s2  }
0x1e: {  	s7 =	smul.u32 @!p0 $0xF7A, s2;
	p2 =	seq.s32 @!p0 s5, $0x0  }
0x1f: {  	s9 =	smul.u32 $0xF7A, s1;
	s8 =	simm.s32 @!p0 $0x1BF5;
	p2 =	por !p2, p0  }
0x20: {  	[sflag:s8] =	ssyncset.s32 @!p0 $0xFFFFF086;
	s6 =	sadd.s32 @!p0 s3, s7;
	s7 =	simm.s32 @!p0 $0x108  }
0x21: {  	s3 =	sadd.s32 s3, s9;
	s6 =	sadd.s32 @!p0 $0x88, s6;
	s7 =	simm.s32 @p2 $0x1082  }
0x22: {  	[simem:s7], [sflag:s8] =	dma.local @!p0 [hbm:s6], $0xF7A  }
0x23: {  	s9 =	sor.u32 $0xD0000000, s2;
	s6 =	simm.s32 $0x108;
	_ =	swait.ge @!p0 [sflag:s8], $0x0  }
0x24: {  	s3 =	sadd.s32 $0x88, s3;
	s6 =	simm.s32 @!p1 $0x1082;
	[sflag:s4] =	ssyncset.s32 $0xFFFFF086  }
0x25: {  	[simem:s6], [sflag:s4] =	dma.local [hbm:s3], $0xF7A  }
0x26: {  	[smem:$0x3F95] =	sst s1;
	(tag) =	ssettag s2;
	_ =	strace s9  }
0x27: {  	s1 =	sld [smem:$0x3FA5]  }
0x28: {  	s2 =	sld [smem:$0x3FA6]  }
0x29: {  	s4 =	sld [smem:$0x3FA8]  }
0x2a: {  	p0 =	seq.s32 s5, $0x0;
	s5 =	sld [smem:$0x3FA9]  }
0x2b: {  	s6 =	sld [smem:$0x3FAA]  }
0x2c: {  	s7 =	sld [smem:$0x3FAB]  }
0x2d: {  	s3 =	simm.s32 $0x108;
	s8 =	sld [smem:$0x3FAC]  }
0x2e: {  	s3 =	simm.s32 @!p0 $0x1082;
	s9 =	sld [smem:$0x3FAD]  }
0x2f: {  	lr =	sadd.s32 s0, s3;
	s0 =	sld [smem:$0x3FA4]  }
0x30: {  	s3 =	sld [smem:$0x3FA7]  }
0x31: {  	[smem:$0x3FB0] =	sst s10  }
0x32: {  	s10 =	sld [smem:$0x3FAE];
	_ =	sdelay $0x3  }
0x33: {  	p0 =	seq.s32 s10, $0x1;
	s10 =	sld [smem:$0x3FB0];
	_ =	sdelay $0x3  }
0x34: {  	[smem:$0x3FB0] =	sst s10  }
0x35: {  	s10 =	sld [smem:$0x3FAF];
	_ =	sdelay $0x3  }
0x36: {  	p1 =	seq.s32 s10, $0x1;
	s10 =	sld [smem:$0x3FB0];
	_ =	sdelay $0x3  }
0x37: {  	[smem:$0x3FB0] =	sst s10  }
0x38: {  	s10 =	sld [smem:$0x3FB1]  }
0x39: {  	_ = 	snop;
	(pc) =	sbr.ind lr, $3  }
0x3a: {  	_ = 	snop  }
0x3b: {  	_ = 	snop  }
0x3c: {  	p2 =	seq.s32 s10, $0x1;
	s10 =	sld [smem:$0x3FB0]  }
0x3d: {  	_ =	shalt  }
0x3e: {  	_ =	shalt  }
0x3f: {  	_ =	shalt  }
0x40: {  	_ =	shalt  }
0x41: {  	_ =	shalt  }
0x42: {  	_ =	shalt  }
0x43: {  	_ =	shalt  }
0x44: {  	_ =	shalt  }
0x45: {  	_ =	shalt  }
0x46: {  	_ =	shalt  }
0x47: {  	_ =	shalt  }
0x48: {  	_ =	shalt  }
0x49: {  	_ =	shalt  }
0x4a: {  	_ =	shalt  }
0x4b: {  	_ =	shalt  }
0x4c: {  	_ =	shalt  }
0x4d: {  	_ =	shalt  }
0x4e: {  	_ =	shalt  }
0x4f: {  	_ =	shalt  }
0x50: {  	_ =	shalt  }
0x51: {  	_ =	shalt  }
0x52: {  	_ =	shalt  }
0x53: {  	_ =	shalt  }
0x54: {  	_ =	shalt  }
0x55: {  	_ =	shalt  }
0x56: {  	_ =	shalt  }
0x57: {  	_ =	shalt  }
0x58: {  	_ =	shalt  }
0x59: {  	_ =	shalt  }
0x5a: {  	_ =	shalt  }
0x5b: {  	_ =	shalt  }
0x5c: {  	_ =	shalt  }
0x5d: {  	_ =	shalt  }
0x5e: {  	_ =	shalt  }
0x5f: {  	_ =	shalt  }
0x60: {  	_ =	shalt  }
0x61: {  	_ =	shalt  }
0x62: {  	_ =	shalt  }
0x63: {  	_ =	shalt  }
0x64: {  	_ =	shalt  }
0x65: {  	_ =	shalt  }
0x66: {  	_ =	shalt  }
0x67: {  	_ =	shalt  }
0x68: {  	_ =	shalt  }
0x69: {  	_ =	shalt  }
0x6a: {  	_ =	shalt  }
0x6b: {  	_ =	shalt  }
0x6c: {  	_ =	shalt  }
0x6d: {  	_ =	shalt  }
0x6e: {  	_ =	shalt  }
0x6f: {  	_ =	shalt  }
0x70: {  	_ =	shalt  }
0x71: {  	_ =	shalt  }
0x72: {  	_ =	shalt  }
0x73: {  	_ =	shalt  }
0x74: {  	_ =	shalt  }
0x75: {  	_ =	shalt  }
0x76: {  	_ =	shalt  }
0x77: {  	_ =	shalt  }
0x78: {  	_ =	shalt  }
0x79: {  	_ =	shalt  }
0x7a: {  	_ =	shalt  }
0x7b: {  	_ =	shalt  }
0x7c: {  	_ =	shalt  }
0x7d: {  	_ =	shalt  }
0x7e: {  	_ =	shalt  }
0x7f: {  	_ =	shalt  }
0x80: {  	_ =	shalt  }
0x81: {  	_ =	shalt  }
0x82: {  	_ =	shalt  }
0x83: {  	_ =	shalt  }
0x84: {  	_ =	shalt  }
0x85: {  	_ =	shalt  }
0x86: {  	_ =	shalt  }
0x87: {  	_ =	shalt  }
.Lfunc_end0:
.L_simem_size_0:
called_computation.2_lowered:
.L_overlay_start_0:
0x88: {  	s2 =	sld [smem:$0x3FD9]  }
0x89: {  	s3 =	sld [smem:$0x3FFE];
	_ =	sdelay $0x1  }
0x8a: {  	s1 =	srdreg.scid  }
0x8b: {  	s0 =	sand.u32 $0x1, s1  }
0x8c: {  	s16 =	sshll.u32 s0, $0xA;
	s2 =	sadd.s32 s3, s2  }
0x8d: {  	s2 =	sadd.s32 s2, s16  }
0x8e: {  	[smem:$0x3FBC] =	sst s2  }
0x8f: {  	_ = 	snop  }
0x90: {  	(tm) =	ssettm $0x1  }
0x91: {  	s17 =	sld [smem:$0x3FFB];
	_ =	sdelay $0x3  }
0x92: {  	_ =	strace s17  }
0x93: {  	s2 =	sld [smem:$0x3FFC];
	_ =	sdelay $0x3  }
0x94: {  	_ =	strace s2  }
0x95: {  	s2 =	sld [smem:$0x3FFD];
	_ =	sdelay $0x3  }
0x96: {  	_ =	strace s2  }
0x97: {  	_ =	strace $0x8FFFFFFF  }
0x98: {  	s18 =	sld [smem:$0x3FDB];
	_ =	sdelay $0x1  }
0x99: {  	s19 =	simm.s32 $_scs_section_size  }
0x9a: {  	s4 =	simm.s32 $_size__tile_overlayer_lowered;
	s5 =	simm.s32 $_tile_overlayer_lowered  }
0x9b: {  	s22 =	simm.s32 $0x1BFF;
	s21 =	sshll.u32 s5, $0x1;
	s2 =	sadd.s32 s19, s18  }
0x9c: {  	s6 =	simm.s32 $0x0;
	s20 =	sshll.u32 s4, $0x1;
	s4 =	sadd.s32 s21, s2  }
0x9d: {  	[timem:s6], [sflag:s22] =	dma.local [hbm:s4], s20  }
0x9e: {  	_ =	swait.ge [sflag:s22], s20  }
0x9f: {  	s3 =	ssub.s32 $0x0, s20;
	[sflag:s22] =	ssyncset.done $0x0  }
0xa0: {  	[sflag:s22] =	ssyncadd.s32 s3;
	_ =	sdelay $0x1  }
0xa1: {  	s23 =	simm.s32 $0x1B8B  }
0xa2: {  	_ =	swait.ge [sflag:s23], $0x1  }
0xa3: {  	[sflag:s23] =	ssyncset.done $0x0  }
0xa4: {  	s25 =	simm.s32 $0x1B8E;
	s24 =	sld [smem:$0x3FFE];
	[sflag:s23] =	ssyncadd.s32 $0xFFFFFFFF  }
0xa5: {  	s26 =	simm.s32 $execute0_lowered;
	[smem:$0x3FD2] =	sst s25  }
0xa6: {  	s4 =	sshll.u32 s26, $0x1;
	_ =	strace $0x8000004C;
	[dreg:$0x1] =	wrdreg $0xFFFFFFFF  }
0xa7: {  	s28 =	simm.s32 $_size_execute0_lowered;
	s2 =	sadd.s32 s2, s4;
	[dreg:$0x0] =	wrdreg $0x0  }
0xa8: {  	s4 =	sshll.u32 s28, $0x1;
	[dreg:$0x2] =	wrdreg s2  }
0xa9: {  	[dreg:$0x3] =	wrdreg s4  }
0xaa: {  	[dreg:$0x4] =	wrdreg $0xC0  }
0xab: {  	_ =	task [dreg:s6], $0x5FFFF  }
0xac: {  	[dreg:$0x1] =	wrdreg $0xFFFFFFFF  }
0xad: {  	[dreg:$0x0] =	wrdreg $0x60  }
0xae: {  	[dreg:$0x2] =	wrdreg s24  }
0xaf: {  	[dreg:$0x3] =	wrdreg $0x83000  }
0xb0: {  	[dreg:$0x4] =	wrdreg $0x9  }
0xb1: {  	_ =	task.clear_ibuf [dreg:s6], $0x5FFFF;
	_ =	strace $0x9000004C  }
0xb2: {  	s29 =	simm.s32 $0x9;
	_ =	strace $0x8000004E  }
0xb3: {  	_ =	swait.ge [sflag:s29], $0x1  }
0xb4: {  	[sflag:s29] =	ssyncadd.s32 $0xFFFFFFFF  }
0xb5: {  	_ =	strace $0x9000004E  }
0xb6: {  	_ =	sfence  }
0xb7: {  	s30 =	sld [smem:$0x0];
	_ =	sdelay $0x2  }
0xb8: {  	s31 =	sshll.u32 s1, $0xD;
	s1 =	sshrl.u32 s1, $0x2  }
0xb9: {  	s3 =	sand.u32 $0x4000, s31;
	s1 =	sadd.s32 s1, s30  }
0xba: {  	s0 =	sor.u32 s3, s0;
	s1 =	sshll.u32 s1, $0x11  }
0xbb: {  	s0 =	sor.u32 s1, s0  }
0xbc: {  	s0 =	sadd.s32 $0x8F2B, s0  }
0xbd: {  	[sflag:s0] =	ssyncadd.remote.s32 $0x1  }
0xbe: {  	_ =	sfence.sel $0xFFFF  }
0xbf: {  	[dreg:$0x0] =	wrdreg $0xFFFFFFFF;
	(pc) =	sbr.abs _section_cstart, $3  }
0xc0: {  	[dreg:$0x1] =	wrdreg $0xFFFFFFFF  }
0xc1: {  	_ =	task.clear_ibuf [dreg:s6], $0x2FFFF;
	_ =	strace $0x9FFFFFFF  }
0xc2: {  	(tm) =	ssettm $0x7FFFFFFF  }
0xc3: {  	_ =	shalt  }
tec
execute0_lowered:
.L_overlay_start_1:
0x0: {  	(tag) =	ssettag $0x1  }
0x1: {  	s0 =	rddreg [dreg:$0x0];
	s1 =	srdreg.scid  }
0x2: {  	s2 =	rddreg [dreg:$0x1];
	s12 =	stileid.u32;
	s3 =	simm.s32 $0x0  }
0x3: {  	s28 =	simm.s32 $0x100;
	s29 =	simm.s32 $0x180;
	s30 =	simm.s32 $0x200  }
0x4: {  	s31 =	simm.s32 $0x280;
	s1 =	sand.u32 $0x1, s1;
	s6 =	smul.u32 $0x13C00, s12  }
0x5: {  	[smem:$0x7FF] =	sst s3;
	s4 =	sadd.s32 $0x17000, s0;
	s7 =	smul.u32 $0x4F000, s12  }
0x6: {  	s8 =	sadd.s32 $0xD000, s0;
	s5 =	smul.u32 $0x13C000, s1;
	_ =	strace $0x8000004D  }
0x7: {  	s13 =	ssub.s32 $0x2, s1;
	s10 =	sshll.u32 s1, $0x4;
	s1 =	smul.u32 $0x500, s1  }
0x8: {  	s9 =	sshrl.u32 s13, $0x1;
	s7 =	sshrl.u32 s7, $0x2;
	s10 =	sor.u32 s12, s10  }
0x9: {  	s12 =	smul.u32 $0x50, s12;
	s5 =	sadd.s32 s6, s5;
	s6 =	sadd.s32 $0x3000, s0  }
0xa: {  	s9 =	ssub.s32 s13, s9;
	s17 =	sadd.s32 s7, s2;
	s16 =	smul.u32 $0x500, s10  }
0xb: {  	s7 =	simm.s32 $0x1;
	s13 =	simm.s32 $0x6;
	s5 =	sshrl.u32 s5, $0x3  }
0xc: {  	s14 =	sadd.s32 $0x4000, s17;
	s15 =	sadd.s32 $0x8000, s17;
	[dreg:$0x3] =	wrdreg s17  }
0xd: {  	s18 =	sadd.s32 $0xC000, s17;
	s19 =	sadd.s32 $0x10000, s17;
	[dreg:$0x4] =	wrdreg s14  }
0xe: {  	s1 =	sadd.s32 s12, s1;
	s25 =	smax.u32 s9, $0x1;
	[dreg:$0x5] =	wrdreg s15  }
0xf: {  	s9 =	simm.s32 $0x5;
	s12 =	simm.s32 $0x8;
	[dreg:$0x6] =	wrdreg s18  }
0x10: {  	s0 =	sadd.s32 s5, s0;
	[dreg:$0x7] =	wrdreg s19;
	s20 =	sadd.s32 s6, s16  }
0x11: {  	s11 =	sor.u32 $0x10, s16;
	s23 =	sadd.s32 s8, s16;
	[dreg:$0xf] =	wrdreg s25  }
0x12: {  	s26 =	sshll.u32 s1, $0x4;
	s25 =	simm.s32 $0x9;
	[dreg:$0x8] =	wrdreg s20  }
0x13: {  	s1 =	simm.s32 $0x4;
	s21 =	sadd.s32 s6, s11;
	[dreg:$0xc] =	wrdreg s23  }
0x14: {  	s14 =	simm.s32 $0x0;
	s22 =	sadd.s32 $0x20, s20;
	[dreg:$0x9] =	wrdreg s21  }
0x15: {  	s5 =	sadd.s32 $0x30, s20;
	s24 =	sadd.s32 s8, s11;
	[dreg:$0xa] =	wrdreg s22  }
0x16: {  	s0 =	sadd.s32 $0x3E800, s0;
	s18 =	sadd.s32 s26, s6;
	[dreg:$0xb] =	wrdreg s5  }
.Ltmp0:
0x17: {  	s19 =	sadd.s32 s26, s8;
	[dreg:$0xd] =	wrdreg s24;
	(pc) =	sbr.rel .LBB2_1-.Ltmp0, $4  }
0x18: {  	s11 =	simm.s32 $0x2;
	[dreg:$0xe] =	wrdreg s0;
	s0 =	sor.u32 $0x40, s26  }
0x19: {  	s20 =	sadd.s32 $0x60, s18;
	s21 =	sadd.s32 $0x20, s19;
	s24 =	simm.s32 $0x300  }
0x1a: {  	s26 =	simm.s32 $0x80;
	s22 =	sadd.s32 s0, s8;
	s23 =	sadd.s32 s0, s6  }
0x1b: {  	v0 =	vimm.f32 $0.0e+00;
	s0 =	simm.s32 $0x3;
	s6 =	simm.s32 $0x4300;
	s8 =	simm.s32 $0x7  }
.LBB2_6:
0x1c: {  	_ =	swait.ge [sflag:s11], $0x4000  }
0x1d: {  	[sflag:s11] =	ssyncset.done $0x0  }
0x1e: {  	[sflag:s11] =	ssyncadd.s32 $0xFFFFC000  }
0x1f: {  	_ =	swait.ge [sflag:s12], $0x80  }
0x20: {  	[sflag:s12] =	ssyncset.done $0x0  }
0x21: {  	[sflag:s12] =	ssyncadd.s32 $0xFFFFFF80  }
0x22: {  	[spmem:s2] =	stream.indirect.scatter.add.f32 [tilespmem:s6], [sflag:$0x9], $0x80, s31, s26, $0xb8;
	[tilespmem:$0x1BF00] =	vst v63  }
0x23: {  	_ =	swait.ge [sflag:s25], $0x4000  }
0x24: {  	[sflag:s25] =	ssyncset.done $0x0  }
0x25: {  	[sflag:s25] =	ssyncadd.s32 $0xFFFFC000  }
0x26: {  	s5 =	stileid.u32;
	[bflag:$0x0] =	sbarrier.arrive $0xFFFF  }
0x27: {  	s5 =	sshll.u32 s5, $0x6;
	s17 =	rddreg [dreg:$0x3]  }
0x28: {  	s5 =	sor.u32 $0x1C09, s5;
	s15 =	rddreg [dreg:$0xe];
	s10 =	sshrl.u32 s17, $0x3  }
0x29: {  	[hbm:s15], [sflag:s5] =	dma.local [spmem:s10], $0x2780  }
0x2a: {  	_ =	swait.ge [sflag:s25], $0x2780  }
0x2b: {  	s14 =	sadd.s32 $0x1, s14;
	s16 =	rddreg [dreg:$0xf]  }
0x2c: {  	p0 =	sne.s32 s14, s16  }
.Ltmp1:
0x2d: {  	_ = 	snop;
	(pc) =	sbr.rel @!p0 .LBB2_7-.Ltmp1, $3  }
0x2e: {  	_ =	sdelay $0x1  }
0x2f: {  	[sflag:s25] =	ssyncset.done $0x0  }
0x30: {  	[sflag:s25] =	ssyncadd.s32 $0xFFFFD880  }
.LBB2_1:
0x31: {  	s15 =	simm.s32 $0x0;
	s16 =	simm.s32 $0x200  }
.LBB2_2:
0x32: {  	p0 =	sne.s32 s16, $0xFE00;
	[tilespmem:s15+$0x370] =	vst v0  }
0x33: {  	[tilespmem:s15+$0x300] =	vst v0  }
0x34: {  	[tilespmem:s15+$0x310] =	vst v0  }
.Ltmp2:
0x35: {  	[tilespmem:s15+$0x320] =	vst v0;
	(pc) =	sbr.rel @p0 .LBB2_2-.Ltmp2, $4  }
0x36: {  	[tilespmem:s15+$0x330] =	vst v0  }
0x37: {  	[tilespmem:s15+$0x340] =	vst v0  }
0x38: {  	[tilespmem:s15+$0x350] =	vst v0  }
0x39: {  	[tilespmem:s15+$0x360] =	vst v0;
	s15 =	sshra.s32 s16, $0x2;
	s16 =	sadd.s32 $0x200, s16  }
0x3a: {  	[tilespmem:s15+$0x370] =	vst v0  }
0x3b: {  	[tilespmem:s15+$0x300] =	vst v0  }
0x3c: {  	[tilespmem:s15+$0x310] =	vst v0  }
0x3d: {  	[tilespmem:s15+$0x320] =	vst v0  }
0x3e: {  	[tilespmem:s15+$0x330] =	vst v0  }
0x3f: {  	[tilespmem:s15+$0x340] =	vst v0  }
0x40: {  	[tilespmem:s15+$0x350] =	vst v0  }
0x41: {  	[tilespmem:s15+$0x360] =	vst v0  }
0x42: {  	[spmem:s17] =	stream.linear.scatter [tilespmem:s24], [sflag:$0x9], $0x4000, $0x38;
	[tilespmem:$0x1BF00] =	vst v63  }
0x43: {  	_ =	swait.ge [sflag:s25], $0x4000  }
0x44: {  	[sflag:s25] =	ssyncset.done $0x0  }
0x45: {  	s5 =	rddreg [dreg:$0x4];
	[sflag:s25] =	ssyncadd.s32 $0xFFFFC000  }
0x46: {  	[spmem:s5] =	stream.linear.scatter [tilespmem:s24], [sflag:$0x9], $0x4000, $0x38;
	[tilespmem:$0x1BF00] =	vst v63  }
0x47: {  	_ =	swait.ge [sflag:s25], $0x4000  }
0x48: {  	[sflag:s25] =	ssyncset.done $0x0  }
0x49: {  	s15 =	rddreg [dreg:$0x5];
	[sflag:s25] =	ssyncadd.s32 $0xFFFFC000  }
0x4a: {  	[spmem:s15] =	stream.linear.scatter [tilespmem:s24], [sflag:$0x9], $0x4000, $0x38;
	[tilespmem:$0x1BF00] =	vst v63  }
0x4b: {  	_ =	swait.ge [sflag:s25], $0x4000  }
0x4c: {  	[sflag:s25] =	ssyncset.done $0x0  }
0x4d: {  	s16 =	rddreg [dreg:$0x6];
	[sflag:s25] =	ssyncadd.s32 $0xFFFFC000  }
0x4e: {  	[spmem:s16] =	stream.linear.scatter [tilespmem:s24], [sflag:$0x9], $0x4000, $0x38;
	[tilespmem:$0x1BF00] =	vst v63  }
0x4f: {  	_ =	swait.ge [sflag:s25], $0x4000  }
0x50: {  	[sflag:s25] =	ssyncset.done $0x0  }
0x51: {  	s17 =	rddreg [dreg:$0x7];
	[sflag:s25] =	ssyncadd.s32 $0xFFFFC000  }
0x52: {  	[spmem:s17] =	stream.linear.scatter [tilespmem:s24], [sflag:$0x9], $0x3C00, $0x38;
	[tilespmem:$0x1BF00] =	vst v63  }
0x53: {  	_ =	swait.ge [sflag:s25], $0x3C00  }
0x54: {  	[sflag:s25] =	ssyncset.done $0x0  }
0x55: {  	[sflag:s25] =	ssyncadd.s32 $0xFFFFC400  }
0x56: {  	[bflag:$0x0] =	sbarrier.arrive $0xFFFF  }
0x57: {  	s15 =	simm.s32 $0x0;
	s10 =	rddreg [dreg:$0x8]  }
0x58: {  	[tilespmem:s15], [sflag:$0x3] =	stream.linear.gather [hbm4b:s10+s15], $0x80, $0x38;
	[tilespmem:$0x1BF00] =	vst v63  }
0x59: {  	s16 =	rddreg [dreg:$0x9]  }
0x5a: {  	[tilespmem:s26], [sflag:$0x4] =	stream.linear.gather [hbm4b:s16+s15], $0x80, $0x38;
	[tilespmem:$0x1BF00] =	vst v63  }
0x5b: {  	s17 =	rddreg [dreg:$0xa]  }
0x5c: {  	[tilespmem:s28], [sflag:$0x5] =	stream.linear.gather [hbm4b:s17+s15], $0x80, $0x38;
	[tilespmem:$0x1BF00] =	vst v63  }
0x5d: {  	s10 =	rddreg [dreg:$0xb]  }
0x5e: {  	[tilespmem:s29], [sflag:$0x6] =	stream.linear.gather [hbm4b:s10+s15], $0x80, $0x38;
	[tilespmem:$0x1BF00] =	vst v63  }
0x5f: {  	s16 =	rddreg [dreg:$0xc]  }
0x60: {  	[tilespmem:s30], [sflag:$0x7] =	stream.linear.gather [hbm4b:s16+s15], $0x80, $0x38;
	[tilespmem:$0x1BF00] =	vst v63  }
0x61: {  	s17 =	rddreg [dreg:$0xd]  }
0x62: {  	[tilespmem:s31], [sflag:$0x8] =	stream.linear.gather [hbm4b:s17+s15], $0x80, $0x38;
	[tilespmem:$0x1BF00] =	vst v63  }
0x63: {  	_ =	swait.ge [sflag:s0], $0x80  }
0x64: {  	[sflag:s0] =	ssyncset.done $0x0  }
0x65: {  	[sflag:s0] =	ssyncadd.s32 $0xFFFFFF80  }
0x66: {  	[tilespmem:s24], [sflag:$0x1] =	stream.indirect.gather [hbm4b:s4+s26], $0x80, s15, s26, $0xb8;
	[tilespmem:$0x1BF00] =	vst v63  }
0x67: {  	_ =	swait.ge [sflag:s1], $0x80  }
0x68: {  	[sflag:s1] =	ssyncset.done $0x0  }
0x69: {  	[sflag:s1] =	ssyncadd.s32 $0xFFFFFF80  }
0x6a: {  	[tilespmem:s6], [sflag:$0x2] =	stream.indirect.gather [hbm4b:s4+s26], $0x80, s26, s26, $0xb8;
	[tilespmem:$0x1BF00] =	vst v63  }
.LBB2_4:
0x6b: {  	_ =	swait.ge [sflag:s7], $0x4000  }
0x6c: {  	[sflag:s7] =	ssyncset.done $0x0  }
0x6d: {  	[sflag:s7] =	ssyncadd.s32 $0xFFFFC000  }
0x6e: {  	_ =	swait.ge [sflag:s8], $0x80  }
0x6f: {  	[sflag:s8] =	ssyncset.done $0x0  }
0x70: {  	[sflag:s8] =	ssyncadd.s32 $0xFFFFFF80  }
0x71: {  	[spmem:s2] =	stream.indirect.scatter.add.f32 [tilespmem:s24], [sflag:$0x9], $0x80, s30, s26, $0xb8;
	[tilespmem:$0x1BF00] =	vst v63  }
0x72: {  	_ =	swait.ge [sflag:s25], $0x4000  }
0x73: {  	[sflag:s25] =	ssyncset.done $0x0  }
0x74: {  	s16 =	sadd.s32 s15, s21;
	p0 =	seq.s32 s15, $0x4C0;
	[sflag:s25] =	ssyncadd.s32 $0xFFFFC000  }
0x75: {  	[tilespmem:s30], [sflag:$0x7] =	stream.linear.gather [hbm4b:s16+s3], $0x80, $0x38;
	[tilespmem:$0x1BF00] =	vst v63  }
0x76: {  	s17 =	simm.s32 @!p0 $0x0;
	s16 =	sadd.s32 @!p0 s15, s23  }
0x77: {  	[tilespmem:s17], [sflag:$0x3] =	stream.linear.gather @!p0 [hbm4b:s16+s17], $0x80, $0x38;
	[tilespmem:$0x1BF00] =	vst v63  }
0x78: {  	_ =	swait.ge [sflag:s9], $0x80  }
0x79: {  	[sflag:s9] =	ssyncset.done $0x0  }
0x7a: {  	[sflag:s9] =	ssyncadd.s32 $0xFFFFFF80  }
0x7b: {  	[tilespmem:s24], [sflag:$0x1] =	stream.indirect.gather [hbm4b:s4+s26], $0x80, s28, s26, $0xb8;
	[tilespmem:$0x1BF00] =	vst v63  }
0x7c: {  	_ =	swait.ge [sflag:s11], $0x4000  }
0x7d: {  	[sflag:s11] =	ssyncset.done $0x0  }
0x7e: {  	[sflag:s11] =	ssyncadd.s32 $0xFFFFC000  }
0x7f: {  	_ =	swait.ge [sflag:s12], $0x80  }
0x80: {  	[sflag:s12] =	ssyncset.done $0x0  }
0x81: {  	[sflag:s12] =	ssyncadd.s32 $0xFFFFFF80  }
0x82: {  	[spmem:s2] =	stream.indirect.scatter.add.f32 [tilespmem:s6], [sflag:$0x9], $0x80, s31, s26, $0xb8;
	[tilespmem:$0x1BF00] =	vst v63  }
0x83: {  	_ =	swait.ge [sflag:s25], $0x4000  }
0x84: {  	s16 =	sadd.s32 s15, s19;
	[sflag:s25] =	ssyncset.done $0x0  }
0x85: {  	s10 =	sadd.s32 $0x30, s16;
	[sflag:s25] =	ssyncadd.s32 $0xFFFFC000  }
0x86: {  	[tilespmem:s31], [sflag:$0x8] =	stream.linear.gather [hbm4b:s10+s3], $0x80, $0x38;
	[tilespmem:$0x1BF00] =	vst v63  }
0x87: {  	s10 =	sadd.s32 @!p0 s15, s18  }
0x88: {  	s5 =	simm.s32 @!p0 $0x80;
	s10 =	sadd.s32 @!p0 $0x50, s10  }
0x89: {  	[tilespmem:s5], [sflag:$0x4] =	stream.linear.gather @!p0 [hbm4b:s10+s17], $0x80, $0x38;
	[tilespmem:$0x1BF00] =	vst v63  }
0x8a: {  	_ =	swait.ge [sflag:s13], $0x80  }
0x8b: {  	[sflag:s13] =	ssyncset.done $0x0  }
0x8c: {  	[sflag:s13] =	ssyncadd.s32 $0xFFFFFF80  }
0x8d: {  	[tilespmem:s6], [sflag:$0x2] =	stream.indirect.gather [hbm4b:s4+s26], $0x80, s29, s26, $0xb8;
	[tilespmem:$0x1BF00] =	vst v63  }
0x8e: {  	_ =	swait.ge [sflag:s7], $0x4000  }
0x8f: {  	[sflag:s7] =	ssyncset.done $0x0  }
0x90: {  	[sflag:s7] =	ssyncadd.s32 $0xFFFFC000  }
0x91: {  	_ =	swait.ge [sflag:s8], $0x80  }
0x92: {  	[sflag:s8] =	ssyncset.done $0x0  }
.Ltmp3:
0x93: {  	[sflag:s8] =	ssyncadd.s32 $0xFFFFFF80;
	(pc) =	sbr.rel @p0 .LBB2_6-.Ltmp3, $4  }
0x94: {  	[spmem:s2] =	stream.indirect.scatter.add.f32 [tilespmem:s24], [sflag:$0x9], $0x80, s30, s26, $0xb8;
	[tilespmem:$0x1BF00] =	vst v63  }
0x95: {  	_ =	swait.ge [sflag:s25], $0x4000  }
0x96: {  	[sflag:s25] =	ssyncset.done $0x0  }
0x97: {  	[sflag:s25] =	ssyncadd.s32 $0xFFFFC000  }
0x98: {  	s5 =	sadd.s32 s15, s22  }
0x99: {  	[tilespmem:s30], [sflag:$0x7] =	stream.linear.gather [hbm4b:s5+s3], $0x80, $0x38;
	[tilespmem:$0x1BF00] =	vst v63  }
0x9a: {  	s10 =	sadd.s32 s15, s20  }
0x9b: {  	[tilespmem:s28], [sflag:$0x5] =	stream.linear.gather [hbm4b:s10+s3], $0x80, $0x38;
	[tilespmem:$0x1BF00] =	vst v63  }
0x9c: {  	_ =	swait.ge [sflag:s0], $0x80  }
0x9d: {  	[sflag:s0] =	ssyncset.done $0x0  }
0x9e: {  	[sflag:s0] =	ssyncadd.s32 $0xFFFFFF80  }
0x9f: {  	[tilespmem:s24], [sflag:$0x1] =	stream.indirect.gather [hbm4b:s4+s26], $0x80, s3, s26, $0xb8;
	[tilespmem:$0x1BF00] =	vst v63  }
0xa0: {  	_ =	swait.ge [sflag:s11], $0x4000  }
0xa1: {  	[sflag:s11] =	ssyncset.done $0x0  }
0xa2: {  	[sflag:s11] =	ssyncadd.s32 $0xFFFFC000  }
0xa3: {  	_ =	swait.ge [sflag:s12], $0x80  }
0xa4: {  	[sflag:s12] =	ssyncset.done $0x0  }
0xa5: {  	[sflag:s12] =	ssyncadd.s32 $0xFFFFFF80  }
0xa6: {  	[spmem:s2] =	stream.indirect.scatter.add.f32 [tilespmem:s6], [sflag:$0x9], $0x80, s31, s26, $0xb8;
	[tilespmem:$0x1BF00] =	vst v63  }
0xa7: {  	_ =	swait.ge [sflag:s25], $0x4000  }
0xa8: {  	[sflag:s25] =	ssyncset.done $0x0  }
0xa9: {  	s16 =	sadd.s32 $0x50, s16;
	s17 =	sadd.s32 s15, s18;
	[sflag:s25] =	ssyncadd.s32 $0xFFFFC000  }
0xaa: {  	[tilespmem:s31], [sflag:$0x8] =	stream.linear.gather [hbm4b:s16+s3], $0x80, $0x38;
	[tilespmem:$0x1BF00] =	vst v63  }
0xab: {  	s5 =	sadd.s32 $0x70, s17  }
0xac: {  	[tilespmem:s29], [sflag:$0x6] =	stream.linear.gather [hbm4b:s5+s3], $0x80, $0x38;
	[tilespmem:$0x1BF00] =	vst v63  }
.Ltmp4:
0xad: {  	_ = 	snop;
	(pc) =	sbr.rel .LBB2_4-.Ltmp4, $4  }
0xae: {  	_ =	swait.ge [sflag:s1], $0x80  }
0xaf: {  	[sflag:s1] =	ssyncset.done $0x0  }
0xb0: {  	s15 =	sadd.s32 $0x40, s15;
	[sflag:s1] =	ssyncadd.s32 $0xFFFFFF80  }
0xb1: {  	[tilespmem:s6], [sflag:$0x2] =	stream.indirect.gather [hbm4b:s4+s26], $0x80, s26, s26, $0xb8;
	[tilespmem:$0x1BF00] =	vst v63  }
.LBB2_7:
0xb2: {  	_ =	sfence.sel $0x180000  }
0xb3: {  	[bflag:$0x0] =	sbarrier.arrive $0xFFFF  }
0xb4: {  	_ =	strace $0x9000004D  }
0xb5: {  	s0 =	stileid.u32;
	[bflag:$0x2] =	sbarrier.arrive $0xFFFF  }
0xb6: {  	p0 =	sne.s32 s0, $0x0;
	s0 =	rddreg [dreg:$0x2]  }
0xb7: {  	s0 =	sadd.s32 @!p0 $0x100000, s0  }
0xb8: {  	[sflag:s0] =	ssyncadd.tile.s32 @!p0 $0x1;
	_ =	shalt  }
.Lfunc_end2:
_tile_overlayer_lowered:
.L_overlay_start_2:
0xb9: {  	(tag) =	ssettag $0x2  }
0xba: {  	s0 =	rddreg [dreg:$0x0];
	s2 =	stileid.u32  }
0xbb: {  	s1 =	rddreg [dreg:$0x1];
	p0 =	sne.s32 s2, $0x0  }
0xbc: {  	s3 =	rddreg [dreg:$0x2];
	[bflag:$0x3] =	sbarrier.arrive $0xFFFF;
	s2 =	simm.s32 @!p0 $0x1C09  }
0xbd: {  	[timem:s3], [sflag:s2] =	dma.local @!p0 [hbm:s0], s1  }
0xbe: {  	s0 =	simm.s32 @!p0 $0x9  }
0xbf: {  	_ =	swait.ge @!p0 [sflag:s0], s1  }
0xc0: {  	s1 =	ssub.s32 @!p0 $0x0, s1;
	[sflag:s0] =	ssyncset.done @!p0 $0x0  }
0xc1: {  	[sflag:s0] =	ssyncadd.s32 @!p0 s1  }
0xc2: {  	[bflag:$0x3] =	sbarrier.arrive $0xFFFF  }
0xc3: {  	_ =	shalt  }

// kernel: kernel.9.cloned.1.call-start
scs
__scs_entry_jumppad:
0x0: {  	(pc) =	sbr.rel $0x88, $3  }
0x1: {  	(tag) =	ssettag $0x0;
	lr =	simm.s32 $0x1  }
0x2: {  	[smem:$0x3F95] =	sst lr;
	_ =	strace $0xD0000000  }
0x3: {  	_ = 	snop  }
0x4: {  	_ = 	snop  }
0x5: {  	_ = 	snop  }
0x6: {  	_ = 	snop  }
0x7: {  	_ = 	snop  }
__scs_overlays_trampoline_lowered:
0x8: {  	[smem:$0x3FA4] =	sst s0  }
0x9: {  	[smem:$0x3FA5] =	sst s1  }
0xa: {  	[smem:$0x3FA6] =	sst s2  }
0xb: {  	[smem:$0x3FA7] =	sst s3  }
0xc: {  	[smem:$0x3FA8] =	sst s4  }
0xd: {  	[smem:$0x3FA9] =	sst s5  }
0xe: {  	[smem:$0x3FAA] =	sst s6  }
0xf: {  	[smem:$0x3FAB] =	sst s7  }
0x10: {  	[smem:$0x3FAC] =	sst s8  }
0x11: {  	[smem:$0x3FAD] =	sst s9;
	s0 =	simm.s32 @!p0 $0x0  }
0x12: {  	s1 =	sld [smem:$0x3F93];
	s0 =	simm.s32 @p0 $0x1  }
0x13: {  	[smem:$0x3FAE] =	sst s0;
	s0 =	simm.s32 @!p1 $0x0  }
0x14: {  	s2 =	sld [smem:$0x3F92];
	s0 =	simm.s32 @p1 $0x1  }
0x15: {  	[smem:$0x3FAF] =	sst s0;
	s0 =	simm.s32 @!p2 $0x0  }
0x16: {  	s3 =	sld [smem:$0x3FDB];
	s0 =	simm.s32 @p2 $0x1  }
0x17: {  	s4 =	simm.s32 $0x1BF5;
	[smem:$0x3FB1] =	sst s0  }
0x18: {  	s0 =	sld [smem:$0x3F94];
	_ =	swait.ge [sflag:s4], $0x0  }
0x19: {  	s7 =	sld [smem:$0x3F95]  }
0x1a: {  	s8 =	sadd.s32 $0xFFFFE003, lr  }
0x1b: {  	s9 =	sadd.s32 $0xFFFFFEF7, lr;
	s5 =	simm.s32 $0xFFFFFFFF;
	p2 =	slt.u32 s8, $0xFFFFF086  }
0x1c: {  	p1 =	slt.u32 s9, $0xF7A;
	s5 =	simm.s32 @!p2 $0x0  }
0x1d: {  	s5 =	simm.s32 @p1 $0x1;
	p0 =	seq.s32 s7, s2  }
0x1e: {  	s7 =	smul.u32 @!p0 $0xF7A, s2;
	p2 =	seq.s32 @!p0 s5, $0x0  }
0x1f: {  	s9 =	smul.u32 $0xF7A, s1;
	s8 =	simm.s32 @!p0 $0x1BF5;
	p2 =	por !p2, p0  }
0x20: {  	[sflag:s8] =	ssyncset.s32 @!p0 $0xFFFFF086;
	s6 =	sadd.s32 @!p0 s3, s7;
	s7 =	simm.s32 @!p0 $0x108  }
0x21: {  	s3 =	sadd.s32 s3, s9;
	s6 =	sadd.s32 @!p0 $0x88, s6;
	s7 =	simm.s32 @p2 $0x1082  }
0x22: {  	[simem:s7], [sflag:s8] =	dma.local @!p0 [hbm:s6], $0xF7A  }
0x23: {  	s9 =	sor.u32 $0xD0000000, s2;
	s6 =	simm.s32 $0x108;
	_ =	swait.ge @!p0 [sflag:s8], $0x0  }
0x24: {  	s3 =	sadd.s32 $0x88, s3;
	s6 =	simm.s32 @!p1 $0x1082;
	[sflag:s4] =	ssyncset.s32 $0xFFFFF086  }
0x25: {  	[simem:s6], [sflag:s4] =	dma.local [hbm:s3], $0xF7A  }
0x26: {  	[smem:$0x3F95] =	sst s1;
	(tag) =	ssettag s2;
	_ =	strace s9  }
0x27: {  	s1 =	sld [smem:$0x3FA5]  }
0x28: {  	s2 =	sld [smem:$0x3FA6]  }
0x29: {  	s4 =	sld [smem:$0x3FA8]  }
0x2a: {  	p0 =	seq.s32 s5, $0x0;
	s5 =	sld [smem:$0x3FA9]  }
0x2b: {  	s6 =	sld [smem:$0x3FAA]  }
0x2c: {  	s7 =	sld [smem:$0x3FAB]  }
0x2d: {  	s3 =	simm.s32 $0x108;
	s8 =	sld [smem:$0x3FAC]  }
0x2e: {  	s3 =	simm.s32 @!p0 $0x1082;
	s9 =	sld [smem:$0x3FAD]  }
0x2f: {  	lr =	sadd.s32 s0, s3;
	s0 =	sld [smem:$0x3FA4]  }
0x30: {  	s3 =	sld [smem:$0x3FA7]  }
0x31: {  	[smem:$0x3FB0] =	sst s10  }
0x32: {  	s10 =	sld [smem:$0x3FAE];
	_ =	sdelay $0x3  }
0x33: {  	p0 =	seq.s32 s10, $0x1;
	s10 =	sld [smem:$0x3FB0];
	_ =	sdelay $0x3  }
0x34: {  	[smem:$0x3FB0] =	sst s10  }
0x35: {  	s10 =	sld [smem:$0x3FAF];
	_ =	sdelay $0x3  }
0x36: {  	p1 =	seq.s32 s10, $0x1;
	s10 =	sld [smem:$0x3FB0];
	_ =	sdelay $0x3  }
0x37: {  	[smem:$0x3FB0] =	sst s10  }
0x38: {  	s10 =	sld [smem:$0x3FB1]  }
0x39: {  	_ = 	snop;
	(pc) =	sbr.ind lr, $3  }
0x3a: {  	_ = 	snop  }
0x3b: {  	_ = 	snop  }
0x3c: {  	p2 =	seq.s32 s10, $0x1;
	s10 =	sld [smem:$0x3FB0]  }
0x3d: {  	_ =	shalt  }
0x3e: {  	_ =	shalt  }
0x3f: {  	_ =	shalt  }
0x40: {  	_ =	shalt  }
0x41: {  	_ =	shalt  }
0x42: {  	_ =	shalt  }
0x43: {  	_ =	shalt  }
0x44: {  	_ =	shalt  }
0x45: {  	_ =	shalt  }
0x46: {  	_ =	shalt  }
0x47: {  	_ =	shalt  }
0x48: {  	_ =	shalt  }
0x49: {  	_ =	shalt  }
0x4a: {  	_ =	shalt  }
0x4b: {  	_ =	shalt  }
0x4c: {  	_ =	shalt  }
0x4d: {  	_ =	shalt  }
0x4e: {  	_ =	shalt  }
0x4f: {  	_ =	shalt  }
0x50: {  	_ =	shalt  }
0x51: {  	_ =	shalt  }
0x52: {  	_ =	shalt  }
0x53: {  	_ =	shalt  }
0x54: {  	_ =	shalt  }
0x55: {  	_ =	shalt  }
0x56: {  	_ =	shalt  }
0x57: {  	_ =	shalt  }
0x58: {  	_ =	shalt  }
0x59: {  	_ =	shalt  }
0x5a: {  	_ =	shalt  }
0x5b: {  	_ =	shalt  }
0x5c: {  	_ =	shalt  }
0x5d: {  	_ =	shalt  }
0x5e: {  	_ =	shalt  }
0x5f: {  	_ =	shalt  }
0x60: {  	_ =	shalt  }
0x61: {  	_ =	shalt  }
0x62: {  	_ =	shalt  }
0x63: {  	_ =	shalt  }
0x64: {  	_ =	shalt  }
0x65: {  	_ =	shalt  }
0x66: {  	_ =	shalt  }
0x67: {  	_ =	shalt  }
0x68: {  	_ =	shalt  }
0x69: {  	_ =	shalt  }
0x6a: {  	_ =	shalt  }
0x6b: {  	_ =	shalt  }
0x6c: {  	_ =	shalt  }
0x6d: {  	_ =	shalt  }
0x6e: {  	_ =	shalt  }
0x6f: {  	_ =	shalt  }
0x70: {  	_ =	shalt  }
0x71: {  	_ =	shalt  }
0x72: {  	_ =	shalt  }
0x73: {  	_ =	shalt  }
0x74: {  	_ =	shalt  }
0x75: {  	_ =	shalt  }
0x76: {  	_ =	shalt  }
0x77: {  	_ =	shalt  }
0x78: {  	_ =	shalt  }
0x79: {  	_ =	shalt  }
0x7a: {  	_ =	shalt  }
0x7b: {  	_ =	shalt  }
0x7c: {  	_ =	shalt  }
0x7d: {  	_ =	shalt  }
0x7e: {  	_ =	shalt  }
0x7f: {  	_ =	shalt  }
0x80: {  	_ =	shalt  }
0x81: {  	_ =	shalt  }
0x82: {  	_ =	shalt  }
0x83: {  	_ =	shalt  }
0x84: {  	_ =	shalt  }
0x85: {  	_ =	shalt  }
0x86: {  	_ =	shalt  }
0x87: {  	_ =	shalt  }
.Lfunc_end0:
.L_simem_size_0:
called_computation_lowered:
.L_overlay_start_0:
0x88: {  	s2 =	sld [smem:$0x3FD9]  }
0x89: {  	s3 =	sld [smem:$0x3FFE];
	_ =	sdelay $0x1  }
0x8a: {  	s1 =	srdreg.scid  }
0x8b: {  	s0 =	sand.u32 $0x1, s1  }
0x8c: {  	s16 =	sshll.u32 s0, $0xA;
	s2 =	sadd.s32 s3, s2  }
0x8d: {  	s2 =	sadd.s32 s2, s16  }
0x8e: {  	[smem:$0x3FBC] =	sst s2  }
0x8f: {  	_ = 	snop  }
0x90: {  	(tm) =	ssettm $0x1  }
0x91: {  	s17 =	sld [smem:$0x3FFB];
	_ =	sdelay $0x3  }
0x92: {  	_ =	strace s17  }
0x93: {  	s2 =	sld [smem:$0x3FFC];
	_ =	sdelay $0x3  }
0x94: {  	_ =	strace s2  }
0x95: {  	s2 =	sld [smem:$0x3FFD];
	_ =	sdelay $0x3  }
0x96: {  	_ =	strace s2  }
0x97: {  	_ =	strace $0x8FFFFFFF  }
0x98: {  	s18 =	sld [smem:$0x3FDB];
	_ =	sdelay $0x1  }
0x99: {  	s19 =	simm.s32 $_scs_section_size  }
0x9a: {  	s4 =	simm.s32 $_size__tile_overlayer_lowered;
	s5 =	simm.s32 $_tile_overlayer_lowered  }
0x9b: {  	s22 =	simm.s32 $0x1BFF;
	s21 =	sshll.u32 s5, $0x1;
	s2 =	sadd.s32 s19, s18  }
0x9c: {  	s6 =	simm.s32 $0x0;
	s20 =	sshll.u32 s4, $0x1;
	s4 =	sadd.s32 s21, s2  }
0x9d: {  	[timem:s6], [sflag:s22] =	dma.local [hbm:s4], s20  }
0x9e: {  	_ =	swait.ge [sflag:s22], s20  }
0x9f: {  	s3 =	ssub.s32 $0x0, s20;
	[sflag:s22] =	ssyncset.done $0x0  }
0xa0: {  	[sflag:s22] =	ssyncadd.s32 s3;
	_ =	sdelay $0x1  }
0xa1: {  	s23 =	simm.s32 $0x1B8B  }
0xa2: {  	_ =	swait.ge [sflag:s23], $0x1  }
0xa3: {  	[sflag:s23] =	ssyncset.done $0x0  }
0xa4: {  	s25 =	simm.s32 $0x1B8E;
	s24 =	sld [smem:$0x3FFE];
	[sflag:s23] =	ssyncadd.s32 $0xFFFFFFFF  }
0xa5: {  	s26 =	simm.s32 $execute0_lowered;
	[smem:$0x3FD2] =	sst s25  }
0xa6: {  	s4 =	sshll.u32 s26, $0x1;
	_ =	strace $0x80000046;
	[dreg:$0x1] =	wrdreg $0xFFFFFFFF  }
0xa7: {  	s28 =	simm.s32 $_size_execute0_lowered;
	s2 =	sadd.s32 s2, s4;
	[dreg:$0x0] =	wrdreg $0x0  }
0xa8: {  	s4 =	sshll.u32 s28, $0x1;
	[dreg:$0x2] =	wrdreg s2  }
0xa9: {  	[dreg:$0x3] =	wrdreg s4  }
0xaa: {  	[dreg:$0x4] =	wrdreg $0xC0  }
0xab: {  	_ =	task [dreg:s6], $0x5FFFF  }
0xac: {  	[dreg:$0x1] =	wrdreg $0xFFFFFFFF  }
0xad: {  	[dreg:$0x0] =	wrdreg $0x60  }
0xae: {  	[dreg:$0x2] =	wrdreg s24  }
0xaf: {  	[dreg:$0x3] =	wrdreg $0x42000  }
0xb0: {  	[dreg:$0x4] =	wrdreg $0x9  }
0xb1: {  	_ =	task.clear_ibuf [dreg:s6], $0x5FFFF;
	_ =	strace $0x90000046  }
0xb2: {  	s29 =	simm.s32 $0x9;
	_ =	strace $0x80000048  }
0xb3: {  	_ =	swait.ge [sflag:s29], $0x1  }
0xb4: {  	[sflag:s29] =	ssyncadd.s32 $0xFFFFFFFF  }
0xb5: {  	_ =	strace $0x90000048  }
0xb6: {  	_ =	sfence  }
0xb7: {  	s30 =	sld [smem:$0x0];
	_ =	sdelay $0x2  }
0xb8: {  	s31 =	sshll.u32 s1, $0xD;
	s1 =	sshrl.u32 s1, $0x2  }
0xb9: {  	s3 =	sand.u32 $0x4000, s31;
	s1 =	sadd.s32 s1, s30  }
0xba: {  	s0 =	sor.u32 s3, s0;
	s1 =	sshll.u32 s1, $0x11  }
0xbb: {  	s0 =	sor.u32 s1, s0  }
0xbc: {  	s0 =	sadd.s32 $0x8F2B, s0  }
0xbd: {  	[sflag:s0] =	ssyncadd.remote.s32 $0x1  }
0xbe: {  	_ =	sfence.sel $0xFFFF  }
0xbf: {  	[dreg:$0x0] =	wrdreg $0xFFFFFFFF;
	(pc) =	sbr.abs _section_cstart, $3  }
0xc0: {  	[dreg:$0x1] =	wrdreg $0xFFFFFFFF  }
0xc1: {  	_ =	task.clear_ibuf [dreg:s6], $0x2FFFF;
	_ =	strace $0x9FFFFFFF  }
0xc2: {  	(tm) =	ssettm $0x7FFFFFFF  }
0xc3: {  	_ =	shalt  }
tec
execute0_lowered:
.L_overlay_start_1:
0x0: {  	(tag) =	ssettag $0x1  }
0x1: {  	s0 =	rddreg [dreg:$0x0]  }
0x2: {  	s1 =	srdreg.scid;
	s2 =	rddreg [dreg:$0x1]  }
0x3: {  	s8 =	stileid.u32;
	s3 =	simm.s32 $0x0;
	s20 =	simm.s32 $0x200  }
0x4: {  	s21 =	simm.s32 $0x7;
	s22 =	simm.s32 $0x80;
	s28 =	simm.s32 $0x3  }
0x5: {  	s29 =	simm.s32 $0x5;
	s30 =	simm.s32 $0x4;
	s5 =	smul.u32 $0x13C00, s8  }
0x6: {  	s31 =	simm.s32 $0x6;
	s1 =	sand.u32 $0x1, s1;
	s6 =	smul.u32 $0x4F000, s8  }
0x7: {  	[smem:$0x7FF] =	sst s3;
	s16 =	sadd.s32 $0xD000, s0;
	s13 =	smul.u32 $0x50, s8  }
0x8: {  	s4 =	smul.u32 $0x13C000, s1;
	_ =	strace $0x80000047;
	s24 =	ssub.s32 $0x2, s1  }
0x9: {  	s23 =	sshll.u32 s1, $0x4;
	s1 =	smul.u32 $0x500, s1;
	s7 =	sshrl.u32 s24, $0x1  }
0xa: {  	s6 =	sshrl.u32 s6, $0x2;
	s4 =	sadd.s32 s5, s4;
	s5 =	sor.u32 s8, s23  }
0xb: {  	s12 =	ssub.s32 s24, s7;
	s26 =	sadd.s32 s13, s1;
	s23 =	simm.s32 $0x1  }
0xc: {  	s24 =	simm.s32 $0x100;
	s4 =	sshrl.u32 s4, $0x3;
	s5 =	smul.u32 $0x500, s5  }
0xd: {  	s12 =	smax.u32 s12, $0x1;
	s0 =	sadd.s32 s4, s0;
	s4 =	sadd.s32 s6, s2  }
0xe: {  	s6 =	sadd.s32 $0x4000, s4;
	s25 =	sadd.s32 $0x8000, s4;
	s7 =	sadd.s32 $0xC000, s4  }
0xf: {  	s8 =	sadd.s32 $0x10000, s4;
	s9 =	sadd.s32 s16, s5;
	s11 =	sadd.s32 $0x17000, s0  }
.Ltmp0:
0x10: {  	s0 =	sshll.u32 s26, $0x4;
	[dreg:$0x3] =	wrdreg s6;
	(pc) =	sbr.rel .LBB2_1-.Ltmp0, $4  }
0x11: {  	s26 =	simm.s32 $0x180;
	[dreg:$0x4] =	wrdreg s25;
	s10 =	sadd.s32 $0x10, s9  }
0x12: {  	s13 =	sadd.s32 $0x20, s9;
	s14 =	sadd.s32 $0x30, s9;
	s15 =	sadd.s32 $0x40, s9  }
0x13: {  	s16 =	sadd.s32 s0, s16;
	s17 =	sadd.s32 $0x50, s9;
	s25 =	simm.s32 $0x2  }
0x14: {  	v0 =	vimm.f32 $0.0e+00;
	v1 =	vimm.f32 $1.000000000e+00;
	s0 =	simm.s32 $0x0;
	s18 =	sadd.s32 $0x80, s16;
	s19 =	sadd.s32 $0x60, s16  }
.LBB2_8:
0x15: {  	_ =	swait.ge [sflag:s30], $0x80  }
0x16: {  	[sflag:s30] =	ssyncset.done $0x0  }
0x17: {  	[sflag:s30] =	ssyncadd.s32 $0xFFFFFF80  }
0x18: {  	_ =	swait.ge [sflag:s31], $0x800  }
0x19: {  	[sflag:s31] =	ssyncset.done $0x0  }
0x1a: {  	[sflag:s31] =	ssyncadd.s32 $0xFFFFF800  }
0x1b: {  	[spmem:s2] =	stream.indirect.scatter.add.f32 [tilespmem:s20], [sflag:$0x6], $0x10, s26, s22, $0xb8;
	[tilespmem:$0x6980] =	vst v63  }
0x1c: {  	_ =	swait.ge [sflag:s29], $0x800  }
0x1d: {  	[sflag:s29] =	ssyncset.done $0x0  }
0x1e: {  	[sflag:s29] =	ssyncadd.s32 $0xFFFFF800  }
0x1f: {  	s1 =	stileid.u32;
	_ =	swait.ge [sflag:s31], $0x800  }
0x20: {  	s5 =	sshrl.u32 s4, $0x3;
	s0 =	sadd.s32 $0x1, s0;
	[sflag:s31] =	ssyncset.done $0x0  }
0x21: {  	s1 =	sshll.u32 s1, $0x6;
	p0 =	sne.s32 s0, s12;
	[sflag:s31] =	ssyncadd.s32 $0xFFFFF800  }
.Ltmp1:
0x22: {  	s1 =	sor.u32 $0x1C07, s1;
	[bflag:$0x0] =	sbarrier.arrive $0xFFFF;
	(pc) =	sbr.rel @!p0 .LBB2_9-.Ltmp1, $4  }
0x23: {  	[hbm:s11], [sflag:s1] =	dma.local [spmem:s5], $0x2780  }
0x24: {  	_ =	swait.ge [sflag:s21], $0x2780  }
0x25: {  	[sflag:s21] =	ssyncset.done $0x0  }
0x26: {  	[sflag:s21] =	ssyncadd.s32 $0xFFFFD880  }
.LBB2_1:
0x27: {  	s1 =	simm.s32 $0x200;
	s5 =	simm.s32 $0x0  }
.LBB2_2:
0x28: {  	p0 =	sne.s32 s1, $0xFE00;
	[tilespmem:s5+$0x200] =	vst v0;
	s5 =	smov.u32 s1;
	s1 =	sadd.s32 $0x200, s1  }
.Ltmp2:
0x29: {  	(pc) =	sbr.rel @p0 .LBB2_2-.Ltmp2, $2  }
0x2a: {  	_ =	sdelay $0x2  }
0x2b: {  	s5 =	sshra.s32 s5, $0x2  }
0x2c: {  	[tilespmem:s5+$0x200] =	vst v0  }
0x2d: {  	[spmem:s4] =	stream.linear.scatter [tilespmem:s20], [sflag:$0x7], $0x4000, $0x38;
	[tilespmem:$0x6980] =	vst v63  }
0x2e: {  	_ =	swait.ge [sflag:s21], $0x4000  }
0x2f: {  	[sflag:s21] =	ssyncset.done $0x0  }
0x30: {  	s1 =	rddreg [dreg:$0x3];
	[sflag:s21] =	ssyncadd.s32 $0xFFFFC000  }
0x31: {  	[spmem:s1] =	stream.linear.scatter [tilespmem:s20], [sflag:$0x7], $0x4000, $0x38;
	[tilespmem:$0x6980] =	vst v63  }
0x32: {  	_ =	swait.ge [sflag:s21], $0x4000  }
0x33: {  	[sflag:s21] =	ssyncset.done $0x0  }
0x34: {  	s6 =	rddreg [dreg:$0x4];
	[sflag:s21] =	ssyncadd.s32 $0xFFFFC000  }
0x35: {  	[spmem:s6] =	stream.linear.scatter [tilespmem:s20], [sflag:$0x7], $0x4000, $0x38;
	[tilespmem:$0x6980] =	vst v63  }
0x36: {  	_ =	swait.ge [sflag:s21], $0x4000  }
0x37: {  	[sflag:s21] =	ssyncset.done $0x0  }
0x38: {  	[sflag:s21] =	ssyncadd.s32 $0xFFFFC000  }
0x39: {  	[spmem:s7] =	stream.linear.scatter [tilespmem:s20], [sflag:$0x7], $0x4000, $0x38;
	[tilespmem:$0x6980] =	vst v63  }
0x3a: {  	_ =	swait.ge [sflag:s21], $0x4000  }
0x3b: {  	[sflag:s21] =	ssyncset.done $0x0  }
0x3c: {  	[sflag:s21] =	ssyncadd.s32 $0xFFFFC000  }
0x3d: {  	[spmem:s8] =	stream.linear.scatter [tilespmem:s20], [sflag:$0x7], $0x3C00, $0x38;
	[tilespmem:$0x6980] =	vst v63  }
0x3e: {  	_ =	swait.ge [sflag:s21], $0x3C00  }
0x3f: {  	[sflag:s21] =	ssyncset.done $0x0  }
0x40: {  	s5 =	simm.s32 $0x0;
	s1 =	simm.s32 $0x200;
	[sflag:s21] =	ssyncadd.s32 $0xFFFFC400  }
.LBB2_4:
0x41: {  	p0 =	sne.s32 s1, $0xFE00;
	[tilespmem:s5+$0x200] =	vst v1;
	s5 =	smov.u32 s1;
	s1 =	sadd.s32 $0x200, s1  }
.Ltmp3:
0x42: {  	(pc) =	sbr.rel @p0 .LBB2_4-.Ltmp3, $2  }
0x43: {  	_ =	sdelay $0x2  }
0x44: {  	s5 =	sshra.s32 s5, $0x2  }
0x45: {  	[tilespmem:s5+$0x200] =	vst v1  }
0x46: {  	s1 =	simm.s32 $0x0;
	[bflag:$0x0] =	sbarrier.arrive $0xFFFF  }
0x47: {  	[tilespmem:s1], [sflag:$0x1] =	stream.linear.gather [hbm4b:s9+s1], $0x80, $0x38;
	[tilespmem:$0x6980] =	vst v63  }
0x48: {  	_ = 	snop  }
0x49: {  	[tilespmem:s22], [sflag:$0x2] =	stream.linear.gather [hbm4b:s10+s1], $0x80, $0x38;
	[tilespmem:$0x6980] =	vst v63  }
0x4a: {  	_ =	swait.ge [sflag:s23], $0x80  }
0x4b: {  	[sflag:s23] =	ssyncset.done $0x0  }
0x4c: {  	[sflag:s23] =	ssyncadd.s32 $0xFFFFFF80  }
0x4d: {  	[spmem:s2] =	stream.indirect.scatter.add.f32 [tilespmem:s20], [sflag:$0x5], $0x10, s1, s22, $0xb8;
	[tilespmem:$0x6980] =	vst v63  }
0x4e: {  	_ = 	snop  }
0x4f: {  	[tilespmem:s24], [sflag:$0x3] =	stream.linear.gather [hbm4b:s13+s1], $0x80, $0x38;
	[tilespmem:$0x6980] =	vst v63  }
0x50: {  	_ =	swait.ge [sflag:s25], $0x80  }
0x51: {  	[sflag:s25] =	ssyncset.done $0x0  }
0x52: {  	[sflag:s25] =	ssyncadd.s32 $0xFFFFFF80  }
0x53: {  	[spmem:s2] =	stream.indirect.scatter.add.f32 [tilespmem:s20], [sflag:$0x6], $0x10, s22, s22, $0xb8;
	[tilespmem:$0x6980] =	vst v63  }
0x54: {  	_ = 	snop  }
0x55: {  	[tilespmem:s26], [sflag:$0x4] =	stream.linear.gather [hbm4b:s14+s1], $0x80, $0x38;
	[tilespmem:$0x6980] =	vst v63  }
0x56: {  	_ =	swait.ge [sflag:s28], $0x80  }
0x57: {  	[sflag:s28] =	ssyncset.done $0x0  }
0x58: {  	[sflag:s28] =	ssyncadd.s32 $0xFFFFFF80  }
0x59: {  	_ =	swait.ge [sflag:s29], $0x800  }
0x5a: {  	[sflag:s29] =	ssyncset.done $0x0  }
0x5b: {  	[sflag:s29] =	ssyncadd.s32 $0xFFFFF800  }
0x5c: {  	[spmem:s2] =	stream.indirect.scatter.add.f32 [tilespmem:s20], [sflag:$0x5], $0x10, s24, s22, $0xb8;
	[tilespmem:$0x6980] =	vst v63  }
0x5d: {  	_ = 	snop  }
0x5e: {  	[tilespmem:s1], [sflag:$0x1] =	stream.linear.gather [hbm4b:s15+s1], $0x80, $0x38;
	[tilespmem:$0x6980] =	vst v63  }
0x5f: {  	_ =	swait.ge [sflag:s30], $0x80  }
0x60: {  	[sflag:s30] =	ssyncset.done $0x0  }
0x61: {  	[sflag:s30] =	ssyncadd.s32 $0xFFFFFF80  }
0x62: {  	_ =	swait.ge [sflag:s31], $0x800  }
0x63: {  	[sflag:s31] =	ssyncset.done $0x0  }
0x64: {  	[sflag:s31] =	ssyncadd.s32 $0xFFFFF800  }
0x65: {  	[spmem:s2] =	stream.indirect.scatter.add.f32 [tilespmem:s20], [sflag:$0x6], $0x10, s26, s22, $0xb8;
	[tilespmem:$0x6980] =	vst v63  }
0x66: {  	_ = 	snop  }
0x67: {  	[tilespmem:s22], [sflag:$0x2] =	stream.linear.gather [hbm4b:s17+s1], $0x80, $0x38;
	[tilespmem:$0x6980] =	vst v63  }
.LBB2_6:
0x68: {  	_ =	swait.ge [sflag:s23], $0x80  }
0x69: {  	[sflag:s23] =	ssyncset.done $0x0  }
0x6a: {  	[sflag:s23] =	ssyncadd.s32 $0xFFFFFF80  }
0x6b: {  	_ =	swait.ge [sflag:s29], $0x800  }
0x6c: {  	[sflag:s29] =	ssyncset.done $0x0  }
0x6d: {  	[sflag:s29] =	ssyncadd.s32 $0xFFFFF800  }
0x6e: {  	[spmem:s2] =	stream.indirect.scatter.add.f32 [tilespmem:s20], [sflag:$0x5], $0x10, s3, s22, $0xb8;
	[tilespmem:$0x6980] =	vst v63  }
0x6f: {  	s5 =	sadd.s32 s1, s19  }
0x70: {  	[tilespmem:s24], [sflag:$0x3] =	stream.linear.gather [hbm4b:s5+s3], $0x80, $0x38;
	[tilespmem:$0x6980] =	vst v63  }
0x71: {  	_ =	swait.ge [sflag:s25], $0x80  }
0x72: {  	[sflag:s25] =	ssyncset.done $0x0  }
0x73: {  	[sflag:s25] =	ssyncadd.s32 $0xFFFFFF80  }
0x74: {  	_ =	swait.ge [sflag:s31], $0x800  }
0x75: {  	[sflag:s31] =	ssyncset.done $0x0  }
0x76: {  	s5 =	sadd.s32 s1, s16;
	[sflag:s31] =	ssyncadd.s32 $0xFFFFF800  }
0x77: {  	[spmem:s2] =	stream.indirect.scatter.add.f32 [tilespmem:s20], [sflag:$0x6], $0x10, s22, s22, $0xb8;
	[tilespmem:$0x6980] =	vst v63  }
0x78: {  	s6 =	sadd.s32 $0x70, s5  }
0x79: {  	[tilespmem:s26], [sflag:$0x4] =	stream.linear.gather [hbm4b:s6+s3], $0x80, $0x38;
	[tilespmem:$0x6980] =	vst v63  }
0x7a: {  	_ =	swait.ge [sflag:s28], $0x80  }
0x7b: {  	p0 =	seq.s32 s1, $0x480;
	[sflag:s28] =	ssyncset.done $0x0  }
.Ltmp4:
0x7c: {  	[sflag:s28] =	ssyncadd.s32 $0xFFFFFF80;
	(pc) =	sbr.rel @p0 .LBB2_8-.Ltmp4, $4  }
0x7d: {  	_ =	swait.ge [sflag:s29], $0x800  }
0x7e: {  	[sflag:s29] =	ssyncset.done $0x0  }
0x7f: {  	[sflag:s29] =	ssyncadd.s32 $0xFFFFF800  }
0x80: {  	[spmem:s2] =	stream.indirect.scatter.add.f32 [tilespmem:s20], [sflag:$0x5], $0x10, s24, s22, $0xb8;
	[tilespmem:$0x6980] =	vst v63  }
0x81: {  	s6 =	sadd.s32 s1, s18  }
0x82: {  	[tilespmem:s3], [sflag:$0x1] =	stream.linear.gather [hbm4b:s6+s3], $0x80, $0x38;
	[tilespmem:$0x6980] =	vst v63  }
0x83: {  	_ =	swait.ge [sflag:s30], $0x80  }
0x84: {  	[sflag:s30] =	ssyncset.done $0x0  }
0x85: {  	[sflag:s30] =	ssyncadd.s32 $0xFFFFFF80  }
0x86: {  	_ =	swait.ge [sflag:s31], $0x800  }
.Ltmp5:
0x87: {  	[sflag:s31] =	ssyncset.done $0x0;
	(pc) =	sbr.rel .LBB2_6-.Ltmp5, $4  }
0x88: {  	[sflag:s31] =	ssyncadd.s32 $0xFFFFF800  }
0x89: {  	[spmem:s2] =	stream.indirect.scatter.add.f32 [tilespmem:s20], [sflag:$0x6], $0x10, s26, s22, $0xb8;
	[tilespmem:$0x6980] =	vst v63  }
0x8a: {  	s5 =	sadd.s32 $0x90, s5;
	s1 =	sadd.s32 $0x40, s1  }
0x8b: {  	[tilespmem:s22], [sflag:$0x2] =	stream.linear.gather [hbm4b:s5+s3], $0x80, $0x38;
	[tilespmem:$0x6980] =	vst v63  }
.LBB2_9:
0x8c: {  	_ =	sfence.sel $0x180000  }
0x8d: {  	[bflag:$0x0] =	sbarrier.arrive $0xFFFF  }
0x8e: {  	_ =	strace $0x90000047  }
0x8f: {  	s0 =	stileid.u32;
	[bflag:$0x2] =	sbarrier.arrive $0xFFFF  }
0x90: {  	p0 =	sne.s32 s0, $0x0;
	s0 =	rddreg [dreg:$0x2]  }
0x91: {  	s0 =	sadd.s32 @!p0 $0x100000, s0  }
0x92: {  	[sflag:s0] =	ssyncadd.tile.s32 @!p0 $0x1;
	_ =	shalt  }
.Lfunc_end2:
_tile_overlayer_lowered:
.L_overlay_start_2:
0x93: {  	(tag) =	ssettag $0x2  }
0x94: {  	s0 =	rddreg [dreg:$0x0];
	s2 =	stileid.u32  }
0x95: {  	s1 =	rddreg [dreg:$0x1];
	p0 =	sne.s32 s2, $0x0  }
0x96: {  	s3 =	rddreg [dreg:$0x2];
	[bflag:$0x3] =	sbarrier.arrive $0xFFFF;
	s2 =	simm.s32 @!p0 $0x1C07  }
0x97: {  	[timem:s3], [sflag:s2] =	dma.local @!p0 [hbm:s0], s1  }
0x98: {  	s0 =	simm.s32 @!p0 $0x7  }
0x99: {  	_ =	swait.ge @!p0 [sflag:s0], s1  }
0x9a: {  	s1 =	ssub.s32 @!p0 $0x0, s1;
	[sflag:s0] =	ssyncset.done @!p0 $0x0  }
0x9b: {  	[sflag:s0] =	ssyncadd.s32 @!p0 s1  }
0x9c: {  	[bflag:$0x3] =	sbarrier.arrive $0xFFFF  }
0x9d: {  	_ =	shalt  }

</sc_bundles>
